<compile_context>
chip_gen: v7x
topology: tpu7x:2x2x1
jax: 0.10.2.dev20260603
libtpu: 0.0.44.dev20260713+nightly
codegen_flags: <defaults>
</compile_context>

<pallas_src>
import functools

import numpy as np
import jax
import jax.numpy as jnp
from jax import lax
from jax.experimental import pallas as pl
from jax.experimental.pallas import tpu as pltpu
from jax.experimental.pallas import tpu_sc as plsc

K = 20
IDXW = 32
INV_SQRT = np.float32(np.sqrt(np.float32(1.0) + np.float32(1e-5)))
NC, NS = 2, 16
NW = NC * NS



def _topk_body(nrows, boff, Cm, xrow_ref, xcol_ref, idx_ref):
    b = pl.program_id(0) + boff
    rows_f = xrow_ref[...]
    cols_f = xcol_ref[0]
    R = rows_f.shape[0]
    N = cols_f.shape[1]
    Cp = rows_f.shape[1]
    if Cm < Cp:
        rows_f = jnp.where(
            lax.broadcasted_iota(jnp.int32, (R, Cp), 1) < Cm, rows_f, 0.0)
        cols_f = jnp.where(
            lax.broadcasted_iota(jnp.int32, (Cp, N), 0) < Cm, cols_f, 0.0)

    g = jax.lax.dot_general(
        rows_f.astype(jnp.bfloat16), cols_f.astype(jnp.bfloat16),
        (((1,), (0,)), ((), ())), preferred_element_type=jnp.float32)
    inner = -2.0 * g
    xx_rows = jnp.sum(rows_f * rows_f, axis=1, keepdims=True)
    xx_cols = jnp.sum(cols_f * cols_f, axis=0, keepdims=True)
    pd = -xx_rows - inner - xx_cols

    lane = lax.broadcasted_iota(jnp.int32, (R, N), 1)
    colw = lax.broadcasted_iota(jnp.int32, (R, IDXW), 1)
    off = b * nrows

    def body(t, carry):
        pd_c, acc = carry
        m = jnp.max(pd_c, axis=1, keepdims=True)
        cand = jnp.where(pd_c == m, lane, N)
        amax = jnp.min(cand, axis=1, keepdims=True)
        pd_c = jnp.where(lane == amax, -jnp.inf, pd_c)
        acc = jnp.where(colw == t, amax + off, acc)
        return pd_c, acc

    acc0 = jnp.zeros((R, IDXW), jnp.int32)
    _, acc = lax.fori_loop(0, K, body, (pd, acc0))
    idx_ref[...] = acc


def _topk(xrow, xcol, boff=0, Cm=128, R=256):
    BN, Cp = xrow.shape
    B, _, N = xcol.shape
    nrows = N
    grid = (B, N // R)
    return pl.pallas_call(
        functools.partial(_topk_body, nrows, boff, Cm),
        grid=grid,
        in_specs=[
            pl.BlockSpec((R, Cp), lambda b, r: (b * (N // R) + r, 0)),
            pl.BlockSpec((1, Cp, N), lambda b, r: (b, 0, 0)),
        ],
        out_specs=pl.BlockSpec((R, IDXW), lambda b, r: (b * (N // R) + r, 0)),
        out_shape=jax.ShapeDtypeStruct((BN, IDXW), jnp.int32),
    )(xrow, xcol)



def _make_gather(nidx, Cp, CH=128):
    per_w = nidx // NW
    npair = per_w // (2 * CH)
    mesh = plsc.VectorSubcoreMesh(core_axis_name="c", subcore_axis_name="s")

    @functools.partial(
        pl.kernel, mesh=mesh,
        out_type=jax.ShapeDtypeStruct((nidx, Cp), jnp.float32),
        scratch_types=[
            pltpu.VMEM((2, CH), jnp.int32),
            pltpu.VMEM((2, CH, Cp), jnp.float32),
            pltpu.SemaphoreType.DMA,
            pltpu.SemaphoreType.DMA,
            pltpu.SemaphoreType.DMA,
            pltpu.SemaphoreType.DMA,
        ],
    )
    def gather(xrow_hbm, idx_hbm, nb_hbm, idx2, rows2, sg0, sg1, sw0, sw1):
        wid = lax.axis_index("s") * NC + lax.axis_index("c")
        base_w = wid * per_w
        sg = (sg0, sg1)
        sw = (sw0, sw1)

        def pair(p, _):
            hs = []
            for b in (0, 1):
                base = base_w + (2 * p + b) * CH

                @pl.when(p > 0)
                def _drain(b=b, base=base):
                    pltpu.make_async_copy(
                        rows2.at[b], nb_hbm.at[pl.ds(base, CH)], sw[b]).wait()

                pltpu.sync_copy(idx_hbm.at[pl.ds(base, CH)], idx2.at[b])
                hs.append(pltpu.async_copy(
                    xrow_hbm.at[idx2.at[b]], rows2.at[b], sg[b]))
            for b in (0, 1):
                base = base_w + (2 * p + b) * CH
                hs[b].wait()
                pltpu.async_copy(rows2.at[b], nb_hbm.at[pl.ds(base, CH)], sw[b])
            return _

        lax.fori_loop(0, npair, pair, 0)
        for b in (0, 1):
            pltpu.make_async_copy(
                rows2.at[b], nb_hbm.at[pl.ds(base_w, CH)], sw[b]).wait()

    return gather



def _conv_body(fused, nb_ref, xc_ref, wa_ref, wb_ref, b_ref, g_ref, be_ref,
               out_ref):
    xc = xc_ref[...]
    R2, Cp = xc.shape
    O = wa_ref.shape[1]
    nb = nb_ref[...]
    xc_rep = jnp.broadcast_to(xc[:, None, :], (R2, K, Cp)).reshape(R2 * K, Cp)
    if fused:
        lane = lax.broadcasted_iota(jnp.int32, (R2 * K, Cp), 1)
        feat = jnp.where(lane < Cp // 2, nb - xc_rep, xc_rep)
        ya = jax.lax.dot_general(feat.astype(jnp.bfloat16), wa_ref[...],
                                 (((1,), (0,)), ((), ())),
                                 preferred_element_type=jnp.float32)
        y = jnp.max(ya.reshape(R2, K, O), axis=1)
    else:
        d = (nb - xc_rep).astype(jnp.bfloat16)
        ya = jax.lax.dot_general(d, wa_ref[...], (((1,), (0,)), ((), ())),
                                 preferred_element_type=jnp.float32)
        m = jnp.max(ya.reshape(R2, K, O), axis=1)
        yb = jax.lax.dot_general(xc.astype(jnp.bfloat16), wb_ref[...],
                                 (((1,), (0,)), ((), ())),
                                 preferred_element_type=jnp.float32)
        y = m + yb
    y = y + b_ref[...]
    y = y / INV_SQRT * g_ref[...] + be_ref[...]
    out_ref[...] = jnp.where(y > 0, y, 0.2 * y)


def _conv(nb, xrow, waT, wbT, bvec, gvec, bevec, fused=False, R2=128):
    BN, Cp = xrow.shape
    O = waT.shape[1]
    grid = (BN // R2,)
    return pl.pallas_call(
        functools.partial(_conv_body, fused),
        grid=grid,
        in_specs=[
            pl.BlockSpec((R2 * K, Cp), lambda r: (r, 0)),
            pl.BlockSpec((R2, Cp), lambda r: (r, 0)),
            pl.BlockSpec((Cp, O), lambda r: (0, 0)),
            pl.BlockSpec((Cp, O), lambda r: (0, 0)),
            pl.BlockSpec((1, O), lambda r: (0, 0)),
            pl.BlockSpec((1, O), lambda r: (0, 0)),
            pl.BlockSpec((1, O), lambda r: (0, 0)),
        ],
        out_specs=pl.BlockSpec((R2, O), lambda r: (r, 0)),
        out_shape=jax.ShapeDtypeStruct((BN, O), jnp.float32),
    )(nb, xrow, waT, wbT, bvec, gvec, bevec)



def _head_body(x1_ref, x2_ref, x3_ref, x4_ref, w5_refs, b5_ref, g5_ref,
               be5_ref, w6_ref, b6_ref, w7_ref, b7_ref, out_ref):
    w51, w52, w53, w54 = w5_refs
    y5 = jax.lax.dot_general(x1_ref[...].astype(jnp.bfloat16), w51[...],
                             (((1,), (0,)), ((), ())),
                             preferred_element_type=jnp.float32)
    y5 += jax.lax.dot_general(x2_ref[...].astype(jnp.bfloat16), w52[...],
                              (((1,), (0,)), ((), ())),
                              preferred_element_type=jnp.float32)
    y5 += jax.lax.dot_general(x3_ref[...].astype(jnp.bfloat16), w53[...],
                              (((1,), (0,)), ((), ())),
                              preferred_element_type=jnp.float32)
    y5 += jax.lax.dot_general(x4_ref[...].astype(jnp.bfloat16), w54[...],
                              (((1,), (0,)), ((), ())),
                              preferred_element_type=jnp.float32)
    y5 = y5 + b5_ref[...]
    y5 = y5 / INV_SQRT * g5_ref[...] + be5_ref[...]
    y5 = jnp.where(y5 > 0, y5, 0.2 * y5)
    y6 = jax.lax.dot_general(y5.astype(jnp.bfloat16), w6_ref[...],
                             (((1,), (0,)), ((), ())),
                             preferred_element_type=jnp.float32)
    y6 = y6 + b6_ref[...]
    y7 = jax.lax.dot_general(y6.astype(jnp.bfloat16), w7_ref[...],
                             (((1,), (0,)), ((), ())),
                             preferred_element_type=jnp.float32)
    out_ref[...] = y7 + b7_ref[...]


def _head(x1, x2, x3, x4, w5Ts, b5, g5, be5, w6T, b6, w7T, b7, R3=512):
    BN = x1.shape[0]
    grid = (BN // R3,)
    O7 = w7T.shape[1]

    def body(x1r, x2r, x3r, x4r, w51, w52, w53, w54, b5r, g5r, be5r,
             w6r, b6r, w7r, b7r, outr):
        _head_body(x1r, x2r, x3r, x4r, (w51, w52, w53, w54), b5r, g5r,
                   be5r, w6r, b6r, w7r, b7r, outr)

    full = lambda a: pl.BlockSpec(a.shape, lambda r: tuple(0 for _ in a.shape))
    row = lambda a: pl.BlockSpec((R3, a.shape[1]), lambda r: (r, 0))
    args = (x1, x2, x3, x4, *w5Ts, b5, g5, be5, w6T, b6, w7T, b7)
    specs = [row(x1), row(x2), row(x3), row(x4)] + [full(a) for a in args[4:]]
    return pl.pallas_call(
        body,
        grid=grid,
        in_specs=specs,
        out_specs=pl.BlockSpec((R3, O7), lambda r: (r, 0)),
        out_shape=jax.ShapeDtypeStruct((BN, O7), jnp.float32),
    )(*args)



def _pad_cols(a, w):
    if a.shape[-1] == w:
        return a
    return jnp.zeros(a.shape[:-1] + (w,), a.dtype).at[..., :a.shape[-1]].set(a)


def _edge_layer(xrow, xcol, W, b, g, be, C, Cp, O, Cm, fused, dup_out):
    BN = xrow.shape[0]
    B = xcol.shape[0]
    Bh, BNh = B // 2, BN // 2
    WaT = W[:, :C].T.astype(jnp.bfloat16)
    WbT = W[:, C:].T.astype(jnp.bfloat16)
    if fused:
        wa = jnp.zeros((Cp, O), jnp.bfloat16).at[:C].set(WaT)
        wa = wa.at[Cp // 2:Cp // 2 + C].set(WbT)
        bb, gg, bebe = b, g, be
        if dup_out:
            wa = jnp.concatenate([wa, wa], axis=1)
            bb = jnp.concatenate([b, b])
            gg = jnp.concatenate([g, g])
            bebe = jnp.concatenate([be, be])
        wb = wa
        bp, gp, bep = bb[None, :], gg[None, :], bebe[None, :]
    else:
        Op = O
        wa = jnp.zeros((Cp, Op), jnp.bfloat16).at[:C, :O].set(WaT)
        wb = jnp.zeros((Cp, Op), jnp.bfloat16).at[:C, :O].set(WbT)
        bp = _pad_cols(b[None, :], Op)
        gp = _pad_cols(g[None, :], Op)
        bep = _pad_cols(be[None, :], Op)
    gath = _make_gather(BNh * K, Cp)
    idxA = _topk(xrow[:BNh], xcol[:Bh], boff=0, Cm=Cm)[:, :K].reshape(-1)
    nbA = gath(xrow, idxA)
    idxB = _topk(xrow[BNh:], xcol[Bh:], boff=Bh, Cm=Cm)[:, :K].reshape(-1)
    xA = _conv(nbA, xrow[:BNh], wa, wb, bp, gp, bep, fused=fused)
    nbB = gath(xrow, idxB)
    xB = _conv(nbB, xrow[BNh:], wa, wb, bp, gp, bep, fused=fused)
    return jnp.concatenate([xA, xB], axis=0)


def kernel(x, W1, b1, g1, be1, W2, b2, g2, be2, W3, b3, g3, be3,
           W4, b4, g4, be4, W5, b5, g5, be5, W6, b6, W7, b7):
    B, C0, N = x.shape
    BN = B * N
    xr = jnp.transpose(x, (0, 2, 1)).reshape(BN, C0)
    xrow1 = (jnp.zeros((BN, 128), jnp.float32)
             .at[:, :C0].set(xr).at[:, 64:64 + C0].set(xr))
    xcol1 = (jnp.zeros((B, 128, N), jnp.float32)
             .at[:, :C0].set(x).at[:, 64:64 + C0].set(x))

    x1d = _edge_layer(xrow1, xcol1, W1, b1, g1, be1, C0, 128, 64,
                      Cm=C0, fused=True, dup_out=True)
    xcol2 = jnp.transpose(x1d.reshape(B, N, 128), (0, 2, 1))
    x2d = _edge_layer(x1d, xcol2, W2, b2, g2, be2, 64, 128, 64,
                      Cm=64, fused=True, dup_out=True)
    xcol3 = jnp.transpose(x2d.reshape(B, N, 128), (0, 2, 1))
    x3 = _edge_layer(x2d, xcol3, W3, b3, g3, be3, 64, 128, 128,
                     Cm=64, fused=True, dup_out=False)
    xcol4 = jnp.transpose(x3.reshape(B, N, 128), (0, 2, 1))
    x4 = _edge_layer(x3, xcol4, W4, b4, g4, be4, 128, 128, 256,
                     Cm=128, fused=False, dup_out=False)
    x1 = x1d[:, :64]
    x2 = x2d[:, :64]

    w5Ts = tuple(
        W5[:, lo:hi].T.astype(jnp.bfloat16)
        for lo, hi in ((0, 64), (64, 128), (128, 256), (256, 512)))
    w7T = jnp.zeros((256, 16), jnp.bfloat16).at[:, :13].set(
        W7.T.astype(jnp.bfloat16))
    b7p = jnp.zeros((1, 16), jnp.float32).at[:, :13].set(b7[None, :])
    out = _head(x1, x2, x3, x4, w5Ts, b5[None, :], g5[None, :], be5[None, :],
                W6.T.astype(jnp.bfloat16), b6[None, :], w7T, b7p)
    out = out.reshape(B, N, 16)[:, :, :13]
    return jnp.transpose(out, (0, 2, 1))

# --- scband reference (transcript-rebuilt; emitter-appended) ---
"""Pipeline reference for scband-dgcnn-seg-25915832664277 (READ-ONLY COPY).

The authoritative reference and input builder live on the scoring server;
editing this copy changes nothing except your own understanding.
"""

import jax, jax.numpy as jnp
import numpy as np

K = 20
EPS = 1e-5


def knn(x, k):
    inner = -2.0 * jnp.einsum('bcn,bcm->bnm', x, x)
    xx = jnp.sum(x * x, axis=1, keepdims=True)
    pd = -xx - inner - jnp.transpose(xx, (0, 2, 1))
    return jax.lax.top_k(pd, k)[1]


def get_graph_feature(x, k):
    B, C, N = x.shape
    idx = knn(x, k)
    x_t = jnp.transpose(x, (0, 2, 1))
    nb = jax.vmap(lambda xt, ii: xt[ii])(x_t, idx)
    xc = jnp.broadcast_to(x_t[:, :, None, :], (B, N, k, C))
    feat = jnp.concatenate([nb - xc, xc], axis=3)
    return jnp.transpose(feat, (0, 3, 1, 2))


def cbr2(x, W, b, g, be):
    y = jnp.einsum('oc,bcnk->bonk', W, x) + b[None, :, None, None]
    y = y / jnp.sqrt(1.0 + EPS) * g[None, :, None, None] + be[None, :, None, None]
    return jnp.where(y > 0, y, 0.2 * y)


def cbr1(x, W, b, g, be):
    y = jnp.einsum('oc,bcn->bon', W, x) + b[None, :, None]
    y = y / jnp.sqrt(1.0 + EPS) * g[None, :, None] + be[None, :, None]
    return jnp.where(y > 0, y, 0.2 * y)


def setup_inputs(seed: int = 0) -> dict:
    key = jax.random.key(seed)
    ks = jax.random.split(key, 10)
    B, N = 4, 2048
    p = {}
    p['x'] = jax.random.normal(ks[0], (B, 3, N), dtype=jnp.float32)

    def w(k_, shape):
        return jax.random.normal(k_, shape, dtype=jnp.float32) * 0.1

    p['W1'] = w(ks[1], (64, 6)); p['b1'] = jnp.zeros((64,), jnp.float32); p['g1'] = jnp.ones((64,), jnp.float32); p['be1'] = jnp.zeros((64,), jnp.float32)
    p['W2'] = w(ks[2], (64, 128)); p['b2'] = jnp.zeros((64,), jnp.float32); p['g2'] = jnp.ones((64,), jnp.float32); p['be2'] = jnp.zeros((64,), jnp.float32)
    p['W3'] = w(ks[3], (128, 128)); p['b3'] = jnp.zeros((128,), jnp.float32); p['g3'] = jnp.ones((128,), jnp.float32); p['be3'] = jnp.zeros((128,), jnp.float32)
    p['W4'] = w(ks[4], (256, 256)); p['b4'] = jnp.zeros((256,), jnp.float32); p['g4'] = jnp.ones((256,), jnp.float32); p['be4'] = jnp.zeros((256,), jnp.float32)
    p['W5'] = w(ks[5], (1024, 512)); p['b5'] = jnp.zeros((1024,), jnp.float32); p['g5'] = jnp.ones((1024,), jnp.float32); p['be5'] = jnp.zeros((1024,), jnp.float32)
    p['W6'] = w(ks[6], (256, 1024)); p['b6'] = jnp.zeros((256,), jnp.float32)
    p['W7'] = w(ks[7], (13, 256)); p['b7'] = jnp.zeros((13,), jnp.float32)
    return p


def reference(x, W1, b1, g1, be1, W2, b2, g2, be2, W3, b3, g3, be3, W4, b4, g4, be4, W5, b5, g5, be5, W6, b6, W7, b7):
    x1 = jnp.max(cbr2(get_graph_feature(x, K), W1, b1, g1, be1), axis=-1)
    x2 = jnp.max(cbr2(get_graph_feature(x1, K), W2, b2, g2, be2), axis=-1)
    x3 = jnp.max(cbr2(get_graph_feature(x2, K), W3, b3, g3, be3), axis=-1)
    x4 = jnp.max(cbr2(get_graph_feature(x3, K), W4, b4, g4, be4), axis=-1)
    xcat = jnp.concatenate([x1, x2, x3, x4], axis=1)
    xf = cbr1(xcat, W5, b5, g5, be5)
    xf = jnp.einsum('oc,bcn->bon', W6, xf) + b6[None, :, None]
    out = jnp.einsum('oc,bcn->bon', W7, xf) + b7[None, :, None]
    return out

if __name__ == "__main__":
    import jax
    _d = setup_inputs()
    print(jax.jit(kernel)(*tuple(_d.values())))

</pallas_src>

<mosaic_0001>
#map = affine_map<(d0, d1) -> (0, 0)>
#map1 = affine_map<(d0, d1) -> (0)>
module attributes {stable_mosaic.version = 14 : i64} {
  func.func @gather(%arg0: i32, %arg1: i32, %arg2: memref<8192x128xf32, #tpu.memory_space<hbm>>, %arg3: memref<81920xi32, #tpu.memory_space<hbm>>, %arg4: memref<81920x128xf32, #tpu.memory_space<hbm>>, %arg5: memref<2x128xi32, #tpu.memory_space<vmem>>, %arg6: memref<2x128x128xf32, #tpu.memory_space<vmem>>, %arg7: memref<!tpu.dma_semaphore, #tpu.memory_space<semaphore_mem>>, %arg8: memref<!tpu.dma_semaphore, #tpu.memory_space<semaphore_mem>>, %arg9: memref<!tpu.dma_semaphore, #tpu.memory_space<semaphore_mem>>, %arg10: memref<!tpu.dma_semaphore, #tpu.memory_space<semaphore_mem>>) attributes {dimension_semantics = [#tpu.dimension_semantics<core_parallel>, #tpu.dimension_semantics<subcore_parallel>], iteration_bounds = array<i64: 2, 16>, scalar_prefetch = 0 : i64, scratch_operands = 6 : i64, tpu.core_type = #tpu.core_type<sc_vector_subcore>, window_params = [{transform_indices = #map}, {transform_indices = #map1}, {transform_indices = #map}]} {
    %mul3A = arith.constant 2 : i32
    %mul3A_0 = arith.muli %arg1, %mul3A : i32
    %add3A = arith.addi %mul3A_0, %arg0 : i32
    %mul3A_1 = arith.constant 2560 : i32
    %mul3A_2 = arith.muli %add3A, %mul3A_1 : i32
    %scan3A = arith.constant 0 : i32
    %scan3A_3 = arith.constant 0 : i32
    %scan3A_4 = arith.constant 10 : i32
    %scan3A_5 = arith.addi %scan3A_3, %scan3A_4 : i32
    %scan3A_6 = arith.constant 1 : i32
    scf.for %scan3A_33 = %scan3A_3 to %scan3A_5 step %scan3A_6  : i32 {
      %mul3A_34 = arith.constant 2 : i32
      %mul3A_35 = arith.muli %mul3A_34, %scan3A_33 : i32
      %add3A_36 = arith.constant 0 : i32
      %add3A_37 = arith.addi %mul3A_35, %add3A_36 : i32
      %mul3A_38 = arith.constant 128 : i32
      %mul3A_39 = arith.muli %add3A_37, %mul3A_38 : i32
      %add3A_40 = arith.addi %mul3A_2, %mul3A_39 : i32
      %gt3A = arith.constant 0 : i32
      %gt3A_41 = arith.cmpi sgt, %scan3A_33, %gt3A : i32
      %convert_element_type3A = arith.extui %gt3A_41 : i1 to i32
      %cond3A = arith.constant 0 : i32
      %cond3A_42 = arith.cmpi ne, %convert_element_type3A, %cond3A : i32
      scf.if %cond3A_42 {
        %dma_wait3A_143 = arith.constant 0 : i32
        %dma_wait3A_144 = arith.constant 0 : i32
        %dma_wait3A_145 = arith.constant 0 : i32
        %dma_wait3A_146 = tpu.memref_slice %arg6[%dma_wait3A_143, %dma_wait3A_144, %dma_wait3A_145] : memref<2x128x128xf32, #tpu.memory_space<vmem>> -> memref<1x128x128xf32, #tpu.memory_space<vmem>>
        %dma_wait3A_147 = tpu.memref_squeeze %dma_wait3A_146 : memref<1x128x128xf32, #tpu.memory_space<vmem>> -> memref<128x128xf32, #tpu.memory_space<vmem>>
        %dma_wait3A_148 = arith.constant 0 : i32
        %dma_wait3A_149 = tpu.memref_slice %arg4[%add3A_40, %dma_wait3A_148] : memref<81920x128xf32, #tpu.memory_space<hbm>> -> memref<128x128xf32, #tpu.memory_space<hbm>>
        %dma_wait3A_150 = arith.constant 0 : i32
        %dma_wait3A_151 = tpu.memref_slice %arg4[%add3A_40, %dma_wait3A_150] : memref<81920x128xf32, #tpu.memory_space<hbm>> -> memref<128x128xf32, #tpu.memory_space<hbm>>
        %dma_wait3A_152 = arith.constant 0 : i32
        %dma_wait3A_153 = arith.constant 0 : i32
        %dma_wait3A_154 = tpu.memref_slice %arg6[%dma_wait3A_143, %dma_wait3A_152, %dma_wait3A_153] : memref<2x128x128xf32, #tpu.memory_space<vmem>> -> memref<1x128x128xf32, #tpu.memory_space<vmem>>
        %dma_wait3A_155 = tpu.memref_squeeze %dma_wait3A_154 : memref<1x128x128xf32, #tpu.memory_space<vmem>> -> memref<128x128xf32, #tpu.memory_space<vmem>>
        tpu.wait_dma2 semaphore(%arg9 : memref<!tpu.dma_semaphore, #tpu.memory_space<semaphore_mem>>) src(%dma_wait3A_155 : memref<128x128xf32, #tpu.memory_space<vmem>>) dst(%dma_wait3A_151 : memref<128x128xf32, #tpu.memory_space<hbm>>)
      } else {
      }
      %run_scoped3A = arith.constant 0 : i32
      "tpu.region"() ({
        %run_scoped3A_143 = tpu.sem_alloc : memref<!tpu.dma_semaphore, #tpu.memory_space<semaphore_mem>>
        %dma_start3A_144 = arith.constant 0 : i32
        %dma_start3A_145 = tpu.memref_slice %arg5[%run_scoped3A, %dma_start3A_144] : memref<2x128xi32, #tpu.memory_space<vmem>> -> memref<1x128xi32, #tpu.memory_space<vmem>>
        %dma_start3A_146 = tpu.memref_squeeze %dma_start3A_145 : memref<1x128xi32, #tpu.memory_space<vmem>> -> memref<128xi32, #tpu.memory_space<vmem>>
        %dma_start3A_147 = tpu.memref_slice %arg3[%add3A_40] : memref<81920xi32, #tpu.memory_space<hbm>> -> memref<128xi32, #tpu.memory_space<hbm>>
        %dma_start3A_148 = arith.constant 0 : i32
        %dma_start3A_149 = tpu.memref_slice %arg5[%run_scoped3A, %dma_start3A_148] : memref<2x128xi32, #tpu.memory_space<vmem>> -> memref<1x128xi32, #tpu.memory_space<vmem>>
        %dma_start3A_150 = tpu.memref_squeeze %dma_start3A_149 : memref<1x128xi32, #tpu.memory_space<vmem>> -> memref<128xi32, #tpu.memory_space<vmem>>
        %dma_start3A_151 = tpu.memref_slice %arg3[%add3A_40] : memref<81920xi32, #tpu.memory_space<hbm>> -> memref<128xi32, #tpu.memory_space<hbm>>
        tpu.enqueue_dma source(%dma_start3A_151 : memref<128xi32, #tpu.memory_space<hbm>>) target(%dma_start3A_150 : memref<128xi32, #tpu.memory_space<vmem>>) target_semaphore(%run_scoped3A_143 : memref<!tpu.dma_semaphore, #tpu.memory_space<semaphore_mem>>)
        %dma_wait3A_152 = arith.constant 0 : i32
        %dma_wait3A_153 = tpu.memref_slice %arg5[%run_scoped3A, %dma_wait3A_152] : memref<2x128xi32, #tpu.memory_space<vmem>> -> memref<1x128xi32, #tpu.memory_space<vmem>>
        %dma_wait3A_154 = tpu.memref_squeeze %dma_wait3A_153 : memref<1x128xi32, #tpu.memory_space<vmem>> -> memref<128xi32, #tpu.memory_space<vmem>>
        %dma_wait3A_155 = tpu.memref_slice %arg3[%add3A_40] : memref<81920xi32, #tpu.memory_space<hbm>> -> memref<128xi32, #tpu.memory_space<hbm>>
        %dma_wait3A_156 = arith.constant 0 : i32
        %dma_wait3A_157 = tpu.memref_slice %arg5[%run_scoped3A, %dma_wait3A_156] : memref<2x128xi32, #tpu.memory_space<vmem>> -> memref<1x128xi32, #tpu.memory_space<vmem>>
        %dma_wait3A_158 = tpu.memref_squeeze %dma_wait3A_157 : memref<1x128xi32, #tpu.memory_space<vmem>> -> memref<128xi32, #tpu.memory_space<vmem>>
        %dma_wait3A_159 = tpu.memref_slice %arg3[%add3A_40] : memref<81920xi32, #tpu.memory_space<hbm>> -> memref<128xi32, #tpu.memory_space<hbm>>
        tpu.wait_dma2 semaphore(%run_scoped3A_143 : memref<!tpu.dma_semaphore, #tpu.memory_space<semaphore_mem>>) src(%dma_wait3A_159 : memref<128xi32, #tpu.memory_space<hbm>>) dst(%dma_wait3A_158 : memref<128xi32, #tpu.memory_space<vmem>>)
        tpu.yield
      }) : () -> ()
      %dma_start3A = arith.constant 0 : i32
      %dma_start3A_43 = arith.constant 0 : i32
      %dma_start3A_44 = arith.constant 0 : i32
      %dma_start3A_45 = arith.constant 0 : i32
      %dma_start3A_46 = tpu.memref_slice %arg6[%dma_start3A_43, %dma_start3A_44, %dma_start3A_45] : memref<2x128x128xf32, #tpu.memory_space<vmem>> -> memref<1x128x128xf32, #tpu.memory_space<vmem>>
      %dma_start3A_47 = tpu.memref_squeeze %dma_start3A_46 : memref<1x128x128xf32, #tpu.memory_space<vmem>> -> memref<128x128xf32, #tpu.memory_space<vmem>>
      %dma_start3A_48 = arith.constant 0 : i32
      %dma_start3A_49 = tpu.memref_slice %arg5[%dma_start3A, %dma_start3A_48] : memref<2x128xi32, #tpu.memory_space<vmem>> -> memref<1x128xi32, #tpu.memory_space<vmem>>
      %dma_start3A_50 = tpu.memref_squeeze %dma_start3A_49 : memref<1x128xi32, #tpu.memory_space<vmem>> -> memref<128xi32, #tpu.memory_space<vmem>>
      %dma_start3A_51 = arith.constant 0 : i32
      %dma_start3A_52 = arith.constant 0 : i32
      %dma_start3A_53 = tpu.memref_slice %arg2[%dma_start3A_51, %dma_start3A_52] : memref<8192x128xf32, #tpu.memory_space<hbm>> -> memref<8192x128xf32, #tpu.memory_space<hbm>>
      tpu.enqueue_indirect_dma source(%dma_start3A_53 : memref<8192x128xf32, #tpu.memory_space<hbm>>) target(%dma_start3A_47 : memref<128x128xf32, #tpu.memory_space<vmem>>) offsets(%dma_start3A_50 : memref<128xi32, #tpu.memory_space<vmem>>) semaphore(%arg7 : memref<!tpu.dma_semaphore, #tpu.memory_space<semaphore_mem>>)
      %mul3A_54 = arith.constant 2 : i32
      %mul3A_55 = arith.muli %mul3A_54, %scan3A_33 : i32
      %add3A_56 = arith.constant 1 : i32
      %add3A_57 = arith.addi %mul3A_55, %add3A_56 : i32
      %mul3A_58 = arith.constant 128 : i32
      %mul3A_59 = arith.muli %add3A_57, %mul3A_58 : i32
      %add3A_60 = arith.addi %mul3A_2, %mul3A_59 : i32
      %gt3A_61 = arith.constant 0 : i32
      %gt3A_62 = arith.cmpi sgt, %scan3A_33, %gt3A_61 : i32
      %convert_element_type3A_63 = arith.extui %gt3A_62 : i1 to i32
      %cond3A_64 = arith.constant 0 : i32
      %cond3A_65 = arith.cmpi ne, %convert_element_type3A_63, %cond3A_64 : i32
      scf.if %cond3A_65 {
        %dma_wait3A_143 = arith.constant 1 : i32
        %dma_wait3A_144 = arith.constant 0 : i32
        %dma_wait3A_145 = arith.constant 0 : i32
        %dma_wait3A_146 = tpu.memref_slice %arg6[%dma_wait3A_143, %dma_wait3A_144, %dma_wait3A_145] : memref<2x128x128xf32, #tpu.memory_space<vmem>> -> memref<1x128x128xf32, #tpu.memory_space<vmem>>
        %dma_wait3A_147 = tpu.memref_squeeze %dma_wait3A_146 : memref<1x128x128xf32, #tpu.memory_space<vmem>> -> memref<128x128xf32, #tpu.memory_space<vmem>>
        %dma_wait3A_148 = arith.constant 0 : i32
        %dma_wait3A_149 = tpu.memref_slice %arg4[%add3A_60, %dma_wait3A_148] : memref<81920x128xf32, #tpu.memory_space<hbm>> -> memref<128x128xf32, #tpu.memory_space<hbm>>
        %dma_wait3A_150 = arith.constant 0 : i32
        %dma_wait3A_151 = tpu.memref_slice %arg4[%add3A_60, %dma_wait3A_150] : memref<81920x128xf32, #tpu.memory_space<hbm>> -> memref<128x128xf32, #tpu.memory_space<hbm>>
        %dma_wait3A_152 = arith.constant 0 : i32
        %dma_wait3A_153 = arith.constant 0 : i32
        %dma_wait3A_154 = tpu.memref_slice %arg6[%dma_wait3A_143, %dma_wait3A_152, %dma_wait3A_153] : memref<2x128x128xf32, #tpu.memory_space<vmem>> -> memref<1x128x128xf32, #tpu.memory_space<vmem>>
        %dma_wait3A_155 = tpu.memref_squeeze %dma_wait3A_154 : memref<1x128x128xf32, #tpu.memory_space<vmem>> -> memref<128x128xf32, #tpu.memory_space<vmem>>
        tpu.wait_dma2 semaphore(%arg10 : memref<!tpu.dma_semaphore, #tpu.memory_space<semaphore_mem>>) src(%dma_wait3A_155 : memref<128x128xf32, #tpu.memory_space<vmem>>) dst(%dma_wait3A_151 : memref<128x128xf32, #tpu.memory_space<hbm>>)
      } else {
      }
      %run_scoped3A_66 = arith.constant 1 : i32
      "tpu.region"() ({
        %run_scoped3A_143 = tpu.sem_alloc : memref<!tpu.dma_semaphore, #tpu.memory_space<semaphore_mem>>
        %dma_start3A_144 = arith.constant 0 : i32
        %dma_start3A_145 = tpu.memref_slice %arg5[%run_scoped3A_66, %dma_start3A_144] : memref<2x128xi32, #tpu.memory_space<vmem>> -> memref<1x128xi32, #tpu.memory_space<vmem>>
        %dma_start3A_146 = tpu.memref_squeeze %dma_start3A_145 : memref<1x128xi32, #tpu.memory_space<vmem>> -> memref<128xi32, #tpu.memory_space<vmem>>
        %dma_start3A_147 = tpu.memref_slice %arg3[%add3A_60] : memref<81920xi32, #tpu.memory_space<hbm>> -> memref<128xi32, #tpu.memory_space<hbm>>
        %dma_start3A_148 = arith.constant 0 : i32
        %dma_start3A_149 = tpu.memref_slice %arg5[%run_scoped3A_66, %dma_start3A_148] : memref<2x128xi32, #tpu.memory_space<vmem>> -> memref<1x128xi32, #tpu.memory_space<vmem>>
        %dma_start3A_150 = tpu.memref_squeeze %dma_start3A_149 : memref<1x128xi32, #tpu.memory_space<vmem>> -> memref<128xi32, #tpu.memory_space<vmem>>
        %dma_start3A_151 = tpu.memref_slice %arg3[%add3A_60] : memref<81920xi32, #tpu.memory_space<hbm>> -> memref<128xi32, #tpu.memory_space<hbm>>
        tpu.enqueue_dma source(%dma_start3A_151 : memref<128xi32, #tpu.memory_space<hbm>>) target(%dma_start3A_150 : memref<128xi32, #tpu.memory_space<vmem>>) target_semaphore(%run_scoped3A_143 : memref<!tpu.dma_semaphore, #tpu.memory_space<semaphore_mem>>)
        %dma_wait3A_152 = arith.constant 0 : i32
        %dma_wait3A_153 = tpu.memref_slice %arg5[%run_scoped3A_66, %dma_wait3A_152] : memref<2x128xi32, #tpu.memory_space<vmem>> -> memref<1x128xi32, #tpu.memory_space<vmem>>
        %dma_wait3A_154 = tpu.memref_squeeze %dma_wait3A_153 : memref<1x128xi32, #tpu.memory_space<vmem>> -> memref<128xi32, #tpu.memory_space<vmem>>
        %dma_wait3A_155 = tpu.memref_slice %arg3[%add3A_60] : memref<81920xi32, #tpu.memory_space<hbm>> -> memref<128xi32, #tpu.memory_space<hbm>>
        %dma_wait3A_156 = arith.constant 0 : i32
        %dma_wait3A_157 = tpu.memref_slice %arg5[%run_scoped3A_66, %dma_wait3A_156] : memref<2x128xi32, #tpu.memory_space<vmem>> -> memref<1x128xi32, #tpu.memory_space<vmem>>
        %dma_wait3A_158 = tpu.memref_squeeze %dma_wait3A_157 : memref<1x128xi32, #tpu.memory_space<vmem>> -> memref<128xi32, #tpu.memory_space<vmem>>
        %dma_wait3A_159 = tpu.memref_slice %arg3[%add3A_60] : memref<81920xi32, #tpu.memory_space<hbm>> -> memref<128xi32, #tpu.memory_space<hbm>>
        tpu.wait_dma2 semaphore(%run_scoped3A_143 : memref<!tpu.dma_semaphore, #tpu.memory_space<semaphore_mem>>) src(%dma_wait3A_159 : memref<128xi32, #tpu.memory_space<hbm>>) dst(%dma_wait3A_158 : memref<128xi32, #tpu.memory_space<vmem>>)
        tpu.yield
      }) : () -> ()
      %dma_start3A_67 = arith.constant 1 : i32
      %dma_start3A_68 = arith.constant 1 : i32
      %dma_start3A_69 = arith.constant 0 : i32
      %dma_start3A_70 = arith.constant 0 : i32
      %dma_start3A_71 = tpu.memref_slice %arg6[%dma_start3A_68, %dma_start3A_69, %dma_start3A_70] : memref<2x128x128xf32, #tpu.memory_space<vmem>> -> memref<1x128x128xf32, #tpu.memory_space<vmem>>
      %dma_start3A_72 = tpu.memref_squeeze %dma_start3A_71 : memref<1x128x128xf32, #tpu.memory_space<vmem>> -> memref<128x128xf32, #tpu.memory_space<vmem>>
      %dma_start3A_73 = arith.constant 0 : i32
      %dma_start3A_74 = tpu.memref_slice %arg5[%dma_start3A_67, %dma_start3A_73] : memref<2x128xi32, #tpu.memory_space<vmem>> -> memref<1x128xi32, #tpu.memory_space<vmem>>
      %dma_start3A_75 = tpu.memref_squeeze %dma_start3A_74 : memref<1x128xi32, #tpu.memory_space<vmem>> -> memref<128xi32, #tpu.memory_space<vmem>>
      %dma_start3A_76 = arith.constant 0 : i32
      %dma_start3A_77 = arith.constant 0 : i32
      %dma_start3A_78 = tpu.memref_slice %arg2[%dma_start3A_76, %dma_start3A_77] : memref<8192x128xf32, #tpu.memory_space<hbm>> -> memref<8192x128xf32, #tpu.memory_space<hbm>>
      tpu.enqueue_indirect_dma source(%dma_start3A_78 : memref<8192x128xf32, #tpu.memory_space<hbm>>) target(%dma_start3A_72 : memref<128x128xf32, #tpu.memory_space<vmem>>) offsets(%dma_start3A_75 : memref<128xi32, #tpu.memory_space<vmem>>) semaphore(%arg8 : memref<!tpu.dma_semaphore, #tpu.memory_space<semaphore_mem>>)
      %mul3A_79 = arith.constant 2 : i32
      %mul3A_80 = arith.muli %mul3A_79, %scan3A_33 : i32
      %add3A_81 = arith.constant 0 : i32
      %add3A_82 = arith.addi %mul3A_80, %add3A_81 : i32
      %mul3A_83 = arith.constant 128 : i32
      %mul3A_84 = arith.muli %add3A_82, %mul3A_83 : i32
      %add3A_85 = arith.addi %mul3A_2, %mul3A_84 : i32
      %dma_wait3A_86 = arith.constant 0 : i32
      %dma_wait3A_87 = arith.constant 0 : i32
      %dma_wait3A_88 = arith.constant 0 : i32
      %dma_wait3A_89 = arith.constant 0 : i32
      %dma_wait3A_90 = tpu.memref_slice %arg6[%dma_wait3A_87, %dma_wait3A_88, %dma_wait3A_89] : memref<2x128x128xf32, #tpu.memory_space<vmem>> -> memref<1x128x128xf32, #tpu.memory_space<vmem>>
      %dma_wait3A_91 = tpu.memref_squeeze %dma_wait3A_90 : memref<1x128x128xf32, #tpu.memory_space<vmem>> -> memref<128x128xf32, #tpu.memory_space<vmem>>
      %dma_wait3A_92 = arith.constant 0 : i32
      %dma_wait3A_93 = tpu.memref_slice %arg5[%dma_wait3A_86, %dma_wait3A_92] : memref<2x128xi32, #tpu.memory_space<vmem>> -> memref<1x128xi32, #tpu.memory_space<vmem>>
      %dma_wait3A_94 = tpu.memref_squeeze %dma_wait3A_93 : memref<1x128xi32, #tpu.memory_space<vmem>> -> memref<128xi32, #tpu.memory_space<vmem>>
      %dma_wait3A_95 = arith.constant 0 : i32
      %dma_wait3A_96 = arith.constant 0 : i32
      %dma_wait3A_97 = tpu.memref_slice %arg2[%dma_wait3A_95, %dma_wait3A_96] : memref<8192x128xf32, #tpu.memory_space<hbm>> -> memref<8192x128xf32, #tpu.memory_space<hbm>>
      tpu.wait_indirect_dma semaphore(%arg7 : memref<!tpu.dma_semaphore, #tpu.memory_space<semaphore_mem>>) src(%dma_wait3A_97 : memref<8192x128xf32, #tpu.memory_space<hbm>>) dst(%dma_wait3A_91 : memref<128x128xf32, #tpu.memory_space<vmem>>)
      %dma_start3A_98 = arith.constant 0 : i32
      %dma_start3A_99 = arith.constant 0 : i32
      %dma_start3A_100 = arith.constant 0 : i32
      %dma_start3A_101 = tpu.memref_slice %arg6[%dma_start3A_98, %dma_start3A_99, %dma_start3A_100] : memref<2x128x128xf32, #tpu.memory_space<vmem>> -> memref<1x128x128xf32, #tpu.memory_space<vmem>>
      %dma_start3A_102 = tpu.memref_squeeze %dma_start3A_101 : memref<1x128x128xf32, #tpu.memory_space<vmem>> -> memref<128x128xf32, #tpu.memory_space<vmem>>
      %dma_start3A_103 = arith.constant 0 : i32
      %dma_start3A_104 = tpu.memref_slice %arg4[%add3A_85, %dma_start3A_103] : memref<81920x128xf32, #tpu.memory_space<hbm>> -> memref<128x128xf32, #tpu.memory_space<hbm>>
      %dma_start3A_105 = arith.constant 0 : i32
      %dma_start3A_106 = tpu.memref_slice %arg4[%add3A_85, %dma_start3A_105] : memref<81920x128xf32, #tpu.memory_space<hbm>> -> memref<128x128xf32, #tpu.memory_space<hbm>>
      %dma_start3A_107 = arith.constant 0 : i32
      %dma_start3A_108 = arith.constant 0 : i32
      %dma_start3A_109 = tpu.memref_slice %arg6[%dma_start3A_98, %dma_start3A_107, %dma_start3A_108] : memref<2x128x128xf32, #tpu.memory_space<vmem>> -> memref<1x128x128xf32, #tpu.memory_space<vmem>>
      %dma_start3A_110 = tpu.memref_squeeze %dma_start3A_109 : memref<1x128x128xf32, #tpu.memory_space<vmem>> -> memref<128x128xf32, #tpu.memory_space<vmem>>
      tpu.enqueue_dma source(%dma_start3A_110 : memref<128x128xf32, #tpu.memory_space<vmem>>) target(%dma_start3A_106 : memref<128x128xf32, #tpu.memory_space<hbm>>) target_semaphore(%arg9 : memref<!tpu.dma_semaphore, #tpu.memory_space<semaphore_mem>>)
      %mul3A_111 = arith.constant 2 : i32
      %mul3A_112 = arith.muli %mul3A_111, %scan3A_33 : i32
      %add3A_113 = arith.constant 1 : i32
      %add3A_114 = arith.addi %mul3A_112, %add3A_113 : i32
      %mul3A_115 = arith.constant 128 : i32
      %mul3A_116 = arith.muli %add3A_114, %mul3A_115 : i32
      %add3A_117 = arith.addi %mul3A_2, %mul3A_116 : i32
      %dma_wait3A_118 = arith.constant 1 : i32
      %dma_wait3A_119 = arith.constant 1 : i32
      %dma_wait3A_120 = arith.constant 0 : i32
      %dma_wait3A_121 = arith.constant 0 : i32
      %dma_wait3A_122 = tpu.memref_slice %arg6[%dma_wait3A_119, %dma_wait3A_120, %dma_wait3A_121] : memref<2x128x128xf32, #tpu.memory_space<vmem>> -> memref<1x128x128xf32, #tpu.memory_space<vmem>>
      %dma_wait3A_123 = tpu.memref_squeeze %dma_wait3A_122 : memref<1x128x128xf32, #tpu.memory_space<vmem>> -> memref<128x128xf32, #tpu.memory_space<vmem>>
      %dma_wait3A_124 = arith.constant 0 : i32
      %dma_wait3A_125 = tpu.memref_slice %arg5[%dma_wait3A_118, %dma_wait3A_124] : memref<2x128xi32, #tpu.memory_space<vmem>> -> memref<1x128xi32, #tpu.memory_space<vmem>>
      %dma_wait3A_126 = tpu.memref_squeeze %dma_wait3A_125 : memref<1x128xi32, #tpu.memory_space<vmem>> -> memref<128xi32, #tpu.memory_space<vmem>>
      %dma_wait3A_127 = arith.constant 0 : i32
      %dma_wait3A_128 = arith.constant 0 : i32
      %dma_wait3A_129 = tpu.memref_slice %arg2[%dma_wait3A_127, %dma_wait3A_128] : memref<8192x128xf32, #tpu.memory_space<hbm>> -> memref<8192x128xf32, #tpu.memory_space<hbm>>
      tpu.wait_indirect_dma semaphore(%arg8 : memref<!tpu.dma_semaphore, #tpu.memory_space<semaphore_mem>>) src(%dma_wait3A_129 : memref<8192x128xf32, #tpu.memory_space<hbm>>) dst(%dma_wait3A_123 : memref<128x128xf32, #tpu.memory_space<vmem>>)
      %dma_start3A_130 = arith.constant 1 : i32
      %dma_start3A_131 = arith.constant 0 : i32
      %dma_start3A_132 = arith.constant 0 : i32
      %dma_start3A_133 = tpu.memref_slice %arg6[%dma_start3A_130, %dma_start3A_131, %dma_start3A_132] : memref<2x128x128xf32, #tpu.memory_space<vmem>> -> memref<1x128x128xf32, #tpu.memory_space<vmem>>
      %dma_start3A_134 = tpu.memref_squeeze %dma_start3A_133 : memref<1x128x128xf32, #tpu.memory_space<vmem>> -> memref<128x128xf32, #tpu.memory_space<vmem>>
      %dma_start3A_135 = arith.constant 0 : i32
      %dma_start3A_136 = tpu.memref_slice %arg4[%add3A_117, %dma_start3A_135] : memref<81920x128xf32, #tpu.memory_space<hbm>> -> memref<128x128xf32, #tpu.memory_space<hbm>>
      %dma_start3A_137 = arith.constant 0 : i32
      %dma_start3A_138 = tpu.memref_slice %arg4[%add3A_117, %dma_start3A_137] : memref<81920x128xf32, #tpu.memory_space<hbm>> -> memref<128x128xf32, #tpu.memory_space<hbm>>
      %dma_start3A_139 = arith.constant 0 : i32
      %dma_start3A_140 = arith.constant 0 : i32
      %dma_start3A_141 = tpu.memref_slice %arg6[%dma_start3A_130, %dma_start3A_139, %dma_start3A_140] : memref<2x128x128xf32, #tpu.memory_space<vmem>> -> memref<1x128x128xf32, #tpu.memory_space<vmem>>
      %dma_start3A_142 = tpu.memref_squeeze %dma_start3A_141 : memref<1x128x128xf32, #tpu.memory_space<vmem>> -> memref<128x128xf32, #tpu.memory_space<vmem>>
      tpu.enqueue_dma source(%dma_start3A_142 : memref<128x128xf32, #tpu.memory_space<vmem>>) target(%dma_start3A_138 : memref<128x128xf32, #tpu.memory_space<hbm>>) target_semaphore(%arg10 : memref<!tpu.dma_semaphore, #tpu.memory_space<semaphore_mem>>)
    }
    %scan3A_7 = arith.constant 10 : i32
    %dma_wait3A = arith.constant 0 : i32
    %dma_wait3A_8 = arith.constant 0 : i32
    %dma_wait3A_9 = arith.constant 0 : i32
    %dma_wait3A_10 = tpu.memref_slice %arg6[%dma_wait3A, %dma_wait3A_8, %dma_wait3A_9] : memref<2x128x128xf32, #tpu.memory_space<vmem>> -> memref<1x128x128xf32, #tpu.memory_space<vmem>>
    %dma_wait3A_11 = tpu.memref_squeeze %dma_wait3A_10 : memref<1x128x128xf32, #tpu.memory_space<vmem>> -> memref<128x128xf32, #tpu.memory_space<vmem>>
    %dma_wait3A_12 = arith.constant 0 : i32
    %dma_wait3A_13 = tpu.memref_slice %arg4[%mul3A_2, %dma_wait3A_12] : memref<81920x128xf32, #tpu.memory_space<hbm>> -> memref<128x128xf32, #tpu.memory_space<hbm>>
    %dma_wait3A_14 = arith.constant 0 : i32
    %dma_wait3A_15 = tpu.memref_slice %arg4[%mul3A_2, %dma_wait3A_14] : memref<81920x128xf32, #tpu.memory_space<hbm>> -> memref<128x128xf32, #tpu.memory_space<hbm>>
    %dma_wait3A_16 = arith.constant 0 : i32
    %dma_wait3A_17 = arith.constant 0 : i32
    %dma_wait3A_18 = tpu.memref_slice %arg6[%dma_wait3A, %dma_wait3A_16, %dma_wait3A_17] : memref<2x128x128xf32, #tpu.memory_space<vmem>> -> memref<1x128x128xf32, #tpu.memory_space<vmem>>
    %dma_wait3A_19 = tpu.memref_squeeze %dma_wait3A_18 : memref<1x128x128xf32, #tpu.memory_space<vmem>> -> memref<128x128xf32, #tpu.memory_space<vmem>>
    tpu.wait_dma2 semaphore(%arg9 : memref<!tpu.dma_semaphore, #tpu.memory_space<semaphore_mem>>) src(%dma_wait3A_19 : memref<128x128xf32, #tpu.memory_space<vmem>>) dst(%dma_wait3A_15 : memref<128x128xf32, #tpu.memory_space<hbm>>)
    %dma_wait3A_20 = arith.constant 1 : i32
    %dma_wait3A_21 = arith.constant 0 : i32
    %dma_wait3A_22 = arith.constant 0 : i32
    %dma_wait3A_23 = tpu.memref_slice %arg6[%dma_wait3A_20, %dma_wait3A_21, %dma_wait3A_22] : memref<2x128x128xf32, #tpu.memory_space<vmem>> -> memref<1x128x128xf32, #tpu.memory_space<vmem>>
    %dma_wait3A_24 = tpu.memref_squeeze %dma_wait3A_23 : memref<1x128x128xf32, #tpu.memory_space<vmem>> -> memref<128x128xf32, #tpu.memory_space<vmem>>
    %dma_wait3A_25 = arith.constant 0 : i32
    %dma_wait3A_26 = tpu.memref_slice %arg4[%mul3A_2, %dma_wait3A_25] : memref<81920x128xf32, #tpu.memory_space<hbm>> -> memref<128x128xf32, #tpu.memory_space<hbm>>
    %dma_wait3A_27 = arith.constant 0 : i32
    %dma_wait3A_28 = tpu.memref_slice %arg4[%mul3A_2, %dma_wait3A_27] : memref<81920x128xf32, #tpu.memory_space<hbm>> -> memref<128x128xf32, #tpu.memory_space<hbm>>
    %dma_wait3A_29 = arith.constant 0 : i32
    %dma_wait3A_30 = arith.constant 0 : i32
    %dma_wait3A_31 = tpu.memref_slice %arg6[%dma_wait3A_20, %dma_wait3A_29, %dma_wait3A_30] : memref<2x128x128xf32, #tpu.memory_space<vmem>> -> memref<1x128x128xf32, #tpu.memory_space<vmem>>
    %dma_wait3A_32 = tpu.memref_squeeze %dma_wait3A_31 : memref<1x128x128xf32, #tpu.memory_space<vmem>> -> memref<128x128xf32, #tpu.memory_space<vmem>>
    tpu.wait_dma2 semaphore(%arg10 : memref<!tpu.dma_semaphore, #tpu.memory_space<semaphore_mem>>) src(%dma_wait3A_32 : memref<128x128xf32, #tpu.memory_space<vmem>>) dst(%dma_wait3A_28 : memref<128x128xf32, #tpu.memory_space<hbm>>)
    return
  }
}

#map = affine_map<(d0, d1) -> (0, 0)>
#map1 = affine_map<(d0, d1) -> (0)>
module attributes {stable_mosaic.version = 14 : i64} {
  func.func @gather(%arg0: i32, %arg1: i32, %arg2: memref<8192x128xf32, #tpu.memory_space<hbm>>, %arg3: memref<81920xi32, #tpu.memory_space<hbm>>, %arg4: memref<81920x128xf32, #tpu.memory_space<hbm>>, %arg5: memref<2x128xi32, #tpu.memory_space<vmem>>, %arg6: memref<2x128x128xf32, #tpu.memory_space<vmem>>, %arg7: memref<!tpu.dma_semaphore, #tpu.memory_space<semaphore_mem>>, %arg8: memref<!tpu.dma_semaphore, #tpu.memory_space<semaphore_mem>>, %arg9: memref<!tpu.dma_semaphore, #tpu.memory_space<semaphore_mem>>, %arg10: memref<!tpu.dma_semaphore, #tpu.memory_space<semaphore_mem>>) attributes {dimension_semantics = [#tpu.dimension_semantics<core_parallel>, #tpu.dimension_semantics<subcore_parallel>], iteration_bounds = array<i64: 2, 16>, scalar_prefetch = 0 : i64, scratch_operands = 6 : i64, tpu.core_type = #tpu.core_type<sc_vector_subcore>, window_params = [{transform_indices = #map}, {transform_indices = #map1}, {transform_indices = #map}]} {
    %mul3A = arith.constant 2 : i32
    %mul3A_0 = arith.muli %arg1, %mul3A : i32
    %add3A = arith.addi %mul3A_0, %arg0 : i32
    %mul3A_1 = arith.constant 2560 : i32
    %mul3A_2 = arith.muli %add3A, %mul3A_1 : i32
    %scan3A = arith.constant 0 : i32
    %scan3A_3 = arith.constant 0 : i32
    %scan3A_4 = arith.constant 10 : i32
    %scan3A_5 = arith.addi %scan3A_3, %scan3A_4 : i32
    %scan3A_6 = arith.constant 1 : i32
    scf.for %scan3A_33 = %scan3A_3 to %scan3A_5 step %scan3A_6  : i32 {
      %mul3A_34 = arith.constant 2 : i32
      %mul3A_35 = arith.muli %mul3A_34, %scan3A_33 : i32
      %add3A_36 = arith.constant 0 : i32
      %add3A_37 = arith.addi %mul3A_35, %add3A_36 : i32
      %mul3A_38 = arith.constant 128 : i32
      %mul3A_39 = arith.muli %add3A_37, %mul3A_38 : i32
      %add3A_40 = arith.addi %mul3A_2, %mul3A_39 : i32
      %gt3A = arith.constant 0 : i32
      %gt3A_41 = arith.cmpi sgt, %scan3A_33, %gt3A : i32
      %convert_element_type3A = arith.extui %gt3A_41 : i1 to i32
      %cond3A = arith.constant 0 : i32
      %cond3A_42 = arith.cmpi ne, %convert_element_type3A, %cond3A : i32
      scf.if %cond3A_42 {
        %dma_wait3A_143 = arith.constant 0 : i32
        %dma_wait3A_144 = arith.constant 0 : i32
        %dma_wait3A_145 = arith.constant 0 : i32
        %dma_wait3A_146 = tpu.memref_slice %arg6[%dma_wait3A_143, %dma_wait3A_144, %dma_wait3A_145] : memref<2x128x128xf32, #tpu.memory_space<vmem>> -> memref<1x128x128xf32, #tpu.memory_space<vmem>>
        %dma_wait3A_147 = tpu.memref_squeeze %dma_wait3A_146 : memref<1x128x128xf32, #tpu.memory_space<vmem>> -> memref<128x128xf32, #tpu.memory_space<vmem>>
        %dma_wait3A_148 = arith.constant 0 : i32
        %dma_wait3A_149 = tpu.memref_slice %arg4[%add3A_40, %dma_wait3A_148] : memref<81920x128xf32, #tpu.memory_space<hbm>> -> memref<128x128xf32, #tpu.memory_space<hbm>>
        %dma_wait3A_150 = arith.constant 0 : i32
        %dma_wait3A_151 = tpu.memref_slice %arg4[%add3A_40, %dma_wait3A_150] : memref<81920x128xf32, #tpu.memory_space<hbm>> -> memref<128x128xf32, #tpu.memory_space<hbm>>
        %dma_wait3A_152 = arith.constant 0 : i32
        %dma_wait3A_153 = arith.constant 0 : i32
        %dma_wait3A_154 = tpu.memref_slice %arg6[%dma_wait3A_143, %dma_wait3A_152, %dma_wait3A_153] : memref<2x128x128xf32, #tpu.memory_space<vmem>> -> memref<1x128x128xf32, #tpu.memory_space<vmem>>
        %dma_wait3A_155 = tpu.memref_squeeze %dma_wait3A_154 : memref<1x128x128xf32, #tpu.memory_space<vmem>> -> memref<128x128xf32, #tpu.memory_space<vmem>>
        tpu.wait_dma2 semaphore(%arg9 : memref<!tpu.dma_semaphore, #tpu.memory_space<semaphore_mem>>) src(%dma_wait3A_155 : memref<128x128xf32, #tpu.memory_space<vmem>>) dst(%dma_wait3A_151 : memref<128x128xf32, #tpu.memory_space<hbm>>)
      } else {
      }
      %run_scoped3A = arith.constant 0 : i32
      "tpu.region"() ({
        %run_scoped3A_143 = tpu.sem_alloc : memref<!tpu.dma_semaphore, #tpu.memory_space<semaphore_mem>>
        %dma_start3A_144 = arith.constant 0 : i32
        %dma_start3A_145 = tpu.memref_slice %arg5[%run_scoped3A, %dma_start3A_144] : memref<2x128xi32, #tpu.memory_space<vmem>> -> memref<1x128xi32, #tpu.memory_space<vmem>>
        %dma_start3A_146 = tpu.memref_squeeze %dma_start3A_145 : memref<1x128xi32, #tpu.memory_space<vmem>> -> memref<128xi32, #tpu.memory_space<vmem>>
        %dma_start3A_147 = tpu.memref_slice %arg3[%add3A_40] : memref<81920xi32, #tpu.memory_space<hbm>> -> memref<128xi32, #tpu.memory_space<hbm>>
        %dma_start3A_148 = arith.constant 0 : i32
        %dma_start3A_149 = tpu.memref_slice %arg5[%run_scoped3A, %dma_start3A_148] : memref<2x128xi32, #tpu.memory_space<vmem>> -> memref<1x128xi32, #tpu.memory_space<vmem>>
        %dma_start3A_150 = tpu.memref_squeeze %dma_start3A_149 : memref<1x128xi32, #tpu.memory_space<vmem>> -> memref<128xi32, #tpu.memory_space<vmem>>
        %dma_start3A_151 = tpu.memref_slice %arg3[%add3A_40] : memref<81920xi32, #tpu.memory_space<hbm>> -> memref<128xi32, #tpu.memory_space<hbm>>
        tpu.enqueue_dma source(%dma_start3A_151 : memref<128xi32, #tpu.memory_space<hbm>>) target(%dma_start3A_150 : memref<128xi32, #tpu.memory_space<vmem>>) target_semaphore(%run_scoped3A_143 : memref<!tpu.dma_semaphore, #tpu.memory_space<semaphore_mem>>)
        %dma_wait3A_152 = arith.constant 0 : i32
        %dma_wait3A_153 = tpu.memref_slice %arg5[%run_scoped3A, %dma_wait3A_152] : memref<2x128xi32, #tpu.memory_space<vmem>> -> memref<1x128xi32, #tpu.memory_space<vmem>>
        %dma_wait3A_154 = tpu.memref_squeeze %dma_wait3A_153 : memref<1x128xi32, #tpu.memory_space<vmem>> -> memref<128xi32, #tpu.memory_space<vmem>>
        %dma_wait3A_155 = tpu.memref_slice %arg3[%add3A_40] : memref<81920xi32, #tpu.memory_space<hbm>> -> memref<128xi32, #tpu.memory_space<hbm>>
        %dma_wait3A_156 = arith.constant 0 : i32
        %dma_wait3A_157 = tpu.memref_slice %arg5[%run_scoped3A, %dma_wait3A_156] : memref<2x128xi32, #tpu.memory_space<vmem>> -> memref<1x128xi32, #tpu.memory_space<vmem>>
        %dma_wait3A_158 = tpu.memref_squeeze %dma_wait3A_157 : memref<1x128xi32, #tpu.memory_space<vmem>> -> memref<128xi32, #tpu.memory_space<vmem>>
        %dma_wait3A_159 = tpu.memref_slice %arg3[%add3A_40] : memref<81920xi32, #tpu.memory_space<hbm>> -> memref<128xi32, #tpu.memory_space<hbm>>
        tpu.wait_dma2 semaphore(%run_scoped3A_143 : memref<!tpu.dma_semaphore, #tpu.memory_space<semaphore_mem>>) src(%dma_wait3A_159 : memref<128xi32, #tpu.memory_space<hbm>>) dst(%dma_wait3A_158 : memref<128xi32, #tpu.memory_space<vmem>>)
        tpu.yield
      }) : () -> ()
      %dma_start3A = arith.constant 0 : i32
      %dma_start3A_43 = arith.constant 0 : i32
      %dma_start3A_44 = arith.constant 0 : i32
      %dma_start3A_45 = arith.constant 0 : i32
      %dma_start3A_46 = tpu.memref_slice %arg6[%dma_start3A_43, %dma_start3A_44, %dma_start3A_45] : memref<2x128x128xf32, #tpu.memory_space<vmem>> -> memref<1x128x128xf32, #tpu.memory_space<vmem>>
      %dma_start3A_47 = tpu.memref_squeeze %dma_start3A_46 : memref<1x128x128xf32, #tpu.memory_space<vmem>> -> memref<128x128xf32, #tpu.memory_space<vmem>>
      %dma_start3A_48 = arith.constant 0 : i32
      %dma_start3A_49 = tpu.memref_slice %arg5[%dma_start3A, %dma_start3A_48] : memref<2x128xi32, #tpu.memory_space<vmem>> -> memref<1x128xi32, #tpu.memory_space<vmem>>
      %dma_start3A_50 = tpu.memref_squeeze %dma_start3A_49 : memref<1x128xi32, #tpu.memory_space<vmem>> -> memref<128xi32, #tpu.memory_space<vmem>>
      %dma_start3A_51 = arith.constant 0 : i32
      %dma_start3A_52 = arith.constant 0 : i32
      %dma_start3A_53 = tpu.memref_slice %arg2[%dma_start3A_51, %dma_start3A_52] : memref<8192x128xf32, #tpu.memory_space<hbm>> -> memref<8192x128xf32, #tpu.memory_space<hbm>>
      tpu.enqueue_indirect_dma source(%dma_start3A_53 : memref<8192x128xf32, #tpu.memory_space<hbm>>) target(%dma_start3A_47 : memref<128x128xf32, #tpu.memory_space<vmem>>) offsets(%dma_start3A_50 : memref<128xi32, #tpu.memory_space<vmem>>) semaphore(%arg7 : memref<!tpu.dma_semaphore, #tpu.memory_space<semaphore_mem>>)
      %mul3A_54 = arith.constant 2 : i32
      %mul3A_55 = arith.muli %mul3A_54, %scan3A_33 : i32
      %add3A_56 = arith.constant 1 : i32
      %add3A_57 = arith.addi %mul3A_55, %add3A_56 : i32
      %mul3A_58 = arith.constant 128 : i32
      %mul3A_59 = arith.muli %add3A_57, %mul3A_58 : i32
      %add3A_60 = arith.addi %mul3A_2, %mul3A_59 : i32
      %gt3A_61 = arith.constant 0 : i32
      %gt3A_62 = arith.cmpi sgt, %scan3A_33, %gt3A_61 : i32
      %convert_element_type3A_63 = arith.extui %gt3A_62 : i1 to i32
      %cond3A_64 = arith.constant 0 : i32
      %cond3A_65 = arith.cmpi ne, %convert_element_type3A_63, %cond3A_64 : i32
      scf.if %cond3A_65 {
        %dma_wait3A_143 = arith.constant 1 : i32
        %dma_wait3A_144 = arith.constant 0 : i32
        %dma_wait3A_145 = arith.constant 0 : i32
        %dma_wait3A_146 = tpu.memref_slice %arg6[%dma_wait3A_143, %dma_wait3A_144, %dma_wait3A_145] : memref<2x128x128xf32, #tpu.memory_space<vmem>> -> memref<1x128x128xf32, #tpu.memory_space<vmem>>
        %dma_wait3A_147 = tpu.memref_squeeze %dma_wait3A_146 : memref<1x128x128xf32, #tpu.memory_space<vmem>> -> memref<128x128xf32, #tpu.memory_space<vmem>>
        %dma_wait3A_148 = arith.constant 0 : i32
        %dma_wait3A_149 = tpu.memref_slice %arg4[%add3A_60, %dma_wait3A_148] : memref<81920x128xf32, #tpu.memory_space<hbm>> -> memref<128x128xf32, #tpu.memory_space<hbm>>
        %dma_wait3A_150 = arith.constant 0 : i32
        %dma_wait3A_151 = tpu.memref_slice %arg4[%add3A_60, %dma_wait3A_150] : memref<81920x128xf32, #tpu.memory_space<hbm>> -> memref<128x128xf32, #tpu.memory_space<hbm>>
        %dma_wait3A_152 = arith.constant 0 : i32
        %dma_wait3A_153 = arith.constant 0 : i32
        %dma_wait3A_154 = tpu.memref_slice %arg6[%dma_wait3A_143, %dma_wait3A_152, %dma_wait3A_153] : memref<2x128x128xf32, #tpu.memory_space<vmem>> -> memref<1x128x128xf32, #tpu.memory_space<vmem>>
        %dma_wait3A_155 = tpu.memref_squeeze %dma_wait3A_154 : memref<1x128x128xf32, #tpu.memory_space<vmem>> -> memref<128x128xf32, #tpu.memory_space<vmem>>
        tpu.wait_dma2 semaphore(%arg10 : memref<!tpu.dma_semaphore, #tpu.memory_space<semaphore_mem>>) src(%dma_wait3A_155 : memref<128x128xf32, #tpu.memory_space<vmem>>) dst(%dma_wait3A_151 : memref<128x128xf32, #tpu.memory_space<hbm>>)
      } else {
      }
      %run_scoped3A_66 = arith.constant 1 : i32
      "tpu.region"() ({
        %run_scoped3A_143 = tpu.sem_alloc : memref<!tpu.dma_semaphore, #tpu.memory_space<semaphore_mem>>
        %dma_start3A_144 = arith.constant 0 : i32
        %dma_start3A_145 = tpu.memref_slice %arg5[%run_scoped3A_66, %dma_start3A_144] : memref<2x128xi32, #tpu.memory_space<vmem>> -> memref<1x128xi32, #tpu.memory_space<vmem>>
        %dma_start3A_146 = tpu.memref_squeeze %dma_start3A_145 : memref<1x128xi32, #tpu.memory_space<vmem>> -> memref<128xi32, #tpu.memory_space<vmem>>
        %dma_start3A_147 = tpu.memref_slice %arg3[%add3A_60] : memref<81920xi32, #tpu.memory_space<hbm>> -> memref<128xi32, #tpu.memory_space<hbm>>
        %dma_start3A_148 = arith.constant 0 : i32
        %dma_start3A_149 = tpu.memref_slice %arg5[%run_scoped3A_66, %dma_start3A_148] : memref<2x128xi32, #tpu.memory_space<vmem>> -> memref<1x128xi32, #tpu.memory_space<vmem>>
        %dma_start3A_150 = tpu.memref_squeeze %dma_start3A_149 : memref<1x128xi32, #tpu.memory_space<vmem>> -> memref<128xi32, #tpu.memory_space<vmem>>
        %dma_start3A_151 = tpu.memref_slice %arg3[%add3A_60] : memref<81920xi32, #tpu.memory_space<hbm>> -> memref<128xi32, #tpu.memory_space<hbm>>
        tpu.enqueue_dma source(%dma_start3A_151 : memref<128xi32, #tpu.memory_space<hbm>>) target(%dma_start3A_150 : memref<128xi32, #tpu.memory_space<vmem>>) target_semaphore(%run_scoped3A_143 : memref<!tpu.dma_semaphore, #tpu.memory_space<semaphore_mem>>)
        %dma_wait3A_152 = arith.constant 0 : i32
        %dma_wait3A_153 = tpu.memref_slice %arg5[%run_scoped3A_66, %dma_wait3A_152] : memref<2x128xi32, #tpu.memory_space<vmem>> -> memref<1x128xi32, #tpu.memory_space<vmem>>
        %dma_wait3A_154 = tpu.memref_squeeze %dma_wait3A_153 : memref<1x128xi32, #tpu.memory_space<vmem>> -> memref<128xi32, #tpu.memory_space<vmem>>
        %dma_wait3A_155 = tpu.memref_slice %arg3[%add3A_60] : memref<81920xi32, #tpu.memory_space<hbm>> -> memref<128xi32, #tpu.memory_space<hbm>>
        %dma_wait3A_156 = arith.constant 0 : i32
        %dma_wait3A_157 = tpu.memref_slice %arg5[%run_scoped3A_66, %dma_wait3A_156] : memref<2x128xi32, #tpu.memory_space<vmem>> -> memref<1x128xi32, #tpu.memory_space<vmem>>
        %dma_wait3A_158 = tpu.memref_squeeze %dma_wait3A_157 : memref<1x128xi32, #tpu.memory_space<vmem>> -> memref<128xi32, #tpu.memory_space<vmem>>
        %dma_wait3A_159 = tpu.memref_slice %arg3[%add3A_60] : memref<81920xi32, #tpu.memory_space<hbm>> -> memref<128xi32, #tpu.memory_space<hbm>>
        tpu.wait_dma2 semaphore(%run_scoped3A_143 : memref<!tpu.dma_semaphore, #tpu.memory_space<semaphore_mem>>) src(%dma_wait3A_159 : memref<128xi32, #tpu.memory_space<hbm>>) dst(%dma_wait3A_158 : memref<128xi32, #tpu.memory_space<vmem>>)
        tpu.yield
      }) : () -> ()
      %dma_start3A_67 = arith.constant 1 : i32
      %dma_start3A_68 = arith.constant 1 : i32
      %dma_start3A_69 = arith.constant 0 : i32
      %dma_start3A_70 = arith.constant 0 : i32
      %dma_start3A_71 = tpu.memref_slice %arg6[%dma_start3A_68, %dma_start3A_69, %dma_start3A_70] : memref<2x128x128xf32, #tpu.memory_space<vmem>> -> memref<1x128x128xf32, #tpu.memory_space<vmem>>
      %dma_start3A_72 = tpu.memref_squeeze %dma_start3A_71 : memref<1x128x128xf32, #tpu.memory_space<vmem>> -> memref<128x128xf32, #tpu.memory_space<vmem>>
      %dma_start3A_73 = arith.constant 0 : i32
      %dma_start3A_74 = tpu.memref_slice %arg5[%dma_start3A_67, %dma_start3A_73] : memref<2x128xi32, #tpu.memory_space<vmem>> -> memref<1x128xi32, #tpu.memory_space<vmem>>
      %dma_start3A_75 = tpu.memref_squeeze %dma_start3A_74 : memref<1x128xi32, #tpu.memory_space<vmem>> -> memref<128xi32, #tpu.memory_space<vmem>>
      %dma_start3A_76 = arith.constant 0 : i32
      %dma_start3A_77 = arith.constant 0 : i32
      %dma_start3A_78 = tpu.memref_slice %arg2[%dma_start3A_76, %dma_start3A_77] : memref<8192x128xf32, #tpu.memory_space<hbm>> -> memref<8192x128xf32, #tpu.memory_space<hbm>>
      tpu.enqueue_indirect_dma source(%dma_start3A_78 : memref<8192x128xf32, #tpu.memory_space<hbm>>) target(%dma_start3A_72 : memref<128x128xf32, #tpu.memory_space<vmem>>) offsets(%dma_start3A_75 : memref<128xi32, #tpu.memory_space<vmem>>) semaphore(%arg8 : memref<!tpu.dma_semaphore, #tpu.memory_space<semaphore_mem>>)
      %mul3A_79 = arith.constant 2 : i32
      %mul3A_80 = arith.muli %mul3A_79, %scan3A_33 : i32
      %add3A_81 = arith.constant 0 : i32
      %add3A_82 = arith.addi %mul3A_80, %add3A_81 : i32
      %mul3A_83 = arith.constant 128 : i32
      %mul3A_84 = arith.muli %add3A_82, %mul3A_83 : i32
      %add3A_85 = arith.addi %mul3A_2, %mul3A_84 : i32
      %dma_wait3A_86 = arith.constant 0 : i32
      %dma_wait3A_87 = arith.constant 0 : i32
      %dma_wait3A_88 = arith.constant 0 : i32
      %dma_wait3A_89 = arith.constant 0 : i32
      %dma_wait3A_90 = tpu.memref_slice %arg6[%dma_wait3A_87, %dma_wait3A_88, %dma_wait3A_89] : memref<2x128x128xf32, #tpu.memory_space<vmem>> -> memref<1x128x128xf32, #tpu.memory_space<vmem>>
      %dma_wait3A_91 = tpu.memref_squeeze %dma_wait3A_90 : memref<1x128x128xf32, #tpu.memory_space<vmem>> -> memref<128x128xf32, #tpu.memory_space<vmem>>
      %dma_wait3A_92 = arith.constant 0 : i32
      %dma_wait3A_93 = tpu.memref_slice %arg5[%dma_wait3A_86, %dma_wait3A_92] : memref<2x128xi32, #tpu.memory_space<vmem>> -> memref<1x128xi32, #tpu.memory_space<vmem>>
      %dma_wait3A_94 = tpu.memref_squeeze %dma_wait3A_93 : memref<1x128xi32, #tpu.memory_space<vmem>> -> memref<128xi32, #tpu.memory_space<vmem>>
      %dma_wait3A_95 = arith.constant 0 : i32
      %dma_wait3A_96 = arith.constant 0 : i32
      %dma_wait3A_97 = tpu.memref_slice %arg2[%dma_wait3A_95, %dma_wait3A_96] : memref<8192x128xf32, #tpu.memory_space<hbm>> -> memref<8192x128xf32, #tpu.memory_space<hbm>>
      tpu.wait_indirect_dma semaphore(%arg7 : memref<!tpu.dma_semaphore, #tpu.memory_space<semaphore_mem>>) src(%dma_wait3A_97 : memref<8192x128xf32, #tpu.memory_space<hbm>>) dst(%dma_wait3A_91 : memref<128x128xf32, #tpu.memory_space<vmem>>)
      %dma_start3A_98 = arith.constant 0 : i32
      %dma_start3A_99 = arith.constant 0 : i32
      %dma_start3A_100 = arith.constant 0 : i32
      %dma_start3A_101 = tpu.memref_slice %arg6[%dma_start3A_98, %dma_start3A_99, %dma_start3A_100] : memref<2x128x128xf32, #tpu.memory_space<vmem>> -> memref<1x128x128xf32, #tpu.memory_space<vmem>>
      %dma_start3A_102 = tpu.memref_squeeze %dma_start3A_101 : memref<1x128x128xf32, #tpu.memory_space<vmem>> -> memref<128x128xf32, #tpu.memory_space<vmem>>
      %dma_start3A_103 = arith.constant 0 : i32
      %dma_start3A_104 = tpu.memref_slice %arg4[%add3A_85, %dma_start3A_103] : memref<81920x128xf32, #tpu.memory_space<hbm>> -> memref<128x128xf32, #tpu.memory_space<hbm>>
      %dma_start3A_105 = arith.constant 0 : i32
      %dma_start3A_106 = tpu.memref_slice %arg4[%add3A_85, %dma_start3A_105] : memref<81920x128xf32, #tpu.memory_space<hbm>> -> memref<128x128xf32, #tpu.memory_space<hbm>>
      %dma_start3A_107 = arith.constant 0 : i32
      %dma_start3A_108 = arith.constant 0 : i32
      %dma_start3A_109 = tpu.memref_slice %arg6[%dma_start3A_98, %dma_start3A_107, %dma_start3A_108] : memref<2x128x128xf32, #tpu.memory_space<vmem>> -> memref<1x128x128xf32, #tpu.memory_space<vmem>>
      %dma_start3A_110 = tpu.memref_squeeze %dma_start3A_109 : memref<1x128x128xf32, #tpu.memory_space<vmem>> -> memref<128x128xf32, #tpu.memory_space<vmem>>
      tpu.enqueue_dma source(%dma_start3A_110 : memref<128x128xf32, #tpu.memory_space<vmem>>) target(%dma_start3A_106 : memref<128x128xf32, #tpu.memory_space<hbm>>) target_semaphore(%arg9 : memref<!tpu.dma_semaphore, #tpu.memory_space<semaphore_mem>>)
      %mul3A_111 = arith.constant 2 : i32
      %mul3A_112 = arith.muli %mul3A_111, %scan3A_33 : i32
      %add3A_113 = arith.constant 1 : i32
      %add3A_114 = arith.addi %mul3A_112, %add3A_113 : i32
      %mul3A_115 = arith.constant 128 : i32
      %mul3A_116 = arith.muli %add3A_114, %mul3A_115 : i32
      %add3A_117 = arith.addi %mul3A_2, %mul3A_116 : i32
      %dma_wait3A_118 = arith.constant 1 : i32
      %dma_wait3A_119 = arith.constant 1 : i32
      %dma_wait3A_120 = arith.constant 0 : i32
      %dma_wait3A_121 = arith.constant 0 : i32
      %dma_wait3A_122 = tpu.memref_slice %arg6[%dma_wait3A_119, %dma_wait3A_120, %dma_wait3A_121] : memref<2x128x128xf32, #tpu.memory_space<vmem>> -> memref<1x128x128xf32, #tpu.memory_space<vmem>>
      %dma_wait3A_123 = tpu.memref_squeeze %dma_wait3A_122 : memref<1x128x128xf32, #tpu.memory_space<vmem>> -> memref<128x128xf32, #tpu.memory_space<vmem>>
      %dma_wait3A_124 = arith.constant 0 : i32
      %dma_wait3A_125 = tpu.memref_slice %arg5[%dma_wait3A_118, %dma_wait3A_124] : memref<2x128xi32, #tpu.memory_space<vmem>> -> memref<1x128xi32, #tpu.memory_space<vmem>>
      %dma_wait3A_126 = tpu.memref_squeeze %dma_wait3A_125 : memref<1x128xi32, #tpu.memory_space<vmem>> -> memref<128xi32, #tpu.memory_space<vmem>>
      %dma_wait3A_127 = arith.constant 0 : i32
      %dma_wait3A_128 = arith.constant 0 : i32
      %dma_wait3A_129 = tpu.memref_slice %arg2[%dma_wait3A_127, %dma_wait3A_128] : memref<8192x128xf32, #tpu.memory_space<hbm>> -> memref<8192x128xf32, #tpu.memory_space<hbm>>
      tpu.wait_indirect_dma semaphore(%arg8 : memref<!tpu.dma_semaphore, #tpu.memory_space<semaphore_mem>>) src(%dma_wait3A_129 : memref<8192x128xf32, #tpu.memory_space<hbm>>) dst(%dma_wait3A_123 : memref<128x128xf32, #tpu.memory_space<vmem>>)
      %dma_start3A_130 = arith.constant 1 : i32
      %dma_start3A_131 = arith.constant 0 : i32
      %dma_start3A_132 = arith.constant 0 : i32
      %dma_start3A_133 = tpu.memref_slice %arg6[%dma_start3A_130, %dma_start3A_131, %dma_start3A_132] : memref<2x128x128xf32, #tpu.memory_space<vmem>> -> memref<1x128x128xf32, #tpu.memory_space<vmem>>
      %dma_start3A_134 = tpu.memref_squeeze %dma_start3A_133 : memref<1x128x128xf32, #tpu.memory_space<vmem>> -> memref<128x128xf32, #tpu.memory_space<vmem>>
      %dma_start3A_135 = arith.constant 0 : i32
      %dma_start3A_136 = tpu.memref_slice %arg4[%add3A_117, %dma_start3A_135] : memref<81920x128xf32, #tpu.memory_space<hbm>> -> memref<128x128xf32, #tpu.memory_space<hbm>>
      %dma_start3A_137 = arith.constant 0 : i32
      %dma_start3A_138 = tpu.memref_slice %arg4[%add3A_117, %dma_start3A_137] : memref<81920x128xf32, #tpu.memory_space<hbm>> -> memref<128x128xf32, #tpu.memory_space<hbm>>
      %dma_start3A_139 = arith.constant 0 : i32
      %dma_start3A_140 = arith.constant 0 : i32
      %dma_start3A_141 = tpu.memref_slice %arg6[%dma_start3A_130, %dma_start3A_139, %dma_start3A_140] : memref<2x128x128xf32, #tpu.memory_space<vmem>> -> memref<1x128x128xf32, #tpu.memory_space<vmem>>
      %dma_start3A_142 = tpu.memref_squeeze %dma_start3A_141 : memref<1x128x128xf32, #tpu.memory_space<vmem>> -> memref<128x128xf32, #tpu.memory_space<vmem>>
      tpu.enqueue_dma source(%dma_start3A_142 : memref<128x128xf32, #tpu.memory_space<vmem>>) target(%dma_start3A_138 : memref<128x128xf32, #tpu.memory_space<hbm>>) target_semaphore(%arg10 : memref<!tpu.dma_semaphore, #tpu.memory_space<semaphore_mem>>)
    }
    %scan3A_7 = arith.constant 10 : i32
    %dma_wait3A = arith.constant 0 : i32
    %dma_wait3A_8 = arith.constant 0 : i32
    %dma_wait3A_9 = arith.constant 0 : i32
    %dma_wait3A_10 = tpu.memref_slice %arg6[%dma_wait3A, %dma_wait3A_8, %dma_wait3A_9] : memref<2x128x128xf32, #tpu.memory_space<vmem>> -> memref<1x128x128xf32, #tpu.memory_space<vmem>>
    %dma_wait3A_11 = tpu.memref_squeeze %dma_wait3A_10 : memref<1x128x128xf32, #tpu.memory_space<vmem>> -> memref<128x128xf32, #tpu.memory_space<vmem>>
    %dma_wait3A_12 = arith.constant 0 : i32
    %dma_wait3A_13 = tpu.memref_slice %arg4[%mul3A_2, %dma_wait3A_12] : memref<81920x128xf32, #tpu.memory_space<hbm>> -> memref<128x128xf32, #tpu.memory_space<hbm>>
    %dma_wait3A_14 = arith.constant 0 : i32
    %dma_wait3A_15 = tpu.memref_slice %arg4[%mul3A_2, %dma_wait3A_14] : memref<81920x128xf32, #tpu.memory_space<hbm>> -> memref<128x128xf32, #tpu.memory_space<hbm>>
    %dma_wait3A_16 = arith.constant 0 : i32
    %dma_wait3A_17 = arith.constant 0 : i32
    %dma_wait3A_18 = tpu.memref_slice %arg6[%dma_wait3A, %dma_wait3A_16, %dma_wait3A_17] : memref<2x128x128xf32, #tpu.memory_space<vmem>> -> memref<1x128x128xf32, #tpu.memory_space<vmem>>
    %dma_wait3A_19 = tpu.memref_squeeze %dma_wait3A_18 : memref<1x128x128xf32, #tpu.memory_space<vmem>> -> memref<128x128xf32, #tpu.memory_space<vmem>>
    tpu.wait_dma2 semaphore(%arg9 : memref<!tpu.dma_semaphore, #tpu.memory_space<semaphore_mem>>) src(%dma_wait3A_19 : memref<128x128xf32, #tpu.memory_space<vmem>>) dst(%dma_wait3A_15 : memref<128x128xf32, #tpu.memory_space<hbm>>)
    %dma_wait3A_20 = arith.constant 1 : i32
    %dma_wait3A_21 = arith.constant 0 : i32
    %dma_wait3A_22 = arith.constant 0 : i32
    %dma_wait3A_23 = tpu.memref_slice %arg6[%dma_wait3A_20, %dma_wait3A_21, %dma_wait3A_22] : memref<2x128x128xf32, #tpu.memory_space<vmem>> -> memref<1x128x128xf32, #tpu.memory_space<vmem>>
    %dma_wait3A_24 = tpu.memref_squeeze %dma_wait3A_23 : memref<1x128x128xf32, #tpu.memory_space<vmem>> -> memref<128x128xf32, #tpu.memory_space<vmem>>
    %dma_wait3A_25 = arith.constant 0 : i32
    %dma_wait3A_26 = tpu.memref_slice %arg4[%mul3A_2, %dma_wait3A_25] : memref<81920x128xf32, #tpu.memory_space<hbm>> -> memref<128x128xf32, #tpu.memory_space<hbm>>
    %dma_wait3A_27 = arith.constant 0 : i32
    %dma_wait3A_28 = tpu.memref_slice %arg4[%mul3A_2, %dma_wait3A_27] : memref<81920x128xf32, #tpu.memory_space<hbm>> -> memref<128x128xf32, #tpu.memory_space<hbm>>
    %dma_wait3A_29 = arith.constant 0 : i32
    %dma_wait3A_30 = arith.constant 0 : i32
    %dma_wait3A_31 = tpu.memref_slice %arg6[%dma_wait3A_20, %dma_wait3A_29, %dma_wait3A_30] : memref<2x128x128xf32, #tpu.memory_space<vmem>> -> memref<1x128x128xf32, #tpu.memory_space<vmem>>
    %dma_wait3A_32 = tpu.memref_squeeze %dma_wait3A_31 : memref<1x128x128xf32, #tpu.memory_space<vmem>> -> memref<128x128xf32, #tpu.memory_space<vmem>>
    tpu.wait_dma2 semaphore(%arg10 : memref<!tpu.dma_semaphore, #tpu.memory_space<semaphore_mem>>) src(%dma_wait3A_32 : memref<128x128xf32, #tpu.memory_space<vmem>>) dst(%dma_wait3A_28 : memref<128x128xf32, #tpu.memory_space<hbm>>)
    return
  }
}

#map = affine_map<(d0, d1) -> (0, 0)>
#map1 = affine_map<(d0, d1) -> (0)>
module attributes {stable_mosaic.version = 14 : i64} {
  func.func @gather(%arg0: i32, %arg1: i32, %arg2: memref<8192x128xf32, #tpu.memory_space<hbm>>, %arg3: memref<81920xi32, #tpu.memory_space<hbm>>, %arg4: memref<81920x128xf32, #tpu.memory_space<hbm>>, %arg5: memref<2x128xi32, #tpu.memory_space<vmem>>, %arg6: memref<2x128x128xf32, #tpu.memory_space<vmem>>, %arg7: memref<!tpu.dma_semaphore, #tpu.memory_space<semaphore_mem>>, %arg8: memref<!tpu.dma_semaphore, #tpu.memory_space<semaphore_mem>>, %arg9: memref<!tpu.dma_semaphore, #tpu.memory_space<semaphore_mem>>, %arg10: memref<!tpu.dma_semaphore, #tpu.memory_space<semaphore_mem>>) attributes {dimension_semantics = [#tpu.dimension_semantics<core_parallel>, #tpu.dimension_semantics<subcore_parallel>], iteration_bounds = array<i64: 2, 16>, scalar_prefetch = 0 : i64, scratch_operands = 6 : i64, tpu.core_type = #tpu.core_type<sc_vector_subcore>, window_params = [{transform_indices = #map}, {transform_indices = #map1}, {transform_indices = #map}]} {
    %mul3A = arith.constant 2 : i32
    %mul3A_0 = arith.muli %arg1, %mul3A : i32
    %add3A = arith.addi %mul3A_0, %arg0 : i32
    %mul3A_1 = arith.constant 2560 : i32
    %mul3A_2 = arith.muli %add3A, %mul3A_1 : i32
    %scan3A = arith.constant 0 : i32
    %scan3A_3 = arith.constant 0 : i32
    %scan3A_4 = arith.constant 10 : i32
    %scan3A_5 = arith.addi %scan3A_3, %scan3A_4 : i32
    %scan3A_6 = arith.constant 1 : i32
    scf.for %scan3A_33 = %scan3A_3 to %scan3A_5 step %scan3A_6  : i32 {
      %mul3A_34 = arith.constant 2 : i32
      %mul3A_35 = arith.muli %mul3A_34, %scan3A_33 : i32
      %add3A_36 = arith.constant 0 : i32
      %add3A_37 = arith.addi %mul3A_35, %add3A_36 : i32
      %mul3A_38 = arith.constant 128 : i32
      %mul3A_39 = arith.muli %add3A_37, %mul3A_38 : i32
      %add3A_40 = arith.addi %mul3A_2, %mul3A_39 : i32
      %gt3A = arith.constant 0 : i32
      %gt3A_41 = arith.cmpi sgt, %scan3A_33, %gt3A : i32
      %convert_element_type3A = arith.extui %gt3A_41 : i1 to i32
      %cond3A = arith.constant 0 : i32
      %cond3A_42 = arith.cmpi ne, %convert_element_type3A, %cond3A : i32
      scf.if %cond3A_42 {
        %dma_wait3A_143 = arith.constant 0 : i32
        %dma_wait3A_144 = arith.constant 0 : i32
        %dma_wait3A_145 = arith.constant 0 : i32
        %dma_wait3A_146 = tpu.memref_slice %arg6[%dma_wait3A_143, %dma_wait3A_144, %dma_wait3A_145] : memref<2x128x128xf32, #tpu.memory_space<vmem>> -> memref<1x128x128xf32, #tpu.memory_space<vmem>>
        %dma_wait3A_147 = tpu.memref_squeeze %dma_wait3A_146 : memref<1x128x128xf32, #tpu.memory_space<vmem>> -> memref<128x128xf32, #tpu.memory_space<vmem>>
        %dma_wait3A_148 = arith.constant 0 : i32
        %dma_wait3A_149 = tpu.memref_slice %arg4[%add3A_40, %dma_wait3A_148] : memref<81920x128xf32, #tpu.memory_space<hbm>> -> memref<128x128xf32, #tpu.memory_space<hbm>>
        %dma_wait3A_150 = arith.constant 0 : i32
        %dma_wait3A_151 = tpu.memref_slice %arg4[%add3A_40, %dma_wait3A_150] : memref<81920x128xf32, #tpu.memory_space<hbm>> -> memref<128x128xf32, #tpu.memory_space<hbm>>
        %dma_wait3A_152 = arith.constant 0 : i32
        %dma_wait3A_153 = arith.constant 0 : i32
        %dma_wait3A_154 = tpu.memref_slice %arg6[%dma_wait3A_143, %dma_wait3A_152, %dma_wait3A_153] : memref<2x128x128xf32, #tpu.memory_space<vmem>> -> memref<1x128x128xf32, #tpu.memory_space<vmem>>
        %dma_wait3A_155 = tpu.memref_squeeze %dma_wait3A_154 : memref<1x128x128xf32, #tpu.memory_space<vmem>> -> memref<128x128xf32, #tpu.memory_space<vmem>>
        tpu.wait_dma2 semaphore(%arg9 : memref<!tpu.dma_semaphore, #tpu.memory_space<semaphore_mem>>) src(%dma_wait3A_155 : memref<128x128xf32, #tpu.memory_space<vmem>>) dst(%dma_wait3A_151 : memref<128x128xf32, #tpu.memory_space<hbm>>)
      } else {
      }
      %run_scoped3A = arith.constant 0 : i32
      "tpu.region"() ({
        %run_scoped3A_143 = tpu.sem_alloc : memref<!tpu.dma_semaphore, #tpu.memory_space<semaphore_mem>>
        %dma_start3A_144 = arith.constant 0 : i32
        %dma_start3A_145 = tpu.memref_slice %arg5[%run_scoped3A, %dma_start3A_144] : memref<2x128xi32, #tpu.memory_space<vmem>> -> memref<1x128xi32, #tpu.memory_space<vmem>>
        %dma_start3A_146 = tpu.memref_squeeze %dma_start3A_145 : memref<1x128xi32, #tpu.memory_space<vmem>> -> memref<128xi32, #tpu.memory_space<vmem>>
        %dma_start3A_147 = tpu.memref_slice %arg3[%add3A_40] : memref<81920xi32, #tpu.memory_space<hbm>> -> memref<128xi32, #tpu.memory_space<hbm>>
        %dma_start3A_148 = arith.constant 0 : i32
        %dma_start3A_149 = tpu.memref_slice %arg5[%run_scoped3A, %dma_start3A_148] : memref<2x128xi32, #tpu.memory_space<vmem>> -> memref<1x128xi32, #tpu.memory_space<vmem>>
        %dma_start3A_150 = tpu.memref_squeeze %dma_start3A_149 : memref<1x128xi32, #tpu.memory_space<vmem>> -> memref<128xi32, #tpu.memory_space<vmem>>
        %dma_start3A_151 = tpu.memref_slice %arg3[%add3A_40] : memref<81920xi32, #tpu.memory_space<hbm>> -> memref<128xi32, #tpu.memory_space<hbm>>
        tpu.enqueue_dma source(%dma_start3A_151 : memref<128xi32, #tpu.memory_space<hbm>>) target(%dma_start3A_150 : memref<128xi32, #tpu.memory_space<vmem>>) target_semaphore(%run_scoped3A_143 : memref<!tpu.dma_semaphore, #tpu.memory_space<semaphore_mem>>)
        %dma_wait3A_152 = arith.constant 0 : i32
        %dma_wait3A_153 = tpu.memref_slice %arg5[%run_scoped3A, %dma_wait3A_152] : memref<2x128xi32, #tpu.memory_space<vmem>> -> memref<1x128xi32, #tpu.memory_space<vmem>>
        %dma_wait3A_154 = tpu.memref_squeeze %dma_wait3A_153 : memref<1x128xi32, #tpu.memory_space<vmem>> -> memref<128xi32, #tpu.memory_space<vmem>>
        %dma_wait3A_155 = tpu.memref_slice %arg3[%add3A_40] : memref<81920xi32, #tpu.memory_space<hbm>> -> memref<128xi32, #tpu.memory_space<hbm>>
        %dma_wait3A_156 = arith.constant 0 : i32
        %dma_wait3A_157 = tpu.memref_slice %arg5[%run_scoped3A, %dma_wait3A_156] : memref<2x128xi32, #tpu.memory_space<vmem>> -> memref<1x128xi32, #tpu.memory_space<vmem>>
        %dma_wait3A_158 = tpu.memref_squeeze %dma_wait3A_157 : memref<1x128xi32, #tpu.memory_space<vmem>> -> memref<128xi32, #tpu.memory_space<vmem>>
        %dma_wait3A_159 = tpu.memref_slice %arg3[%add3A_40] : memref<81920xi32, #tpu.memory_space<hbm>> -> memref<128xi32, #tpu.memory_space<hbm>>
        tpu.wait_dma2 semaphore(%run_scoped3A_143 : memref<!tpu.dma_semaphore, #tpu.memory_space<semaphore_mem>>) src(%dma_wait3A_159 : memref<128xi32, #tpu.memory_space<hbm>>) dst(%dma_wait3A_158 : memref<128xi32, #tpu.memory_space<vmem>>)
        tpu.yield
      }) : () -> ()
      %dma_start3A = arith.constant 0 : i32
      %dma_start3A_43 = arith.constant 0 : i32
      %dma_start3A_44 = arith.constant 0 : i32
      %dma_start3A_45 = arith.constant 0 : i32
      %dma_start3A_46 = tpu.memref_slice %arg6[%dma_start3A_43, %dma_start3A_44, %dma_start3A_45] : memref<2x128x128xf32, #tpu.memory_space<vmem>> -> memref<1x128x128xf32, #tpu.memory_space<vmem>>
      %dma_start3A_47 = tpu.memref_squeeze %dma_start3A_46 : memref<1x128x128xf32, #tpu.memory_space<vmem>> -> memref<128x128xf32, #tpu.memory_space<vmem>>
      %dma_start3A_48 = arith.constant 0 : i32
      %dma_start3A_49 = tpu.memref_slice %arg5[%dma_start3A, %dma_start3A_48] : memref<2x128xi32, #tpu.memory_space<vmem>> -> memref<1x128xi32, #tpu.memory_space<vmem>>
      %dma_start3A_50 = tpu.memref_squeeze %dma_start3A_49 : memref<1x128xi32, #tpu.memory_space<vmem>> -> memref<128xi32, #tpu.memory_space<vmem>>
      %dma_start3A_51 = arith.constant 0 : i32
      %dma_start3A_52 = arith.constant 0 : i32
      %dma_start3A_53 = tpu.memref_slice %arg2[%dma_start3A_51, %dma_start3A_52] : memref<8192x128xf32, #tpu.memory_space<hbm>> -> memref<8192x128xf32, #tpu.memory_space<hbm>>
      tpu.enqueue_indirect_dma source(%dma_start3A_53 : memref<8192x128xf32, #tpu.memory_space<hbm>>) target(%dma_start3A_47 : memref<128x128xf32, #tpu.memory_space<vmem>>) offsets(%dma_start3A_50 : memref<128xi32, #tpu.memory_space<vmem>>) semaphore(%arg7 : memref<!tpu.dma_semaphore, #tpu.memory_space<semaphore_mem>>)
      %mul3A_54 = arith.constant 2 : i32
      %mul3A_55 = arith.muli %mul3A_54, %scan3A_33 : i32
      %add3A_56 = arith.constant 1 : i32
      %add3A_57 = arith.addi %mul3A_55, %add3A_56 : i32
      %mul3A_58 = arith.constant 128 : i32
      %mul3A_59 = arith.muli %add3A_57, %mul3A_58 : i32
      %add3A_60 = arith.addi %mul3A_2, %mul3A_59 : i32
      %gt3A_61 = arith.constant 0 : i32
      %gt3A_62 = arith.cmpi sgt, %scan3A_33, %gt3A_61 : i32
      %convert_element_type3A_63 = arith.extui %gt3A_62 : i1 to i32
      %cond3A_64 = arith.constant 0 : i32
      %cond3A_65 = arith.cmpi ne, %convert_element_type3A_63, %cond3A_64 : i32
      scf.if %cond3A_65 {
        %dma_wait3A_143 = arith.constant 1 : i32
        %dma_wait3A_144 = arith.constant 0 : i32
        %dma_wait3A_145 = arith.constant 0 : i32
        %dma_wait3A_146 = tpu.memref_slice %arg6[%dma_wait3A_143, %dma_wait3A_144, %dma_wait3A_145] : memref<2x128x128xf32, #tpu.memory_space<vmem>> -> memref<1x128x128xf32, #tpu.memory_space<vmem>>
        %dma_wait3A_147 = tpu.memref_squeeze %dma_wait3A_146 : memref<1x128x128xf32, #tpu.memory_space<vmem>> -> memref<128x128xf32, #tpu.memory_space<vmem>>
        %dma_wait3A_148 = arith.constant 0 : i32
        %dma_wait3A_149 = tpu.memref_slice %arg4[%add3A_60, %dma_wait3A_148] : memref<81920x128xf32, #tpu.memory_space<hbm>> -> memref<128x128xf32, #tpu.memory_space<hbm>>
        %dma_wait3A_150 = arith.constant 0 : i32
        %dma_wait3A_151 = tpu.memref_slice %arg4[%add3A_60, %dma_wait3A_150] : memref<81920x128xf32, #tpu.memory_space<hbm>> -> memref<128x128xf32, #tpu.memory_space<hbm>>
        %dma_wait3A_152 = arith.constant 0 : i32
        %dma_wait3A_153 = arith.constant 0 : i32
        %dma_wait3A_154 = tpu.memref_slice %arg6[%dma_wait3A_143, %dma_wait3A_152, %dma_wait3A_153] : memref<2x128x128xf32, #tpu.memory_space<vmem>> -> memref<1x128x128xf32, #tpu.memory_space<vmem>>
        %dma_wait3A_155 = tpu.memref_squeeze %dma_wait3A_154 : memref<1x128x128xf32, #tpu.memory_space<vmem>> -> memref<128x128xf32, #tpu.memory_space<vmem>>
        tpu.wait_dma2 semaphore(%arg10 : memref<!tpu.dma_semaphore, #tpu.memory_space<semaphore_mem>>) src(%dma_wait3A_155 : memref<128x128xf32, #tpu.memory_space<vmem>>) dst(%dma_wait3A_151 : memref<128x128xf32, #tpu.memory_space<hbm>>)
      } else {
      }
      %run_scoped3A_66 = arith.constant 1 : i32
      "tpu.region"() ({
        %run_scoped3A_143 = tpu.sem_alloc : memref<!tpu.dma_semaphore, #tpu.memory_space<semaphore_mem>>
        %dma_start3A_144 = arith.constant 0 : i32
        %dma_start3A_145 = tpu.memref_slice %arg5[%run_scoped3A_66, %dma_start3A_144] : memref<2x128xi32, #tpu.memory_space<vmem>> -> memref<1x128xi32, #tpu.memory_space<vmem>>
        %dma_start3A_146 = tpu.memref_squeeze %dma_start3A_145 : memref<1x128xi32, #tpu.memory_space<vmem>> -> memref<128xi32, #tpu.memory_space<vmem>>
        %dma_start3A_147 = tpu.memref_slice %arg3[%add3A_60] : memref<81920xi32, #tpu.memory_space<hbm>> -> memref<128xi32, #tpu.memory_space<hbm>>
        %dma_start3A_148 = arith.constant 0 : i32
        %dma_start3A_149 = tpu.memref_slice %arg5[%run_scoped3A_66, %dma_start3A_148] : memref<2x128xi32, #tpu.memory_space<vmem>> -> memref<1x128xi32, #tpu.memory_space<vmem>>
        %dma_start3A_150 = tpu.memref_squeeze %dma_start3A_149 : memref<1x128xi32, #tpu.memory_space<vmem>> -> memref<128xi32, #tpu.memory_space<vmem>>
        %dma_start3A_151 = tpu.memref_slice %arg3[%add3A_60] : memref<81920xi32, #tpu.memory_space<hbm>> -> memref<128xi32, #tpu.memory_space<hbm>>
        tpu.enqueue_dma source(%dma_start3A_151 : memref<128xi32, #tpu.memory_space<hbm>>) target(%dma_start3A_150 : memref<128xi32, #tpu.memory_space<vmem>>) target_semaphore(%run_scoped3A_143 : memref<!tpu.dma_semaphore, #tpu.memory_space<semaphore_mem>>)
        %dma_wait3A_152 = arith.constant 0 : i32
        %dma_wait3A_153 = tpu.memref_slice %arg5[%run_scoped3A_66, %dma_wait3A_152] : memref<2x128xi32, #tpu.memory_space<vmem>> -> memref<1x128xi32, #tpu.memory_space<vmem>>
        %dma_wait3A_154 = tpu.memref_squeeze %dma_wait3A_153 : memref<1x128xi32, #tpu.memory_space<vmem>> -> memref<128xi32, #tpu.memory_space<vmem>>
        %dma_wait3A_155 = tpu.memref_slice %arg3[%add3A_60] : memref<81920xi32, #tpu.memory_space<hbm>> -> memref<128xi32, #tpu.memory_space<hbm>>
        %dma_wait3A_156 = arith.constant 0 : i32
        %dma_wait3A_157 = tpu.memref_slice %arg5[%run_scoped3A_66, %dma_wait3A_156] : memref<2x128xi32, #tpu.memory_space<vmem>> -> memref<1x128xi32, #tpu.memory_space<vmem>>
        %dma_wait3A_158 = tpu.memref_squeeze %dma_wait3A_157 : memref<1x128xi32, #tpu.memory_space<vmem>> -> memref<128xi32, #tpu.memory_space<vmem>>
        %dma_wait3A_159 = tpu.memref_slice %arg3[%add3A_60] : memref<81920xi32, #tpu.memory_space<hbm>> -> memref<128xi32, #tpu.memory_space<hbm>>
        tpu.wait_dma2 semaphore(%run_scoped3A_143 : memref<!tpu.dma_semaphore, #tpu.memory_space<semaphore_mem>>) src(%dma_wait3A_159 : memref<128xi32, #tpu.memory_space<hbm>>) dst(%dma_wait3A_158 : memref<128xi32, #tpu.memory_space<vmem>>)
        tpu.yield
      }) : () -> ()
      %dma_start3A_67 = arith.constant 1 : i32
      %dma_start3A_68 = arith.constant 1 : i32
      %dma_start3A_69 = arith.constant 0 : i32
      %dma_start3A_70 = arith.constant 0 : i32
      %dma_start3A_71 = tpu.memref_slice %arg6[%dma_start3A_68, %dma_start3A_69, %dma_start3A_70] : memref<2x128x128xf32, #tpu.memory_space<vmem>> -> memref<1x128x128xf32, #tpu.memory_space<vmem>>
      %dma_start3A_72 = tpu.memref_squeeze %dma_start3A_71 : memref<1x128x128xf32, #tpu.memory_space<vmem>> -> memref<128x128xf32, #tpu.memory_space<vmem>>
      %dma_start3A_73 = arith.constant 0 : i32
      %dma_start3A_74 = tpu.memref_slice %arg5[%dma_start3A_67, %dma_start3A_73] : memref<2x128xi32, #tpu.memory_space<vmem>> -> memref<1x128xi32, #tpu.memory_space<vmem>>
      %dma_start3A_75 = tpu.memref_squeeze %dma_start3A_74 : memref<1x128xi32, #tpu.memory_space<vmem>> -> memref<128xi32, #tpu.memory_space<vmem>>
      %dma_start3A_76 = arith.constant 0 : i32
      %dma_start3A_77 = arith.constant 0 : i32
      %dma_start3A_78 = tpu.memref_slice %arg2[%dma_start3A_76, %dma_start3A_77] : memref<8192x128xf32, #tpu.memory_space<hbm>> -> memref<8192x128xf32, #tpu.memory_space<hbm>>
      tpu.enqueue_indirect_dma source(%dma_start3A_78 : memref<8192x128xf32, #tpu.memory_space<hbm>>) target(%dma_start3A_72 : memref<128x128xf32, #tpu.memory_space<vmem>>) offsets(%dma_start3A_75 : memref<128xi32, #tpu.memory_space<vmem>>) semaphore(%arg8 : memref<!tpu.dma_semaphore, #tpu.memory_space<semaphore_mem>>)
      %mul3A_79 = arith.constant 2 : i32
      %mul3A_80 = arith.muli %mul3A_79, %scan3A_33 : i32
      %add3A_81 = arith.constant 0 : i32
      %add3A_82 = arith.addi %mul3A_80, %add3A_81 : i32
      %mul3A_83 = arith.constant 128 : i32
      %mul3A_84 = arith.muli %add3A_82, %mul3A_83 : i32
      %add3A_85 = arith.addi %mul3A_2, %mul3A_84 : i32
      %dma_wait3A_86 = arith.constant 0 : i32
      %dma_wait3A_87 = arith.constant 0 : i32
      %dma_wait3A_88 = arith.constant 0 : i32
      %dma_wait3A_89 = arith.constant 0 : i32
      %dma_wait3A_90 = tpu.memref_slice %arg6[%dma_wait3A_87, %dma_wait3A_88, %dma_wait3A_89] : memref<2x128x128xf32, #tpu.memory_space<vmem>> -> memref<1x128x128xf32, #tpu.memory_space<vmem>>
      %dma_wait3A_91 = tpu.memref_squeeze %dma_wait3A_90 : memref<1x128x128xf32, #tpu.memory_space<vmem>> -> memref<128x128xf32, #tpu.memory_space<vmem>>
      %dma_wait3A_92 = arith.constant 0 : i32
      %dma_wait3A_93 = tpu.memref_slice %arg5[%dma_wait3A_86, %dma_wait3A_92] : memref<2x128xi32, #tpu.memory_space<vmem>> -> memref<1x128xi32, #tpu.memory_space<vmem>>
      %dma_wait3A_94 = tpu.memref_squeeze %dma_wait3A_93 : memref<1x128xi32, #tpu.memory_space<vmem>> -> memref<128xi32, #tpu.memory_space<vmem>>
      %dma_wait3A_95 = arith.constant 0 : i32
      %dma_wait3A_96 = arith.constant 0 : i32
      %dma_wait3A_97 = tpu.memref_slice %arg2[%dma_wait3A_95, %dma_wait3A_96] : memref<8192x128xf32, #tpu.memory_space<hbm>> -> memref<8192x128xf32, #tpu.memory_space<hbm>>
      tpu.wait_indirect_dma semaphore(%arg7 : memref<!tpu.dma_semaphore, #tpu.memory_space<semaphore_mem>>) src(%dma_wait3A_97 : memref<8192x128xf32, #tpu.memory_space<hbm>>) dst(%dma_wait3A_91 : memref<128x128xf32, #tpu.memory_space<vmem>>)
      %dma_start3A_98 = arith.constant 0 : i32
      %dma_start3A_99 = arith.constant 0 : i32
      %dma_start3A_100 = arith.constant 0 : i32
      %dma_start3A_101 = tpu.memref_slice %arg6[%dma_start3A_98, %dma_start3A_99, %dma_start3A_100] : memref<2x128x128xf32, #tpu.memory_space<vmem>> -> memref<1x128x128xf32, #tpu.memory_space<vmem>>
      %dma_start3A_102 = tpu.memref_squeeze %dma_start3A_101 : memref<1x128x128xf32, #tpu.memory_space<vmem>> -> memref<128x128xf32, #tpu.memory_space<vmem>>
      %dma_start3A_103 = arith.constant 0 : i32
      %dma_start3A_104 = tpu.memref_slice %arg4[%add3A_85, %dma_start3A_103] : memref<81920x128xf32, #tpu.memory_space<hbm>> -> memref<128x128xf32, #tpu.memory_space<hbm>>
      %dma_start3A_105 = arith.constant 0 : i32
      %dma_start3A_106 = tpu.memref_slice %arg4[%add3A_85, %dma_start3A_105] : memref<81920x128xf32, #tpu.memory_space<hbm>> -> memref<128x128xf32, #tpu.memory_space<hbm>>
      %dma_start3A_107 = arith.constant 0 : i32
      %dma_start3A_108 = arith.constant 0 : i32
      %dma_start3A_109 = tpu.memref_slice %arg6[%dma_start3A_98, %dma_start3A_107, %dma_start3A_108] : memref<2x128x128xf32, #tpu.memory_space<vmem>> -> memref<1x128x128xf32, #tpu.memory_space<vmem>>
      %dma_start3A_110 = tpu.memref_squeeze %dma_start3A_109 : memref<1x128x128xf32, #tpu.memory_space<vmem>> -> memref<128x128xf32, #tpu.memory_space<vmem>>
      tpu.enqueue_dma source(%dma_start3A_110 : memref<128x128xf32, #tpu.memory_space<vmem>>) target(%dma_start3A_106 : memref<128x128xf32, #tpu.memory_space<hbm>>) target_semaphore(%arg9 : memref<!tpu.dma_semaphore, #tpu.memory_space<semaphore_mem>>)
      %mul3A_111 = arith.constant 2 : i32
      %mul3A_112 = arith.muli %mul3A_111, %scan3A_33 : i32
      %add3A_113 = arith.constant 1 : i32
      %add3A_114 = arith.addi %mul3A_112, %add3A_113 : i32
      %mul3A_115 = arith.constant 128 : i32
      %mul3A_116 = arith.muli %add3A_114, %mul3A_115 : i32
      %add3A_117 = arith.addi %mul3A_2, %mul3A_116 : i32
      %dma_wait3A_118 = arith.constant 1 : i32
      %dma_wait3A_119 = arith.constant 1 : i32
      %dma_wait3A_120 = arith.constant 0 : i32
      %dma_wait3A_121 = arith.constant 0 : i32
      %dma_wait3A_122 = tpu.memref_slice %arg6[%dma_wait3A_119, %dma_wait3A_120, %dma_wait3A_121] : memref<2x128x128xf32, #tpu.memory_space<vmem>> -> memref<1x128x128xf32, #tpu.memory_space<vmem>>
      %dma_wait3A_123 = tpu.memref_squeeze %dma_wait3A_122 : memref<1x128x128xf32, #tpu.memory_space<vmem>> -> memref<128x128xf32, #tpu.memory_space<vmem>>
      %dma_wait3A_124 = arith.constant 0 : i32
      %dma_wait3A_125 = tpu.memref_slice %arg5[%dma_wait3A_118, %dma_wait3A_124] : memref<2x128xi32, #tpu.memory_space<vmem>> -> memref<1x128xi32, #tpu.memory_space<vmem>>
      %dma_wait3A_126 = tpu.memref_squeeze %dma_wait3A_125 : memref<1x128xi32, #tpu.memory_space<vmem>> -> memref<128xi32, #tpu.memory_space<vmem>>
      %dma_wait3A_127 = arith.constant 0 : i32
      %dma_wait3A_128 = arith.constant 0 : i32
      %dma_wait3A_129 = tpu.memref_slice %arg2[%dma_wait3A_127, %dma_wait3A_128] : memref<8192x128xf32, #tpu.memory_space<hbm>> -> memref<8192x128xf32, #tpu.memory_space<hbm>>
      tpu.wait_indirect_dma semaphore(%arg8 : memref<!tpu.dma_semaphore, #tpu.memory_space<semaphore_mem>>) src(%dma_wait3A_129 : memref<8192x128xf32, #tpu.memory_space<hbm>>) dst(%dma_wait3A_123 : memref<128x128xf32, #tpu.memory_space<vmem>>)
      %dma_start3A_130 = arith.constant 1 : i32
      %dma_start3A_131 = arith.constant 0 : i32
      %dma_start3A_132 = arith.constant 0 : i32
      %dma_start3A_133 = tpu.memref_slice %arg6[%dma_start3A_130, %dma_start3A_131, %dma_start3A_132] : memref<2x128x128xf32, #tpu.memory_space<vmem>> -> memref<1x128x128xf32, #tpu.memory_space<vmem>>
      %dma_start3A_134 = tpu.memref_squeeze %dma_start3A_133 : memref<1x128x128xf32, #tpu.memory_space<vmem>> -> memref<128x128xf32, #tpu.memory_space<vmem>>
      %dma_start3A_135 = arith.constant 0 : i32
      %dma_start3A_136 = tpu.memref_slice %arg4[%add3A_117, %dma_start3A_135] : memref<81920x128xf32, #tpu.memory_space<hbm>> -> memref<128x128xf32, #tpu.memory_space<hbm>>
      %dma_start3A_137 = arith.constant 0 : i32
      %dma_start3A_138 = tpu.memref_slice %arg4[%add3A_117, %dma_start3A_137] : memref<81920x128xf32, #tpu.memory_space<hbm>> -> memref<128x128xf32, #tpu.memory_space<hbm>>
      %dma_start3A_139 = arith.constant 0 : i32
      %dma_start3A_140 = arith.constant 0 : i32
      %dma_start3A_141 = tpu.memref_slice %arg6[%dma_start3A_130, %dma_start3A_139, %dma_start3A_140] : memref<2x128x128xf32, #tpu.memory_space<vmem>> -> memref<1x128x128xf32, #tpu.memory_space<vmem>>
      %dma_start3A_142 = tpu.memref_squeeze %dma_start3A_141 : memref<1x128x128xf32, #tpu.memory_space<vmem>> -> memref<128x128xf32, #tpu.memory_space<vmem>>
      tpu.enqueue_dma source(%dma_start3A_142 : memref<128x128xf32, #tpu.memory_space<vmem>>) target(%dma_start3A_138 : memref<128x128xf32, #tpu.memory_space<hbm>>) target_semaphore(%arg10 : memref<!tpu.dma_semaphore, #tpu.memory_space<semaphore_mem>>)
    }
    %scan3A_7 = arith.constant 10 : i32
    %dma_wait3A = arith.constant 0 : i32
    %dma_wait3A_8 = arith.constant 0 : i32
    %dma_wait3A_9 = arith.constant 0 : i32
    %dma_wait3A_10 = tpu.memref_slice %arg6[%dma_wait3A, %dma_wait3A_8, %dma_wait3A_9] : memref<2x128x128xf32, #tpu.memory_space<vmem>> -> memref<1x128x128xf32, #tpu.memory_space<vmem>>
    %dma_wait3A_11 = tpu.memref_squeeze %dma_wait3A_10 : memref<1x128x128xf32, #tpu.memory_space<vmem>> -> memref<128x128xf32, #tpu.memory_space<vmem>>
    %dma_wait3A_12 = arith.constant 0 : i32
    %dma_wait3A_13 = tpu.memref_slice %arg4[%mul3A_2, %dma_wait3A_12] : memref<81920x128xf32, #tpu.memory_space<hbm>> -> memref<128x128xf32, #tpu.memory_space<hbm>>
    %dma_wait3A_14 = arith.constant 0 : i32
    %dma_wait3A_15 = tpu.memref_slice %arg4[%mul3A_2, %dma_wait3A_14] : memref<81920x128xf32, #tpu.memory_space<hbm>> -> memref<128x128xf32, #tpu.memory_space<hbm>>
    %dma_wait3A_16 = arith.constant 0 : i32
    %dma_wait3A_17 = arith.constant 0 : i32
    %dma_wait3A_18 = tpu.memref_slice %arg6[%dma_wait3A, %dma_wait3A_16, %dma_wait3A_17] : memref<2x128x128xf32, #tpu.memory_space<vmem>> -> memref<1x128x128xf32, #tpu.memory_space<vmem>>
    %dma_wait3A_19 = tpu.memref_squeeze %dma_wait3A_18 : memref<1x128x128xf32, #tpu.memory_space<vmem>> -> memref<128x128xf32, #tpu.memory_space<vmem>>
    tpu.wait_dma2 semaphore(%arg9 : memref<!tpu.dma_semaphore, #tpu.memory_space<semaphore_mem>>) src(%dma_wait3A_19 : memref<128x128xf32, #tpu.memory_space<vmem>>) dst(%dma_wait3A_15 : memref<128x128xf32, #tpu.memory_space<hbm>>)
    %dma_wait3A_20 = arith.constant 1 : i32
    %dma_wait3A_21 = arith.constant 0 : i32
    %dma_wait3A_22 = arith.constant 0 : i32
    %dma_wait3A_23 = tpu.memref_slice %arg6[%dma_wait3A_20, %dma_wait3A_21, %dma_wait3A_22] : memref<2x128x128xf32, #tpu.memory_space<vmem>> -> memref<1x128x128xf32, #tpu.memory_space<vmem>>
    %dma_wait3A_24 = tpu.memref_squeeze %dma_wait3A_23 : memref<1x128x128xf32, #tpu.memory_space<vmem>> -> memref<128x128xf32, #tpu.memory_space<vmem>>
    %dma_wait3A_25 = arith.constant 0 : i32
    %dma_wait3A_26 = tpu.memref_slice %arg4[%mul3A_2, %dma_wait3A_25] : memref<81920x128xf32, #tpu.memory_space<hbm>> -> memref<128x128xf32, #tpu.memory_space<hbm>>
    %dma_wait3A_27 = arith.constant 0 : i32
    %dma_wait3A_28 = tpu.memref_slice %arg4[%mul3A_2, %dma_wait3A_27] : memref<81920x128xf32, #tpu.memory_space<hbm>> -> memref<128x128xf32, #tpu.memory_space<hbm>>
    %dma_wait3A_29 = arith.constant 0 : i32
    %dma_wait3A_30 = arith.constant 0 : i32
    %dma_wait3A_31 = tpu.memref_slice %arg6[%dma_wait3A_20, %dma_wait3A_29, %dma_wait3A_30] : memref<2x128x128xf32, #tpu.memory_space<vmem>> -> memref<1x128x128xf32, #tpu.memory_space<vmem>>
    %dma_wait3A_32 = tpu.memref_squeeze %dma_wait3A_31 : memref<1x128x128xf32, #tpu.memory_space<vmem>> -> memref<128x128xf32, #tpu.memory_space<vmem>>
    tpu.wait_dma2 semaphore(%arg10 : memref<!tpu.dma_semaphore, #tpu.memory_space<semaphore_mem>>) src(%dma_wait3A_32 : memref<128x128xf32, #tpu.memory_space<vmem>>) dst(%dma_wait3A_28 : memref<128x128xf32, #tpu.memory_space<hbm>>)
    return
  }
}

#map = affine_map<(d0, d1) -> (0, 0)>
#map1 = affine_map<(d0, d1) -> (0)>
module attributes {stable_mosaic.version = 14 : i64} {
  func.func @gather(%arg0: i32, %arg1: i32, %arg2: memref<8192x128xf32, #tpu.memory_space<hbm>>, %arg3: memref<81920xi32, #tpu.memory_space<hbm>>, %arg4: memref<81920x128xf32, #tpu.memory_space<hbm>>, %arg5: memref<2x128xi32, #tpu.memory_space<vmem>>, %arg6: memref<2x128x128xf32, #tpu.memory_space<vmem>>, %arg7: memref<!tpu.dma_semaphore, #tpu.memory_space<semaphore_mem>>, %arg8: memref<!tpu.dma_semaphore, #tpu.memory_space<semaphore_mem>>, %arg9: memref<!tpu.dma_semaphore, #tpu.memory_space<semaphore_mem>>, %arg10: memref<!tpu.dma_semaphore, #tpu.memory_space<semaphore_mem>>) attributes {dimension_semantics = [#tpu.dimension_semantics<core_parallel>, #tpu.dimension_semantics<subcore_parallel>], iteration_bounds = array<i64: 2, 16>, scalar_prefetch = 0 : i64, scratch_operands = 6 : i64, tpu.core_type = #tpu.core_type<sc_vector_subcore>, window_params = [{transform_indices = #map}, {transform_indices = #map1}, {transform_indices = #map}]} {
    %mul3A = arith.constant 2 : i32
    %mul3A_0 = arith.muli %arg1, %mul3A : i32
    %add3A = arith.addi %mul3A_0, %arg0 : i32
    %mul3A_1 = arith.constant 2560 : i32
    %mul3A_2 = arith.muli %add3A, %mul3A_1 : i32
    %scan3A = arith.constant 0 : i32
    %scan3A_3 = arith.constant 0 : i32
    %scan3A_4 = arith.constant 10 : i32
    %scan3A_5 = arith.addi %scan3A_3, %scan3A_4 : i32
    %scan3A_6 = arith.constant 1 : i32
    scf.for %scan3A_33 = %scan3A_3 to %scan3A_5 step %scan3A_6  : i32 {
      %mul3A_34 = arith.constant 2 : i32
      %mul3A_35 = arith.muli %mul3A_34, %scan3A_33 : i32
      %add3A_36 = arith.constant 0 : i32
      %add3A_37 = arith.addi %mul3A_35, %add3A_36 : i32
      %mul3A_38 = arith.constant 128 : i32
      %mul3A_39 = arith.muli %add3A_37, %mul3A_38 : i32
      %add3A_40 = arith.addi %mul3A_2, %mul3A_39 : i32
      %gt3A = arith.constant 0 : i32
      %gt3A_41 = arith.cmpi sgt, %scan3A_33, %gt3A : i32
      %convert_element_type3A = arith.extui %gt3A_41 : i1 to i32
      %cond3A = arith.constant 0 : i32
      %cond3A_42 = arith.cmpi ne, %convert_element_type3A, %cond3A : i32
      scf.if %cond3A_42 {
        %dma_wait3A_143 = arith.constant 0 : i32
        %dma_wait3A_144 = arith.constant 0 : i32
        %dma_wait3A_145 = arith.constant 0 : i32
        %dma_wait3A_146 = tpu.memref_slice %arg6[%dma_wait3A_143, %dma_wait3A_144, %dma_wait3A_145] : memref<2x128x128xf32, #tpu.memory_space<vmem>> -> memref<1x128x128xf32, #tpu.memory_space<vmem>>
        %dma_wait3A_147 = tpu.memref_squeeze %dma_wait3A_146 : memref<1x128x128xf32, #tpu.memory_space<vmem>> -> memref<128x128xf32, #tpu.memory_space<vmem>>
        %dma_wait3A_148 = arith.constant 0 : i32
        %dma_wait3A_149 = tpu.memref_slice %arg4[%add3A_40, %dma_wait3A_148] : memref<81920x128xf32, #tpu.memory_space<hbm>> -> memref<128x128xf32, #tpu.memory_space<hbm>>
        %dma_wait3A_150 = arith.constant 0 : i32
        %dma_wait3A_151 = tpu.memref_slice %arg4[%add3A_40, %dma_wait3A_150] : memref<81920x128xf32, #tpu.memory_space<hbm>> -> memref<128x128xf32, #tpu.memory_space<hbm>>
        %dma_wait3A_152 = arith.constant 0 : i32
        %dma_wait3A_153 = arith.constant 0 : i32
        %dma_wait3A_154 = tpu.memref_slice %arg6[%dma_wait3A_143, %dma_wait3A_152, %dma_wait3A_153] : memref<2x128x128xf32, #tpu.memory_space<vmem>> -> memref<1x128x128xf32, #tpu.memory_space<vmem>>
        %dma_wait3A_155 = tpu.memref_squeeze %dma_wait3A_154 : memref<1x128x128xf32, #tpu.memory_space<vmem>> -> memref<128x128xf32, #tpu.memory_space<vmem>>
        tpu.wait_dma2 semaphore(%arg9 : memref<!tpu.dma_semaphore, #tpu.memory_space<semaphore_mem>>) src(%dma_wait3A_155 : memref<128x128xf32, #tpu.memory_space<vmem>>) dst(%dma_wait3A_151 : memref<128x128xf32, #tpu.memory_space<hbm>>)
      } else {
      }
      %run_scoped3A = arith.constant 0 : i32
      "tpu.region"() ({
        %run_scoped3A_143 = tpu.sem_alloc : memref<!tpu.dma_semaphore, #tpu.memory_space<semaphore_mem>>
        %dma_start3A_144 = arith.constant 0 : i32
        %dma_start3A_145 = tpu.memref_slice %arg5[%run_scoped3A, %dma_start3A_144] : memref<2x128xi32, #tpu.memory_space<vmem>> -> memref<1x128xi32, #tpu.memory_space<vmem>>
        %dma_start3A_146 = tpu.memref_squeeze %dma_start3A_145 : memref<1x128xi32, #tpu.memory_space<vmem>> -> memref<128xi32, #tpu.memory_space<vmem>>
        %dma_start3A_147 = tpu.memref_slice %arg3[%add3A_40] : memref<81920xi32, #tpu.memory_space<hbm>> -> memref<128xi32, #tpu.memory_space<hbm>>
        %dma_start3A_148 = arith.constant 0 : i32
        %dma_start3A_149 = tpu.memref_slice %arg5[%run_scoped3A, %dma_start3A_148] : memref<2x128xi32, #tpu.memory_space<vmem>> -> memref<1x128xi32, #tpu.memory_space<vmem>>
        %dma_start3A_150 = tpu.memref_squeeze %dma_start3A_149 : memref<1x128xi32, #tpu.memory_space<vmem>> -> memref<128xi32, #tpu.memory_space<vmem>>
        %dma_start3A_151 = tpu.memref_slice %arg3[%add3A_40] : memref<81920xi32, #tpu.memory_space<hbm>> -> memref<128xi32, #tpu.memory_space<hbm>>
        tpu.enqueue_dma source(%dma_start3A_151 : memref<128xi32, #tpu.memory_space<hbm>>) target(%dma_start3A_150 : memref<128xi32, #tpu.memory_space<vmem>>) target_semaphore(%run_scoped3A_143 : memref<!tpu.dma_semaphore, #tpu.memory_space<semaphore_mem>>)
        %dma_wait3A_152 = arith.constant 0 : i32
        %dma_wait3A_153 = tpu.memref_slice %arg5[%run_scoped3A, %dma_wait3A_152] : memref<2x128xi32, #tpu.memory_space<vmem>> -> memref<1x128xi32, #tpu.memory_space<vmem>>
        %dma_wait3A_154 = tpu.memref_squeeze %dma_wait3A_153 : memref<1x128xi32, #tpu.memory_space<vmem>> -> memref<128xi32, #tpu.memory_space<vmem>>
        %dma_wait3A_155 = tpu.memref_slice %arg3[%add3A_40] : memref<81920xi32, #tpu.memory_space<hbm>> -> memref<128xi32, #tpu.memory_space<hbm>>
        %dma_wait3A_156 = arith.constant 0 : i32
        %dma_wait3A_157 = tpu.memref_slice %arg5[%run_scoped3A, %dma_wait3A_156] : memref<2x128xi32, #tpu.memory_space<vmem>> -> memref<1x128xi32, #tpu.memory_space<vmem>>
        %dma_wait3A_158 = tpu.memref_squeeze %dma_wait3A_157 : memref<1x128xi32, #tpu.memory_space<vmem>> -> memref<128xi32, #tpu.memory_space<vmem>>
        %dma_wait3A_159 = tpu.memref_slice %arg3[%add3A_40] : memref<81920xi32, #tpu.memory_space<hbm>> -> memref<128xi32, #tpu.memory_space<hbm>>
        tpu.wait_dma2 semaphore(%run_scoped3A_143 : memref<!tpu.dma_semaphore, #tpu.memory_space<semaphore_mem>>) src(%dma_wait3A_159 : memref<128xi32, #tpu.memory_space<hbm>>) dst(%dma_wait3A_158 : memref<128xi32, #tpu.memory_space<vmem>>)
        tpu.yield
      }) : () -> ()
      %dma_start3A = arith.constant 0 : i32
      %dma_start3A_43 = arith.constant 0 : i32
      %dma_start3A_44 = arith.constant 0 : i32
      %dma_start3A_45 = arith.constant 0 : i32
      %dma_start3A_46 = tpu.memref_slice %arg6[%dma_start3A_43, %dma_start3A_44, %dma_start3A_45] : memref<2x128x128xf32, #tpu.memory_space<vmem>> -> memref<1x128x128xf32, #tpu.memory_space<vmem>>
      %dma_start3A_47 = tpu.memref_squeeze %dma_start3A_46 : memref<1x128x128xf32, #tpu.memory_space<vmem>> -> memref<128x128xf32, #tpu.memory_space<vmem>>
      %dma_start3A_48 = arith.constant 0 : i32
      %dma_start3A_49 = tpu.memref_slice %arg5[%dma_start3A, %dma_start3A_48] : memref<2x128xi32, #tpu.memory_space<vmem>> -> memref<1x128xi32, #tpu.memory_space<vmem>>
      %dma_start3A_50 = tpu.memref_squeeze %dma_start3A_49 : memref<1x128xi32, #tpu.memory_space<vmem>> -> memref<128xi32, #tpu.memory_space<vmem>>
      %dma_start3A_51 = arith.constant 0 : i32
      %dma_start3A_52 = arith.constant 0 : i32
      %dma_start3A_53 = tpu.memref_slice %arg2[%dma_start3A_51, %dma_start3A_52] : memref<8192x128xf32, #tpu.memory_space<hbm>> -> memref<8192x128xf32, #tpu.memory_space<hbm>>
      tpu.enqueue_indirect_dma source(%dma_start3A_53 : memref<8192x128xf32, #tpu.memory_space<hbm>>) target(%dma_start3A_47 : memref<128x128xf32, #tpu.memory_space<vmem>>) offsets(%dma_start3A_50 : memref<128xi32, #tpu.memory_space<vmem>>) semaphore(%arg7 : memref<!tpu.dma_semaphore, #tpu.memory_space<semaphore_mem>>)
      %mul3A_54 = arith.constant 2 : i32
      %mul3A_55 = arith.muli %mul3A_54, %scan3A_33 : i32
      %add3A_56 = arith.constant 1 : i32
      %add3A_57 = arith.addi %mul3A_55, %add3A_56 : i32
      %mul3A_58 = arith.constant 128 : i32
      %mul3A_59 = arith.muli %add3A_57, %mul3A_58 : i32
      %add3A_60 = arith.addi %mul3A_2, %mul3A_59 : i32
      %gt3A_61 = arith.constant 0 : i32
      %gt3A_62 = arith.cmpi sgt, %scan3A_33, %gt3A_61 : i32
      %convert_element_type3A_63 = arith.extui %gt3A_62 : i1 to i32
      %cond3A_64 = arith.constant 0 : i32
      %cond3A_65 = arith.cmpi ne, %convert_element_type3A_63, %cond3A_64 : i32
      scf.if %cond3A_65 {
        %dma_wait3A_143 = arith.constant 1 : i32
        %dma_wait3A_144 = arith.constant 0 : i32
        %dma_wait3A_145 = arith.constant 0 : i32
        %dma_wait3A_146 = tpu.memref_slice %arg6[%dma_wait3A_143, %dma_wait3A_144, %dma_wait3A_145] : memref<2x128x128xf32, #tpu.memory_space<vmem>> -> memref<1x128x128xf32, #tpu.memory_space<vmem>>
        %dma_wait3A_147 = tpu.memref_squeeze %dma_wait3A_146 : memref<1x128x128xf32, #tpu.memory_space<vmem>> -> memref<128x128xf32, #tpu.memory_space<vmem>>
        %dma_wait3A_148 = arith.constant 0 : i32
        %dma_wait3A_149 = tpu.memref_slice %arg4[%add3A_60, %dma_wait3A_148] : memref<81920x128xf32, #tpu.memory_space<hbm>> -> memref<128x128xf32, #tpu.memory_space<hbm>>
        %dma_wait3A_150 = arith.constant 0 : i32
        %dma_wait3A_151 = tpu.memref_slice %arg4[%add3A_60, %dma_wait3A_150] : memref<81920x128xf32, #tpu.memory_space<hbm>> -> memref<128x128xf32, #tpu.memory_space<hbm>>
        %dma_wait3A_152 = arith.constant 0 : i32
        %dma_wait3A_153 = arith.constant 0 : i32
        %dma_wait3A_154 = tpu.memref_slice %arg6[%dma_wait3A_143, %dma_wait3A_152, %dma_wait3A_153] : memref<2x128x128xf32, #tpu.memory_space<vmem>> -> memref<1x128x128xf32, #tpu.memory_space<vmem>>
        %dma_wait3A_155 = tpu.memref_squeeze %dma_wait3A_154 : memref<1x128x128xf32, #tpu.memory_space<vmem>> -> memref<128x128xf32, #tpu.memory_space<vmem>>
        tpu.wait_dma2 semaphore(%arg10 : memref<!tpu.dma_semaphore, #tpu.memory_space<semaphore_mem>>) src(%dma_wait3A_155 : memref<128x128xf32, #tpu.memory_space<vmem>>) dst(%dma_wait3A_151 : memref<128x128xf32, #tpu.memory_space<hbm>>)
      } else {
      }
      %run_scoped3A_66 = arith.constant 1 : i32
      "tpu.region"() ({
        %run_scoped3A_143 = tpu.sem_alloc : memref<!tpu.dma_semaphore, #tpu.memory_space<semaphore_mem>>
        %dma_start3A_144 = arith.constant 0 : i32
        %dma_start3A_145 = tpu.memref_slice %arg5[%run_scoped3A_66, %dma_start3A_144] : memref<2x128xi32, #tpu.memory_space<vmem>> -> memref<1x128xi32, #tpu.memory_space<vmem>>
        %dma_start3A_146 = tpu.memref_squeeze %dma_start3A_145 : memref<1x128xi32, #tpu.memory_space<vmem>> -> memref<128xi32, #tpu.memory_space<vmem>>
        %dma_start3A_147 = tpu.memref_slice %arg3[%add3A_60] : memref<81920xi32, #tpu.memory_space<hbm>> -> memref<128xi32, #tpu.memory_space<hbm>>
        %dma_start3A_148 = arith.constant 0 : i32
        %dma_start3A_149 = tpu.memref_slice %arg5[%run_scoped3A_66, %dma_start3A_148] : memref<2x128xi32, #tpu.memory_space<vmem>> -> memref<1x128xi32, #tpu.memory_space<vmem>>
        %dma_start3A_150 = tpu.memref_squeeze %dma_start3A_149 : memref<1x128xi32, #tpu.memory_space<vmem>> -> memref<128xi32, #tpu.memory_space<vmem>>
        %dma_start3A_151 = tpu.memref_slice %arg3[%add3A_60] : memref<81920xi32, #tpu.memory_space<hbm>> -> memref<128xi32, #tpu.memory_space<hbm>>
        tpu.enqueue_dma source(%dma_start3A_151 : memref<128xi32, #tpu.memory_space<hbm>>) target(%dma_start3A_150 : memref<128xi32, #tpu.memory_space<vmem>>) target_semaphore(%run_scoped3A_143 : memref<!tpu.dma_semaphore, #tpu.memory_space<semaphore_mem>>)
        %dma_wait3A_152 = arith.constant 0 : i32
        %dma_wait3A_153 = tpu.memref_slice %arg5[%run_scoped3A_66, %dma_wait3A_152] : memref<2x128xi32, #tpu.memory_space<vmem>> -> memref<1x128xi32, #tpu.memory_space<vmem>>
        %dma_wait3A_154 = tpu.memref_squeeze %dma_wait3A_153 : memref<1x128xi32, #tpu.memory_space<vmem>> -> memref<128xi32, #tpu.memory_space<vmem>>
        %dma_wait3A_155 = tpu.memref_slice %arg3[%add3A_60] : memref<81920xi32, #tpu.memory_space<hbm>> -> memref<128xi32, #tpu.memory_space<hbm>>
        %dma_wait3A_156 = arith.constant 0 : i32
        %dma_wait3A_157 = tpu.memref_slice %arg5[%run_scoped3A_66, %dma_wait3A_156] : memref<2x128xi32, #tpu.memory_space<vmem>> -> memref<1x128xi32, #tpu.memory_space<vmem>>
        %dma_wait3A_158 = tpu.memref_squeeze %dma_wait3A_157 : memref<1x128xi32, #tpu.memory_space<vmem>> -> memref<128xi32, #tpu.memory_space<vmem>>
        %dma_wait3A_159 = tpu.memref_slice %arg3[%add3A_60] : memref<81920xi32, #tpu.memory_space<hbm>> -> memref<128xi32, #tpu.memory_space<hbm>>
        tpu.wait_dma2 semaphore(%run_scoped3A_143 : memref<!tpu.dma_semaphore, #tpu.memory_space<semaphore_mem>>) src(%dma_wait3A_159 : memref<128xi32, #tpu.memory_space<hbm>>) dst(%dma_wait3A_158 : memref<128xi32, #tpu.memory_space<vmem>>)
        tpu.yield
      }) : () -> ()
      %dma_start3A_67 = arith.constant 1 : i32
      %dma_start3A_68 = arith.constant 1 : i32
      %dma_start3A_69 = arith.constant 0 : i32
      %dma_start3A_70 = arith.constant 0 : i32
      %dma_start3A_71 = tpu.memref_slice %arg6[%dma_start3A_68, %dma_start3A_69, %dma_start3A_70] : memref<2x128x128xf32, #tpu.memory_space<vmem>> -> memref<1x128x128xf32, #tpu.memory_space<vmem>>
      %dma_start3A_72 = tpu.memref_squeeze %dma_start3A_71 : memref<1x128x128xf32, #tpu.memory_space<vmem>> -> memref<128x128xf32, #tpu.memory_space<vmem>>
      %dma_start3A_73 = arith.constant 0 : i32
      %dma_start3A_74 = tpu.memref_slice %arg5[%dma_start3A_67, %dma_start3A_73] : memref<2x128xi32, #tpu.memory_space<vmem>> -> memref<1x128xi32, #tpu.memory_space<vmem>>
      %dma_start3A_75 = tpu.memref_squeeze %dma_start3A_74 : memref<1x128xi32, #tpu.memory_space<vmem>> -> memref<128xi32, #tpu.memory_space<vmem>>
      %dma_start3A_76 = arith.constant 0 : i32
      %dma_start3A_77 = arith.constant 0 : i32
      %dma_start3A_78 = tpu.memref_slice %arg2[%dma_start3A_76, %dma_start3A_77] : memref<8192x128xf32, #tpu.memory_space<hbm>> -> memref<8192x128xf32, #tpu.memory_space<hbm>>
      tpu.enqueue_indirect_dma source(%dma_start3A_78 : memref<8192x128xf32, #tpu.memory_space<hbm>>) target(%dma_start3A_72 : memref<128x128xf32, #tpu.memory_space<vmem>>) offsets(%dma_start3A_75 : memref<128xi32, #tpu.memory_space<vmem>>) semaphore(%arg8 : memref<!tpu.dma_semaphore, #tpu.memory_space<semaphore_mem>>)
      %mul3A_79 = arith.constant 2 : i32
      %mul3A_80 = arith.muli %mul3A_79, %scan3A_33 : i32
      %add3A_81 = arith.constant 0 : i32
      %add3A_82 = arith.addi %mul3A_80, %add3A_81 : i32
      %mul3A_83 = arith.constant 128 : i32
      %mul3A_84 = arith.muli %add3A_82, %mul3A_83 : i32
      %add3A_85 = arith.addi %mul3A_2, %mul3A_84 : i32
      %dma_wait3A_86 = arith.constant 0 : i32
      %dma_wait3A_87 = arith.constant 0 : i32
      %dma_wait3A_88 = arith.constant 0 : i32
      %dma_wait3A_89 = arith.constant 0 : i32
      %dma_wait3A_90 = tpu.memref_slice %arg6[%dma_wait3A_87, %dma_wait3A_88, %dma_wait3A_89] : memref<2x128x128xf32, #tpu.memory_space<vmem>> -> memref<1x128x128xf32, #tpu.memory_space<vmem>>
      %dma_wait3A_91 = tpu.memref_squeeze %dma_wait3A_90 : memref<1x128x128xf32, #tpu.memory_space<vmem>> -> memref<128x128xf32, #tpu.memory_space<vmem>>
      %dma_wait3A_92 = arith.constant 0 : i32
      %dma_wait3A_93 = tpu.memref_slice %arg5[%dma_wait3A_86, %dma_wait3A_92] : memref<2x128xi32, #tpu.memory_space<vmem>> -> memref<1x128xi32, #tpu.memory_space<vmem>>
      %dma_wait3A_94 = tpu.memref_squeeze %dma_wait3A_93 : memref<1x128xi32, #tpu.memory_space<vmem>> -> memref<128xi32, #tpu.memory_space<vmem>>
      %dma_wait3A_95 = arith.constant 0 : i32
      %dma_wait3A_96 = arith.constant 0 : i32
      %dma_wait3A_97 = tpu.memref_slice %arg2[%dma_wait3A_95, %dma_wait3A_96] : memref<8192x128xf32, #tpu.memory_space<hbm>> -> memref<8192x128xf32, #tpu.memory_space<hbm>>
      tpu.wait_indirect_dma semaphore(%arg7 : memref<!tpu.dma_semaphore, #tpu.memory_space<semaphore_mem>>) src(%dma_wait3A_97 : memref<8192x128xf32, #tpu.memory_space<hbm>>) dst(%dma_wait3A_91 : memref<128x128xf32, #tpu.memory_space<vmem>>)
      %dma_start3A_98 = arith.constant 0 : i32
      %dma_start3A_99 = arith.constant 0 : i32
      %dma_start3A_100 = arith.constant 0 : i32
      %dma_start3A_101 = tpu.memref_slice %arg6[%dma_start3A_98, %dma_start3A_99, %dma_start3A_100] : memref<2x128x128xf32, #tpu.memory_space<vmem>> -> memref<1x128x128xf32, #tpu.memory_space<vmem>>
      %dma_start3A_102 = tpu.memref_squeeze %dma_start3A_101 : memref<1x128x128xf32, #tpu.memory_space<vmem>> -> memref<128x128xf32, #tpu.memory_space<vmem>>
      %dma_start3A_103 = arith.constant 0 : i32
      %dma_start3A_104 = tpu.memref_slice %arg4[%add3A_85, %dma_start3A_103] : memref<81920x128xf32, #tpu.memory_space<hbm>> -> memref<128x128xf32, #tpu.memory_space<hbm>>
      %dma_start3A_105 = arith.constant 0 : i32
      %dma_start3A_106 = tpu.memref_slice %arg4[%add3A_85, %dma_start3A_105] : memref<81920x128xf32, #tpu.memory_space<hbm>> -> memref<128x128xf32, #tpu.memory_space<hbm>>
      %dma_start3A_107 = arith.constant 0 : i32
      %dma_start3A_108 = arith.constant 0 : i32
      %dma_start3A_109 = tpu.memref_slice %arg6[%dma_start3A_98, %dma_start3A_107, %dma_start3A_108] : memref<2x128x128xf32, #tpu.memory_space<vmem>> -> memref<1x128x128xf32, #tpu.memory_space<vmem>>
      %dma_start3A_110 = tpu.memref_squeeze %dma_start3A_109 : memref<1x128x128xf32, #tpu.memory_space<vmem>> -> memref<128x128xf32, #tpu.memory_space<vmem>>
      tpu.enqueue_dma source(%dma_start3A_110 : memref<128x128xf32, #tpu.memory_space<vmem>>) target(%dma_start3A_106 : memref<128x128xf32, #tpu.memory_space<hbm>>) target_semaphore(%arg9 : memref<!tpu.dma_semaphore, #tpu.memory_space<semaphore_mem>>)
      %mul3A_111 = arith.constant 2 : i32
      %mul3A_112 = arith.muli %mul3A_111, %scan3A_33 : i32
      %add3A_113 = arith.constant 1 : i32
      %add3A_114 = arith.addi %mul3A_112, %add3A_113 : i32
      %mul3A_115 = arith.constant 128 : i32
      %mul3A_116 = arith.muli %add3A_114, %mul3A_115 : i32
      %add3A_117 = arith.addi %mul3A_2, %mul3A_116 : i32
      %dma_wait3A_118 = arith.constant 1 : i32
      %dma_wait3A_119 = arith.constant 1 : i32
      %dma_wait3A_120 = arith.constant 0 : i32
      %dma_wait3A_121 = arith.constant 0 : i32
      %dma_wait3A_122 = tpu.memref_slice %arg6[%dma_wait3A_119, %dma_wait3A_120, %dma_wait3A_121] : memref<2x128x128xf32, #tpu.memory_space<vmem>> -> memref<1x128x128xf32, #tpu.memory_space<vmem>>
      %dma_wait3A_123 = tpu.memref_squeeze %dma_wait3A_122 : memref<1x128x128xf32, #tpu.memory_space<vmem>> -> memref<128x128xf32, #tpu.memory_space<vmem>>
      %dma_wait3A_124 = arith.constant 0 : i32
      %dma_wait3A_125 = tpu.memref_slice %arg5[%dma_wait3A_118, %dma_wait3A_124] : memref<2x128xi32, #tpu.memory_space<vmem>> -> memref<1x128xi32, #tpu.memory_space<vmem>>
      %dma_wait3A_126 = tpu.memref_squeeze %dma_wait3A_125 : memref<1x128xi32, #tpu.memory_space<vmem>> -> memref<128xi32, #tpu.memory_space<vmem>>
      %dma_wait3A_127 = arith.constant 0 : i32
      %dma_wait3A_128 = arith.constant 0 : i32
      %dma_wait3A_129 = tpu.memref_slice %arg2[%dma_wait3A_127, %dma_wait3A_128] : memref<8192x128xf32, #tpu.memory_space<hbm>> -> memref<8192x128xf32, #tpu.memory_space<hbm>>
      tpu.wait_indirect_dma semaphore(%arg8 : memref<!tpu.dma_semaphore, #tpu.memory_space<semaphore_mem>>) src(%dma_wait3A_129 : memref<8192x128xf32, #tpu.memory_space<hbm>>) dst(%dma_wait3A_123 : memref<128x128xf32, #tpu.memory_space<vmem>>)
      %dma_start3A_130 = arith.constant 1 : i32
      %dma_start3A_131 = arith.constant 0 : i32
      %dma_start3A_132 = arith.constant 0 : i32
      %dma_start3A_133 = tpu.memref_slice %arg6[%dma_start3A_130, %dma_start3A_131, %dma_start3A_132] : memref<2x128x128xf32, #tpu.memory_space<vmem>> -> memref<1x128x128xf32, #tpu.memory_space<vmem>>
      %dma_start3A_134 = tpu.memref_squeeze %dma_start3A_133 : memref<1x128x128xf32, #tpu.memory_space<vmem>> -> memref<128x128xf32, #tpu.memory_space<vmem>>
      %dma_start3A_135 = arith.constant 0 : i32
      %dma_start3A_136 = tpu.memref_slice %arg4[%add3A_117, %dma_start3A_135] : memref<81920x128xf32, #tpu.memory_space<hbm>> -> memref<128x128xf32, #tpu.memory_space<hbm>>
      %dma_start3A_137 = arith.constant 0 : i32
      %dma_start3A_138 = tpu.memref_slice %arg4[%add3A_117, %dma_start3A_137] : memref<81920x128xf32, #tpu.memory_space<hbm>> -> memref<128x128xf32, #tpu.memory_space<hbm>>
      %dma_start3A_139 = arith.constant 0 : i32
      %dma_start3A_140 = arith.constant 0 : i32
      %dma_start3A_141 = tpu.memref_slice %arg6[%dma_start3A_130, %dma_start3A_139, %dma_start3A_140] : memref<2x128x128xf32, #tpu.memory_space<vmem>> -> memref<1x128x128xf32, #tpu.memory_space<vmem>>
      %dma_start3A_142 = tpu.memref_squeeze %dma_start3A_141 : memref<1x128x128xf32, #tpu.memory_space<vmem>> -> memref<128x128xf32, #tpu.memory_space<vmem>>
      tpu.enqueue_dma source(%dma_start3A_142 : memref<128x128xf32, #tpu.memory_space<vmem>>) target(%dma_start3A_138 : memref<128x128xf32, #tpu.memory_space<hbm>>) target_semaphore(%arg10 : memref<!tpu.dma_semaphore, #tpu.memory_space<semaphore_mem>>)
    }
    %scan3A_7 = arith.constant 10 : i32
    %dma_wait3A = arith.constant 0 : i32
    %dma_wait3A_8 = arith.constant 0 : i32
    %dma_wait3A_9 = arith.constant 0 : i32
    %dma_wait3A_10 = tpu.memref_slice %arg6[%dma_wait3A, %dma_wait3A_8, %dma_wait3A_9] : memref<2x128x128xf32, #tpu.memory_space<vmem>> -> memref<1x128x128xf32, #tpu.memory_space<vmem>>
    %dma_wait3A_11 = tpu.memref_squeeze %dma_wait3A_10 : memref<1x128x128xf32, #tpu.memory_space<vmem>> -> memref<128x128xf32, #tpu.memory_space<vmem>>
    %dma_wait3A_12 = arith.constant 0 : i32
    %dma_wait3A_13 = tpu.memref_slice %arg4[%mul3A_2, %dma_wait3A_12] : memref<81920x128xf32, #tpu.memory_space<hbm>> -> memref<128x128xf32, #tpu.memory_space<hbm>>
    %dma_wait3A_14 = arith.constant 0 : i32
    %dma_wait3A_15 = tpu.memref_slice %arg4[%mul3A_2, %dma_wait3A_14] : memref<81920x128xf32, #tpu.memory_space<hbm>> -> memref<128x128xf32, #tpu.memory_space<hbm>>
    %dma_wait3A_16 = arith.constant 0 : i32
    %dma_wait3A_17 = arith.constant 0 : i32
    %dma_wait3A_18 = tpu.memref_slice %arg6[%dma_wait3A, %dma_wait3A_16, %dma_wait3A_17] : memref<2x128x128xf32, #tpu.memory_space<vmem>> -> memref<1x128x128xf32, #tpu.memory_space<vmem>>
    %dma_wait3A_19 = tpu.memref_squeeze %dma_wait3A_18 : memref<1x128x128xf32, #tpu.memory_space<vmem>> -> memref<128x128xf32, #tpu.memory_space<vmem>>
    tpu.wait_dma2 semaphore(%arg9 : memref<!tpu.dma_semaphore, #tpu.memory_space<semaphore_mem>>) src(%dma_wait3A_19 : memref<128x128xf32, #tpu.memory_space<vmem>>) dst(%dma_wait3A_15 : memref<128x128xf32, #tpu.memory_space<hbm>>)
    %dma_wait3A_20 = arith.constant 1 : i32
    %dma_wait3A_21 = arith.constant 0 : i32
    %dma_wait3A_22 = arith.constant 0 : i32
    %dma_wait3A_23 = tpu.memref_slice %arg6[%dma_wait3A_20, %dma_wait3A_21, %dma_wait3A_22] : memref<2x128x128xf32, #tpu.memory_space<vmem>> -> memref<1x128x128xf32, #tpu.memory_space<vmem>>
    %dma_wait3A_24 = tpu.memref_squeeze %dma_wait3A_23 : memref<1x128x128xf32, #tpu.memory_space<vmem>> -> memref<128x128xf32, #tpu.memory_space<vmem>>
    %dma_wait3A_25 = arith.constant 0 : i32
    %dma_wait3A_26 = tpu.memref_slice %arg4[%mul3A_2, %dma_wait3A_25] : memref<81920x128xf32, #tpu.memory_space<hbm>> -> memref<128x128xf32, #tpu.memory_space<hbm>>
    %dma_wait3A_27 = arith.constant 0 : i32
    %dma_wait3A_28 = tpu.memref_slice %arg4[%mul3A_2, %dma_wait3A_27] : memref<81920x128xf32, #tpu.memory_space<hbm>> -> memref<128x128xf32, #tpu.memory_space<hbm>>
    %dma_wait3A_29 = arith.constant 0 : i32
    %dma_wait3A_30 = arith.constant 0 : i32
    %dma_wait3A_31 = tpu.memref_slice %arg6[%dma_wait3A_20, %dma_wait3A_29, %dma_wait3A_30] : memref<2x128x128xf32, #tpu.memory_space<vmem>> -> memref<1x128x128xf32, #tpu.memory_space<vmem>>
    %dma_wait3A_32 = tpu.memref_squeeze %dma_wait3A_31 : memref<1x128x128xf32, #tpu.memory_space<vmem>> -> memref<128x128xf32, #tpu.memory_space<vmem>>
    tpu.wait_dma2 semaphore(%arg10 : memref<!tpu.dma_semaphore, #tpu.memory_space<semaphore_mem>>) src(%dma_wait3A_32 : memref<128x128xf32, #tpu.memory_space<vmem>>) dst(%dma_wait3A_28 : memref<128x128xf32, #tpu.memory_space<hbm>>)
    return
  }
}

#map = affine_map<(d0, d1) -> (0, 0)>
#map1 = affine_map<(d0, d1) -> (0)>
module attributes {stable_mosaic.version = 14 : i64} {
  func.func @gather(%arg0: i32, %arg1: i32, %arg2: memref<8192x128xf32, #tpu.memory_space<hbm>>, %arg3: memref<81920xi32, #tpu.memory_space<hbm>>, %arg4: memref<81920x128xf32, #tpu.memory_space<hbm>>, %arg5: memref<2x128xi32, #tpu.memory_space<vmem>>, %arg6: memref<2x128x128xf32, #tpu.memory_space<vmem>>, %arg7: memref<!tpu.dma_semaphore, #tpu.memory_space<semaphore_mem>>, %arg8: memref<!tpu.dma_semaphore, #tpu.memory_space<semaphore_mem>>, %arg9: memref<!tpu.dma_semaphore, #tpu.memory_space<semaphore_mem>>, %arg10: memref<!tpu.dma_semaphore, #tpu.memory_space<semaphore_mem>>) attributes {dimension_semantics = [#tpu.dimension_semantics<core_parallel>, #tpu.dimension_semantics<subcore_parallel>], iteration_bounds = array<i64: 2, 16>, scalar_prefetch = 0 : i64, scratch_operands = 6 : i64, tpu.core_type = #tpu.core_type<sc_vector_subcore>, window_params = [{transform_indices = #map}, {transform_indices = #map1}, {transform_indices = #map}]} {
    %mul3A = arith.constant 2 : i32
    %mul3A_0 = arith.muli %arg1, %mul3A : i32
    %add3A = arith.addi %mul3A_0, %arg0 : i32
    %mul3A_1 = arith.constant 2560 : i32
    %mul3A_2 = arith.muli %add3A, %mul3A_1 : i32
    %scan3A = arith.constant 0 : i32
    %scan3A_3 = arith.constant 0 : i32
    %scan3A_4 = arith.constant 10 : i32
    %scan3A_5 = arith.addi %scan3A_3, %scan3A_4 : i32
    %scan3A_6 = arith.constant 1 : i32
    scf.for %scan3A_33 = %scan3A_3 to %scan3A_5 step %scan3A_6  : i32 {
      %mul3A_34 = arith.constant 2 : i32
      %mul3A_35 = arith.muli %mul3A_34, %scan3A_33 : i32
      %add3A_36 = arith.constant 0 : i32
      %add3A_37 = arith.addi %mul3A_35, %add3A_36 : i32
      %mul3A_38 = arith.constant 128 : i32
      %mul3A_39 = arith.muli %add3A_37, %mul3A_38 : i32
      %add3A_40 = arith.addi %mul3A_2, %mul3A_39 : i32
      %gt3A = arith.constant 0 : i32
      %gt3A_41 = arith.cmpi sgt, %scan3A_33, %gt3A : i32
      %convert_element_type3A = arith.extui %gt3A_41 : i1 to i32
      %cond3A = arith.constant 0 : i32
      %cond3A_42 = arith.cmpi ne, %convert_element_type3A, %cond3A : i32
      scf.if %cond3A_42 {
        %dma_wait3A_143 = arith.constant 0 : i32
        %dma_wait3A_144 = arith.constant 0 : i32
        %dma_wait3A_145 = arith.constant 0 : i32
        %dma_wait3A_146 = tpu.memref_slice %arg6[%dma_wait3A_143, %dma_wait3A_144, %dma_wait3A_145] : memref<2x128x128xf32, #tpu.memory_space<vmem>> -> memref<1x128x128xf32, #tpu.memory_space<vmem>>
        %dma_wait3A_147 = tpu.memref_squeeze %dma_wait3A_146 : memref<1x128x128xf32, #tpu.memory_space<vmem>> -> memref<128x128xf32, #tpu.memory_space<vmem>>
        %dma_wait3A_148 = arith.constant 0 : i32
        %dma_wait3A_149 = tpu.memref_slice %arg4[%add3A_40, %dma_wait3A_148] : memref<81920x128xf32, #tpu.memory_space<hbm>> -> memref<128x128xf32, #tpu.memory_space<hbm>>
        %dma_wait3A_150 = arith.constant 0 : i32
        %dma_wait3A_151 = tpu.memref_slice %arg4[%add3A_40, %dma_wait3A_150] : memref<81920x128xf32, #tpu.memory_space<hbm>> -> memref<128x128xf32, #tpu.memory_space<hbm>>
        %dma_wait3A_152 = arith.constant 0 : i32
        %dma_wait3A_153 = arith.constant 0 : i32
        %dma_wait3A_154 = tpu.memref_slice %arg6[%dma_wait3A_143, %dma_wait3A_152, %dma_wait3A_153] : memref<2x128x128xf32, #tpu.memory_space<vmem>> -> memref<1x128x128xf32, #tpu.memory_space<vmem>>
        %dma_wait3A_155 = tpu.memref_squeeze %dma_wait3A_154 : memref<1x128x128xf32, #tpu.memory_space<vmem>> -> memref<128x128xf32, #tpu.memory_space<vmem>>
        tpu.wait_dma2 semaphore(%arg9 : memref<!tpu.dma_semaphore, #tpu.memory_space<semaphore_mem>>) src(%dma_wait3A_155 : memref<128x128xf32, #tpu.memory_space<vmem>>) dst(%dma_wait3A_151 : memref<128x128xf32, #tpu.memory_space<hbm>>)
      } else {
      }
      %run_scoped3A = arith.constant 0 : i32
      "tpu.region"() ({
        %run_scoped3A_143 = tpu.sem_alloc : memref<!tpu.dma_semaphore, #tpu.memory_space<semaphore_mem>>
        %dma_start3A_144 = arith.constant 0 : i32
        %dma_start3A_145 = tpu.memref_slice %arg5[%run_scoped3A, %dma_start3A_144] : memref<2x128xi32, #tpu.memory_space<vmem>> -> memref<1x128xi32, #tpu.memory_space<vmem>>
        %dma_start3A_146 = tpu.memref_squeeze %dma_start3A_145 : memref<1x128xi32, #tpu.memory_space<vmem>> -> memref<128xi32, #tpu.memory_space<vmem>>
        %dma_start3A_147 = tpu.memref_slice %arg3[%add3A_40] : memref<81920xi32, #tpu.memory_space<hbm>> -> memref<128xi32, #tpu.memory_space<hbm>>
        %dma_start3A_148 = arith.constant 0 : i32
        %dma_start3A_149 = tpu.memref_slice %arg5[%run_scoped3A, %dma_start3A_148] : memref<2x128xi32, #tpu.memory_space<vmem>> -> memref<1x128xi32, #tpu.memory_space<vmem>>
        %dma_start3A_150 = tpu.memref_squeeze %dma_start3A_149 : memref<1x128xi32, #tpu.memory_space<vmem>> -> memref<128xi32, #tpu.memory_space<vmem>>
        %dma_start3A_151 = tpu.memref_slice %arg3[%add3A_40] : memref<81920xi32, #tpu.memory_space<hbm>> -> memref<128xi32, #tpu.memory_space<hbm>>
        tpu.enqueue_dma source(%dma_start3A_151 : memref<128xi32, #tpu.memory_space<hbm>>) target(%dma_start3A_150 : memref<128xi32, #tpu.memory_space<vmem>>) target_semaphore(%run_scoped3A_143 : memref<!tpu.dma_semaphore, #tpu.memory_space<semaphore_mem>>)
        %dma_wait3A_152 = arith.constant 0 : i32
        %dma_wait3A_153 = tpu.memref_slice %arg5[%run_scoped3A, %dma_wait3A_152] : memref<2x128xi32, #tpu.memory_space<vmem>> -> memref<1x128xi32, #tpu.memory_space<vmem>>
        %dma_wait3A_154 = tpu.memref_squeeze %dma_wait3A_153 : memref<1x128xi32, #tpu.memory_space<vmem>> -> memref<128xi32, #tpu.memory_space<vmem>>
        %dma_wait3A_155 = tpu.memref_slice %arg3[%add3A_40] : memref<81920xi32, #tpu.memory_space<hbm>> -> memref<128xi32, #tpu.memory_space<hbm>>
        %dma_wait3A_156 = arith.constant 0 : i32
        %dma_wait3A_157 = tpu.memref_slice %arg5[%run_scoped3A, %dma_wait3A_156] : memref<2x128xi32, #tpu.memory_space<vmem>> -> memref<1x128xi32, #tpu.memory_space<vmem>>
        %dma_wait3A_158 = tpu.memref_squeeze %dma_wait3A_157 : memref<1x128xi32, #tpu.memory_space<vmem>> -> memref<128xi32, #tpu.memory_space<vmem>>
        %dma_wait3A_159 = tpu.memref_slice %arg3[%add3A_40] : memref<81920xi32, #tpu.memory_space<hbm>> -> memref<128xi32, #tpu.memory_space<hbm>>
        tpu.wait_dma2 semaphore(%run_scoped3A_143 : memref<!tpu.dma_semaphore, #tpu.memory_space<semaphore_mem>>) src(%dma_wait3A_159 : memref<128xi32, #tpu.memory_space<hbm>>) dst(%dma_wait3A_158 : memref<128xi32, #tpu.memory_space<vmem>>)
        tpu.yield
      }) : () -> ()
      %dma_start3A = arith.constant 0 : i32
      %dma_start3A_43 = arith.constant 0 : i32
      %dma_start3A_44 = arith.constant 0 : i32
      %dma_start3A_45 = arith.constant 0 : i32
      %dma_start3A_46 = tpu.memref_slice %arg6[%dma_start3A_43, %dma_start3A_44, %dma_start3A_45] : memref<2x128x128xf32, #tpu.memory_space<vmem>> -> memref<1x128x128xf32, #tpu.memory_space<vmem>>
      %dma_start3A_47 = tpu.memref_squeeze %dma_start3A_46 : memref<1x128x128xf32, #tpu.memory_space<vmem>> -> memref<128x128xf32, #tpu.memory_space<vmem>>
      %dma_start3A_48 = arith.constant 0 : i32
      %dma_start3A_49 = tpu.memref_slice %arg5[%dma_start3A, %dma_start3A_48] : memref<2x128xi32, #tpu.memory_space<vmem>> -> memref<1x128xi32, #tpu.memory_space<vmem>>
      %dma_start3A_50 = tpu.memref_squeeze %dma_start3A_49 : memref<1x128xi32, #tpu.memory_space<vmem>> -> memref<128xi32, #tpu.memory_space<vmem>>
      %dma_start3A_51 = arith.constant 0 : i32
      %dma_start3A_52 = arith.constant 0 : i32
      %dma_start3A_53 = tpu.memref_slice %arg2[%dma_start3A_51, %dma_start3A_52] : memref<8192x128xf32, #tpu.memory_space<hbm>> -> memref<8192x128xf32, #tpu.memory_space<hbm>>
      tpu.enqueue_indirect_dma source(%dma_start3A_53 : memref<8192x128xf32, #tpu.memory_space<hbm>>) target(%dma_start3A_47 : memref<128x128xf32, #tpu.memory_space<vmem>>) offsets(%dma_start3A_50 : memref<128xi32, #tpu.memory_space<vmem>>) semaphore(%arg7 : memref<!tpu.dma_semaphore, #tpu.memory_space<semaphore_mem>>)
      %mul3A_54 = arith.constant 2 : i32
      %mul3A_55 = arith.muli %mul3A_54, %scan3A_33 : i32
      %add3A_56 = arith.constant 1 : i32
      %add3A_57 = arith.addi %mul3A_55, %add3A_56 : i32
      %mul3A_58 = arith.constant 128 : i32
      %mul3A_59 = arith.muli %add3A_57, %mul3A_58 : i32
      %add3A_60 = arith.addi %mul3A_2, %mul3A_59 : i32
      %gt3A_61 = arith.constant 0 : i32
      %gt3A_62 = arith.cmpi sgt, %scan3A_33, %gt3A_61 : i32
      %convert_element_type3A_63 = arith.extui %gt3A_62 : i1 to i32
      %cond3A_64 = arith.constant 0 : i32
      %cond3A_65 = arith.cmpi ne, %convert_element_type3A_63, %cond3A_64 : i32
      scf.if %cond3A_65 {
        %dma_wait3A_143 = arith.constant 1 : i32
        %dma_wait3A_144 = arith.constant 0 : i32
        %dma_wait3A_145 = arith.constant 0 : i32
        %dma_wait3A_146 = tpu.memref_slice %arg6[%dma_wait3A_143, %dma_wait3A_144, %dma_wait3A_145] : memref<2x128x128xf32, #tpu.memory_space<vmem>> -> memref<1x128x128xf32, #tpu.memory_space<vmem>>
        %dma_wait3A_147 = tpu.memref_squeeze %dma_wait3A_146 : memref<1x128x128xf32, #tpu.memory_space<vmem>> -> memref<128x128xf32, #tpu.memory_space<vmem>>
        %dma_wait3A_148 = arith.constant 0 : i32
        %dma_wait3A_149 = tpu.memref_slice %arg4[%add3A_60, %dma_wait3A_148] : memref<81920x128xf32, #tpu.memory_space<hbm>> -> memref<128x128xf32, #tpu.memory_space<hbm>>
        %dma_wait3A_150 = arith.constant 0 : i32
        %dma_wait3A_151 = tpu.memref_slice %arg4[%add3A_60, %dma_wait3A_150] : memref<81920x128xf32, #tpu.memory_space<hbm>> -> memref<128x128xf32, #tpu.memory_space<hbm>>
        %dma_wait3A_152 = arith.constant 0 : i32
        %dma_wait3A_153 = arith.constant 0 : i32
        %dma_wait3A_154 = tpu.memref_slice %arg6[%dma_wait3A_143, %dma_wait3A_152, %dma_wait3A_153] : memref<2x128x128xf32, #tpu.memory_space<vmem>> -> memref<1x128x128xf32, #tpu.memory_space<vmem>>
        %dma_wait3A_155 = tpu.memref_squeeze %dma_wait3A_154 : memref<1x128x128xf32, #tpu.memory_space<vmem>> -> memref<128x128xf32, #tpu.memory_space<vmem>>
        tpu.wait_dma2 semaphore(%arg10 : memref<!tpu.dma_semaphore, #tpu.memory_space<semaphore_mem>>) src(%dma_wait3A_155 : memref<128x128xf32, #tpu.memory_space<vmem>>) dst(%dma_wait3A_151 : memref<128x128xf32, #tpu.memory_space<hbm>>)
      } else {
      }
      %run_scoped3A_66 = arith.constant 1 : i32
      "tpu.region"() ({
        %run_scoped3A_143 = tpu.sem_alloc : memref<!tpu.dma_semaphore, #tpu.memory_space<semaphore_mem>>
        %dma_start3A_144 = arith.constant 0 : i32
        %dma_start3A_145 = tpu.memref_slice %arg5[%run_scoped3A_66, %dma_start3A_144] : memref<2x128xi32, #tpu.memory_space<vmem>> -> memref<1x128xi32, #tpu.memory_space<vmem>>
        %dma_start3A_146 = tpu.memref_squeeze %dma_start3A_145 : memref<1x128xi32, #tpu.memory_space<vmem>> -> memref<128xi32, #tpu.memory_space<vmem>>
        %dma_start3A_147 = tpu.memref_slice %arg3[%add3A_60] : memref<81920xi32, #tpu.memory_space<hbm>> -> memref<128xi32, #tpu.memory_space<hbm>>
        %dma_start3A_148 = arith.constant 0 : i32
        %dma_start3A_149 = tpu.memref_slice %arg5[%run_scoped3A_66, %dma_start3A_148] : memref<2x128xi32, #tpu.memory_space<vmem>> -> memref<1x128xi32, #tpu.memory_space<vmem>>
        %dma_start3A_150 = tpu.memref_squeeze %dma_start3A_149 : memref<1x128xi32, #tpu.memory_space<vmem>> -> memref<128xi32, #tpu.memory_space<vmem>>
        %dma_start3A_151 = tpu.memref_slice %arg3[%add3A_60] : memref<81920xi32, #tpu.memory_space<hbm>> -> memref<128xi32, #tpu.memory_space<hbm>>
        tpu.enqueue_dma source(%dma_start3A_151 : memref<128xi32, #tpu.memory_space<hbm>>) target(%dma_start3A_150 : memref<128xi32, #tpu.memory_space<vmem>>) target_semaphore(%run_scoped3A_143 : memref<!tpu.dma_semaphore, #tpu.memory_space<semaphore_mem>>)
        %dma_wait3A_152 = arith.constant 0 : i32
        %dma_wait3A_153 = tpu.memref_slice %arg5[%run_scoped3A_66, %dma_wait3A_152] : memref<2x128xi32, #tpu.memory_space<vmem>> -> memref<1x128xi32, #tpu.memory_space<vmem>>
        %dma_wait3A_154 = tpu.memref_squeeze %dma_wait3A_153 : memref<1x128xi32, #tpu.memory_space<vmem>> -> memref<128xi32, #tpu.memory_space<vmem>>
        %dma_wait3A_155 = tpu.memref_slice %arg3[%add3A_60] : memref<81920xi32, #tpu.memory_space<hbm>> -> memref<128xi32, #tpu.memory_space<hbm>>
        %dma_wait3A_156 = arith.constant 0 : i32
        %dma_wait3A_157 = tpu.memref_slice %arg5[%run_scoped3A_66, %dma_wait3A_156] : memref<2x128xi32, #tpu.memory_space<vmem>> -> memref<1x128xi32, #tpu.memory_space<vmem>>
        %dma_wait3A_158 = tpu.memref_squeeze %dma_wait3A_157 : memref<1x128xi32, #tpu.memory_space<vmem>> -> memref<128xi32, #tpu.memory_space<vmem>>
        %dma_wait3A_159 = tpu.memref_slice %arg3[%add3A_60] : memref<81920xi32, #tpu.memory_space<hbm>> -> memref<128xi32, #tpu.memory_space<hbm>>
        tpu.wait_dma2 semaphore(%run_scoped3A_143 : memref<!tpu.dma_semaphore, #tpu.memory_space<semaphore_mem>>) src(%dma_wait3A_159 : memref<128xi32, #tpu.memory_space<hbm>>) dst(%dma_wait3A_158 : memref<128xi32, #tpu.memory_space<vmem>>)
        tpu.yield
      }) : () -> ()
      %dma_start3A_67 = arith.constant 1 : i32
      %dma_start3A_68 = arith.constant 1 : i32
      %dma_start3A_69 = arith.constant 0 : i32
      %dma_start3A_70 = arith.constant 0 : i32
      %dma_start3A_71 = tpu.memref_slice %arg6[%dma_start3A_68, %dma_start3A_69, %dma_start3A_70] : memref<2x128x128xf32, #tpu.memory_space<vmem>> -> memref<1x128x128xf32, #tpu.memory_space<vmem>>
      %dma_start3A_72 = tpu.memref_squeeze %dma_start3A_71 : memref<1x128x128xf32, #tpu.memory_space<vmem>> -> memref<128x128xf32, #tpu.memory_space<vmem>>
      %dma_start3A_73 = arith.constant 0 : i32
      %dma_start3A_74 = tpu.memref_slice %arg5[%dma_start3A_67, %dma_start3A_73] : memref<2x128xi32, #tpu.memory_space<vmem>> -> memref<1x128xi32, #tpu.memory_space<vmem>>
      %dma_start3A_75 = tpu.memref_squeeze %dma_start3A_74 : memref<1x128xi32, #tpu.memory_space<vmem>> -> memref<128xi32, #tpu.memory_space<vmem>>
      %dma_start3A_76 = arith.constant 0 : i32
      %dma_start3A_77 = arith.constant 0 : i32
      %dma_start3A_78 = tpu.memref_slice %arg2[%dma_start3A_76, %dma_start3A_77] : memref<8192x128xf32, #tpu.memory_space<hbm>> -> memref<8192x128xf32, #tpu.memory_space<hbm>>
      tpu.enqueue_indirect_dma source(%dma_start3A_78 : memref<8192x128xf32, #tpu.memory_space<hbm>>) target(%dma_start3A_72 : memref<128x128xf32, #tpu.memory_space<vmem>>) offsets(%dma_start3A_75 : memref<128xi32, #tpu.memory_space<vmem>>) semaphore(%arg8 : memref<!tpu.dma_semaphore, #tpu.memory_space<semaphore_mem>>)
      %mul3A_79 = arith.constant 2 : i32
      %mul3A_80 = arith.muli %mul3A_79, %scan3A_33 : i32
      %add3A_81 = arith.constant 0 : i32
      %add3A_82 = arith.addi %mul3A_80, %add3A_81 : i32
      %mul3A_83 = arith.constant 128 : i32
      %mul3A_84 = arith.muli %add3A_82, %mul3A_83 : i32
      %add3A_85 = arith.addi %mul3A_2, %mul3A_84 : i32
      %dma_wait3A_86 = arith.constant 0 : i32
      %dma_wait3A_87 = arith.constant 0 : i32
      %dma_wait3A_88 = arith.constant 0 : i32
      %dma_wait3A_89 = arith.constant 0 : i32
      %dma_wait3A_90 = tpu.memref_slice %arg6[%dma_wait3A_87, %dma_wait3A_88, %dma_wait3A_89] : memref<2x128x128xf32, #tpu.memory_space<vmem>> -> memref<1x128x128xf32, #tpu.memory_space<vmem>>
      %dma_wait3A_91 = tpu.memref_squeeze %dma_wait3A_90 : memref<1x128x128xf32, #tpu.memory_space<vmem>> -> memref<128x128xf32, #tpu.memory_space<vmem>>
      %dma_wait3A_92 = arith.constant 0 : i32
      %dma_wait3A_93 = tpu.memref_slice %arg5[%dma_wait3A_86, %dma_wait3A_92] : memref<2x128xi32, #tpu.memory_space<vmem>> -> memref<1x128xi32, #tpu.memory_space<vmem>>
      %dma_wait3A_94 = tpu.memref_squeeze %dma_wait3A_93 : memref<1x128xi32, #tpu.memory_space<vmem>> -> memref<128xi32, #tpu.memory_space<vmem>>
      %dma_wait3A_95 = arith.constant 0 : i32
      %dma_wait3A_96 = arith.constant 0 : i32
      %dma_wait3A_97 = tpu.memref_slice %arg2[%dma_wait3A_95, %dma_wait3A_96] : memref<8192x128xf32, #tpu.memory_space<hbm>> -> memref<8192x128xf32, #tpu.memory_space<hbm>>
      tpu.wait_indirect_dma semaphore(%arg7 : memref<!tpu.dma_semaphore, #tpu.memory_space<semaphore_mem>>) src(%dma_wait3A_97 : memref<8192x128xf32, #tpu.memory_space<hbm>>) dst(%dma_wait3A_91 : memref<128x128xf32, #tpu.memory_space<vmem>>)
      %dma_start3A_98 = arith.constant 0 : i32
      %dma_start3A_99 = arith.constant 0 : i32
      %dma_start3A_100 = arith.constant 0 : i32
      %dma_start3A_101 = tpu.memref_slice %arg6[%dma_start3A_98, %dma_start3A_99, %dma_start3A_100] : memref<2x128x128xf32, #tpu.memory_space<vmem>> -> memref<1x128x128xf32, #tpu.memory_space<vmem>>
      %dma_start3A_102 = tpu.memref_squeeze %dma_start3A_101 : memref<1x128x128xf32, #tpu.memory_space<vmem>> -> memref<128x128xf32, #tpu.memory_space<vmem>>
      %dma_start3A_103 = arith.constant 0 : i32
      %dma_start3A_104 = tpu.memref_slice %arg4[%add3A_85, %dma_start3A_103] : memref<81920x128xf32, #tpu.memory_space<hbm>> -> memref<128x128xf32, #tpu.memory_space<hbm>>
      %dma_start3A_105 = arith.constant 0 : i32
      %dma_start3A_106 = tpu.memref_slice %arg4[%add3A_85, %dma_start3A_105] : memref<81920x128xf32, #tpu.memory_space<hbm>> -> memref<128x128xf32, #tpu.memory_space<hbm>>
      %dma_start3A_107 = arith.constant 0 : i32
      %dma_start3A_108 = arith.constant 0 : i32
      %dma_start3A_109 = tpu.memref_slice %arg6[%dma_start3A_98, %dma_start3A_107, %dma_start3A_108] : memref<2x128x128xf32, #tpu.memory_space<vmem>> -> memref<1x128x128xf32, #tpu.memory_space<vmem>>
      %dma_start3A_110 = tpu.memref_squeeze %dma_start3A_109 : memref<1x128x128xf32, #tpu.memory_space<vmem>> -> memref<128x128xf32, #tpu.memory_space<vmem>>
      tpu.enqueue_dma source(%dma_start3A_110 : memref<128x128xf32, #tpu.memory_space<vmem>>) target(%dma_start3A_106 : memref<128x128xf32, #tpu.memory_space<hbm>>) target_semaphore(%arg9 : memref<!tpu.dma_semaphore, #tpu.memory_space<semaphore_mem>>)
      %mul3A_111 = arith.constant 2 : i32
      %mul3A_112 = arith.muli %mul3A_111, %scan3A_33 : i32
      %add3A_113 = arith.constant 1 : i32
      %add3A_114 = arith.addi %mul3A_112, %add3A_113 : i32
      %mul3A_115 = arith.constant 128 : i32
      %mul3A_116 = arith.muli %add3A_114, %mul3A_115 : i32
      %add3A_117 = arith.addi %mul3A_2, %mul3A_116 : i32
      %dma_wait3A_118 = arith.constant 1 : i32
      %dma_wait3A_119 = arith.constant 1 : i32
      %dma_wait3A_120 = arith.constant 0 : i32
      %dma_wait3A_121 = arith.constant 0 : i32
      %dma_wait3A_122 = tpu.memref_slice %arg6[%dma_wait3A_119, %dma_wait3A_120, %dma_wait3A_121] : memref<2x128x128xf32, #tpu.memory_space<vmem>> -> memref<1x128x128xf32, #tpu.memory_space<vmem>>
      %dma_wait3A_123 = tpu.memref_squeeze %dma_wait3A_122 : memref<1x128x128xf32, #tpu.memory_space<vmem>> -> memref<128x128xf32, #tpu.memory_space<vmem>>
      %dma_wait3A_124 = arith.constant 0 : i32
      %dma_wait3A_125 = tpu.memref_slice %arg5[%dma_wait3A_118, %dma_wait3A_124] : memref<2x128xi32, #tpu.memory_space<vmem>> -> memref<1x128xi32, #tpu.memory_space<vmem>>
      %dma_wait3A_126 = tpu.memref_squeeze %dma_wait3A_125 : memref<1x128xi32, #tpu.memory_space<vmem>> -> memref<128xi32, #tpu.memory_space<vmem>>
      %dma_wait3A_127 = arith.constant 0 : i32
      %dma_wait3A_128 = arith.constant 0 : i32
      %dma_wait3A_129 = tpu.memref_slice %arg2[%dma_wait3A_127, %dma_wait3A_128] : memref<8192x128xf32, #tpu.memory_space<hbm>> -> memref<8192x128xf32, #tpu.memory_space<hbm>>
      tpu.wait_indirect_dma semaphore(%arg8 : memref<!tpu.dma_semaphore, #tpu.memory_space<semaphore_mem>>) src(%dma_wait3A_129 : memref<8192x128xf32, #tpu.memory_space<hbm>>) dst(%dma_wait3A_123 : memref<128x128xf32, #tpu.memory_space<vmem>>)
      %dma_start3A_130 = arith.constant 1 : i32
      %dma_start3A_131 = arith.constant 0 : i32
      %dma_start3A_132 = arith.constant 0 : i32
      %dma_start3A_133 = tpu.memref_slice %arg6[%dma_start3A_130, %dma_start3A_131, %dma_start3A_132] : memref<2x128x128xf32, #tpu.memory_space<vmem>> -> memref<1x128x128xf32, #tpu.memory_space<vmem>>
      %dma_start3A_134 = tpu.memref_squeeze %dma_start3A_133 : memref<1x128x128xf32, #tpu.memory_space<vmem>> -> memref<128x128xf32, #tpu.memory_space<vmem>>
      %dma_start3A_135 = arith.constant 0 : i32
      %dma_start3A_136 = tpu.memref_slice %arg4[%add3A_117, %dma_start3A_135] : memref<81920x128xf32, #tpu.memory_space<hbm>> -> memref<128x128xf32, #tpu.memory_space<hbm>>
      %dma_start3A_137 = arith.constant 0 : i32
      %dma_start3A_138 = tpu.memref_slice %arg4[%add3A_117, %dma_start3A_137] : memref<81920x128xf32, #tpu.memory_space<hbm>> -> memref<128x128xf32, #tpu.memory_space<hbm>>
      %dma_start3A_139 = arith.constant 0 : i32
      %dma_start3A_140 = arith.constant 0 : i32
      %dma_start3A_141 = tpu.memref_slice %arg6[%dma_start3A_130, %dma_start3A_139, %dma_start3A_140] : memref<2x128x128xf32, #tpu.memory_space<vmem>> -> memref<1x128x128xf32, #tpu.memory_space<vmem>>
      %dma_start3A_142 = tpu.memref_squeeze %dma_start3A_141 : memref<1x128x128xf32, #tpu.memory_space<vmem>> -> memref<128x128xf32, #tpu.memory_space<vmem>>
      tpu.enqueue_dma source(%dma_start3A_142 : memref<128x128xf32, #tpu.memory_space<vmem>>) target(%dma_start3A_138 : memref<128x128xf32, #tpu.memory_space<hbm>>) target_semaphore(%arg10 : memref<!tpu.dma_semaphore, #tpu.memory_space<semaphore_mem>>)
    }
    %scan3A_7 = arith.constant 10 : i32
    %dma_wait3A = arith.constant 0 : i32
    %dma_wait3A_8 = arith.constant 0 : i32
    %dma_wait3A_9 = arith.constant 0 : i32
    %dma_wait3A_10 = tpu.memref_slice %arg6[%dma_wait3A, %dma_wait3A_8, %dma_wait3A_9] : memref<2x128x128xf32, #tpu.memory_space<vmem>> -> memref<1x128x128xf32, #tpu.memory_space<vmem>>
    %dma_wait3A_11 = tpu.memref_squeeze %dma_wait3A_10 : memref<1x128x128xf32, #tpu.memory_space<vmem>> -> memref<128x128xf32, #tpu.memory_space<vmem>>
    %dma_wait3A_12 = arith.constant 0 : i32
    %dma_wait3A_13 = tpu.memref_slice %arg4[%mul3A_2, %dma_wait3A_12] : memref<81920x128xf32, #tpu.memory_space<hbm>> -> memref<128x128xf32, #tpu.memory_space<hbm>>
    %dma_wait3A_14 = arith.constant 0 : i32
    %dma_wait3A_15 = tpu.memref_slice %arg4[%mul3A_2, %dma_wait3A_14] : memref<81920x128xf32, #tpu.memory_space<hbm>> -> memref<128x128xf32, #tpu.memory_space<hbm>>
    %dma_wait3A_16 = arith.constant 0 : i32
    %dma_wait3A_17 = arith.constant 0 : i32
    %dma_wait3A_18 = tpu.memref_slice %arg6[%dma_wait3A, %dma_wait3A_16, %dma_wait3A_17] : memref<2x128x128xf32, #tpu.memory_space<vmem>> -> memref<1x128x128xf32, #tpu.memory_space<vmem>>
    %dma_wait3A_19 = tpu.memref_squeeze %dma_wait3A_18 : memref<1x128x128xf32, #tpu.memory_space<vmem>> -> memref<128x128xf32, #tpu.memory_space<vmem>>
    tpu.wait_dma2 semaphore(%arg9 : memref<!tpu.dma_semaphore, #tpu.memory_space<semaphore_mem>>) src(%dma_wait3A_19 : memref<128x128xf32, #tpu.memory_space<vmem>>) dst(%dma_wait3A_15 : memref<128x128xf32, #tpu.memory_space<hbm>>)
    %dma_wait3A_20 = arith.constant 1 : i32
    %dma_wait3A_21 = arith.constant 0 : i32
    %dma_wait3A_22 = arith.constant 0 : i32
    %dma_wait3A_23 = tpu.memref_slice %arg6[%dma_wait3A_20, %dma_wait3A_21, %dma_wait3A_22] : memref<2x128x128xf32, #tpu.memory_space<vmem>> -> memref<1x128x128xf32, #tpu.memory_space<vmem>>
    %dma_wait3A_24 = tpu.memref_squeeze %dma_wait3A_23 : memref<1x128x128xf32, #tpu.memory_space<vmem>> -> memref<128x128xf32, #tpu.memory_space<vmem>>
    %dma_wait3A_25 = arith.constant 0 : i32
    %dma_wait3A_26 = tpu.memref_slice %arg4[%mul3A_2, %dma_wait3A_25] : memref<81920x128xf32, #tpu.memory_space<hbm>> -> memref<128x128xf32, #tpu.memory_space<hbm>>
    %dma_wait3A_27 = arith.constant 0 : i32
    %dma_wait3A_28 = tpu.memref_slice %arg4[%mul3A_2, %dma_wait3A_27] : memref<81920x128xf32, #tpu.memory_space<hbm>> -> memref<128x128xf32, #tpu.memory_space<hbm>>
    %dma_wait3A_29 = arith.constant 0 : i32
    %dma_wait3A_30 = arith.constant 0 : i32
    %dma_wait3A_31 = tpu.memref_slice %arg6[%dma_wait3A_20, %dma_wait3A_29, %dma_wait3A_30] : memref<2x128x128xf32, #tpu.memory_space<vmem>> -> memref<1x128x128xf32, #tpu.memory_space<vmem>>
    %dma_wait3A_32 = tpu.memref_squeeze %dma_wait3A_31 : memref<1x128x128xf32, #tpu.memory_space<vmem>> -> memref<128x128xf32, #tpu.memory_space<vmem>>
    tpu.wait_dma2 semaphore(%arg10 : memref<!tpu.dma_semaphore, #tpu.memory_space<semaphore_mem>>) src(%dma_wait3A_32 : memref<128x128xf32, #tpu.memory_space<vmem>>) dst(%dma_wait3A_28 : memref<128x128xf32, #tpu.memory_space<hbm>>)
    return
  }
}

#map = affine_map<(d0, d1) -> (0, 0)>
#map1 = affine_map<(d0, d1) -> (0)>
module attributes {stable_mosaic.version = 14 : i64} {
  func.func @gather(%arg0: i32, %arg1: i32, %arg2: memref<8192x128xf32, #tpu.memory_space<hbm>>, %arg3: memref<81920xi32, #tpu.memory_space<hbm>>, %arg4: memref<81920x128xf32, #tpu.memory_space<hbm>>, %arg5: memref<2x128xi32, #tpu.memory_space<vmem>>, %arg6: memref<2x128x128xf32, #tpu.memory_space<vmem>>, %arg7: memref<!tpu.dma_semaphore, #tpu.memory_space<semaphore_mem>>, %arg8: memref<!tpu.dma_semaphore, #tpu.memory_space<semaphore_mem>>, %arg9: memref<!tpu.dma_semaphore, #tpu.memory_space<semaphore_mem>>, %arg10: memref<!tpu.dma_semaphore, #tpu.memory_space<semaphore_mem>>) attributes {dimension_semantics = [#tpu.dimension_semantics<core_parallel>, #tpu.dimension_semantics<subcore_parallel>], iteration_bounds = array<i64: 2, 16>, scalar_prefetch = 0 : i64, scratch_operands = 6 : i64, tpu.core_type = #tpu.core_type<sc_vector_subcore>, window_params = [{transform_indices = #map}, {transform_indices = #map1}, {transform_indices = #map}]} {
    %mul3A = arith.constant 2 : i32
    %mul3A_0 = arith.muli %arg1, %mul3A : i32
    %add3A = arith.addi %mul3A_0, %arg0 : i32
    %mul3A_1 = arith.constant 2560 : i32
    %mul3A_2 = arith.muli %add3A, %mul3A_1 : i32
    %scan3A = arith.constant 0 : i32
    %scan3A_3 = arith.constant 0 : i32
    %scan3A_4 = arith.constant 10 : i32
    %scan3A_5 = arith.addi %scan3A_3, %scan3A_4 : i32
    %scan3A_6 = arith.constant 1 : i32
    scf.for %scan3A_33 = %scan3A_3 to %scan3A_5 step %scan3A_6  : i32 {
      %mul3A_34 = arith.constant 2 : i32
      %mul3A_35 = arith.muli %mul3A_34, %scan3A_33 : i32
      %add3A_36 = arith.constant 0 : i32
      %add3A_37 = arith.addi %mul3A_35, %add3A_36 : i32
      %mul3A_38 = arith.constant 128 : i32
      %mul3A_39 = arith.muli %add3A_37, %mul3A_38 : i32
      %add3A_40 = arith.addi %mul3A_2, %mul3A_39 : i32
      %gt3A = arith.constant 0 : i32
      %gt3A_41 = arith.cmpi sgt, %scan3A_33, %gt3A : i32
      %convert_element_type3A = arith.extui %gt3A_41 : i1 to i32
      %cond3A = arith.constant 0 : i32
      %cond3A_42 = arith.cmpi ne, %convert_element_type3A, %cond3A : i32
      scf.if %cond3A_42 {
        %dma_wait3A_143 = arith.constant 0 : i32
        %dma_wait3A_144 = arith.constant 0 : i32
        %dma_wait3A_145 = arith.constant 0 : i32
        %dma_wait3A_146 = tpu.memref_slice %arg6[%dma_wait3A_143, %dma_wait3A_144, %dma_wait3A_145] : memref<2x128x128xf32, #tpu.memory_space<vmem>> -> memref<1x128x128xf32, #tpu.memory_space<vmem>>
        %dma_wait3A_147 = tpu.memref_squeeze %dma_wait3A_146 : memref<1x128x128xf32, #tpu.memory_space<vmem>> -> memref<128x128xf32, #tpu.memory_space<vmem>>
        %dma_wait3A_148 = arith.constant 0 : i32
        %dma_wait3A_149 = tpu.memref_slice %arg4[%add3A_40, %dma_wait3A_148] : memref<81920x128xf32, #tpu.memory_space<hbm>> -> memref<128x128xf32, #tpu.memory_space<hbm>>
        %dma_wait3A_150 = arith.constant 0 : i32
        %dma_wait3A_151 = tpu.memref_slice %arg4[%add3A_40, %dma_wait3A_150] : memref<81920x128xf32, #tpu.memory_space<hbm>> -> memref<128x128xf32, #tpu.memory_space<hbm>>
        %dma_wait3A_152 = arith.constant 0 : i32
        %dma_wait3A_153 = arith.constant 0 : i32
        %dma_wait3A_154 = tpu.memref_slice %arg6[%dma_wait3A_143, %dma_wait3A_152, %dma_wait3A_153] : memref<2x128x128xf32, #tpu.memory_space<vmem>> -> memref<1x128x128xf32, #tpu.memory_space<vmem>>
        %dma_wait3A_155 = tpu.memref_squeeze %dma_wait3A_154 : memref<1x128x128xf32, #tpu.memory_space<vmem>> -> memref<128x128xf32, #tpu.memory_space<vmem>>
        tpu.wait_dma2 semaphore(%arg9 : memref<!tpu.dma_semaphore, #tpu.memory_space<semaphore_mem>>) src(%dma_wait3A_155 : memref<128x128xf32, #tpu.memory_space<vmem>>) dst(%dma_wait3A_151 : memref<128x128xf32, #tpu.memory_space<hbm>>)
      } else {
      }
      %run_scoped3A = arith.constant 0 : i32
      "tpu.region"() ({
        %run_scoped3A_143 = tpu.sem_alloc : memref<!tpu.dma_semaphore, #tpu.memory_space<semaphore_mem>>
        %dma_start3A_144 = arith.constant 0 : i32
        %dma_start3A_145 = tpu.memref_slice %arg5[%run_scoped3A, %dma_start3A_144] : memref<2x128xi32, #tpu.memory_space<vmem>> -> memref<1x128xi32, #tpu.memory_space<vmem>>
        %dma_start3A_146 = tpu.memref_squeeze %dma_start3A_145 : memref<1x128xi32, #tpu.memory_space<vmem>> -> memref<128xi32, #tpu.memory_space<vmem>>
        %dma_start3A_147 = tpu.memref_slice %arg3[%add3A_40] : memref<81920xi32, #tpu.memory_space<hbm>> -> memref<128xi32, #tpu.memory_space<hbm>>
        %dma_start3A_148 = arith.constant 0 : i32
        %dma_start3A_149 = tpu.memref_slice %arg5[%run_scoped3A, %dma_start3A_148] : memref<2x128xi32, #tpu.memory_space<vmem>> -> memref<1x128xi32, #tpu.memory_space<vmem>>
        %dma_start3A_150 = tpu.memref_squeeze %dma_start3A_149 : memref<1x128xi32, #tpu.memory_space<vmem>> -> memref<128xi32, #tpu.memory_space<vmem>>
        %dma_start3A_151 = tpu.memref_slice %arg3[%add3A_40] : memref<81920xi32, #tpu.memory_space<hbm>> -> memref<128xi32, #tpu.memory_space<hbm>>
        tpu.enqueue_dma source(%dma_start3A_151 : memref<128xi32, #tpu.memory_space<hbm>>) target(%dma_start3A_150 : memref<128xi32, #tpu.memory_space<vmem>>) target_semaphore(%run_scoped3A_143 : memref<!tpu.dma_semaphore, #tpu.memory_space<semaphore_mem>>)
        %dma_wait3A_152 = arith.constant 0 : i32
        %dma_wait3A_153 = tpu.memref_slice %arg5[%run_scoped3A, %dma_wait3A_152] : memref<2x128xi32, #tpu.memory_space<vmem>> -> memref<1x128xi32, #tpu.memory_space<vmem>>
        %dma_wait3A_154 = tpu.memref_squeeze %dma_wait3A_153 : memref<1x128xi32, #tpu.memory_space<vmem>> -> memref<128xi32, #tpu.memory_space<vmem>>
        %dma_wait3A_155 = tpu.memref_slice %arg3[%add3A_40] : memref<81920xi32, #tpu.memory_space<hbm>> -> memref<128xi32, #tpu.memory_space<hbm>>
        %dma_wait3A_156 = arith.constant 0 : i32
        %dma_wait3A_157 = tpu.memref_slice %arg5[%run_scoped3A, %dma_wait3A_156] : memref<2x128xi32, #tpu.memory_space<vmem>> -> memref<1x128xi32, #tpu.memory_space<vmem>>
        %dma_wait3A_158 = tpu.memref_squeeze %dma_wait3A_157 : memref<1x128xi32, #tpu.memory_space<vmem>> -> memref<128xi32, #tpu.memory_space<vmem>>
        %dma_wait3A_159 = tpu.memref_slice %arg3[%add3A_40] : memref<81920xi32, #tpu.memory_space<hbm>> -> memref<128xi32, #tpu.memory_space<hbm>>
        tpu.wait_dma2 semaphore(%run_scoped3A_143 : memref<!tpu.dma_semaphore, #tpu.memory_space<semaphore_mem>>) src(%dma_wait3A_159 : memref<128xi32, #tpu.memory_space<hbm>>) dst(%dma_wait3A_158 : memref<128xi32, #tpu.memory_space<vmem>>)
        tpu.yield
      }) : () -> ()
      %dma_start3A = arith.constant 0 : i32
      %dma_start3A_43 = arith.constant 0 : i32
      %dma_start3A_44 = arith.constant 0 : i32
      %dma_start3A_45 = arith.constant 0 : i32
      %dma_start3A_46 = tpu.memref_slice %arg6[%dma_start3A_43, %dma_start3A_44, %dma_start3A_45] : memref<2x128x128xf32, #tpu.memory_space<vmem>> -> memref<1x128x128xf32, #tpu.memory_space<vmem>>
      %dma_start3A_47 = tpu.memref_squeeze %dma_start3A_46 : memref<1x128x128xf32, #tpu.memory_space<vmem>> -> memref<128x128xf32, #tpu.memory_space<vmem>>
      %dma_start3A_48 = arith.constant 0 : i32
      %dma_start3A_49 = tpu.memref_slice %arg5[%dma_start3A, %dma_start3A_48] : memref<2x128xi32, #tpu.memory_space<vmem>> -> memref<1x128xi32, #tpu.memory_space<vmem>>
      %dma_start3A_50 = tpu.memref_squeeze %dma_start3A_49 : memref<1x128xi32, #tpu.memory_space<vmem>> -> memref<128xi32, #tpu.memory_space<vmem>>
      %dma_start3A_51 = arith.constant 0 : i32
      %dma_start3A_52 = arith.constant 0 : i32
      %dma_start3A_53 = tpu.memref_slice %arg2[%dma_start3A_51, %dma_start3A_52] : memref<8192x128xf32, #tpu.memory_space<hbm>> -> memref<8192x128xf32, #tpu.memory_space<hbm>>
      tpu.enqueue_indirect_dma source(%dma_start3A_53 : memref<8192x128xf32, #tpu.memory_space<hbm>>) target(%dma_start3A_47 : memref<128x128xf32, #tpu.memory_space<vmem>>) offsets(%dma_start3A_50 : memref<128xi32, #tpu.memory_space<vmem>>) semaphore(%arg7 : memref<!tpu.dma_semaphore, #tpu.memory_space<semaphore_mem>>)
      %mul3A_54 = arith.constant 2 : i32
      %mul3A_55 = arith.muli %mul3A_54, %scan3A_33 : i32
      %add3A_56 = arith.constant 1 : i32
      %add3A_57 = arith.addi %mul3A_55, %add3A_56 : i32
      %mul3A_58 = arith.constant 128 : i32
      %mul3A_59 = arith.muli %add3A_57, %mul3A_58 : i32
      %add3A_60 = arith.addi %mul3A_2, %mul3A_59 : i32
      %gt3A_61 = arith.constant 0 : i32
      %gt3A_62 = arith.cmpi sgt, %scan3A_33, %gt3A_61 : i32
      %convert_element_type3A_63 = arith.extui %gt3A_62 : i1 to i32
      %cond3A_64 = arith.constant 0 : i32
      %cond3A_65 = arith.cmpi ne, %convert_element_type3A_63, %cond3A_64 : i32
      scf.if %cond3A_65 {
        %dma_wait3A_143 = arith.constant 1 : i32
        %dma_wait3A_144 = arith.constant 0 : i32
        %dma_wait3A_145 = arith.constant 0 : i32
        %dma_wait3A_146 = tpu.memref_slice %arg6[%dma_wait3A_143, %dma_wait3A_144, %dma_wait3A_145] : memref<2x128x128xf32, #tpu.memory_space<vmem>> -> memref<1x128x128xf32, #tpu.memory_space<vmem>>
        %dma_wait3A_147 = tpu.memref_squeeze %dma_wait3A_146 : memref<1x128x128xf32, #tpu.memory_space<vmem>> -> memref<128x128xf32, #tpu.memory_space<vmem>>
        %dma_wait3A_148 = arith.constant 0 : i32
        %dma_wait3A_149 = tpu.memref_slice %arg4[%add3A_60, %dma_wait3A_148] : memref<81920x128xf32, #tpu.memory_space<hbm>> -> memref<128x128xf32, #tpu.memory_space<hbm>>
        %dma_wait3A_150 = arith.constant 0 : i32
        %dma_wait3A_151 = tpu.memref_slice %arg4[%add3A_60, %dma_wait3A_150] : memref<81920x128xf32, #tpu.memory_space<hbm>> -> memref<128x128xf32, #tpu.memory_space<hbm>>
        %dma_wait3A_152 = arith.constant 0 : i32
        %dma_wait3A_153 = arith.constant 0 : i32
        %dma_wait3A_154 = tpu.memref_slice %arg6[%dma_wait3A_143, %dma_wait3A_152, %dma_wait3A_153] : memref<2x128x128xf32, #tpu.memory_space<vmem>> -> memref<1x128x128xf32, #tpu.memory_space<vmem>>
        %dma_wait3A_155 = tpu.memref_squeeze %dma_wait3A_154 : memref<1x128x128xf32, #tpu.memory_space<vmem>> -> memref<128x128xf32, #tpu.memory_space<vmem>>
        tpu.wait_dma2 semaphore(%arg10 : memref<!tpu.dma_semaphore, #tpu.memory_space<semaphore_mem>>) src(%dma_wait3A_155 : memref<128x128xf32, #tpu.memory_space<vmem>>) dst(%dma_wait3A_151 : memref<128x128xf32, #tpu.memory_space<hbm>>)
      } else {
      }
      %run_scoped3A_66 = arith.constant 1 : i32
      "tpu.region"() ({
        %run_scoped3A_143 = tpu.sem_alloc : memref<!tpu.dma_semaphore, #tpu.memory_space<semaphore_mem>>
        %dma_start3A_144 = arith.constant 0 : i32
        %dma_start3A_145 = tpu.memref_slice %arg5[%run_scoped3A_66, %dma_start3A_144] : memref<2x128xi32, #tpu.memory_space<vmem>> -> memref<1x128xi32, #tpu.memory_space<vmem>>
        %dma_start3A_146 = tpu.memref_squeeze %dma_start3A_145 : memref<1x128xi32, #tpu.memory_space<vmem>> -> memref<128xi32, #tpu.memory_space<vmem>>
        %dma_start3A_147 = tpu.memref_slice %arg3[%add3A_60] : memref<81920xi32, #tpu.memory_space<hbm>> -> memref<128xi32, #tpu.memory_space<hbm>>
        %dma_start3A_148 = arith.constant 0 : i32
        %dma_start3A_149 = tpu.memref_slice %arg5[%run_scoped3A_66, %dma_start3A_148] : memref<2x128xi32, #tpu.memory_space<vmem>> -> memref<1x128xi32, #tpu.memory_space<vmem>>
        %dma_start3A_150 = tpu.memref_squeeze %dma_start3A_149 : memref<1x128xi32, #tpu.memory_space<vmem>> -> memref<128xi32, #tpu.memory_space<vmem>>
        %dma_start3A_151 = tpu.memref_slice %arg3[%add3A_60] : memref<81920xi32, #tpu.memory_space<hbm>> -> memref<128xi32, #tpu.memory_space<hbm>>
        tpu.enqueue_dma source(%dma_start3A_151 : memref<128xi32, #tpu.memory_space<hbm>>) target(%dma_start3A_150 : memref<128xi32, #tpu.memory_space<vmem>>) target_semaphore(%run_scoped3A_143 : memref<!tpu.dma_semaphore, #tpu.memory_space<semaphore_mem>>)
        %dma_wait3A_152 = arith.constant 0 : i32
        %dma_wait3A_153 = tpu.memref_slice %arg5[%run_scoped3A_66, %dma_wait3A_152] : memref<2x128xi32, #tpu.memory_space<vmem>> -> memref<1x128xi32, #tpu.memory_space<vmem>>
        %dma_wait3A_154 = tpu.memref_squeeze %dma_wait3A_153 : memref<1x128xi32, #tpu.memory_space<vmem>> -> memref<128xi32, #tpu.memory_space<vmem>>
        %dma_wait3A_155 = tpu.memref_slice %arg3[%add3A_60] : memref<81920xi32, #tpu.memory_space<hbm>> -> memref<128xi32, #tpu.memory_space<hbm>>
        %dma_wait3A_156 = arith.constant 0 : i32
        %dma_wait3A_157 = tpu.memref_slice %arg5[%run_scoped3A_66, %dma_wait3A_156] : memref<2x128xi32, #tpu.memory_space<vmem>> -> memref<1x128xi32, #tpu.memory_space<vmem>>
        %dma_wait3A_158 = tpu.memref_squeeze %dma_wait3A_157 : memref<1x128xi32, #tpu.memory_space<vmem>> -> memref<128xi32, #tpu.memory_space<vmem>>
        %dma_wait3A_159 = tpu.memref_slice %arg3[%add3A_60] : memref<81920xi32, #tpu.memory_space<hbm>> -> memref<128xi32, #tpu.memory_space<hbm>>
        tpu.wait_dma2 semaphore(%run_scoped3A_143 : memref<!tpu.dma_semaphore, #tpu.memory_space<semaphore_mem>>) src(%dma_wait3A_159 : memref<128xi32, #tpu.memory_space<hbm>>) dst(%dma_wait3A_158 : memref<128xi32, #tpu.memory_space<vmem>>)
        tpu.yield
      }) : () -> ()
      %dma_start3A_67 = arith.constant 1 : i32
      %dma_start3A_68 = arith.constant 1 : i32
      %dma_start3A_69 = arith.constant 0 : i32
      %dma_start3A_70 = arith.constant 0 : i32
      %dma_start3A_71 = tpu.memref_slice %arg6[%dma_start3A_68, %dma_start3A_69, %dma_start3A_70] : memref<2x128x128xf32, #tpu.memory_space<vmem>> -> memref<1x128x128xf32, #tpu.memory_space<vmem>>
      %dma_start3A_72 = tpu.memref_squeeze %dma_start3A_71 : memref<1x128x128xf32, #tpu.memory_space<vmem>> -> memref<128x128xf32, #tpu.memory_space<vmem>>
      %dma_start3A_73 = arith.constant 0 : i32
      %dma_start3A_74 = tpu.memref_slice %arg5[%dma_start3A_67, %dma_start3A_73] : memref<2x128xi32, #tpu.memory_space<vmem>> -> memref<1x128xi32, #tpu.memory_space<vmem>>
      %dma_start3A_75 = tpu.memref_squeeze %dma_start3A_74 : memref<1x128xi32, #tpu.memory_space<vmem>> -> memref<128xi32, #tpu.memory_space<vmem>>
      %dma_start3A_76 = arith.constant 0 : i32
      %dma_start3A_77 = arith.constant 0 : i32
      %dma_start3A_78 = tpu.memref_slice %arg2[%dma_start3A_76, %dma_start3A_77] : memref<8192x128xf32, #tpu.memory_space<hbm>> -> memref<8192x128xf32, #tpu.memory_space<hbm>>
      tpu.enqueue_indirect_dma source(%dma_start3A_78 : memref<8192x128xf32, #tpu.memory_space<hbm>>) target(%dma_start3A_72 : memref<128x128xf32, #tpu.memory_space<vmem>>) offsets(%dma_start3A_75 : memref<128xi32, #tpu.memory_space<vmem>>) semaphore(%arg8 : memref<!tpu.dma_semaphore, #tpu.memory_space<semaphore_mem>>)
      %mul3A_79 = arith.constant 2 : i32
      %mul3A_80 = arith.muli %mul3A_79, %scan3A_33 : i32
      %add3A_81 = arith.constant 0 : i32
      %add3A_82 = arith.addi %mul3A_80, %add3A_81 : i32
      %mul3A_83 = arith.constant 128 : i32
      %mul3A_84 = arith.muli %add3A_82, %mul3A_83 : i32
      %add3A_85 = arith.addi %mul3A_2, %mul3A_84 : i32
      %dma_wait3A_86 = arith.constant 0 : i32
      %dma_wait3A_87 = arith.constant 0 : i32
      %dma_wait3A_88 = arith.constant 0 : i32
      %dma_wait3A_89 = arith.constant 0 : i32
      %dma_wait3A_90 = tpu.memref_slice %arg6[%dma_wait3A_87, %dma_wait3A_88, %dma_wait3A_89] : memref<2x128x128xf32, #tpu.memory_space<vmem>> -> memref<1x128x128xf32, #tpu.memory_space<vmem>>
      %dma_wait3A_91 = tpu.memref_squeeze %dma_wait3A_90 : memref<1x128x128xf32, #tpu.memory_space<vmem>> -> memref<128x128xf32, #tpu.memory_space<vmem>>
      %dma_wait3A_92 = arith.constant 0 : i32
      %dma_wait3A_93 = tpu.memref_slice %arg5[%dma_wait3A_86, %dma_wait3A_92] : memref<2x128xi32, #tpu.memory_space<vmem>> -> memref<1x128xi32, #tpu.memory_space<vmem>>
      %dma_wait3A_94 = tpu.memref_squeeze %dma_wait3A_93 : memref<1x128xi32, #tpu.memory_space<vmem>> -> memref<128xi32, #tpu.memory_space<vmem>>
      %dma_wait3A_95 = arith.constant 0 : i32
      %dma_wait3A_96 = arith.constant 0 : i32
      %dma_wait3A_97 = tpu.memref_slice %arg2[%dma_wait3A_95, %dma_wait3A_96] : memref<8192x128xf32, #tpu.memory_space<hbm>> -> memref<8192x128xf32, #tpu.memory_space<hbm>>
      tpu.wait_indirect_dma semaphore(%arg7 : memref<!tpu.dma_semaphore, #tpu.memory_space<semaphore_mem>>) src(%dma_wait3A_97 : memref<8192x128xf32, #tpu.memory_space<hbm>>) dst(%dma_wait3A_91 : memref<128x128xf32, #tpu.memory_space<vmem>>)
      %dma_start3A_98 = arith.constant 0 : i32
      %dma_start3A_99 = arith.constant 0 : i32
      %dma_start3A_100 = arith.constant 0 : i32
      %dma_start3A_101 = tpu.memref_slice %arg6[%dma_start3A_98, %dma_start3A_99, %dma_start3A_100] : memref<2x128x128xf32, #tpu.memory_space<vmem>> -> memref<1x128x128xf32, #tpu.memory_space<vmem>>
      %dma_start3A_102 = tpu.memref_squeeze %dma_start3A_101 : memref<1x128x128xf32, #tpu.memory_space<vmem>> -> memref<128x128xf32, #tpu.memory_space<vmem>>
      %dma_start3A_103 = arith.constant 0 : i32
      %dma_start3A_104 = tpu.memref_slice %arg4[%add3A_85, %dma_start3A_103] : memref<81920x128xf32, #tpu.memory_space<hbm>> -> memref<128x128xf32, #tpu.memory_space<hbm>>
      %dma_start3A_105 = arith.constant 0 : i32
      %dma_start3A_106 = tpu.memref_slice %arg4[%add3A_85, %dma_start3A_105] : memref<81920x128xf32, #tpu.memory_space<hbm>> -> memref<128x128xf32, #tpu.memory_space<hbm>>
      %dma_start3A_107 = arith.constant 0 : i32
      %dma_start3A_108 = arith.constant 0 : i32
      %dma_start3A_109 = tpu.memref_slice %arg6[%dma_start3A_98, %dma_start3A_107, %dma_start3A_108] : memref<2x128x128xf32, #tpu.memory_space<vmem>> -> memref<1x128x128xf32, #tpu.memory_space<vmem>>
      %dma_start3A_110 = tpu.memref_squeeze %dma_start3A_109 : memref<1x128x128xf32, #tpu.memory_space<vmem>> -> memref<128x128xf32, #tpu.memory_space<vmem>>
      tpu.enqueue_dma source(%dma_start3A_110 : memref<128x128xf32, #tpu.memory_space<vmem>>) target(%dma_start3A_106 : memref<128x128xf32, #tpu.memory_space<hbm>>) target_semaphore(%arg9 : memref<!tpu.dma_semaphore, #tpu.memory_space<semaphore_mem>>)
      %mul3A_111 = arith.constant 2 : i32
      %mul3A_112 = arith.muli %mul3A_111, %scan3A_33 : i32
      %add3A_113 = arith.constant 1 : i32
      %add3A_114 = arith.addi %mul3A_112, %add3A_113 : i32
      %mul3A_115 = arith.constant 128 : i32
      %mul3A_116 = arith.muli %add3A_114, %mul3A_115 : i32
      %add3A_117 = arith.addi %mul3A_2, %mul3A_116 : i32
      %dma_wait3A_118 = arith.constant 1 : i32
      %dma_wait3A_119 = arith.constant 1 : i32
      %dma_wait3A_120 = arith.constant 0 : i32
      %dma_wait3A_121 = arith.constant 0 : i32
      %dma_wait3A_122 = tpu.memref_slice %arg6[%dma_wait3A_119, %dma_wait3A_120, %dma_wait3A_121] : memref<2x128x128xf32, #tpu.memory_space<vmem>> -> memref<1x128x128xf32, #tpu.memory_space<vmem>>
      %dma_wait3A_123 = tpu.memref_squeeze %dma_wait3A_122 : memref<1x128x128xf32, #tpu.memory_space<vmem>> -> memref<128x128xf32, #tpu.memory_space<vmem>>
      %dma_wait3A_124 = arith.constant 0 : i32
      %dma_wait3A_125 = tpu.memref_slice %arg5[%dma_wait3A_118, %dma_wait3A_124] : memref<2x128xi32, #tpu.memory_space<vmem>> -> memref<1x128xi32, #tpu.memory_space<vmem>>
      %dma_wait3A_126 = tpu.memref_squeeze %dma_wait3A_125 : memref<1x128xi32, #tpu.memory_space<vmem>> -> memref<128xi32, #tpu.memory_space<vmem>>
      %dma_wait3A_127 = arith.constant 0 : i32
      %dma_wait3A_128 = arith.constant 0 : i32
      %dma_wait3A_129 = tpu.memref_slice %arg2[%dma_wait3A_127, %dma_wait3A_128] : memref<8192x128xf32, #tpu.memory_space<hbm>> -> memref<8192x128xf32, #tpu.memory_space<hbm>>
      tpu.wait_indirect_dma semaphore(%arg8 : memref<!tpu.dma_semaphore, #tpu.memory_space<semaphore_mem>>) src(%dma_wait3A_129 : memref<8192x128xf32, #tpu.memory_space<hbm>>) dst(%dma_wait3A_123 : memref<128x128xf32, #tpu.memory_space<vmem>>)
      %dma_start3A_130 = arith.constant 1 : i32
      %dma_start3A_131 = arith.constant 0 : i32
      %dma_start3A_132 = arith.constant 0 : i32
      %dma_start3A_133 = tpu.memref_slice %arg6[%dma_start3A_130, %dma_start3A_131, %dma_start3A_132] : memref<2x128x128xf32, #tpu.memory_space<vmem>> -> memref<1x128x128xf32, #tpu.memory_space<vmem>>
      %dma_start3A_134 = tpu.memref_squeeze %dma_start3A_133 : memref<1x128x128xf32, #tpu.memory_space<vmem>> -> memref<128x128xf32, #tpu.memory_space<vmem>>
      %dma_start3A_135 = arith.constant 0 : i32
      %dma_start3A_136 = tpu.memref_slice %arg4[%add3A_117, %dma_start3A_135] : memref<81920x128xf32, #tpu.memory_space<hbm>> -> memref<128x128xf32, #tpu.memory_space<hbm>>
      %dma_start3A_137 = arith.constant 0 : i32
      %dma_start3A_138 = tpu.memref_slice %arg4[%add3A_117, %dma_start3A_137] : memref<81920x128xf32, #tpu.memory_space<hbm>> -> memref<128x128xf32, #tpu.memory_space<hbm>>
      %dma_start3A_139 = arith.constant 0 : i32
      %dma_start3A_140 = arith.constant 0 : i32
      %dma_start3A_141 = tpu.memref_slice %arg6[%dma_start3A_130, %dma_start3A_139, %dma_start3A_140] : memref<2x128x128xf32, #tpu.memory_space<vmem>> -> memref<1x128x128xf32, #tpu.memory_space<vmem>>
      %dma_start3A_142 = tpu.memref_squeeze %dma_start3A_141 : memref<1x128x128xf32, #tpu.memory_space<vmem>> -> memref<128x128xf32, #tpu.memory_space<vmem>>
      tpu.enqueue_dma source(%dma_start3A_142 : memref<128x128xf32, #tpu.memory_space<vmem>>) target(%dma_start3A_138 : memref<128x128xf32, #tpu.memory_space<hbm>>) target_semaphore(%arg10 : memref<!tpu.dma_semaphore, #tpu.memory_space<semaphore_mem>>)
    }
    %scan3A_7 = arith.constant 10 : i32
    %dma_wait3A = arith.constant 0 : i32
    %dma_wait3A_8 = arith.constant 0 : i32
    %dma_wait3A_9 = arith.constant 0 : i32
    %dma_wait3A_10 = tpu.memref_slice %arg6[%dma_wait3A, %dma_wait3A_8, %dma_wait3A_9] : memref<2x128x128xf32, #tpu.memory_space<vmem>> -> memref<1x128x128xf32, #tpu.memory_space<vmem>>
    %dma_wait3A_11 = tpu.memref_squeeze %dma_wait3A_10 : memref<1x128x128xf32, #tpu.memory_space<vmem>> -> memref<128x128xf32, #tpu.memory_space<vmem>>
    %dma_wait3A_12 = arith.constant 0 : i32
    %dma_wait3A_13 = tpu.memref_slice %arg4[%mul3A_2, %dma_wait3A_12] : memref<81920x128xf32, #tpu.memory_space<hbm>> -> memref<128x128xf32, #tpu.memory_space<hbm>>
    %dma_wait3A_14 = arith.constant 0 : i32
    %dma_wait3A_15 = tpu.memref_slice %arg4[%mul3A_2, %dma_wait3A_14] : memref<81920x128xf32, #tpu.memory_space<hbm>> -> memref<128x128xf32, #tpu.memory_space<hbm>>
    %dma_wait3A_16 = arith.constant 0 : i32
    %dma_wait3A_17 = arith.constant 0 : i32
    %dma_wait3A_18 = tpu.memref_slice %arg6[%dma_wait3A, %dma_wait3A_16, %dma_wait3A_17] : memref<2x128x128xf32, #tpu.memory_space<vmem>> -> memref<1x128x128xf32, #tpu.memory_space<vmem>>
    %dma_wait3A_19 = tpu.memref_squeeze %dma_wait3A_18 : memref<1x128x128xf32, #tpu.memory_space<vmem>> -> memref<128x128xf32, #tpu.memory_space<vmem>>
    tpu.wait_dma2 semaphore(%arg9 : memref<!tpu.dma_semaphore, #tpu.memory_space<semaphore_mem>>) src(%dma_wait3A_19 : memref<128x128xf32, #tpu.memory_space<vmem>>) dst(%dma_wait3A_15 : memref<128x128xf32, #tpu.memory_space<hbm>>)
    %dma_wait3A_20 = arith.constant 1 : i32
    %dma_wait3A_21 = arith.constant 0 : i32
    %dma_wait3A_22 = arith.constant 0 : i32
    %dma_wait3A_23 = tpu.memref_slice %arg6[%dma_wait3A_20, %dma_wait3A_21, %dma_wait3A_22] : memref<2x128x128xf32, #tpu.memory_space<vmem>> -> memref<1x128x128xf32, #tpu.memory_space<vmem>>
    %dma_wait3A_24 = tpu.memref_squeeze %dma_wait3A_23 : memref<1x128x128xf32, #tpu.memory_space<vmem>> -> memref<128x128xf32, #tpu.memory_space<vmem>>
    %dma_wait3A_25 = arith.constant 0 : i32
    %dma_wait3A_26 = tpu.memref_slice %arg4[%mul3A_2, %dma_wait3A_25] : memref<81920x128xf32, #tpu.memory_space<hbm>> -> memref<128x128xf32, #tpu.memory_space<hbm>>
    %dma_wait3A_27 = arith.constant 0 : i32
    %dma_wait3A_28 = tpu.memref_slice %arg4[%mul3A_2, %dma_wait3A_27] : memref<81920x128xf32, #tpu.memory_space<hbm>> -> memref<128x128xf32, #tpu.memory_space<hbm>>
    %dma_wait3A_29 = arith.constant 0 : i32
    %dma_wait3A_30 = arith.constant 0 : i32
    %dma_wait3A_31 = tpu.memref_slice %arg6[%dma_wait3A_20, %dma_wait3A_29, %dma_wait3A_30] : memref<2x128x128xf32, #tpu.memory_space<vmem>> -> memref<1x128x128xf32, #tpu.memory_space<vmem>>
    %dma_wait3A_32 = tpu.memref_squeeze %dma_wait3A_31 : memref<1x128x128xf32, #tpu.memory_space<vmem>> -> memref<128x128xf32, #tpu.memory_space<vmem>>
    tpu.wait_dma2 semaphore(%arg10 : memref<!tpu.dma_semaphore, #tpu.memory_space<semaphore_mem>>) src(%dma_wait3A_32 : memref<128x128xf32, #tpu.memory_space<vmem>>) dst(%dma_wait3A_28 : memref<128x128xf32, #tpu.memory_space<hbm>>)
    return
  }
}

#map = affine_map<(d0, d1) -> (0, 0)>
#map1 = affine_map<(d0, d1) -> (0)>
module attributes {stable_mosaic.version = 14 : i64} {
  func.func @gather(%arg0: i32, %arg1: i32, %arg2: memref<8192x128xf32, #tpu.memory_space<hbm>>, %arg3: memref<81920xi32, #tpu.memory_space<hbm>>, %arg4: memref<81920x128xf32, #tpu.memory_space<hbm>>, %arg5: memref<2x128xi32, #tpu.memory_space<vmem>>, %arg6: memref<2x128x128xf32, #tpu.memory_space<vmem>>, %arg7: memref<!tpu.dma_semaphore, #tpu.memory_space<semaphore_mem>>, %arg8: memref<!tpu.dma_semaphore, #tpu.memory_space<semaphore_mem>>, %arg9: memref<!tpu.dma_semaphore, #tpu.memory_space<semaphore_mem>>, %arg10: memref<!tpu.dma_semaphore, #tpu.memory_space<semaphore_mem>>) attributes {dimension_semantics = [#tpu.dimension_semantics<core_parallel>, #tpu.dimension_semantics<subcore_parallel>], iteration_bounds = array<i64: 2, 16>, scalar_prefetch = 0 : i64, scratch_operands = 6 : i64, tpu.core_type = #tpu.core_type<sc_vector_subcore>, window_params = [{transform_indices = #map}, {transform_indices = #map1}, {transform_indices = #map}]} {
    %mul3A = arith.constant 2 : i32
    %mul3A_0 = arith.muli %arg1, %mul3A : i32
    %add3A = arith.addi %mul3A_0, %arg0 : i32
    %mul3A_1 = arith.constant 2560 : i32
    %mul3A_2 = arith.muli %add3A, %mul3A_1 : i32
    %scan3A = arith.constant 0 : i32
    %scan3A_3 = arith.constant 0 : i32
    %scan3A_4 = arith.constant 10 : i32
    %scan3A_5 = arith.addi %scan3A_3, %scan3A_4 : i32
    %scan3A_6 = arith.constant 1 : i32
    scf.for %scan3A_33 = %scan3A_3 to %scan3A_5 step %scan3A_6  : i32 {
      %mul3A_34 = arith.constant 2 : i32
      %mul3A_35 = arith.muli %mul3A_34, %scan3A_33 : i32
      %add3A_36 = arith.constant 0 : i32
      %add3A_37 = arith.addi %mul3A_35, %add3A_36 : i32
      %mul3A_38 = arith.constant 128 : i32
      %mul3A_39 = arith.muli %add3A_37, %mul3A_38 : i32
      %add3A_40 = arith.addi %mul3A_2, %mul3A_39 : i32
      %gt3A = arith.constant 0 : i32
      %gt3A_41 = arith.cmpi sgt, %scan3A_33, %gt3A : i32
      %convert_element_type3A = arith.extui %gt3A_41 : i1 to i32
      %cond3A = arith.constant 0 : i32
      %cond3A_42 = arith.cmpi ne, %convert_element_type3A, %cond3A : i32
      scf.if %cond3A_42 {
        %dma_wait3A_143 = arith.constant 0 : i32
        %dma_wait3A_144 = arith.constant 0 : i32
        %dma_wait3A_145 = arith.constant 0 : i32
        %dma_wait3A_146 = tpu.memref_slice %arg6[%dma_wait3A_143, %dma_wait3A_144, %dma_wait3A_145] : memref<2x128x128xf32, #tpu.memory_space<vmem>> -> memref<1x128x128xf32, #tpu.memory_space<vmem>>
        %dma_wait3A_147 = tpu.memref_squeeze %dma_wait3A_146 : memref<1x128x128xf32, #tpu.memory_space<vmem>> -> memref<128x128xf32, #tpu.memory_space<vmem>>
        %dma_wait3A_148 = arith.constant 0 : i32
        %dma_wait3A_149 = tpu.memref_slice %arg4[%add3A_40, %dma_wait3A_148] : memref<81920x128xf32, #tpu.memory_space<hbm>> -> memref<128x128xf32, #tpu.memory_space<hbm>>
        %dma_wait3A_150 = arith.constant 0 : i32
        %dma_wait3A_151 = tpu.memref_slice %arg4[%add3A_40, %dma_wait3A_150] : memref<81920x128xf32, #tpu.memory_space<hbm>> -> memref<128x128xf32, #tpu.memory_space<hbm>>
        %dma_wait3A_152 = arith.constant 0 : i32
        %dma_wait3A_153 = arith.constant 0 : i32
        %dma_wait3A_154 = tpu.memref_slice %arg6[%dma_wait3A_143, %dma_wait3A_152, %dma_wait3A_153] : memref<2x128x128xf32, #tpu.memory_space<vmem>> -> memref<1x128x128xf32, #tpu.memory_space<vmem>>
        %dma_wait3A_155 = tpu.memref_squeeze %dma_wait3A_154 : memref<1x128x128xf32, #tpu.memory_space<vmem>> -> memref<128x128xf32, #tpu.memory_space<vmem>>
        tpu.wait_dma2 semaphore(%arg9 : memref<!tpu.dma_semaphore, #tpu.memory_space<semaphore_mem>>) src(%dma_wait3A_155 : memref<128x128xf32, #tpu.memory_space<vmem>>) dst(%dma_wait3A_151 : memref<128x128xf32, #tpu.memory_space<hbm>>)
      } else {
      }
      %run_scoped3A = arith.constant 0 : i32
      "tpu.region"() ({
        %run_scoped3A_143 = tpu.sem_alloc : memref<!tpu.dma_semaphore, #tpu.memory_space<semaphore_mem>>
        %dma_start3A_144 = arith.constant 0 : i32
        %dma_start3A_145 = tpu.memref_slice %arg5[%run_scoped3A, %dma_start3A_144] : memref<2x128xi32, #tpu.memory_space<vmem>> -> memref<1x128xi32, #tpu.memory_space<vmem>>
        %dma_start3A_146 = tpu.memref_squeeze %dma_start3A_145 : memref<1x128xi32, #tpu.memory_space<vmem>> -> memref<128xi32, #tpu.memory_space<vmem>>
        %dma_start3A_147 = tpu.memref_slice %arg3[%add3A_40] : memref<81920xi32, #tpu.memory_space<hbm>> -> memref<128xi32, #tpu.memory_space<hbm>>
        %dma_start3A_148 = arith.constant 0 : i32
        %dma_start3A_149 = tpu.memref_slice %arg5[%run_scoped3A, %dma_start3A_148] : memref<2x128xi32, #tpu.memory_space<vmem>> -> memref<1x128xi32, #tpu.memory_space<vmem>>
        %dma_start3A_150 = tpu.memref_squeeze %dma_start3A_149 : memref<1x128xi32, #tpu.memory_space<vmem>> -> memref<128xi32, #tpu.memory_space<vmem>>
        %dma_start3A_151 = tpu.memref_slice %arg3[%add3A_40] : memref<81920xi32, #tpu.memory_space<hbm>> -> memref<128xi32, #tpu.memory_space<hbm>>
        tpu.enqueue_dma source(%dma_start3A_151 : memref<128xi32, #tpu.memory_space<hbm>>) target(%dma_start3A_150 : memref<128xi32, #tpu.memory_space<vmem>>) target_semaphore(%run_scoped3A_143 : memref<!tpu.dma_semaphore, #tpu.memory_space<semaphore_mem>>)
        %dma_wait3A_152 = arith.constant 0 : i32
        %dma_wait3A_153 = tpu.memref_slice %arg5[%run_scoped3A, %dma_wait3A_152] : memref<2x128xi32, #tpu.memory_space<vmem>> -> memref<1x128xi32, #tpu.memory_space<vmem>>
        %dma_wait3A_154 = tpu.memref_squeeze %dma_wait3A_153 : memref<1x128xi32, #tpu.memory_space<vmem>> -> memref<128xi32, #tpu.memory_space<vmem>>
        %dma_wait3A_155 = tpu.memref_slice %arg3[%add3A_40] : memref<81920xi32, #tpu.memory_space<hbm>> -> memref<128xi32, #tpu.memory_space<hbm>>
        %dma_wait3A_156 = arith.constant 0 : i32
        %dma_wait3A_157 = tpu.memref_slice %arg5[%run_scoped3A, %dma_wait3A_156] : memref<2x128xi32, #tpu.memory_space<vmem>> -> memref<1x128xi32, #tpu.memory_space<vmem>>
        %dma_wait3A_158 = tpu.memref_squeeze %dma_wait3A_157 : memref<1x128xi32, #tpu.memory_space<vmem>> -> memref<128xi32, #tpu.memory_space<vmem>>
        %dma_wait3A_159 = tpu.memref_slice %arg3[%add3A_40] : memref<81920xi32, #tpu.memory_space<hbm>> -> memref<128xi32, #tpu.memory_space<hbm>>
        tpu.wait_dma2 semaphore(%run_scoped3A_143 : memref<!tpu.dma_semaphore, #tpu.memory_space<semaphore_mem>>) src(%dma_wait3A_159 : memref<128xi32, #tpu.memory_space<hbm>>) dst(%dma_wait3A_158 : memref<128xi32, #tpu.memory_space<vmem>>)
        tpu.yield
      }) : () -> ()
      %dma_start3A = arith.constant 0 : i32
      %dma_start3A_43 = arith.constant 0 : i32
      %dma_start3A_44 = arith.constant 0 : i32
      %dma_start3A_45 = arith.constant 0 : i32
      %dma_start3A_46 = tpu.memref_slice %arg6[%dma_start3A_43, %dma_start3A_44, %dma_start3A_45] : memref<2x128x128xf32, #tpu.memory_space<vmem>> -> memref<1x128x128xf32, #tpu.memory_space<vmem>>
      %dma_start3A_47 = tpu.memref_squeeze %dma_start3A_46 : memref<1x128x128xf32, #tpu.memory_space<vmem>> -> memref<128x128xf32, #tpu.memory_space<vmem>>
      %dma_start3A_48 = arith.constant 0 : i32
      %dma_start3A_49 = tpu.memref_slice %arg5[%dma_start3A, %dma_start3A_48] : memref<2x128xi32, #tpu.memory_space<vmem>> -> memref<1x128xi32, #tpu.memory_space<vmem>>
      %dma_start3A_50 = tpu.memref_squeeze %dma_start3A_49 : memref<1x128xi32, #tpu.memory_space<vmem>> -> memref<128xi32, #tpu.memory_space<vmem>>
      %dma_start3A_51 = arith.constant 0 : i32
      %dma_start3A_52 = arith.constant 0 : i32
      %dma_start3A_53 = tpu.memref_slice %arg2[%dma_start3A_51, %dma_start3A_52] : memref<8192x128xf32, #tpu.memory_space<hbm>> -> memref<8192x128xf32, #tpu.memory_space<hbm>>
      tpu.enqueue_indirect_dma source(%dma_start3A_53 : memref<8192x128xf32, #tpu.memory_space<hbm>>) target(%dma_start3A_47 : memref<128x128xf32, #tpu.memory_space<vmem>>) offsets(%dma_start3A_50 : memref<128xi32, #tpu.memory_space<vmem>>) semaphore(%arg7 : memref<!tpu.dma_semaphore, #tpu.memory_space<semaphore_mem>>)
      %mul3A_54 = arith.constant 2 : i32
      %mul3A_55 = arith.muli %mul3A_54, %scan3A_33 : i32
      %add3A_56 = arith.constant 1 : i32
      %add3A_57 = arith.addi %mul3A_55, %add3A_56 : i32
      %mul3A_58 = arith.constant 128 : i32
      %mul3A_59 = arith.muli %add3A_57, %mul3A_58 : i32
      %add3A_60 = arith.addi %mul3A_2, %mul3A_59 : i32
      %gt3A_61 = arith.constant 0 : i32
      %gt3A_62 = arith.cmpi sgt, %scan3A_33, %gt3A_61 : i32
      %convert_element_type3A_63 = arith.extui %gt3A_62 : i1 to i32
      %cond3A_64 = arith.constant 0 : i32
      %cond3A_65 = arith.cmpi ne, %convert_element_type3A_63, %cond3A_64 : i32
      scf.if %cond3A_65 {
        %dma_wait3A_143 = arith.constant 1 : i32
        %dma_wait3A_144 = arith.constant 0 : i32
        %dma_wait3A_145 = arith.constant 0 : i32
        %dma_wait3A_146 = tpu.memref_slice %arg6[%dma_wait3A_143, %dma_wait3A_144, %dma_wait3A_145] : memref<2x128x128xf32, #tpu.memory_space<vmem>> -> memref<1x128x128xf32, #tpu.memory_space<vmem>>
        %dma_wait3A_147 = tpu.memref_squeeze %dma_wait3A_146 : memref<1x128x128xf32, #tpu.memory_space<vmem>> -> memref<128x128xf32, #tpu.memory_space<vmem>>
        %dma_wait3A_148 = arith.constant 0 : i32
        %dma_wait3A_149 = tpu.memref_slice %arg4[%add3A_60, %dma_wait3A_148] : memref<81920x128xf32, #tpu.memory_space<hbm>> -> memref<128x128xf32, #tpu.memory_space<hbm>>
        %dma_wait3A_150 = arith.constant 0 : i32
        %dma_wait3A_151 = tpu.memref_slice %arg4[%add3A_60, %dma_wait3A_150] : memref<81920x128xf32, #tpu.memory_space<hbm>> -> memref<128x128xf32, #tpu.memory_space<hbm>>
        %dma_wait3A_152 = arith.constant 0 : i32
        %dma_wait3A_153 = arith.constant 0 : i32
        %dma_wait3A_154 = tpu.memref_slice %arg6[%dma_wait3A_143, %dma_wait3A_152, %dma_wait3A_153] : memref<2x128x128xf32, #tpu.memory_space<vmem>> -> memref<1x128x128xf32, #tpu.memory_space<vmem>>
        %dma_wait3A_155 = tpu.memref_squeeze %dma_wait3A_154 : memref<1x128x128xf32, #tpu.memory_space<vmem>> -> memref<128x128xf32, #tpu.memory_space<vmem>>
        tpu.wait_dma2 semaphore(%arg10 : memref<!tpu.dma_semaphore, #tpu.memory_space<semaphore_mem>>) src(%dma_wait3A_155 : memref<128x128xf32, #tpu.memory_space<vmem>>) dst(%dma_wait3A_151 : memref<128x128xf32, #tpu.memory_space<hbm>>)
      } else {
      }
      %run_scoped3A_66 = arith.constant 1 : i32
      "tpu.region"() ({
        %run_scoped3A_143 = tpu.sem_alloc : memref<!tpu.dma_semaphore, #tpu.memory_space<semaphore_mem>>
        %dma_start3A_144 = arith.constant 0 : i32
        %dma_start3A_145 = tpu.memref_slice %arg5[%run_scoped3A_66, %dma_start3A_144] : memref<2x128xi32, #tpu.memory_space<vmem>> -> memref<1x128xi32, #tpu.memory_space<vmem>>
        %dma_start3A_146 = tpu.memref_squeeze %dma_start3A_145 : memref<1x128xi32, #tpu.memory_space<vmem>> -> memref<128xi32, #tpu.memory_space<vmem>>
        %dma_start3A_147 = tpu.memref_slice %arg3[%add3A_60] : memref<81920xi32, #tpu.memory_space<hbm>> -> memref<128xi32, #tpu.memory_space<hbm>>
        %dma_start3A_148 = arith.constant 0 : i32
        %dma_start3A_149 = tpu.memref_slice %arg5[%run_scoped3A_66, %dma_start3A_148] : memref<2x128xi32, #tpu.memory_space<vmem>> -> memref<1x128xi32, #tpu.memory_space<vmem>>
        %dma_start3A_150 = tpu.memref_squeeze %dma_start3A_149 : memref<1x128xi32, #tpu.memory_space<vmem>> -> memref<128xi32, #tpu.memory_space<vmem>>
        %dma_start3A_151 = tpu.memref_slice %arg3[%add3A_60] : memref<81920xi32, #tpu.memory_space<hbm>> -> memref<128xi32, #tpu.memory_space<hbm>>
        tpu.enqueue_dma source(%dma_start3A_151 : memref<128xi32, #tpu.memory_space<hbm>>) target(%dma_start3A_150 : memref<128xi32, #tpu.memory_space<vmem>>) target_semaphore(%run_scoped3A_143 : memref<!tpu.dma_semaphore, #tpu.memory_space<semaphore_mem>>)
        %dma_wait3A_152 = arith.constant 0 : i32
        %dma_wait3A_153 = tpu.memref_slice %arg5[%run_scoped3A_66, %dma_wait3A_152] : memref<2x128xi32, #tpu.memory_space<vmem>> -> memref<1x128xi32, #tpu.memory_space<vmem>>
        %dma_wait3A_154 = tpu.memref_squeeze %dma_wait3A_153 : memref<1x128xi32, #tpu.memory_space<vmem>> -> memref<128xi32, #tpu.memory_space<vmem>>
        %dma_wait3A_155 = tpu.memref_slice %arg3[%add3A_60] : memref<81920xi32, #tpu.memory_space<hbm>> -> memref<128xi32, #tpu.memory_space<hbm>>
        %dma_wait3A_156 = arith.constant 0 : i32
        %dma_wait3A_157 = tpu.memref_slice %arg5[%run_scoped3A_66, %dma_wait3A_156] : memref<2x128xi32, #tpu.memory_space<vmem>> -> memref<1x128xi32, #tpu.memory_space<vmem>>
        %dma_wait3A_158 = tpu.memref_squeeze %dma_wait3A_157 : memref<1x128xi32, #tpu.memory_space<vmem>> -> memref<128xi32, #tpu.memory_space<vmem>>
        %dma_wait3A_159 = tpu.memref_slice %arg3[%add3A_60] : memref<81920xi32, #tpu.memory_space<hbm>> -> memref<128xi32, #tpu.memory_space<hbm>>
        tpu.wait_dma2 semaphore(%run_scoped3A_143 : memref<!tpu.dma_semaphore, #tpu.memory_space<semaphore_mem>>) src(%dma_wait3A_159 : memref<128xi32, #tpu.memory_space<hbm>>) dst(%dma_wait3A_158 : memref<128xi32, #tpu.memory_space<vmem>>)
        tpu.yield
      }) : () -> ()
      %dma_start3A_67 = arith.constant 1 : i32
      %dma_start3A_68 = arith.constant 1 : i32
      %dma_start3A_69 = arith.constant 0 : i32
      %dma_start3A_70 = arith.constant 0 : i32
      %dma_start3A_71 = tpu.memref_slice %arg6[%dma_start3A_68, %dma_start3A_69, %dma_start3A_70] : memref<2x128x128xf32, #tpu.memory_space<vmem>> -> memref<1x128x128xf32, #tpu.memory_space<vmem>>
      %dma_start3A_72 = tpu.memref_squeeze %dma_start3A_71 : memref<1x128x128xf32, #tpu.memory_space<vmem>> -> memref<128x128xf32, #tpu.memory_space<vmem>>
      %dma_start3A_73 = arith.constant 0 : i32
      %dma_start3A_74 = tpu.memref_slice %arg5[%dma_start3A_67, %dma_start3A_73] : memref<2x128xi32, #tpu.memory_space<vmem>> -> memref<1x128xi32, #tpu.memory_space<vmem>>
      %dma_start3A_75 = tpu.memref_squeeze %dma_start3A_74 : memref<1x128xi32, #tpu.memory_space<vmem>> -> memref<128xi32, #tpu.memory_space<vmem>>
      %dma_start3A_76 = arith.constant 0 : i32
      %dma_start3A_77 = arith.constant 0 : i32
      %dma_start3A_78 = tpu.memref_slice %arg2[%dma_start3A_76, %dma_start3A_77] : memref<8192x128xf32, #tpu.memory_space<hbm>> -> memref<8192x128xf32, #tpu.memory_space<hbm>>
      tpu.enqueue_indirect_dma source(%dma_start3A_78 : memref<8192x128xf32, #tpu.memory_space<hbm>>) target(%dma_start3A_72 : memref<128x128xf32, #tpu.memory_space<vmem>>) offsets(%dma_start3A_75 : memref<128xi32, #tpu.memory_space<vmem>>) semaphore(%arg8 : memref<!tpu.dma_semaphore, #tpu.memory_space<semaphore_mem>>)
      %mul3A_79 = arith.constant 2 : i32
      %mul3A_80 = arith.muli %mul3A_79, %scan3A_33 : i32
      %add3A_81 = arith.constant 0 : i32
      %add3A_82 = arith.addi %mul3A_80, %add3A_81 : i32
      %mul3A_83 = arith.constant 128 : i32
      %mul3A_84 = arith.muli %add3A_82, %mul3A_83 : i32
      %add3A_85 = arith.addi %mul3A_2, %mul3A_84 : i32
      %dma_wait3A_86 = arith.constant 0 : i32
      %dma_wait3A_87 = arith.constant 0 : i32
      %dma_wait3A_88 = arith.constant 0 : i32
      %dma_wait3A_89 = arith.constant 0 : i32
      %dma_wait3A_90 = tpu.memref_slice %arg6[%dma_wait3A_87, %dma_wait3A_88, %dma_wait3A_89] : memref<2x128x128xf32, #tpu.memory_space<vmem>> -> memref<1x128x128xf32, #tpu.memory_space<vmem>>
      %dma_wait3A_91 = tpu.memref_squeeze %dma_wait3A_90 : memref<1x128x128xf32, #tpu.memory_space<vmem>> -> memref<128x128xf32, #tpu.memory_space<vmem>>
      %dma_wait3A_92 = arith.constant 0 : i32
      %dma_wait3A_93 = tpu.memref_slice %arg5[%dma_wait3A_86, %dma_wait3A_92] : memref<2x128xi32, #tpu.memory_space<vmem>> -> memref<1x128xi32, #tpu.memory_space<vmem>>
      %dma_wait3A_94 = tpu.memref_squeeze %dma_wait3A_93 : memref<1x128xi32, #tpu.memory_space<vmem>> -> memref<128xi32, #tpu.memory_space<vmem>>
      %dma_wait3A_95 = arith.constant 0 : i32
      %dma_wait3A_96 = arith.constant 0 : i32
      %dma_wait3A_97 = tpu.memref_slice %arg2[%dma_wait3A_95, %dma_wait3A_96] : memref<8192x128xf32, #tpu.memory_space<hbm>> -> memref<8192x128xf32, #tpu.memory_space<hbm>>
      tpu.wait_indirect_dma semaphore(%arg7 : memref<!tpu.dma_semaphore, #tpu.memory_space<semaphore_mem>>) src(%dma_wait3A_97 : memref<8192x128xf32, #tpu.memory_space<hbm>>) dst(%dma_wait3A_91 : memref<128x128xf32, #tpu.memory_space<vmem>>)
      %dma_start3A_98 = arith.constant 0 : i32
      %dma_start3A_99 = arith.constant 0 : i32
      %dma_start3A_100 = arith.constant 0 : i32
      %dma_start3A_101 = tpu.memref_slice %arg6[%dma_start3A_98, %dma_start3A_99, %dma_start3A_100] : memref<2x128x128xf32, #tpu.memory_space<vmem>> -> memref<1x128x128xf32, #tpu.memory_space<vmem>>
      %dma_start3A_102 = tpu.memref_squeeze %dma_start3A_101 : memref<1x128x128xf32, #tpu.memory_space<vmem>> -> memref<128x128xf32, #tpu.memory_space<vmem>>
      %dma_start3A_103 = arith.constant 0 : i32
      %dma_start3A_104 = tpu.memref_slice %arg4[%add3A_85, %dma_start3A_103] : memref<81920x128xf32, #tpu.memory_space<hbm>> -> memref<128x128xf32, #tpu.memory_space<hbm>>
      %dma_start3A_105 = arith.constant 0 : i32
      %dma_start3A_106 = tpu.memref_slice %arg4[%add3A_85, %dma_start3A_105] : memref<81920x128xf32, #tpu.memory_space<hbm>> -> memref<128x128xf32, #tpu.memory_space<hbm>>
      %dma_start3A_107 = arith.constant 0 : i32
      %dma_start3A_108 = arith.constant 0 : i32
      %dma_start3A_109 = tpu.memref_slice %arg6[%dma_start3A_98, %dma_start3A_107, %dma_start3A_108] : memref<2x128x128xf32, #tpu.memory_space<vmem>> -> memref<1x128x128xf32, #tpu.memory_space<vmem>>
      %dma_start3A_110 = tpu.memref_squeeze %dma_start3A_109 : memref<1x128x128xf32, #tpu.memory_space<vmem>> -> memref<128x128xf32, #tpu.memory_space<vmem>>
      tpu.enqueue_dma source(%dma_start3A_110 : memref<128x128xf32, #tpu.memory_space<vmem>>) target(%dma_start3A_106 : memref<128x128xf32, #tpu.memory_space<hbm>>) target_semaphore(%arg9 : memref<!tpu.dma_semaphore, #tpu.memory_space<semaphore_mem>>)
      %mul3A_111 = arith.constant 2 : i32
      %mul3A_112 = arith.muli %mul3A_111, %scan3A_33 : i32
      %add3A_113 = arith.constant 1 : i32
      %add3A_114 = arith.addi %mul3A_112, %add3A_113 : i32
      %mul3A_115 = arith.constant 128 : i32
      %mul3A_116 = arith.muli %add3A_114, %mul3A_115 : i32
      %add3A_117 = arith.addi %mul3A_2, %mul3A_116 : i32
      %dma_wait3A_118 = arith.constant 1 : i32
      %dma_wait3A_119 = arith.constant 1 : i32
      %dma_wait3A_120 = arith.constant 0 : i32
      %dma_wait3A_121 = arith.constant 0 : i32
      %dma_wait3A_122 = tpu.memref_slice %arg6[%dma_wait3A_119, %dma_wait3A_120, %dma_wait3A_121] : memref<2x128x128xf32, #tpu.memory_space<vmem>> -> memref<1x128x128xf32, #tpu.memory_space<vmem>>
      %dma_wait3A_123 = tpu.memref_squeeze %dma_wait3A_122 : memref<1x128x128xf32, #tpu.memory_space<vmem>> -> memref<128x128xf32, #tpu.memory_space<vmem>>
      %dma_wait3A_124 = arith.constant 0 : i32
      %dma_wait3A_125 = tpu.memref_slice %arg5[%dma_wait3A_118, %dma_wait3A_124] : memref<2x128xi32, #tpu.memory_space<vmem>> -> memref<1x128xi32, #tpu.memory_space<vmem>>
      %dma_wait3A_126 = tpu.memref_squeeze %dma_wait3A_125 : memref<1x128xi32, #tpu.memory_space<vmem>> -> memref<128xi32, #tpu.memory_space<vmem>>
      %dma_wait3A_127 = arith.constant 0 : i32
      %dma_wait3A_128 = arith.constant 0 : i32
      %dma_wait3A_129 = tpu.memref_slice %arg2[%dma_wait3A_127, %dma_wait3A_128] : memref<8192x128xf32, #tpu.memory_space<hbm>> -> memref<8192x128xf32, #tpu.memory_space<hbm>>
      tpu.wait_indirect_dma semaphore(%arg8 : memref<!tpu.dma_semaphore, #tpu.memory_space<semaphore_mem>>) src(%dma_wait3A_129 : memref<8192x128xf32, #tpu.memory_space<hbm>>) dst(%dma_wait3A_123 : memref<128x128xf32, #tpu.memory_space<vmem>>)
      %dma_start3A_130 = arith.constant 1 : i32
      %dma_start3A_131 = arith.constant 0 : i32
      %dma_start3A_132 = arith.constant 0 : i32
      %dma_start3A_133 = tpu.memref_slice %arg6[%dma_start3A_130, %dma_start3A_131, %dma_start3A_132] : memref<2x128x128xf32, #tpu.memory_space<vmem>> -> memref<1x128x128xf32, #tpu.memory_space<vmem>>
      %dma_start3A_134 = tpu.memref_squeeze %dma_start3A_133 : memref<1x128x128xf32, #tpu.memory_space<vmem>> -> memref<128x128xf32, #tpu.memory_space<vmem>>
      %dma_start3A_135 = arith.constant 0 : i32
      %dma_start3A_136 = tpu.memref_slice %arg4[%add3A_117, %dma_start3A_135] : memref<81920x128xf32, #tpu.memory_space<hbm>> -> memref<128x128xf32, #tpu.memory_space<hbm>>
      %dma_start3A_137 = arith.constant 0 : i32
      %dma_start3A_138 = tpu.memref_slice %arg4[%add3A_117, %dma_start3A_137] : memref<81920x128xf32, #tpu.memory_space<hbm>> -> memref<128x128xf32, #tpu.memory_space<hbm>>
      %dma_start3A_139 = arith.constant 0 : i32
      %dma_start3A_140 = arith.constant 0 : i32
      %dma_start3A_141 = tpu.memref_slice %arg6[%dma_start3A_130, %dma_start3A_139, %dma_start3A_140] : memref<2x128x128xf32, #tpu.memory_space<vmem>> -> memref<1x128x128xf32, #tpu.memory_space<vmem>>
      %dma_start3A_142 = tpu.memref_squeeze %dma_start3A_141 : memref<1x128x128xf32, #tpu.memory_space<vmem>> -> memref<128x128xf32, #tpu.memory_space<vmem>>
      tpu.enqueue_dma source(%dma_start3A_142 : memref<128x128xf32, #tpu.memory_space<vmem>>) target(%dma_start3A_138 : memref<128x128xf32, #tpu.memory_space<hbm>>) target_semaphore(%arg10 : memref<!tpu.dma_semaphore, #tpu.memory_space<semaphore_mem>>)
    }
    %scan3A_7 = arith.constant 10 : i32
    %dma_wait3A = arith.constant 0 : i32
    %dma_wait3A_8 = arith.constant 0 : i32
    %dma_wait3A_9 = arith.constant 0 : i32
    %dma_wait3A_10 = tpu.memref_slice %arg6[%dma_wait3A, %dma_wait3A_8, %dma_wait3A_9] : memref<2x128x128xf32, #tpu.memory_space<vmem>> -> memref<1x128x128xf32, #tpu.memory_space<vmem>>
    %dma_wait3A_11 = tpu.memref_squeeze %dma_wait3A_10 : memref<1x128x128xf32, #tpu.memory_space<vmem>> -> memref<128x128xf32, #tpu.memory_space<vmem>>
    %dma_wait3A_12 = arith.constant 0 : i32
    %dma_wait3A_13 = tpu.memref_slice %arg4[%mul3A_2, %dma_wait3A_12] : memref<81920x128xf32, #tpu.memory_space<hbm>> -> memref<128x128xf32, #tpu.memory_space<hbm>>
    %dma_wait3A_14 = arith.constant 0 : i32
    %dma_wait3A_15 = tpu.memref_slice %arg4[%mul3A_2, %dma_wait3A_14] : memref<81920x128xf32, #tpu.memory_space<hbm>> -> memref<128x128xf32, #tpu.memory_space<hbm>>
    %dma_wait3A_16 = arith.constant 0 : i32
    %dma_wait3A_17 = arith.constant 0 : i32
    %dma_wait3A_18 = tpu.memref_slice %arg6[%dma_wait3A, %dma_wait3A_16, %dma_wait3A_17] : memref<2x128x128xf32, #tpu.memory_space<vmem>> -> memref<1x128x128xf32, #tpu.memory_space<vmem>>
    %dma_wait3A_19 = tpu.memref_squeeze %dma_wait3A_18 : memref<1x128x128xf32, #tpu.memory_space<vmem>> -> memref<128x128xf32, #tpu.memory_space<vmem>>
    tpu.wait_dma2 semaphore(%arg9 : memref<!tpu.dma_semaphore, #tpu.memory_space<semaphore_mem>>) src(%dma_wait3A_19 : memref<128x128xf32, #tpu.memory_space<vmem>>) dst(%dma_wait3A_15 : memref<128x128xf32, #tpu.memory_space<hbm>>)
    %dma_wait3A_20 = arith.constant 1 : i32
    %dma_wait3A_21 = arith.constant 0 : i32
    %dma_wait3A_22 = arith.constant 0 : i32
    %dma_wait3A_23 = tpu.memref_slice %arg6[%dma_wait3A_20, %dma_wait3A_21, %dma_wait3A_22] : memref<2x128x128xf32, #tpu.memory_space<vmem>> -> memref<1x128x128xf32, #tpu.memory_space<vmem>>
    %dma_wait3A_24 = tpu.memref_squeeze %dma_wait3A_23 : memref<1x128x128xf32, #tpu.memory_space<vmem>> -> memref<128x128xf32, #tpu.memory_space<vmem>>
    %dma_wait3A_25 = arith.constant 0 : i32
    %dma_wait3A_26 = tpu.memref_slice %arg4[%mul3A_2, %dma_wait3A_25] : memref<81920x128xf32, #tpu.memory_space<hbm>> -> memref<128x128xf32, #tpu.memory_space<hbm>>
    %dma_wait3A_27 = arith.constant 0 : i32
    %dma_wait3A_28 = tpu.memref_slice %arg4[%mul3A_2, %dma_wait3A_27] : memref<81920x128xf32, #tpu.memory_space<hbm>> -> memref<128x128xf32, #tpu.memory_space<hbm>>
    %dma_wait3A_29 = arith.constant 0 : i32
    %dma_wait3A_30 = arith.constant 0 : i32
    %dma_wait3A_31 = tpu.memref_slice %arg6[%dma_wait3A_20, %dma_wait3A_29, %dma_wait3A_30] : memref<2x128x128xf32, #tpu.memory_space<vmem>> -> memref<1x128x128xf32, #tpu.memory_space<vmem>>
    %dma_wait3A_32 = tpu.memref_squeeze %dma_wait3A_31 : memref<1x128x128xf32, #tpu.memory_space<vmem>> -> memref<128x128xf32, #tpu.memory_space<vmem>>
    tpu.wait_dma2 semaphore(%arg10 : memref<!tpu.dma_semaphore, #tpu.memory_space<semaphore_mem>>) src(%dma_wait3A_32 : memref<128x128xf32, #tpu.memory_space<vmem>>) dst(%dma_wait3A_28 : memref<128x128xf32, #tpu.memory_space<hbm>>)
    return
  }
}

#map = affine_map<(d0, d1) -> (0, 0)>
#map1 = affine_map<(d0, d1) -> (0)>
module attributes {stable_mosaic.version = 14 : i64} {
  func.func @gather(%arg0: i32, %arg1: i32, %arg2: memref<8192x128xf32, #tpu.memory_space<hbm>>, %arg3: memref<81920xi32, #tpu.memory_space<hbm>>, %arg4: memref<81920x128xf32, #tpu.memory_space<hbm>>, %arg5: memref<2x128xi32, #tpu.memory_space<vmem>>, %arg6: memref<2x128x128xf32, #tpu.memory_space<vmem>>, %arg7: memref<!tpu.dma_semaphore, #tpu.memory_space<semaphore_mem>>, %arg8: memref<!tpu.dma_semaphore, #tpu.memory_space<semaphore_mem>>, %arg9: memref<!tpu.dma_semaphore, #tpu.memory_space<semaphore_mem>>, %arg10: memref<!tpu.dma_semaphore, #tpu.memory_space<semaphore_mem>>) attributes {dimension_semantics = [#tpu.dimension_semantics<core_parallel>, #tpu.dimension_semantics<subcore_parallel>], iteration_bounds = array<i64: 2, 16>, scalar_prefetch = 0 : i64, scratch_operands = 6 : i64, tpu.core_type = #tpu.core_type<sc_vector_subcore>, window_params = [{transform_indices = #map}, {transform_indices = #map1}, {transform_indices = #map}]} {
    %mul3A = arith.constant 2 : i32
    %mul3A_0 = arith.muli %arg1, %mul3A : i32
    %add3A = arith.addi %mul3A_0, %arg0 : i32
    %mul3A_1 = arith.constant 2560 : i32
    %mul3A_2 = arith.muli %add3A, %mul3A_1 : i32
    %scan3A = arith.constant 0 : i32
    %scan3A_3 = arith.constant 0 : i32
    %scan3A_4 = arith.constant 10 : i32
    %scan3A_5 = arith.addi %scan3A_3, %scan3A_4 : i32
    %scan3A_6 = arith.constant 1 : i32
    scf.for %scan3A_33 = %scan3A_3 to %scan3A_5 step %scan3A_6  : i32 {
      %mul3A_34 = arith.constant 2 : i32
      %mul3A_35 = arith.muli %mul3A_34, %scan3A_33 : i32
      %add3A_36 = arith.constant 0 : i32
      %add3A_37 = arith.addi %mul3A_35, %add3A_36 : i32
      %mul3A_38 = arith.constant 128 : i32
      %mul3A_39 = arith.muli %add3A_37, %mul3A_38 : i32
      %add3A_40 = arith.addi %mul3A_2, %mul3A_39 : i32
      %gt3A = arith.constant 0 : i32
      %gt3A_41 = arith.cmpi sgt, %scan3A_33, %gt3A : i32
      %convert_element_type3A = arith.extui %gt3A_41 : i1 to i32
      %cond3A = arith.constant 0 : i32
      %cond3A_42 = arith.cmpi ne, %convert_element_type3A, %cond3A : i32
      scf.if %cond3A_42 {
        %dma_wait3A_143 = arith.constant 0 : i32
        %dma_wait3A_144 = arith.constant 0 : i32
        %dma_wait3A_145 = arith.constant 0 : i32
        %dma_wait3A_146 = tpu.memref_slice %arg6[%dma_wait3A_143, %dma_wait3A_144, %dma_wait3A_145] : memref<2x128x128xf32, #tpu.memory_space<vmem>> -> memref<1x128x128xf32, #tpu.memory_space<vmem>>
        %dma_wait3A_147 = tpu.memref_squeeze %dma_wait3A_146 : memref<1x128x128xf32, #tpu.memory_space<vmem>> -> memref<128x128xf32, #tpu.memory_space<vmem>>
        %dma_wait3A_148 = arith.constant 0 : i32
        %dma_wait3A_149 = tpu.memref_slice %arg4[%add3A_40, %dma_wait3A_148] : memref<81920x128xf32, #tpu.memory_space<hbm>> -> memref<128x128xf32, #tpu.memory_space<hbm>>
        %dma_wait3A_150 = arith.constant 0 : i32
        %dma_wait3A_151 = tpu.memref_slice %arg4[%add3A_40, %dma_wait3A_150] : memref<81920x128xf32, #tpu.memory_space<hbm>> -> memref<128x128xf32, #tpu.memory_space<hbm>>
        %dma_wait3A_152 = arith.constant 0 : i32
        %dma_wait3A_153 = arith.constant 0 : i32
        %dma_wait3A_154 = tpu.memref_slice %arg6[%dma_wait3A_143, %dma_wait3A_152, %dma_wait3A_153] : memref<2x128x128xf32, #tpu.memory_space<vmem>> -> memref<1x128x128xf32, #tpu.memory_space<vmem>>
        %dma_wait3A_155 = tpu.memref_squeeze %dma_wait3A_154 : memref<1x128x128xf32, #tpu.memory_space<vmem>> -> memref<128x128xf32, #tpu.memory_space<vmem>>
        tpu.wait_dma2 semaphore(%arg9 : memref<!tpu.dma_semaphore, #tpu.memory_space<semaphore_mem>>) src(%dma_wait3A_155 : memref<128x128xf32, #tpu.memory_space<vmem>>) dst(%dma_wait3A_151 : memref<128x128xf32, #tpu.memory_space<hbm>>)
      } else {
      }
      %run_scoped3A = arith.constant 0 : i32
      "tpu.region"() ({
        %run_scoped3A_143 = tpu.sem_alloc : memref<!tpu.dma_semaphore, #tpu.memory_space<semaphore_mem>>
        %dma_start3A_144 = arith.constant 0 : i32
        %dma_start3A_145 = tpu.memref_slice %arg5[%run_scoped3A, %dma_start3A_144] : memref<2x128xi32, #tpu.memory_space<vmem>> -> memref<1x128xi32, #tpu.memory_space<vmem>>
        %dma_start3A_146 = tpu.memref_squeeze %dma_start3A_145 : memref<1x128xi32, #tpu.memory_space<vmem>> -> memref<128xi32, #tpu.memory_space<vmem>>
        %dma_start3A_147 = tpu.memref_slice %arg3[%add3A_40] : memref<81920xi32, #tpu.memory_space<hbm>> -> memref<128xi32, #tpu.memory_space<hbm>>
        %dma_start3A_148 = arith.constant 0 : i32
        %dma_start3A_149 = tpu.memref_slice %arg5[%run_scoped3A, %dma_start3A_148] : memref<2x128xi32, #tpu.memory_space<vmem>> -> memref<1x128xi32, #tpu.memory_space<vmem>>
        %dma_start3A_150 = tpu.memref_squeeze %dma_start3A_149 : memref<1x128xi32, #tpu.memory_space<vmem>> -> memref<128xi32, #tpu.memory_space<vmem>>
        %dma_start3A_151 = tpu.memref_slice %arg3[%add3A_40] : memref<81920xi32, #tpu.memory_space<hbm>> -> memref<128xi32, #tpu.memory_space<hbm>>
        tpu.enqueue_dma source(%dma_start3A_151 : memref<128xi32, #tpu.memory_space<hbm>>) target(%dma_start3A_150 : memref<128xi32, #tpu.memory_space<vmem>>) target_semaphore(%run_scoped3A_143 : memref<!tpu.dma_semaphore, #tpu.memory_space<semaphore_mem>>)
        %dma_wait3A_152 = arith.constant 0 : i32
        %dma_wait3A_153 = tpu.memref_slice %arg5[%run_scoped3A, %dma_wait3A_152] : memref<2x128xi32, #tpu.memory_space<vmem>> -> memref<1x128xi32, #tpu.memory_space<vmem>>
        %dma_wait3A_154 = tpu.memref_squeeze %dma_wait3A_153 : memref<1x128xi32, #tpu.memory_space<vmem>> -> memref<128xi32, #tpu.memory_space<vmem>>
        %dma_wait3A_155 = tpu.memref_slice %arg3[%add3A_40] : memref<81920xi32, #tpu.memory_space<hbm>> -> memref<128xi32, #tpu.memory_space<hbm>>
        %dma_wait3A_156 = arith.constant 0 : i32
        %dma_wait3A_157 = tpu.memref_slice %arg5[%run_scoped3A, %dma_wait3A_156] : memref<2x128xi32, #tpu.memory_space<vmem>> -> memref<1x128xi32, #tpu.memory_space<vmem>>
        %dma_wait3A_158 = tpu.memref_squeeze %dma_wait3A_157 : memref<1x128xi32, #tpu.memory_space<vmem>> -> memref<128xi32, #tpu.memory_space<vmem>>
        %dma_wait3A_159 = tpu.memref_slice %arg3[%add3A_40] : memref<81920xi32, #tpu.memory_space<hbm>> -> memref<128xi32, #tpu.memory_space<hbm>>
        tpu.wait_dma2 semaphore(%run_scoped3A_143 : memref<!tpu.dma_semaphore, #tpu.memory_space<semaphore_mem>>) src(%dma_wait3A_159 : memref<128xi32, #tpu.memory_space<hbm>>) dst(%dma_wait3A_158 : memref<128xi32, #tpu.memory_space<vmem>>)
        tpu.yield
      }) : () -> ()
      %dma_start3A = arith.constant 0 : i32
      %dma_start3A_43 = arith.constant 0 : i32
      %dma_start3A_44 = arith.constant 0 : i32
      %dma_start3A_45 = arith.constant 0 : i32
      %dma_start3A_46 = tpu.memref_slice %arg6[%dma_start3A_43, %dma_start3A_44, %dma_start3A_45] : memref<2x128x128xf32, #tpu.memory_space<vmem>> -> memref<1x128x128xf32, #tpu.memory_space<vmem>>
      %dma_start3A_47 = tpu.memref_squeeze %dma_start3A_46 : memref<1x128x128xf32, #tpu.memory_space<vmem>> -> memref<128x128xf32, #tpu.memory_space<vmem>>
      %dma_start3A_48 = arith.constant 0 : i32
      %dma_start3A_49 = tpu.memref_slice %arg5[%dma_start3A, %dma_start3A_48] : memref<2x128xi32, #tpu.memory_space<vmem>> -> memref<1x128xi32, #tpu.memory_space<vmem>>
      %dma_start3A_50 = tpu.memref_squeeze %dma_start3A_49 : memref<1x128xi32, #tpu.memory_space<vmem>> -> memref<128xi32, #tpu.memory_space<vmem>>
      %dma_start3A_51 = arith.constant 0 : i32
      %dma_start3A_52 = arith.constant 0 : i32
      %dma_start3A_53 = tpu.memref_slice %arg2[%dma_start3A_51, %dma_start3A_52] : memref<8192x128xf32, #tpu.memory_space<hbm>> -> memref<8192x128xf32, #tpu.memory_space<hbm>>
      tpu.enqueue_indirect_dma source(%dma_start3A_53 : memref<8192x128xf32, #tpu.memory_space<hbm>>) target(%dma_start3A_47 : memref<128x128xf32, #tpu.memory_space<vmem>>) offsets(%dma_start3A_50 : memref<128xi32, #tpu.memory_space<vmem>>) semaphore(%arg7 : memref<!tpu.dma_semaphore, #tpu.memory_space<semaphore_mem>>)
      %mul3A_54 = arith.constant 2 : i32
      %mul3A_55 = arith.muli %mul3A_54, %scan3A_33 : i32
      %add3A_56 = arith.constant 1 : i32
      %add3A_57 = arith.addi %mul3A_55, %add3A_56 : i32
      %mul3A_58 = arith.constant 128 : i32
      %mul3A_59 = arith.muli %add3A_57, %mul3A_58 : i32
      %add3A_60 = arith.addi %mul3A_2, %mul3A_59 : i32
      %gt3A_61 = arith.constant 0 : i32
      %gt3A_62 = arith.cmpi sgt, %scan3A_33, %gt3A_61 : i32
      %convert_element_type3A_63 = arith.extui %gt3A_62 : i1 to i32
      %cond3A_64 = arith.constant 0 : i32
      %cond3A_65 = arith.cmpi ne, %convert_element_type3A_63, %cond3A_64 : i32
      scf.if %cond3A_65 {
        %dma_wait3A_143 = arith.constant 1 : i32
        %dma_wait3A_144 = arith.constant 0 : i32
        %dma_wait3A_145 = arith.constant 0 : i32
        %dma_wait3A_146 = tpu.memref_slice %arg6[%dma_wait3A_143, %dma_wait3A_144, %dma_wait3A_145] : memref<2x128x128xf32, #tpu.memory_space<vmem>> -> memref<1x128x128xf32, #tpu.memory_space<vmem>>
        %dma_wait3A_147 = tpu.memref_squeeze %dma_wait3A_146 : memref<1x128x128xf32, #tpu.memory_space<vmem>> -> memref<128x128xf32, #tpu.memory_space<vmem>>
        %dma_wait3A_148 = arith.constant 0 : i32
        %dma_wait3A_149 = tpu.memref_slice %arg4[%add3A_60, %dma_wait3A_148] : memref<81920x128xf32, #tpu.memory_space<hbm>> -> memref<128x128xf32, #tpu.memory_space<hbm>>
        %dma_wait3A_150 = arith.constant 0 : i32
        %dma_wait3A_151 = tpu.memref_slice %arg4[%add3A_60, %dma_wait3A_150] : memref<81920x128xf32, #tpu.memory_space<hbm>> -> memref<128x128xf32, #tpu.memory_space<hbm>>
        %dma_wait3A_152 = arith.constant 0 : i32
        %dma_wait3A_153 = arith.constant 0 : i32
        %dma_wait3A_154 = tpu.memref_slice %arg6[%dma_wait3A_143, %dma_wait3A_152, %dma_wait3A_153] : memref<2x128x128xf32, #tpu.memory_space<vmem>> -> memref<1x128x128xf32, #tpu.memory_space<vmem>>
        %dma_wait3A_155 = tpu.memref_squeeze %dma_wait3A_154 : memref<1x128x128xf32, #tpu.memory_space<vmem>> -> memref<128x128xf32, #tpu.memory_space<vmem>>
        tpu.wait_dma2 semaphore(%arg10 : memref<!tpu.dma_semaphore, #tpu.memory_space<semaphore_mem>>) src(%dma_wait3A_155 : memref<128x128xf32, #tpu.memory_space<vmem>>) dst(%dma_wait3A_151 : memref<128x128xf32, #tpu.memory_space<hbm>>)
      } else {
      }
      %run_scoped3A_66 = arith.constant 1 : i32
      "tpu.region"() ({
        %run_scoped3A_143 = tpu.sem_alloc : memref<!tpu.dma_semaphore, #tpu.memory_space<semaphore_mem>>
        %dma_start3A_144 = arith.constant 0 : i32
        %dma_start3A_145 = tpu.memref_slice %arg5[%run_scoped3A_66, %dma_start3A_144] : memref<2x128xi32, #tpu.memory_space<vmem>> -> memref<1x128xi32, #tpu.memory_space<vmem>>
        %dma_start3A_146 = tpu.memref_squeeze %dma_start3A_145 : memref<1x128xi32, #tpu.memory_space<vmem>> -> memref<128xi32, #tpu.memory_space<vmem>>
        %dma_start3A_147 = tpu.memref_slice %arg3[%add3A_60] : memref<81920xi32, #tpu.memory_space<hbm>> -> memref<128xi32, #tpu.memory_space<hbm>>
        %dma_start3A_148 = arith.constant 0 : i32
        %dma_start3A_149 = tpu.memref_slice %arg5[%run_scoped3A_66, %dma_start3A_148] : memref<2x128xi32, #tpu.memory_space<vmem>> -> memref<1x128xi32, #tpu.memory_space<vmem>>
        %dma_start3A_150 = tpu.memref_squeeze %dma_start3A_149 : memref<1x128xi32, #tpu.memory_space<vmem>> -> memref<128xi32, #tpu.memory_space<vmem>>
        %dma_start3A_151 = tpu.memref_slice %arg3[%add3A_60] : memref<81920xi32, #tpu.memory_space<hbm>> -> memref<128xi32, #tpu.memory_space<hbm>>
        tpu.enqueue_dma source(%dma_start3A_151 : memref<128xi32, #tpu.memory_space<hbm>>) target(%dma_start3A_150 : memref<128xi32, #tpu.memory_space<vmem>>) target_semaphore(%run_scoped3A_143 : memref<!tpu.dma_semaphore, #tpu.memory_space<semaphore_mem>>)
        %dma_wait3A_152 = arith.constant 0 : i32
        %dma_wait3A_153 = tpu.memref_slice %arg5[%run_scoped3A_66, %dma_wait3A_152] : memref<2x128xi32, #tpu.memory_space<vmem>> -> memref<1x128xi32, #tpu.memory_space<vmem>>
        %dma_wait3A_154 = tpu.memref_squeeze %dma_wait3A_153 : memref<1x128xi32, #tpu.memory_space<vmem>> -> memref<128xi32, #tpu.memory_space<vmem>>
        %dma_wait3A_155 = tpu.memref_slice %arg3[%add3A_60] : memref<81920xi32, #tpu.memory_space<hbm>> -> memref<128xi32, #tpu.memory_space<hbm>>
        %dma_wait3A_156 = arith.constant 0 : i32
        %dma_wait3A_157 = tpu.memref_slice %arg5[%run_scoped3A_66, %dma_wait3A_156] : memref<2x128xi32, #tpu.memory_space<vmem>> -> memref<1x128xi32, #tpu.memory_space<vmem>>
        %dma_wait3A_158 = tpu.memref_squeeze %dma_wait3A_157 : memref<1x128xi32, #tpu.memory_space<vmem>> -> memref<128xi32, #tpu.memory_space<vmem>>
        %dma_wait3A_159 = tpu.memref_slice %arg3[%add3A_60] : memref<81920xi32, #tpu.memory_space<hbm>> -> memref<128xi32, #tpu.memory_space<hbm>>
        tpu.wait_dma2 semaphore(%run_scoped3A_143 : memref<!tpu.dma_semaphore, #tpu.memory_space<semaphore_mem>>) src(%dma_wait3A_159 : memref<128xi32, #tpu.memory_space<hbm>>) dst(%dma_wait3A_158 : memref<128xi32, #tpu.memory_space<vmem>>)
        tpu.yield
      }) : () -> ()
      %dma_start3A_67 = arith.constant 1 : i32
      %dma_start3A_68 = arith.constant 1 : i32
      %dma_start3A_69 = arith.constant 0 : i32
      %dma_start3A_70 = arith.constant 0 : i32
      %dma_start3A_71 = tpu.memref_slice %arg6[%dma_start3A_68, %dma_start3A_69, %dma_start3A_70] : memref<2x128x128xf32, #tpu.memory_space<vmem>> -> memref<1x128x128xf32, #tpu.memory_space<vmem>>
      %dma_start3A_72 = tpu.memref_squeeze %dma_start3A_71 : memref<1x128x128xf32, #tpu.memory_space<vmem>> -> memref<128x128xf32, #tpu.memory_space<vmem>>
      %dma_start3A_73 = arith.constant 0 : i32
      %dma_start3A_74 = tpu.memref_slice %arg5[%dma_start3A_67, %dma_start3A_73] : memref<2x128xi32, #tpu.memory_space<vmem>> -> memref<1x128xi32, #tpu.memory_space<vmem>>
      %dma_start3A_75 = tpu.memref_squeeze %dma_start3A_74 : memref<1x128xi32, #tpu.memory_space<vmem>> -> memref<128xi32, #tpu.memory_space<vmem>>
      %dma_start3A_76 = arith.constant 0 : i32
      %dma_start3A_77 = arith.constant 0 : i32
      %dma_start3A_78 = tpu.memref_slice %arg2[%dma_start3A_76, %dma_start3A_77] : memref<8192x128xf32, #tpu.memory_space<hbm>> -> memref<8192x128xf32, #tpu.memory_space<hbm>>
      tpu.enqueue_indirect_dma source(%dma_start3A_78 : memref<8192x128xf32, #tpu.memory_space<hbm>>) target(%dma_start3A_72 : memref<128x128xf32, #tpu.memory_space<vmem>>) offsets(%dma_start3A_75 : memref<128xi32, #tpu.memory_space<vmem>>) semaphore(%arg8 : memref<!tpu.dma_semaphore, #tpu.memory_space<semaphore_mem>>)
      %mul3A_79 = arith.constant 2 : i32
      %mul3A_80 = arith.muli %mul3A_79, %scan3A_33 : i32
      %add3A_81 = arith.constant 0 : i32
      %add3A_82 = arith.addi %mul3A_80, %add3A_81 : i32
      %mul3A_83 = arith.constant 128 : i32
      %mul3A_84 = arith.muli %add3A_82, %mul3A_83 : i32
      %add3A_85 = arith.addi %mul3A_2, %mul3A_84 : i32
      %dma_wait3A_86 = arith.constant 0 : i32
      %dma_wait3A_87 = arith.constant 0 : i32
      %dma_wait3A_88 = arith.constant 0 : i32
      %dma_wait3A_89 = arith.constant 0 : i32
      %dma_wait3A_90 = tpu.memref_slice %arg6[%dma_wait3A_87, %dma_wait3A_88, %dma_wait3A_89] : memref<2x128x128xf32, #tpu.memory_space<vmem>> -> memref<1x128x128xf32, #tpu.memory_space<vmem>>
      %dma_wait3A_91 = tpu.memref_squeeze %dma_wait3A_90 : memref<1x128x128xf32, #tpu.memory_space<vmem>> -> memref<128x128xf32, #tpu.memory_space<vmem>>
      %dma_wait3A_92 = arith.constant 0 : i32
      %dma_wait3A_93 = tpu.memref_slice %arg5[%dma_wait3A_86, %dma_wait3A_92] : memref<2x128xi32, #tpu.memory_space<vmem>> -> memref<1x128xi32, #tpu.memory_space<vmem>>
      %dma_wait3A_94 = tpu.memref_squeeze %dma_wait3A_93 : memref<1x128xi32, #tpu.memory_space<vmem>> -> memref<128xi32, #tpu.memory_space<vmem>>
      %dma_wait3A_95 = arith.constant 0 : i32
      %dma_wait3A_96 = arith.constant 0 : i32
      %dma_wait3A_97 = tpu.memref_slice %arg2[%dma_wait3A_95, %dma_wait3A_96] : memref<8192x128xf32, #tpu.memory_space<hbm>> -> memref<8192x128xf32, #tpu.memory_space<hbm>>
      tpu.wait_indirect_dma semaphore(%arg7 : memref<!tpu.dma_semaphore, #tpu.memory_space<semaphore_mem>>) src(%dma_wait3A_97 : memref<8192x128xf32, #tpu.memory_space<hbm>>) dst(%dma_wait3A_91 : memref<128x128xf32, #tpu.memory_space<vmem>>)
      %dma_start3A_98 = arith.constant 0 : i32
      %dma_start3A_99 = arith.constant 0 : i32
      %dma_start3A_100 = arith.constant 0 : i32
      %dma_start3A_101 = tpu.memref_slice %arg6[%dma_start3A_98, %dma_start3A_99, %dma_start3A_100] : memref<2x128x128xf32, #tpu.memory_space<vmem>> -> memref<1x128x128xf32, #tpu.memory_space<vmem>>
      %dma_start3A_102 = tpu.memref_squeeze %dma_start3A_101 : memref<1x128x128xf32, #tpu.memory_space<vmem>> -> memref<128x128xf32, #tpu.memory_space<vmem>>
      %dma_start3A_103 = arith.constant 0 : i32
      %dma_start3A_104 = tpu.memref_slice %arg4[%add3A_85, %dma_start3A_103] : memref<81920x128xf32, #tpu.memory_space<hbm>> -> memref<128x128xf32, #tpu.memory_space<hbm>>
      %dma_start3A_105 = arith.constant 0 : i32
      %dma_start3A_106 = tpu.memref_slice %arg4[%add3A_85, %dma_start3A_105] : memref<81920x128xf32, #tpu.memory_space<hbm>> -> memref<128x128xf32, #tpu.memory_space<hbm>>
      %dma_start3A_107 = arith.constant 0 : i32
      %dma_start3A_108 = arith.constant 0 : i32
      %dma_start3A_109 = tpu.memref_slice %arg6[%dma_start3A_98, %dma_start3A_107, %dma_start3A_108] : memref<2x128x128xf32, #tpu.memory_space<vmem>> -> memref<1x128x128xf32, #tpu.memory_space<vmem>>
      %dma_start3A_110 = tpu.memref_squeeze %dma_start3A_109 : memref<1x128x128xf32, #tpu.memory_space<vmem>> -> memref<128x128xf32, #tpu.memory_space<vmem>>
      tpu.enqueue_dma source(%dma_start3A_110 : memref<128x128xf32, #tpu.memory_space<vmem>>) target(%dma_start3A_106 : memref<128x128xf32, #tpu.memory_space<hbm>>) target_semaphore(%arg9 : memref<!tpu.dma_semaphore, #tpu.memory_space<semaphore_mem>>)
      %mul3A_111 = arith.constant 2 : i32
      %mul3A_112 = arith.muli %mul3A_111, %scan3A_33 : i32
      %add3A_113 = arith.constant 1 : i32
      %add3A_114 = arith.addi %mul3A_112, %add3A_113 : i32
      %mul3A_115 = arith.constant 128 : i32
      %mul3A_116 = arith.muli %add3A_114, %mul3A_115 : i32
      %add3A_117 = arith.addi %mul3A_2, %mul3A_116 : i32
      %dma_wait3A_118 = arith.constant 1 : i32
      %dma_wait3A_119 = arith.constant 1 : i32
      %dma_wait3A_120 = arith.constant 0 : i32
      %dma_wait3A_121 = arith.constant 0 : i32
      %dma_wait3A_122 = tpu.memref_slice %arg6[%dma_wait3A_119, %dma_wait3A_120, %dma_wait3A_121] : memref<2x128x128xf32, #tpu.memory_space<vmem>> -> memref<1x128x128xf32, #tpu.memory_space<vmem>>
      %dma_wait3A_123 = tpu.memref_squeeze %dma_wait3A_122 : memref<1x128x128xf32, #tpu.memory_space<vmem>> -> memref<128x128xf32, #tpu.memory_space<vmem>>
      %dma_wait3A_124 = arith.constant 0 : i32
      %dma_wait3A_125 = tpu.memref_slice %arg5[%dma_wait3A_118, %dma_wait3A_124] : memref<2x128xi32, #tpu.memory_space<vmem>> -> memref<1x128xi32, #tpu.memory_space<vmem>>
      %dma_wait3A_126 = tpu.memref_squeeze %dma_wait3A_125 : memref<1x128xi32, #tpu.memory_space<vmem>> -> memref<128xi32, #tpu.memory_space<vmem>>
      %dma_wait3A_127 = arith.constant 0 : i32
      %dma_wait3A_128 = arith.constant 0 : i32
      %dma_wait3A_129 = tpu.memref_slice %arg2[%dma_wait3A_127, %dma_wait3A_128] : memref<8192x128xf32, #tpu.memory_space<hbm>> -> memref<8192x128xf32, #tpu.memory_space<hbm>>
      tpu.wait_indirect_dma semaphore(%arg8 : memref<!tpu.dma_semaphore, #tpu.memory_space<semaphore_mem>>) src(%dma_wait3A_129 : memref<8192x128xf32, #tpu.memory_space<hbm>>) dst(%dma_wait3A_123 : memref<128x128xf32, #tpu.memory_space<vmem>>)
      %dma_start3A_130 = arith.constant 1 : i32
      %dma_start3A_131 = arith.constant 0 : i32
      %dma_start3A_132 = arith.constant 0 : i32
      %dma_start3A_133 = tpu.memref_slice %arg6[%dma_start3A_130, %dma_start3A_131, %dma_start3A_132] : memref<2x128x128xf32, #tpu.memory_space<vmem>> -> memref<1x128x128xf32, #tpu.memory_space<vmem>>
      %dma_start3A_134 = tpu.memref_squeeze %dma_start3A_133 : memref<1x128x128xf32, #tpu.memory_space<vmem>> -> memref<128x128xf32, #tpu.memory_space<vmem>>
      %dma_start3A_135 = arith.constant 0 : i32
      %dma_start3A_136 = tpu.memref_slice %arg4[%add3A_117, %dma_start3A_135] : memref<81920x128xf32, #tpu.memory_space<hbm>> -> memref<128x128xf32, #tpu.memory_space<hbm>>
      %dma_start3A_137 = arith.constant 0 : i32
      %dma_start3A_138 = tpu.memref_slice %arg4[%add3A_117, %dma_start3A_137] : memref<81920x128xf32, #tpu.memory_space<hbm>> -> memref<128x128xf32, #tpu.memory_space<hbm>>
      %dma_start3A_139 = arith.constant 0 : i32
      %dma_start3A_140 = arith.constant 0 : i32
      %dma_start3A_141 = tpu.memref_slice %arg6[%dma_start3A_130, %dma_start3A_139, %dma_start3A_140] : memref<2x128x128xf32, #tpu.memory_space<vmem>> -> memref<1x128x128xf32, #tpu.memory_space<vmem>>
      %dma_start3A_142 = tpu.memref_squeeze %dma_start3A_141 : memref<1x128x128xf32, #tpu.memory_space<vmem>> -> memref<128x128xf32, #tpu.memory_space<vmem>>
      tpu.enqueue_dma source(%dma_start3A_142 : memref<128x128xf32, #tpu.memory_space<vmem>>) target(%dma_start3A_138 : memref<128x128xf32, #tpu.memory_space<hbm>>) target_semaphore(%arg10 : memref<!tpu.dma_semaphore, #tpu.memory_space<semaphore_mem>>)
    }
    %scan3A_7 = arith.constant 10 : i32
    %dma_wait3A = arith.constant 0 : i32
    %dma_wait3A_8 = arith.constant 0 : i32
    %dma_wait3A_9 = arith.constant 0 : i32
    %dma_wait3A_10 = tpu.memref_slice %arg6[%dma_wait3A, %dma_wait3A_8, %dma_wait3A_9] : memref<2x128x128xf32, #tpu.memory_space<vmem>> -> memref<1x128x128xf32, #tpu.memory_space<vmem>>
    %dma_wait3A_11 = tpu.memref_squeeze %dma_wait3A_10 : memref<1x128x128xf32, #tpu.memory_space<vmem>> -> memref<128x128xf32, #tpu.memory_space<vmem>>
    %dma_wait3A_12 = arith.constant 0 : i32
    %dma_wait3A_13 = tpu.memref_slice %arg4[%mul3A_2, %dma_wait3A_12] : memref<81920x128xf32, #tpu.memory_space<hbm>> -> memref<128x128xf32, #tpu.memory_space<hbm>>
    %dma_wait3A_14 = arith.constant 0 : i32
    %dma_wait3A_15 = tpu.memref_slice %arg4[%mul3A_2, %dma_wait3A_14] : memref<81920x128xf32, #tpu.memory_space<hbm>> -> memref<128x128xf32, #tpu.memory_space<hbm>>
    %dma_wait3A_16 = arith.constant 0 : i32
    %dma_wait3A_17 = arith.constant 0 : i32
    %dma_wait3A_18 = tpu.memref_slice %arg6[%dma_wait3A, %dma_wait3A_16, %dma_wait3A_17] : memref<2x128x128xf32, #tpu.memory_space<vmem>> -> memref<1x128x128xf32, #tpu.memory_space<vmem>>
    %dma_wait3A_19 = tpu.memref_squeeze %dma_wait3A_18 : memref<1x128x128xf32, #tpu.memory_space<vmem>> -> memref<128x128xf32, #tpu.memory_space<vmem>>
    tpu.wait_dma2 semaphore(%arg9 : memref<!tpu.dma_semaphore, #tpu.memory_space<semaphore_mem>>) src(%dma_wait3A_19 : memref<128x128xf32, #tpu.memory_space<vmem>>) dst(%dma_wait3A_15 : memref<128x128xf32, #tpu.memory_space<hbm>>)
    %dma_wait3A_20 = arith.constant 1 : i32
    %dma_wait3A_21 = arith.constant 0 : i32
    %dma_wait3A_22 = arith.constant 0 : i32
    %dma_wait3A_23 = tpu.memref_slice %arg6[%dma_wait3A_20, %dma_wait3A_21, %dma_wait3A_22] : memref<2x128x128xf32, #tpu.memory_space<vmem>> -> memref<1x128x128xf32, #tpu.memory_space<vmem>>
    %dma_wait3A_24 = tpu.memref_squeeze %dma_wait3A_23 : memref<1x128x128xf32, #tpu.memory_space<vmem>> -> memref<128x128xf32, #tpu.memory_space<vmem>>
    %dma_wait3A_25 = arith.constant 0 : i32
    %dma_wait3A_26 = tpu.memref_slice %arg4[%mul3A_2, %dma_wait3A_25] : memref<81920x128xf32, #tpu.memory_space<hbm>> -> memref<128x128xf32, #tpu.memory_space<hbm>>
    %dma_wait3A_27 = arith.constant 0 : i32
    %dma_wait3A_28 = tpu.memref_slice %arg4[%mul3A_2, %dma_wait3A_27] : memref<81920x128xf32, #tpu.memory_space<hbm>> -> memref<128x128xf32, #tpu.memory_space<hbm>>
    %dma_wait3A_29 = arith.constant 0 : i32
    %dma_wait3A_30 = arith.constant 0 : i32
    %dma_wait3A_31 = tpu.memref_slice %arg6[%dma_wait3A_20, %dma_wait3A_29, %dma_wait3A_30] : memref<2x128x128xf32, #tpu.memory_space<vmem>> -> memref<1x128x128xf32, #tpu.memory_space<vmem>>
    %dma_wait3A_32 = tpu.memref_squeeze %dma_wait3A_31 : memref<1x128x128xf32, #tpu.memory_space<vmem>> -> memref<128x128xf32, #tpu.memory_space<vmem>>
    tpu.wait_dma2 semaphore(%arg10 : memref<!tpu.dma_semaphore, #tpu.memory_space<semaphore_mem>>) src(%dma_wait3A_32 : memref<128x128xf32, #tpu.memory_space<vmem>>) dst(%dma_wait3A_28 : memref<128x128xf32, #tpu.memory_space<hbm>>)
    return
  }
}

module attributes {stable_mosaic.version = 14 : i64} {
  func.func @_topk_body(%arg0: i32, %arg1: i32, %arg2: memref<256x128xf32, #tpu.memory_space<vmem>>, %arg3: memref<1x128x2048xf32, #tpu.memory_space<vmem>>, %arg4: memref<256x32xi32, #tpu.memory_space<vmem>>) attributes {dimension_semantics = [#tpu.dimension_semantics<arbitrary>, #tpu.dimension_semantics<arbitrary>], iteration_bounds = array<i64: 2, 8>, scalar_prefetch = 0 : i64, scratch_operands = 0 : i64, tpu.core_type = #tpu.core_type<tc>, window_params = [{transform_indices = @transform_0, window_bounds = array<i64: 256, 128>}, {transform_indices = @transform_1, window_bounds = array<i64: 1, 128, 2048>}, {transform_indices = @transform_2, window_bounds = array<i64: 256, 32>}]} {
    %add3A = arith.constant 2 : i32
    %add3A_0 = arith.addi %arg0, %add3A : i32
    %get3A = arith.constant 0 : index
    %get3A_1 = arith.constant 0 : index
    %get3A_2 = vector.load %arg2[%get3A, %get3A_1] : memref<256x128xf32, #tpu.memory_space<vmem>>, vector<256x128xf32>
    %get3A_3 = arith.constant 0 : index
    %get3A_4 = arith.constant 0 : index
    %get3A_5 = arith.constant 0 : index
    %get3A_6 = vector.load %arg3[%get3A_3, %get3A_4, %get3A_5] : memref<1x128x2048xf32, #tpu.memory_space<vmem>>, vector<1x128x2048xf32>
    %get3A_7 = vector.shape_cast %get3A_6 : vector<1x128x2048xf32> to vector<128x2048xf32>
    %iota3A = tpu.iota {dimensions = array<i32: 1>} : vector<256x128xi32>
    %lt3A = arith.constant 3 : i32
    %lt3A_8 = vector.broadcast %lt3A : i32 to vector<256x128xi32>
    %lt3A_9 = arith.cmpi slt, %iota3A, %lt3A_8 : vector<256x128xi32>
    %jit3A = arith.constant 0.000000e+00 : f32
    %broadcast_in_dim3A = vector.broadcast %jit3A : f32 to vector<256x128xf32>
    %select_n3A = arith.select %lt3A_9, %get3A_2, %broadcast_in_dim3A : vector<256x128xi1>, vector<256x128xf32>
    %iota3A_10 = tpu.iota {dimensions = array<i32: 0>} : vector<128x2048xi32>
    %lt3A_11 = arith.constant 3 : i32
    %lt3A_12 = vector.broadcast %lt3A_11 : i32 to vector<128x2048xi32>
    %lt3A_13 = arith.cmpi slt, %iota3A_10, %lt3A_12 : vector<128x2048xi32>
    %jit3A_14 = arith.constant 0.000000e+00 : f32
    %broadcast_in_dim3A_15 = vector.broadcast %jit3A_14 : f32 to vector<128x2048xf32>
    %select_n3A_16 = arith.select %lt3A_13, %get3A_7, %broadcast_in_dim3A_15 : vector<128x2048xi1>, vector<128x2048xf32>
    %convert_element_type3A = arith.truncf %select_n3A : vector<256x128xf32> to vector<256x128xbf16>
    %convert_element_type3A_17 = arith.truncf %select_n3A_16 : vector<128x2048xf32> to vector<128x2048xbf16>
    %dot_general3A = arith.constant dense<0.000000e+00> : vector<256x2048xf32>
    %dot_general3A_18 = tpu.matmul %convert_element_type3A, %convert_element_type3A_17, %dot_general3A {dimension_numbers = #tpu.dot_dimension_numbers<[1], [0], [0], [1], [0, 0, 1, 1], [], []>, transpose_lhs_hint = false} : vector<256x128xbf16>, vector<128x2048xbf16>, vector<256x2048xf32> -> vector<256x2048xf32>
    %mul3A = arith.constant -2.000000e+00 : f32
    %mul3A_19 = vector.broadcast %mul3A : f32 to vector<256x2048xf32>
    %mul3A_20 = arith.mulf %mul3A_19, %dot_general3A_18 : vector<256x2048xf32>
    %mul3A_21 = arith.mulf %select_n3A, %select_n3A : vector<256x128xf32>
    %reduce_sum3A = arith.constant dense<0.000000e+00> : vector<256xf32>
    %reduce_sum3A_22 = vector.multi_reduction <add>, %mul3A_21, %reduce_sum3A [1] : vector<256x128xf32> to vector<256xf32>
    %broadcast_in_dim3A_23 = vector.shape_cast %reduce_sum3A_22 : vector<256xf32> to vector<256x1xf32>
    %mul3A_24 = arith.mulf %select_n3A_16, %select_n3A_16 : vector<128x2048xf32>
    %reduce_sum3A_25 = arith.constant dense<0.000000e+00> : vector<2048xf32>
    %reduce_sum3A_26 = vector.multi_reduction <add>, %mul3A_24, %reduce_sum3A_25 [0] : vector<128x2048xf32> to vector<2048xf32>
    %broadcast_in_dim3A_27 = vector.shape_cast %reduce_sum3A_26 : vector<2048xf32> to vector<1x2048xf32>
    %neg3A = arith.constant 0.000000e+00 : f32
    %neg3A_28 = vector.broadcast %neg3A : f32 to vector<256x1xf32>
    %neg3A_29 = arith.subf %neg3A_28, %broadcast_in_dim3A_23 : vector<256x1xf32>
    %sub3A = vector.broadcast %neg3A_29 : vector<256x1xf32> to vector<256x2048xf32>
    %sub3A_30 = arith.subf %sub3A, %mul3A_20 : vector<256x2048xf32>
    %sub3A_31 = vector.broadcast %broadcast_in_dim3A_27 : vector<1x2048xf32> to vector<256x2048xf32>
    %sub3A_32 = arith.subf %sub3A_30, %sub3A_31 : vector<256x2048xf32>
    %iota3A_33 = tpu.iota {dimensions = array<i32: 1>} : vector<256x2048xi32>
    %iota3A_34 = tpu.iota {dimensions = array<i32: 1>} : vector<256x32xi32>
    %mul3A_35 = arith.constant 2048 : i32
    %mul3A_36 = arith.muli %add3A_0, %mul3A_35 : i32
    %broadcast_in_dim3A_37 = arith.constant 0 : i32
    %broadcast_in_dim3A_38 = vector.broadcast %broadcast_in_dim3A_37 : i32 to vector<256x32xi32>
    %scan3A = arith.constant 0 : i32
    %scan3A_39 = arith.constant 20 : i32
    %scan3A_40 = arith.addi %scan3A, %scan3A_39 : i32
    %scan3A_41 = arith.constant 1 : i32
    %scan3A_42:2 = scf.for %scan3A_46 = %scan3A to %scan3A_40 step %scan3A_41 iter_args(%scan3A_47 = %sub3A_32, %scan3A_48 = %broadcast_in_dim3A_38) -> (vector<256x2048xf32>, vector<256x32xi32>)  : i32 {
      %reduce_max3A = arith.constant dense<0xFF800000> : vector<256xf32>
      %reduce_max3A_49 = vector.multi_reduction <maximumf>, %scan3A_47, %reduce_max3A [1] : vector<256x2048xf32> to vector<256xf32>
      %broadcast_in_dim3A_50 = vector.shape_cast %reduce_max3A_49 : vector<256xf32> to vector<256x1xf32>
      %eq3A = vector.broadcast %broadcast_in_dim3A_50 : vector<256x1xf32> to vector<256x2048xf32>
      %eq3A_51 = arith.cmpf oeq, %scan3A_47, %eq3A : vector<256x2048xf32>
      %jit3A_52 = arith.constant 2048 : i32
      %broadcast_in_dim3A_53 = vector.broadcast %jit3A_52 : i32 to vector<256x2048xi32>
      %select_n3A_54 = arith.select %eq3A_51, %iota3A_33, %broadcast_in_dim3A_53 : vector<256x2048xi1>, vector<256x2048xi32>
      %reduce_min3A = arith.constant dense<2147483647> : vector<256xi32>
      %reduce_min3A_55 = vector.multi_reduction <minsi>, %select_n3A_54, %reduce_min3A [1] : vector<256x2048xi32> to vector<256xi32>
      %broadcast_in_dim3A_56 = vector.shape_cast %reduce_min3A_55 : vector<256xi32> to vector<256x1xi32>
      %eq3A_57 = vector.broadcast %broadcast_in_dim3A_56 : vector<256x1xi32> to vector<256x2048xi32>
      %eq3A_58 = arith.cmpi eq, %iota3A_33, %eq3A_57 : vector<256x2048xi32>
      %jit3A_59 = arith.constant 0xFF800000 : f32
      %broadcast_in_dim3A_60 = vector.broadcast %jit3A_59 : f32 to vector<256x2048xf32>
      %select_n3A_61 = arith.select %eq3A_58, %broadcast_in_dim3A_60, %scan3A_47 : vector<256x2048xi1>, vector<256x2048xf32>
      %eq3A_62 = vector.broadcast %scan3A_46 : i32 to vector<256x32xi32>
      %eq3A_63 = arith.cmpi eq, %iota3A_34, %eq3A_62 : vector<256x32xi32>
      %add3A_64 = vector.broadcast %mul3A_36 : i32 to vector<256x1xi32>
      %add3A_65 = arith.addi %broadcast_in_dim3A_56, %add3A_64 : vector<256x1xi32>
      %broadcast_in_dim3A_66 = vector.shape_cast %add3A_65 : vector<256x1xi32> to vector<256x1xi32>
      %broadcast_in_dim3A_67 = vector.broadcast %broadcast_in_dim3A_66 : vector<256x1xi32> to vector<256x32xi32>
      %select_n3A_68 = arith.select %eq3A_63, %broadcast_in_dim3A_67, %scan3A_48 : vector<256x32xi1>, vector<256x32xi32>
      scf.yield %select_n3A_61, %select_n3A_68 : vector<256x2048xf32>, vector<256x32xi32>
    }
    %scan3A_43 = arith.constant 20 : i32
    %swap3A = arith.constant 0 : index
    %swap3A_44 = arith.constant 0 : index
    %swap3A_45 = vector.load %arg4[%swap3A, %swap3A_44] : memref<256x32xi32, #tpu.memory_space<vmem>>, vector<256x32xi32>
    tpu.vector_store %arg4[%swap3A, %swap3A_44], %scan3A_42#1 {strides = array<i32>} : memref<256x32xi32, #tpu.memory_space<vmem>>, vector<256x32xi32>,
    return
  }
  func.func @transform_0(%arg0: i32, %arg1: i32) -> (i32, i32) {
    %mul3A = arith.constant 8 : i32
    %mul3A_0 = arith.muli %arg0, %mul3A : i32
    %add3A = arith.addi %mul3A_0, %arg1 : i32
    %c0_i32 = arith.constant 0 : i32
    %c0_i32_1 = arith.constant 0 : i32
    return %add3A, %c0_i32 : i32, i32
  }
  func.func @transform_1(%arg0: i32, %arg1: i32) -> (i32, i32, i32) {
    %c0_i32 = arith.constant 0 : i32
    %c0_i32_0 = arith.constant 0 : i32
    %c0_i32_1 = arith.constant 0 : i32
    return %arg0, %c0_i32, %c0_i32_0 : i32, i32, i32
  }
  func.func @transform_2(%arg0: i32, %arg1: i32) -> (i32, i32) {
    %mul3A = arith.constant 8 : i32
    %mul3A_0 = arith.muli %arg0, %mul3A : i32
    %add3A = arith.addi %mul3A_0, %arg1 : i32
    %c0_i32 = arith.constant 0 : i32
    %c0_i32_1 = arith.constant 0 : i32
    return %add3A, %c0_i32 : i32, i32
  }
}

module attributes {stable_mosaic.version = 14 : i64} {
  func.func @_topk_body(%arg0: i32, %arg1: i32, %arg2: memref<256x128xf32, #tpu.memory_space<vmem>>, %arg3: memref<1x128x2048xf32, #tpu.memory_space<vmem>>, %arg4: memref<256x32xi32, #tpu.memory_space<vmem>>) attributes {dimension_semantics = [#tpu.dimension_semantics<arbitrary>, #tpu.dimension_semantics<arbitrary>], iteration_bounds = array<i64: 2, 8>, scalar_prefetch = 0 : i64, scratch_operands = 0 : i64, tpu.core_type = #tpu.core_type<tc>, window_params = [{transform_indices = @transform_0, window_bounds = array<i64: 256, 128>}, {transform_indices = @transform_1, window_bounds = array<i64: 1, 128, 2048>}, {transform_indices = @transform_2, window_bounds = array<i64: 256, 32>}]} {
    %add3A = arith.constant 0 : i32
    %add3A_0 = arith.addi %arg0, %add3A : i32
    %get3A = arith.constant 0 : index
    %get3A_1 = arith.constant 0 : index
    %get3A_2 = vector.load %arg2[%get3A, %get3A_1] : memref<256x128xf32, #tpu.memory_space<vmem>>, vector<256x128xf32>
    %get3A_3 = arith.constant 0 : index
    %get3A_4 = arith.constant 0 : index
    %get3A_5 = arith.constant 0 : index
    %get3A_6 = vector.load %arg3[%get3A_3, %get3A_4, %get3A_5] : memref<1x128x2048xf32, #tpu.memory_space<vmem>>, vector<1x128x2048xf32>
    %get3A_7 = vector.shape_cast %get3A_6 : vector<1x128x2048xf32> to vector<128x2048xf32>
    %iota3A = tpu.iota {dimensions = array<i32: 1>} : vector<256x128xi32>
    %lt3A = arith.constant 3 : i32
    %lt3A_8 = vector.broadcast %lt3A : i32 to vector<256x128xi32>
    %lt3A_9 = arith.cmpi slt, %iota3A, %lt3A_8 : vector<256x128xi32>
    %jit3A = arith.constant 0.000000e+00 : f32
    %broadcast_in_dim3A = vector.broadcast %jit3A : f32 to vector<256x128xf32>
    %select_n3A = arith.select %lt3A_9, %get3A_2, %broadcast_in_dim3A : vector<256x128xi1>, vector<256x128xf32>
    %iota3A_10 = tpu.iota {dimensions = array<i32: 0>} : vector<128x2048xi32>
    %lt3A_11 = arith.constant 3 : i32
    %lt3A_12 = vector.broadcast %lt3A_11 : i32 to vector<128x2048xi32>
    %lt3A_13 = arith.cmpi slt, %iota3A_10, %lt3A_12 : vector<128x2048xi32>
    %jit3A_14 = arith.constant 0.000000e+00 : f32
    %broadcast_in_dim3A_15 = vector.broadcast %jit3A_14 : f32 to vector<128x2048xf32>
    %select_n3A_16 = arith.select %lt3A_13, %get3A_7, %broadcast_in_dim3A_15 : vector<128x2048xi1>, vector<128x2048xf32>
    %convert_element_type3A = arith.truncf %select_n3A : vector<256x128xf32> to vector<256x128xbf16>
    %convert_element_type3A_17 = arith.truncf %select_n3A_16 : vector<128x2048xf32> to vector<128x2048xbf16>
    %dot_general3A = arith.constant dense<0.000000e+00> : vector<256x2048xf32>
    %dot_general3A_18 = tpu.matmul %convert_element_type3A, %convert_element_type3A_17, %dot_general3A {dimension_numbers = #tpu.dot_dimension_numbers<[1], [0], [0], [1], [0, 0, 1, 1], [], []>, transpose_lhs_hint = false} : vector<256x128xbf16>, vector<128x2048xbf16>, vector<256x2048xf32> -> vector<256x2048xf32>
    %mul3A = arith.constant -2.000000e+00 : f32
    %mul3A_19 = vector.broadcast %mul3A : f32 to vector<256x2048xf32>
    %mul3A_20 = arith.mulf %mul3A_19, %dot_general3A_18 : vector<256x2048xf32>
    %mul3A_21 = arith.mulf %select_n3A, %select_n3A : vector<256x128xf32>
    %reduce_sum3A = arith.constant dense<0.000000e+00> : vector<256xf32>
    %reduce_sum3A_22 = vector.multi_reduction <add>, %mul3A_21, %reduce_sum3A [1] : vector<256x128xf32> to vector<256xf32>
    %broadcast_in_dim3A_23 = vector.shape_cast %reduce_sum3A_22 : vector<256xf32> to vector<256x1xf32>
    %mul3A_24 = arith.mulf %select_n3A_16, %select_n3A_16 : vector<128x2048xf32>
    %reduce_sum3A_25 = arith.constant dense<0.000000e+00> : vector<2048xf32>
    %reduce_sum3A_26 = vector.multi_reduction <add>, %mul3A_24, %reduce_sum3A_25 [0] : vector<128x2048xf32> to vector<2048xf32>
    %broadcast_in_dim3A_27 = vector.shape_cast %reduce_sum3A_26 : vector<2048xf32> to vector<1x2048xf32>
    %neg3A = arith.constant 0.000000e+00 : f32
    %neg3A_28 = vector.broadcast %neg3A : f32 to vector<256x1xf32>
    %neg3A_29 = arith.subf %neg3A_28, %broadcast_in_dim3A_23 : vector<256x1xf32>
    %sub3A = vector.broadcast %neg3A_29 : vector<256x1xf32> to vector<256x2048xf32>
    %sub3A_30 = arith.subf %sub3A, %mul3A_20 : vector<256x2048xf32>
    %sub3A_31 = vector.broadcast %broadcast_in_dim3A_27 : vector<1x2048xf32> to vector<256x2048xf32>
    %sub3A_32 = arith.subf %sub3A_30, %sub3A_31 : vector<256x2048xf32>
    %iota3A_33 = tpu.iota {dimensions = array<i32: 1>} : vector<256x2048xi32>
    %iota3A_34 = tpu.iota {dimensions = array<i32: 1>} : vector<256x32xi32>
    %mul3A_35 = arith.constant 2048 : i32
    %mul3A_36 = arith.muli %add3A_0, %mul3A_35 : i32
    %broadcast_in_dim3A_37 = arith.constant 0 : i32
    %broadcast_in_dim3A_38 = vector.broadcast %broadcast_in_dim3A_37 : i32 to vector<256x32xi32>
    %scan3A = arith.constant 0 : i32
    %scan3A_39 = arith.constant 20 : i32
    %scan3A_40 = arith.addi %scan3A, %scan3A_39 : i32
    %scan3A_41 = arith.constant 1 : i32
    %scan3A_42:2 = scf.for %scan3A_46 = %scan3A to %scan3A_40 step %scan3A_41 iter_args(%scan3A_47 = %sub3A_32, %scan3A_48 = %broadcast_in_dim3A_38) -> (vector<256x2048xf32>, vector<256x32xi32>)  : i32 {
      %reduce_max3A = arith.constant dense<0xFF800000> : vector<256xf32>
      %reduce_max3A_49 = vector.multi_reduction <maximumf>, %scan3A_47, %reduce_max3A [1] : vector<256x2048xf32> to vector<256xf32>
      %broadcast_in_dim3A_50 = vector.shape_cast %reduce_max3A_49 : vector<256xf32> to vector<256x1xf32>
      %eq3A = vector.broadcast %broadcast_in_dim3A_50 : vector<256x1xf32> to vector<256x2048xf32>
      %eq3A_51 = arith.cmpf oeq, %scan3A_47, %eq3A : vector<256x2048xf32>
      %jit3A_52 = arith.constant 2048 : i32
      %broadcast_in_dim3A_53 = vector.broadcast %jit3A_52 : i32 to vector<256x2048xi32>
      %select_n3A_54 = arith.select %eq3A_51, %iota3A_33, %broadcast_in_dim3A_53 : vector<256x2048xi1>, vector<256x2048xi32>
      %reduce_min3A = arith.constant dense<2147483647> : vector<256xi32>
      %reduce_min3A_55 = vector.multi_reduction <minsi>, %select_n3A_54, %reduce_min3A [1] : vector<256x2048xi32> to vector<256xi32>
      %broadcast_in_dim3A_56 = vector.shape_cast %reduce_min3A_55 : vector<256xi32> to vector<256x1xi32>
      %eq3A_57 = vector.broadcast %broadcast_in_dim3A_56 : vector<256x1xi32> to vector<256x2048xi32>
      %eq3A_58 = arith.cmpi eq, %iota3A_33, %eq3A_57 : vector<256x2048xi32>
      %jit3A_59 = arith.constant 0xFF800000 : f32
      %broadcast_in_dim3A_60 = vector.broadcast %jit3A_59 : f32 to vector<256x2048xf32>
      %select_n3A_61 = arith.select %eq3A_58, %broadcast_in_dim3A_60, %scan3A_47 : vector<256x2048xi1>, vector<256x2048xf32>
      %eq3A_62 = vector.broadcast %scan3A_46 : i32 to vector<256x32xi32>
      %eq3A_63 = arith.cmpi eq, %iota3A_34, %eq3A_62 : vector<256x32xi32>
      %add3A_64 = vector.broadcast %mul3A_36 : i32 to vector<256x1xi32>
      %add3A_65 = arith.addi %broadcast_in_dim3A_56, %add3A_64 : vector<256x1xi32>
      %broadcast_in_dim3A_66 = vector.shape_cast %add3A_65 : vector<256x1xi32> to vector<256x1xi32>
      %broadcast_in_dim3A_67 = vector.broadcast %broadcast_in_dim3A_66 : vector<256x1xi32> to vector<256x32xi32>
      %select_n3A_68 = arith.select %eq3A_63, %broadcast_in_dim3A_67, %scan3A_48 : vector<256x32xi1>, vector<256x32xi32>
      scf.yield %select_n3A_61, %select_n3A_68 : vector<256x2048xf32>, vector<256x32xi32>
    }
    %scan3A_43 = arith.constant 20 : i32
    %swap3A = arith.constant 0 : index
    %swap3A_44 = arith.constant 0 : index
    %swap3A_45 = vector.load %arg4[%swap3A, %swap3A_44] : memref<256x32xi32, #tpu.memory_space<vmem>>, vector<256x32xi32>
    tpu.vector_store %arg4[%swap3A, %swap3A_44], %scan3A_42#1 {strides = array<i32>} : memref<256x32xi32, #tpu.memory_space<vmem>>, vector<256x32xi32>,
    return
  }
  func.func @transform_0(%arg0: i32, %arg1: i32) -> (i32, i32) {
    %mul3A = arith.constant 8 : i32
    %mul3A_0 = arith.muli %arg0, %mul3A : i32
    %add3A = arith.addi %mul3A_0, %arg1 : i32
    %c0_i32 = arith.constant 0 : i32
    %c0_i32_1 = arith.constant 0 : i32
    return %add3A, %c0_i32 : i32, i32
  }
  func.func @transform_1(%arg0: i32, %arg1: i32) -> (i32, i32, i32) {
    %c0_i32 = arith.constant 0 : i32
    %c0_i32_0 = arith.constant 0 : i32
    %c0_i32_1 = arith.constant 0 : i32
    return %arg0, %c0_i32, %c0_i32_0 : i32, i32, i32
  }
  func.func @transform_2(%arg0: i32, %arg1: i32) -> (i32, i32) {
    %mul3A = arith.constant 8 : i32
    %mul3A_0 = arith.muli %arg0, %mul3A : i32
    %add3A = arith.addi %mul3A_0, %arg1 : i32
    %c0_i32 = arith.constant 0 : i32
    %c0_i32_1 = arith.constant 0 : i32
    return %add3A, %c0_i32 : i32, i32
  }
}

module attributes {stable_mosaic.version = 14 : i64} {
  func.func @_conv_body(%arg0: i32, %arg1: memref<2560x128xf32, #tpu.memory_space<vmem>>, %arg2: memref<128x128xf32, #tpu.memory_space<vmem>>, %arg3: memref<128x128xbf16, #tpu.memory_space<vmem>>, %arg4: memref<128x128xbf16, #tpu.memory_space<vmem>>, %arg5: memref<1x128xf32, #tpu.memory_space<vmem>>, %arg6: memref<1x128xf32, #tpu.memory_space<vmem>>, %arg7: memref<1x128xf32, #tpu.memory_space<vmem>>, %arg8: memref<128x128xf32, #tpu.memory_space<vmem>>) attributes {dimension_semantics = [#tpu.dimension_semantics<arbitrary>], iteration_bounds = array<i64: 32>, scalar_prefetch = 0 : i64, scratch_operands = 0 : i64, tpu.core_type = #tpu.core_type<tc>, window_params = [{transform_indices = @transform_0, window_bounds = array<i64: 2560, 128>}, {transform_indices = @transform_1, window_bounds = array<i64: 128, 128>}, {pipeline_mode = #tpu.pipeline_mode<synchronous>, transform_indices = @transform_2, window_bounds = array<i64: 128, 128>}, {pipeline_mode = #tpu.pipeline_mode<synchronous>, transform_indices = @transform_3, window_bounds = array<i64: 128, 128>}, {pipeline_mode = #tpu.pipeline_mode<synchronous>, transform_indices = @transform_4, window_bounds = array<i64: 1, 128>}, {pipeline_mode = #tpu.pipeline_mode<synchronous>, transform_indices = @transform_5, window_bounds = array<i64: 1, 128>}, {pipeline_mode = #tpu.pipeline_mode<synchronous>, transform_indices = @transform_6, window_bounds = array<i64: 1, 128>}, {transform_indices = @transform_7, window_bounds = array<i64: 128, 128>}]} {
    %get3A = arith.constant 0 : index
    %get3A_0 = arith.constant 0 : index
    %get3A_1 = vector.load %arg2[%get3A, %get3A_0] : memref<128x128xf32, #tpu.memory_space<vmem>>, vector<128x128xf32>
    %get3A_2 = arith.constant 0 : index
    %get3A_3 = arith.constant 0 : index
    %get3A_4 = vector.load %arg1[%get3A_2, %get3A_3] : memref<2560x128xf32, #tpu.memory_space<vmem>>, vector<2560x128xf32>
    %broadcast_in_dim3A = vector.shape_cast %get3A_1 : vector<128x128xf32> to vector<128x1x128xf32>
    %broadcast_in_dim3A_5 = vector.shape_cast %broadcast_in_dim3A : vector<128x1x128xf32> to vector<128x1x128xf32>
    %broadcast_in_dim3A_6 = vector.broadcast %broadcast_in_dim3A_5 : vector<128x1x128xf32> to vector<128x20x128xf32>
    %reshape3A = vector.shape_cast %broadcast_in_dim3A_6 : vector<128x20x128xf32> to vector<2560x128xf32>
    %iota3A = tpu.iota {dimensions = array<i32: 1>} : vector<2560x128xi32>
    %lt3A = arith.constant 64 : i32
    %lt3A_7 = vector.broadcast %lt3A : i32 to vector<2560x128xi32>
    %lt3A_8 = arith.cmpi slt, %iota3A, %lt3A_7 : vector<2560x128xi32>
    %sub3A = arith.subf %get3A_4, %reshape3A : vector<2560x128xf32>
    %select_n3A = arith.select %lt3A_8, %sub3A, %reshape3A : vector<2560x128xi1>, vector<2560x128xf32>
    %convert_element_type3A = arith.truncf %select_n3A : vector<2560x128xf32> to vector<2560x128xbf16>
    %get3A_9 = arith.constant 0 : index
    %get3A_10 = arith.constant 0 : index
    %get3A_11 = vector.load %arg3[%get3A_9, %get3A_10] : memref<128x128xbf16, #tpu.memory_space<vmem>>, vector<128x128xbf16>
    %dot_general3A = arith.constant dense<0.000000e+00> : vector<2560x128xf32>
    %dot_general3A_12 = tpu.matmul %convert_element_type3A, %get3A_11, %dot_general3A {dimension_numbers = #tpu.dot_dimension_numbers<[1], [0], [0], [1], [0, 0, 1, 1], [], []>, transpose_lhs_hint = false} : vector<2560x128xbf16>, vector<128x128xbf16>, vector<2560x128xf32> -> vector<2560x128xf32>
    %reshape3A_13 = vector.shape_cast %dot_general3A_12 : vector<2560x128xf32> to vector<128x20x128xf32>
    %reduce_max3A = arith.constant dense<0xFF800000> : vector<128x128xf32>
    %reduce_max3A_14 = vector.multi_reduction <maximumf>, %reshape3A_13, %reduce_max3A [1] : vector<128x20x128xf32> to vector<128x128xf32>
    %get3A_15 = arith.constant 0 : index
    %get3A_16 = arith.constant 0 : index
    %get3A_17 = vector.load %arg5[%get3A_15, %get3A_16] : memref<1x128xf32, #tpu.memory_space<vmem>>, vector<1x128xf32>
    %add3A = vector.broadcast %get3A_17 : vector<1x128xf32> to vector<128x128xf32>
    %add3A_18 = arith.addf %reduce_max3A_14, %add3A : vector<128x128xf32>
    %div3A = arith.constant 1.00000501 : f32
    %div3A_19 = vector.broadcast %div3A : f32 to vector<128x128xf32>
    %div3A_20 = arith.divf %add3A_18, %div3A_19 : vector<128x128xf32>
    %get3A_21 = arith.constant 0 : index
    %get3A_22 = arith.constant 0 : index
    %get3A_23 = vector.load %arg6[%get3A_21, %get3A_22] : memref<1x128xf32, #tpu.memory_space<vmem>>, vector<1x128xf32>
    %mul3A = vector.broadcast %get3A_23 : vector<1x128xf32> to vector<128x128xf32>
    %mul3A_24 = arith.mulf %div3A_20, %mul3A : vector<128x128xf32>
    %get3A_25 = arith.constant 0 : index
    %get3A_26 = arith.constant 0 : index
    %get3A_27 = vector.load %arg7[%get3A_25, %get3A_26] : memref<1x128xf32, #tpu.memory_space<vmem>>, vector<1x128xf32>
    %add3A_28 = vector.broadcast %get3A_27 : vector<1x128xf32> to vector<128x128xf32>
    %add3A_29 = arith.addf %mul3A_24, %add3A_28 : vector<128x128xf32>
    %gt3A = arith.constant 0.000000e+00 : f32
    %gt3A_30 = vector.broadcast %gt3A : f32 to vector<128x128xf32>
    %gt3A_31 = arith.cmpf ogt, %add3A_29, %gt3A_30 : vector<128x128xf32>
    %mul3A_32 = arith.constant 2.000000e-01 : f32
    %mul3A_33 = vector.broadcast %mul3A_32 : f32 to vector<128x128xf32>
    %mul3A_34 = arith.mulf %mul3A_33, %add3A_29 : vector<128x128xf32>
    %select_n3A_35 = arith.select %gt3A_31, %add3A_29, %mul3A_34 : vector<128x128xi1>, vector<128x128xf32>
    %swap3A = arith.constant 0 : index
    %swap3A_36 = arith.constant 0 : index
    %swap3A_37 = vector.load %arg8[%swap3A, %swap3A_36] : memref<128x128xf32, #tpu.memory_space<vmem>>, vector<128x128xf32>
    tpu.vector_store %arg8[%swap3A, %swap3A_36], %select_n3A_35 {strides = array<i32>} : memref<128x128xf32, #tpu.memory_space<vmem>>, vector<128x128xf32>,
    return
  }
  func.func @transform_0(%arg0: i32) -> (i32, i32) {
    %c0_i32 = arith.constant 0 : i32
    %c0_i32_0 = arith.constant 0 : i32
    return %arg0, %c0_i32 : i32, i32
  }
  func.func @transform_1(%arg0: i32) -> (i32, i32) {
    %c0_i32 = arith.constant 0 : i32
    %c0_i32_0 = arith.constant 0 : i32
    return %arg0, %c0_i32 : i32, i32
  }
  func.func @transform_2(%arg0: i32) -> (i32, i32) {
    %c0_i32 = arith.constant 0 : i32
    %c0_i32_0 = arith.constant 0 : i32
    %c0_i32_1 = arith.constant 0 : i32
    return %c0_i32, %c0_i32_0 : i32, i32
  }
  func.func @transform_3(%arg0: i32) -> (i32, i32) {
    %c0_i32 = arith.constant 0 : i32
    %c0_i32_0 = arith.constant 0 : i32
    %c0_i32_1 = arith.constant 0 : i32
    return %c0_i32, %c0_i32_0 : i32, i32
  }
  func.func @transform_4(%arg0: i32) -> (i32, i32) {
    %c0_i32 = arith.constant 0 : i32
    %c0_i32_0 = arith.constant 0 : i32
    %c0_i32_1 = arith.constant 0 : i32
    return %c0_i32, %c0_i32_0 : i32, i32
  }
  func.func @transform_5(%arg0: i32) -> (i32, i32) {
    %c0_i32 = arith.constant 0 : i32
    %c0_i32_0 = arith.constant 0 : i32
    %c0_i32_1 = arith.constant 0 : i32
    return %c0_i32, %c0_i32_0 : i32, i32
  }
  func.func @transform_6(%arg0: i32) -> (i32, i32) {
    %c0_i32 = arith.constant 0 : i32
    %c0_i32_0 = arith.constant 0 : i32
    %c0_i32_1 = arith.constant 0 : i32
    return %c0_i32, %c0_i32_0 : i32, i32
  }
  func.func @transform_7(%arg0: i32) -> (i32, i32) {
    %c0_i32 = arith.constant 0 : i32
    %c0_i32_0 = arith.constant 0 : i32
    return %arg0, %c0_i32 : i32, i32
  }
}

module attributes {stable_mosaic.version = 14 : i64} {
  func.func @_topk_body(%arg0: i32, %arg1: i32, %arg2: memref<256x128xf32, #tpu.memory_space<vmem>>, %arg3: memref<1x128x2048xf32, #tpu.memory_space<vmem>>, %arg4: memref<256x32xi32, #tpu.memory_space<vmem>>) attributes {dimension_semantics = [#tpu.dimension_semantics<arbitrary>, #tpu.dimension_semantics<arbitrary>], iteration_bounds = array<i64: 2, 8>, scalar_prefetch = 0 : i64, scratch_operands = 0 : i64, tpu.core_type = #tpu.core_type<tc>, window_params = [{transform_indices = @transform_0, window_bounds = array<i64: 256, 128>}, {transform_indices = @transform_1, window_bounds = array<i64: 1, 128, 2048>}, {transform_indices = @transform_2, window_bounds = array<i64: 256, 32>}]} {
    %add3A = arith.constant 2 : i32
    %add3A_0 = arith.addi %arg0, %add3A : i32
    %get3A = arith.constant 0 : index
    %get3A_1 = arith.constant 0 : index
    %get3A_2 = vector.load %arg2[%get3A, %get3A_1] : memref<256x128xf32, #tpu.memory_space<vmem>>, vector<256x128xf32>
    %get3A_3 = arith.constant 0 : index
    %get3A_4 = arith.constant 0 : index
    %get3A_5 = arith.constant 0 : index
    %get3A_6 = vector.load %arg3[%get3A_3, %get3A_4, %get3A_5] : memref<1x128x2048xf32, #tpu.memory_space<vmem>>, vector<1x128x2048xf32>
    %get3A_7 = vector.shape_cast %get3A_6 : vector<1x128x2048xf32> to vector<128x2048xf32>
    %iota3A = tpu.iota {dimensions = array<i32: 1>} : vector<256x128xi32>
    %lt3A = arith.constant 64 : i32
    %lt3A_8 = vector.broadcast %lt3A : i32 to vector<256x128xi32>
    %lt3A_9 = arith.cmpi slt, %iota3A, %lt3A_8 : vector<256x128xi32>
    %jit3A = arith.constant 0.000000e+00 : f32
    %broadcast_in_dim3A = vector.broadcast %jit3A : f32 to vector<256x128xf32>
    %select_n3A = arith.select %lt3A_9, %get3A_2, %broadcast_in_dim3A : vector<256x128xi1>, vector<256x128xf32>
    %iota3A_10 = tpu.iota {dimensions = array<i32: 0>} : vector<128x2048xi32>
    %lt3A_11 = arith.constant 64 : i32
    %lt3A_12 = vector.broadcast %lt3A_11 : i32 to vector<128x2048xi32>
    %lt3A_13 = arith.cmpi slt, %iota3A_10, %lt3A_12 : vector<128x2048xi32>
    %jit3A_14 = arith.constant 0.000000e+00 : f32
    %broadcast_in_dim3A_15 = vector.broadcast %jit3A_14 : f32 to vector<128x2048xf32>
    %select_n3A_16 = arith.select %lt3A_13, %get3A_7, %broadcast_in_dim3A_15 : vector<128x2048xi1>, vector<128x2048xf32>
    %convert_element_type3A = arith.truncf %select_n3A : vector<256x128xf32> to vector<256x128xbf16>
    %convert_element_type3A_17 = arith.truncf %select_n3A_16 : vector<128x2048xf32> to vector<128x2048xbf16>
    %dot_general3A = arith.constant dense<0.000000e+00> : vector<256x2048xf32>
    %dot_general3A_18 = tpu.matmul %convert_element_type3A, %convert_element_type3A_17, %dot_general3A {dimension_numbers = #tpu.dot_dimension_numbers<[1], [0], [0], [1], [0, 0, 1, 1], [], []>, transpose_lhs_hint = false} : vector<256x128xbf16>, vector<128x2048xbf16>, vector<256x2048xf32> -> vector<256x2048xf32>
    %mul3A = arith.constant -2.000000e+00 : f32
    %mul3A_19 = vector.broadcast %mul3A : f32 to vector<256x2048xf32>
    %mul3A_20 = arith.mulf %mul3A_19, %dot_general3A_18 : vector<256x2048xf32>
    %mul3A_21 = arith.mulf %select_n3A, %select_n3A : vector<256x128xf32>
    %reduce_sum3A = arith.constant dense<0.000000e+00> : vector<256xf32>
    %reduce_sum3A_22 = vector.multi_reduction <add>, %mul3A_21, %reduce_sum3A [1] : vector<256x128xf32> to vector<256xf32>
    %broadcast_in_dim3A_23 = vector.shape_cast %reduce_sum3A_22 : vector<256xf32> to vector<256x1xf32>
    %mul3A_24 = arith.mulf %select_n3A_16, %select_n3A_16 : vector<128x2048xf32>
    %reduce_sum3A_25 = arith.constant dense<0.000000e+00> : vector<2048xf32>
    %reduce_sum3A_26 = vector.multi_reduction <add>, %mul3A_24, %reduce_sum3A_25 [0] : vector<128x2048xf32> to vector<2048xf32>
    %broadcast_in_dim3A_27 = vector.shape_cast %reduce_sum3A_26 : vector<2048xf32> to vector<1x2048xf32>
    %neg3A = arith.constant 0.000000e+00 : f32
    %neg3A_28 = vector.broadcast %neg3A : f32 to vector<256x1xf32>
    %neg3A_29 = arith.subf %neg3A_28, %broadcast_in_dim3A_23 : vector<256x1xf32>
    %sub3A = vector.broadcast %neg3A_29 : vector<256x1xf32> to vector<256x2048xf32>
    %sub3A_30 = arith.subf %sub3A, %mul3A_20 : vector<256x2048xf32>
    %sub3A_31 = vector.broadcast %broadcast_in_dim3A_27 : vector<1x2048xf32> to vector<256x2048xf32>
    %sub3A_32 = arith.subf %sub3A_30, %sub3A_31 : vector<256x2048xf32>
    %iota3A_33 = tpu.iota {dimensions = array<i32: 1>} : vector<256x2048xi32>
    %iota3A_34 = tpu.iota {dimensions = array<i32: 1>} : vector<256x32xi32>
    %mul3A_35 = arith.constant 2048 : i32
    %mul3A_36 = arith.muli %add3A_0, %mul3A_35 : i32
    %broadcast_in_dim3A_37 = arith.constant 0 : i32
    %broadcast_in_dim3A_38 = vector.broadcast %broadcast_in_dim3A_37 : i32 to vector<256x32xi32>
    %scan3A = arith.constant 0 : i32
    %scan3A_39 = arith.constant 20 : i32
    %scan3A_40 = arith.addi %scan3A, %scan3A_39 : i32
    %scan3A_41 = arith.constant 1 : i32
    %scan3A_42:2 = scf.for %scan3A_46 = %scan3A to %scan3A_40 step %scan3A_41 iter_args(%scan3A_47 = %sub3A_32, %scan3A_48 = %broadcast_in_dim3A_38) -> (vector<256x2048xf32>, vector<256x32xi32>)  : i32 {
      %reduce_max3A = arith.constant dense<0xFF800000> : vector<256xf32>
      %reduce_max3A_49 = vector.multi_reduction <maximumf>, %scan3A_47, %reduce_max3A [1] : vector<256x2048xf32> to vector<256xf32>
      %broadcast_in_dim3A_50 = vector.shape_cast %reduce_max3A_49 : vector<256xf32> to vector<256x1xf32>
      %eq3A = vector.broadcast %broadcast_in_dim3A_50 : vector<256x1xf32> to vector<256x2048xf32>
      %eq3A_51 = arith.cmpf oeq, %scan3A_47, %eq3A : vector<256x2048xf32>
      %jit3A_52 = arith.constant 2048 : i32
      %broadcast_in_dim3A_53 = vector.broadcast %jit3A_52 : i32 to vector<256x2048xi32>
      %select_n3A_54 = arith.select %eq3A_51, %iota3A_33, %broadcast_in_dim3A_53 : vector<256x2048xi1>, vector<256x2048xi32>
      %reduce_min3A = arith.constant dense<2147483647> : vector<256xi32>
      %reduce_min3A_55 = vector.multi_reduction <minsi>, %select_n3A_54, %reduce_min3A [1] : vector<256x2048xi32> to vector<256xi32>
      %broadcast_in_dim3A_56 = vector.shape_cast %reduce_min3A_55 : vector<256xi32> to vector<256x1xi32>
      %eq3A_57 = vector.broadcast %broadcast_in_dim3A_56 : vector<256x1xi32> to vector<256x2048xi32>
      %eq3A_58 = arith.cmpi eq, %iota3A_33, %eq3A_57 : vector<256x2048xi32>
      %jit3A_59 = arith.constant 0xFF800000 : f32
      %broadcast_in_dim3A_60 = vector.broadcast %jit3A_59 : f32 to vector<256x2048xf32>
      %select_n3A_61 = arith.select %eq3A_58, %broadcast_in_dim3A_60, %scan3A_47 : vector<256x2048xi1>, vector<256x2048xf32>
      %eq3A_62 = vector.broadcast %scan3A_46 : i32 to vector<256x32xi32>
      %eq3A_63 = arith.cmpi eq, %iota3A_34, %eq3A_62 : vector<256x32xi32>
      %add3A_64 = vector.broadcast %mul3A_36 : i32 to vector<256x1xi32>
      %add3A_65 = arith.addi %broadcast_in_dim3A_56, %add3A_64 : vector<256x1xi32>
      %broadcast_in_dim3A_66 = vector.shape_cast %add3A_65 : vector<256x1xi32> to vector<256x1xi32>
      %broadcast_in_dim3A_67 = vector.broadcast %broadcast_in_dim3A_66 : vector<256x1xi32> to vector<256x32xi32>
      %select_n3A_68 = arith.select %eq3A_63, %broadcast_in_dim3A_67, %scan3A_48 : vector<256x32xi1>, vector<256x32xi32>
      scf.yield %select_n3A_61, %select_n3A_68 : vector<256x2048xf32>, vector<256x32xi32>
    }
    %scan3A_43 = arith.constant 20 : i32
    %swap3A = arith.constant 0 : index
    %swap3A_44 = arith.constant 0 : index
    %swap3A_45 = vector.load %arg4[%swap3A, %swap3A_44] : memref<256x32xi32, #tpu.memory_space<vmem>>, vector<256x32xi32>
    tpu.vector_store %arg4[%swap3A, %swap3A_44], %scan3A_42#1 {strides = array<i32>} : memref<256x32xi32, #tpu.memory_space<vmem>>, vector<256x32xi32>,
    return
  }
  func.func @transform_0(%arg0: i32, %arg1: i32) -> (i32, i32) {
    %mul3A = arith.constant 8 : i32
    %mul3A_0 = arith.muli %arg0, %mul3A : i32
    %add3A = arith.addi %mul3A_0, %arg1 : i32
    %c0_i32 = arith.constant 0 : i32
    %c0_i32_1 = arith.constant 0 : i32
    return %add3A, %c0_i32 : i32, i32
  }
  func.func @transform_1(%arg0: i32, %arg1: i32) -> (i32, i32, i32) {
    %c0_i32 = arith.constant 0 : i32
    %c0_i32_0 = arith.constant 0 : i32
    %c0_i32_1 = arith.constant 0 : i32
    return %arg0, %c0_i32, %c0_i32_0 : i32, i32, i32
  }
  func.func @transform_2(%arg0: i32, %arg1: i32) -> (i32, i32) {
    %mul3A = arith.constant 8 : i32
    %mul3A_0 = arith.muli %arg0, %mul3A : i32
    %add3A = arith.addi %mul3A_0, %arg1 : i32
    %c0_i32 = arith.constant 0 : i32
    %c0_i32_1 = arith.constant 0 : i32
    return %add3A, %c0_i32 : i32, i32
  }
}

module attributes {stable_mosaic.version = 14 : i64} {
  func.func @_topk_body(%arg0: i32, %arg1: i32, %arg2: memref<256x128xf32, #tpu.memory_space<vmem>>, %arg3: memref<1x128x2048xf32, #tpu.memory_space<vmem>>, %arg4: memref<256x32xi32, #tpu.memory_space<vmem>>) attributes {dimension_semantics = [#tpu.dimension_semantics<arbitrary>, #tpu.dimension_semantics<arbitrary>], iteration_bounds = array<i64: 2, 8>, scalar_prefetch = 0 : i64, scratch_operands = 0 : i64, tpu.core_type = #tpu.core_type<tc>, window_params = [{transform_indices = @transform_0, window_bounds = array<i64: 256, 128>}, {transform_indices = @transform_1, window_bounds = array<i64: 1, 128, 2048>}, {transform_indices = @transform_2, window_bounds = array<i64: 256, 32>}]} {
    %add3A = arith.constant 0 : i32
    %add3A_0 = arith.addi %arg0, %add3A : i32
    %get3A = arith.constant 0 : index
    %get3A_1 = arith.constant 0 : index
    %get3A_2 = vector.load %arg2[%get3A, %get3A_1] : memref<256x128xf32, #tpu.memory_space<vmem>>, vector<256x128xf32>
    %get3A_3 = arith.constant 0 : index
    %get3A_4 = arith.constant 0 : index
    %get3A_5 = arith.constant 0 : index
    %get3A_6 = vector.load %arg3[%get3A_3, %get3A_4, %get3A_5] : memref<1x128x2048xf32, #tpu.memory_space<vmem>>, vector<1x128x2048xf32>
    %get3A_7 = vector.shape_cast %get3A_6 : vector<1x128x2048xf32> to vector<128x2048xf32>
    %iota3A = tpu.iota {dimensions = array<i32: 1>} : vector<256x128xi32>
    %lt3A = arith.constant 64 : i32
    %lt3A_8 = vector.broadcast %lt3A : i32 to vector<256x128xi32>
    %lt3A_9 = arith.cmpi slt, %iota3A, %lt3A_8 : vector<256x128xi32>
    %jit3A = arith.constant 0.000000e+00 : f32
    %broadcast_in_dim3A = vector.broadcast %jit3A : f32 to vector<256x128xf32>
    %select_n3A = arith.select %lt3A_9, %get3A_2, %broadcast_in_dim3A : vector<256x128xi1>, vector<256x128xf32>
    %iota3A_10 = tpu.iota {dimensions = array<i32: 0>} : vector<128x2048xi32>
    %lt3A_11 = arith.constant 64 : i32
    %lt3A_12 = vector.broadcast %lt3A_11 : i32 to vector<128x2048xi32>
    %lt3A_13 = arith.cmpi slt, %iota3A_10, %lt3A_12 : vector<128x2048xi32>
    %jit3A_14 = arith.constant 0.000000e+00 : f32
    %broadcast_in_dim3A_15 = vector.broadcast %jit3A_14 : f32 to vector<128x2048xf32>
    %select_n3A_16 = arith.select %lt3A_13, %get3A_7, %broadcast_in_dim3A_15 : vector<128x2048xi1>, vector<128x2048xf32>
    %convert_element_type3A = arith.truncf %select_n3A : vector<256x128xf32> to vector<256x128xbf16>
    %convert_element_type3A_17 = arith.truncf %select_n3A_16 : vector<128x2048xf32> to vector<128x2048xbf16>
    %dot_general3A = arith.constant dense<0.000000e+00> : vector<256x2048xf32>
    %dot_general3A_18 = tpu.matmul %convert_element_type3A, %convert_element_type3A_17, %dot_general3A {dimension_numbers = #tpu.dot_dimension_numbers<[1], [0], [0], [1], [0, 0, 1, 1], [], []>, transpose_lhs_hint = false} : vector<256x128xbf16>, vector<128x2048xbf16>, vector<256x2048xf32> -> vector<256x2048xf32>
    %mul3A = arith.constant -2.000000e+00 : f32
    %mul3A_19 = vector.broadcast %mul3A : f32 to vector<256x2048xf32>
    %mul3A_20 = arith.mulf %mul3A_19, %dot_general3A_18 : vector<256x2048xf32>
    %mul3A_21 = arith.mulf %select_n3A, %select_n3A : vector<256x128xf32>
    %reduce_sum3A = arith.constant dense<0.000000e+00> : vector<256xf32>
    %reduce_sum3A_22 = vector.multi_reduction <add>, %mul3A_21, %reduce_sum3A [1] : vector<256x128xf32> to vector<256xf32>
    %broadcast_in_dim3A_23 = vector.shape_cast %reduce_sum3A_22 : vector<256xf32> to vector<256x1xf32>
    %mul3A_24 = arith.mulf %select_n3A_16, %select_n3A_16 : vector<128x2048xf32>
    %reduce_sum3A_25 = arith.constant dense<0.000000e+00> : vector<2048xf32>
    %reduce_sum3A_26 = vector.multi_reduction <add>, %mul3A_24, %reduce_sum3A_25 [0] : vector<128x2048xf32> to vector<2048xf32>
    %broadcast_in_dim3A_27 = vector.shape_cast %reduce_sum3A_26 : vector<2048xf32> to vector<1x2048xf32>
    %neg3A = arith.constant 0.000000e+00 : f32
    %neg3A_28 = vector.broadcast %neg3A : f32 to vector<256x1xf32>
    %neg3A_29 = arith.subf %neg3A_28, %broadcast_in_dim3A_23 : vector<256x1xf32>
    %sub3A = vector.broadcast %neg3A_29 : vector<256x1xf32> to vector<256x2048xf32>
    %sub3A_30 = arith.subf %sub3A, %mul3A_20 : vector<256x2048xf32>
    %sub3A_31 = vector.broadcast %broadcast_in_dim3A_27 : vector<1x2048xf32> to vector<256x2048xf32>
    %sub3A_32 = arith.subf %sub3A_30, %sub3A_31 : vector<256x2048xf32>
    %iota3A_33 = tpu.iota {dimensions = array<i32: 1>} : vector<256x2048xi32>
    %iota3A_34 = tpu.iota {dimensions = array<i32: 1>} : vector<256x32xi32>
    %mul3A_35 = arith.constant 2048 : i32
    %mul3A_36 = arith.muli %add3A_0, %mul3A_35 : i32
    %broadcast_in_dim3A_37 = arith.constant 0 : i32
    %broadcast_in_dim3A_38 = vector.broadcast %broadcast_in_dim3A_37 : i32 to vector<256x32xi32>
    %scan3A = arith.constant 0 : i32
    %scan3A_39 = arith.constant 20 : i32
    %scan3A_40 = arith.addi %scan3A, %scan3A_39 : i32
    %scan3A_41 = arith.constant 1 : i32
    %scan3A_42:2 = scf.for %scan3A_46 = %scan3A to %scan3A_40 step %scan3A_41 iter_args(%scan3A_47 = %sub3A_32, %scan3A_48 = %broadcast_in_dim3A_38) -> (vector<256x2048xf32>, vector<256x32xi32>)  : i32 {
      %reduce_max3A = arith.constant dense<0xFF800000> : vector<256xf32>
      %reduce_max3A_49 = vector.multi_reduction <maximumf>, %scan3A_47, %reduce_max3A [1] : vector<256x2048xf32> to vector<256xf32>
      %broadcast_in_dim3A_50 = vector.shape_cast %reduce_max3A_49 : vector<256xf32> to vector<256x1xf32>
      %eq3A = vector.broadcast %broadcast_in_dim3A_50 : vector<256x1xf32> to vector<256x2048xf32>
      %eq3A_51 = arith.cmpf oeq, %scan3A_47, %eq3A : vector<256x2048xf32>
      %jit3A_52 = arith.constant 2048 : i32
      %broadcast_in_dim3A_53 = vector.broadcast %jit3A_52 : i32 to vector<256x2048xi32>
      %select_n3A_54 = arith.select %eq3A_51, %iota3A_33, %broadcast_in_dim3A_53 : vector<256x2048xi1>, vector<256x2048xi32>
      %reduce_min3A = arith.constant dense<2147483647> : vector<256xi32>
      %reduce_min3A_55 = vector.multi_reduction <minsi>, %select_n3A_54, %reduce_min3A [1] : vector<256x2048xi32> to vector<256xi32>
      %broadcast_in_dim3A_56 = vector.shape_cast %reduce_min3A_55 : vector<256xi32> to vector<256x1xi32>
      %eq3A_57 = vector.broadcast %broadcast_in_dim3A_56 : vector<256x1xi32> to vector<256x2048xi32>
      %eq3A_58 = arith.cmpi eq, %iota3A_33, %eq3A_57 : vector<256x2048xi32>
      %jit3A_59 = arith.constant 0xFF800000 : f32
      %broadcast_in_dim3A_60 = vector.broadcast %jit3A_59 : f32 to vector<256x2048xf32>
      %select_n3A_61 = arith.select %eq3A_58, %broadcast_in_dim3A_60, %scan3A_47 : vector<256x2048xi1>, vector<256x2048xf32>
      %eq3A_62 = vector.broadcast %scan3A_46 : i32 to vector<256x32xi32>
      %eq3A_63 = arith.cmpi eq, %iota3A_34, %eq3A_62 : vector<256x32xi32>
      %add3A_64 = vector.broadcast %mul3A_36 : i32 to vector<256x1xi32>
      %add3A_65 = arith.addi %broadcast_in_dim3A_56, %add3A_64 : vector<256x1xi32>
      %broadcast_in_dim3A_66 = vector.shape_cast %add3A_65 : vector<256x1xi32> to vector<256x1xi32>
      %broadcast_in_dim3A_67 = vector.broadcast %broadcast_in_dim3A_66 : vector<256x1xi32> to vector<256x32xi32>
      %select_n3A_68 = arith.select %eq3A_63, %broadcast_in_dim3A_67, %scan3A_48 : vector<256x32xi1>, vector<256x32xi32>
      scf.yield %select_n3A_61, %select_n3A_68 : vector<256x2048xf32>, vector<256x32xi32>
    }
    %scan3A_43 = arith.constant 20 : i32
    %swap3A = arith.constant 0 : index
    %swap3A_44 = arith.constant 0 : index
    %swap3A_45 = vector.load %arg4[%swap3A, %swap3A_44] : memref<256x32xi32, #tpu.memory_space<vmem>>, vector<256x32xi32>
    tpu.vector_store %arg4[%swap3A, %swap3A_44], %scan3A_42#1 {strides = array<i32>} : memref<256x32xi32, #tpu.memory_space<vmem>>, vector<256x32xi32>,
    return
  }
  func.func @transform_0(%arg0: i32, %arg1: i32) -> (i32, i32) {
    %mul3A = arith.constant 8 : i32
    %mul3A_0 = arith.muli %arg0, %mul3A : i32
    %add3A = arith.addi %mul3A_0, %arg1 : i32
    %c0_i32 = arith.constant 0 : i32
    %c0_i32_1 = arith.constant 0 : i32
    return %add3A, %c0_i32 : i32, i32
  }
  func.func @transform_1(%arg0: i32, %arg1: i32) -> (i32, i32, i32) {
    %c0_i32 = arith.constant 0 : i32
    %c0_i32_0 = arith.constant 0 : i32
    %c0_i32_1 = arith.constant 0 : i32
    return %arg0, %c0_i32, %c0_i32_0 : i32, i32, i32
  }
  func.func @transform_2(%arg0: i32, %arg1: i32) -> (i32, i32) {
    %mul3A = arith.constant 8 : i32
    %mul3A_0 = arith.muli %arg0, %mul3A : i32
    %add3A = arith.addi %mul3A_0, %arg1 : i32
    %c0_i32 = arith.constant 0 : i32
    %c0_i32_1 = arith.constant 0 : i32
    return %add3A, %c0_i32 : i32, i32
  }
}

module attributes {stable_mosaic.version = 14 : i64} {
  func.func @_topk_body(%arg0: i32, %arg1: i32, %arg2: memref<256x128xf32, #tpu.memory_space<vmem>>, %arg3: memref<1x128x2048xf32, #tpu.memory_space<vmem>>, %arg4: memref<256x32xi32, #tpu.memory_space<vmem>>) attributes {dimension_semantics = [#tpu.dimension_semantics<arbitrary>, #tpu.dimension_semantics<arbitrary>], iteration_bounds = array<i64: 2, 8>, scalar_prefetch = 0 : i64, scratch_operands = 0 : i64, tpu.core_type = #tpu.core_type<tc>, window_params = [{transform_indices = @transform_0, window_bounds = array<i64: 256, 128>}, {transform_indices = @transform_1, window_bounds = array<i64: 1, 128, 2048>}, {transform_indices = @transform_2, window_bounds = array<i64: 256, 32>}]} {
    %add3A = arith.constant 0 : i32
    %add3A_0 = arith.addi %arg0, %add3A : i32
    %get3A = arith.constant 0 : index
    %get3A_1 = arith.constant 0 : index
    %get3A_2 = vector.load %arg2[%get3A, %get3A_1] : memref<256x128xf32, #tpu.memory_space<vmem>>, vector<256x128xf32>
    %get3A_3 = arith.constant 0 : index
    %get3A_4 = arith.constant 0 : index
    %get3A_5 = arith.constant 0 : index
    %get3A_6 = vector.load %arg3[%get3A_3, %get3A_4, %get3A_5] : memref<1x128x2048xf32, #tpu.memory_space<vmem>>, vector<1x128x2048xf32>
    %get3A_7 = vector.shape_cast %get3A_6 : vector<1x128x2048xf32> to vector<128x2048xf32>
    %convert_element_type3A = arith.truncf %get3A_2 : vector<256x128xf32> to vector<256x128xbf16>
    %convert_element_type3A_8 = arith.truncf %get3A_7 : vector<128x2048xf32> to vector<128x2048xbf16>
    %dot_general3A = arith.constant dense<0.000000e+00> : vector<256x2048xf32>
    %dot_general3A_9 = tpu.matmul %convert_element_type3A, %convert_element_type3A_8, %dot_general3A {dimension_numbers = #tpu.dot_dimension_numbers<[1], [0], [0], [1], [0, 0, 1, 1], [], []>, transpose_lhs_hint = false} : vector<256x128xbf16>, vector<128x2048xbf16>, vector<256x2048xf32> -> vector<256x2048xf32>
    %mul3A = arith.constant -2.000000e+00 : f32
    %mul3A_10 = vector.broadcast %mul3A : f32 to vector<256x2048xf32>
    %mul3A_11 = arith.mulf %mul3A_10, %dot_general3A_9 : vector<256x2048xf32>
    %mul3A_12 = arith.mulf %get3A_2, %get3A_2 : vector<256x128xf32>
    %reduce_sum3A = arith.constant dense<0.000000e+00> : vector<256xf32>
    %reduce_sum3A_13 = vector.multi_reduction <add>, %mul3A_12, %reduce_sum3A [1] : vector<256x128xf32> to vector<256xf32>
    %broadcast_in_dim3A = vector.shape_cast %reduce_sum3A_13 : vector<256xf32> to vector<256x1xf32>
    %mul3A_14 = arith.mulf %get3A_7, %get3A_7 : vector<128x2048xf32>
    %reduce_sum3A_15 = arith.constant dense<0.000000e+00> : vector<2048xf32>
    %reduce_sum3A_16 = vector.multi_reduction <add>, %mul3A_14, %reduce_sum3A_15 [0] : vector<128x2048xf32> to vector<2048xf32>
    %broadcast_in_dim3A_17 = vector.shape_cast %reduce_sum3A_16 : vector<2048xf32> to vector<1x2048xf32>
    %neg3A = arith.constant 0.000000e+00 : f32
    %neg3A_18 = vector.broadcast %neg3A : f32 to vector<256x1xf32>
    %neg3A_19 = arith.subf %neg3A_18, %broadcast_in_dim3A : vector<256x1xf32>
    %sub3A = vector.broadcast %neg3A_19 : vector<256x1xf32> to vector<256x2048xf32>
    %sub3A_20 = arith.subf %sub3A, %mul3A_11 : vector<256x2048xf32>
    %sub3A_21 = vector.broadcast %broadcast_in_dim3A_17 : vector<1x2048xf32> to vector<256x2048xf32>
    %sub3A_22 = arith.subf %sub3A_20, %sub3A_21 : vector<256x2048xf32>
    %iota3A = tpu.iota {dimensions = array<i32: 1>} : vector<256x2048xi32>
    %iota3A_23 = tpu.iota {dimensions = array<i32: 1>} : vector<256x32xi32>
    %mul3A_24 = arith.constant 2048 : i32
    %mul3A_25 = arith.muli %add3A_0, %mul3A_24 : i32
    %broadcast_in_dim3A_26 = arith.constant 0 : i32
    %broadcast_in_dim3A_27 = vector.broadcast %broadcast_in_dim3A_26 : i32 to vector<256x32xi32>
    %scan3A = arith.constant 0 : i32
    %scan3A_28 = arith.constant 20 : i32
    %scan3A_29 = arith.addi %scan3A, %scan3A_28 : i32
    %scan3A_30 = arith.constant 1 : i32
    %scan3A_31:2 = scf.for %scan3A_35 = %scan3A to %scan3A_29 step %scan3A_30 iter_args(%scan3A_36 = %sub3A_22, %scan3A_37 = %broadcast_in_dim3A_27) -> (vector<256x2048xf32>, vector<256x32xi32>)  : i32 {
      %reduce_max3A = arith.constant dense<0xFF800000> : vector<256xf32>
      %reduce_max3A_38 = vector.multi_reduction <maximumf>, %scan3A_36, %reduce_max3A [1] : vector<256x2048xf32> to vector<256xf32>
      %broadcast_in_dim3A_39 = vector.shape_cast %reduce_max3A_38 : vector<256xf32> to vector<256x1xf32>
      %eq3A = vector.broadcast %broadcast_in_dim3A_39 : vector<256x1xf32> to vector<256x2048xf32>
      %eq3A_40 = arith.cmpf oeq, %scan3A_36, %eq3A : vector<256x2048xf32>
      %jit3A = arith.constant 2048 : i32
      %broadcast_in_dim3A_41 = vector.broadcast %jit3A : i32 to vector<256x2048xi32>
      %select_n3A = arith.select %eq3A_40, %iota3A, %broadcast_in_dim3A_41 : vector<256x2048xi1>, vector<256x2048xi32>
      %reduce_min3A = arith.constant dense<2147483647> : vector<256xi32>
      %reduce_min3A_42 = vector.multi_reduction <minsi>, %select_n3A, %reduce_min3A [1] : vector<256x2048xi32> to vector<256xi32>
      %broadcast_in_dim3A_43 = vector.shape_cast %reduce_min3A_42 : vector<256xi32> to vector<256x1xi32>
      %eq3A_44 = vector.broadcast %broadcast_in_dim3A_43 : vector<256x1xi32> to vector<256x2048xi32>
      %eq3A_45 = arith.cmpi eq, %iota3A, %eq3A_44 : vector<256x2048xi32>
      %jit3A_46 = arith.constant 0xFF800000 : f32
      %broadcast_in_dim3A_47 = vector.broadcast %jit3A_46 : f32 to vector<256x2048xf32>
      %select_n3A_48 = arith.select %eq3A_45, %broadcast_in_dim3A_47, %scan3A_36 : vector<256x2048xi1>, vector<256x2048xf32>
      %eq3A_49 = vector.broadcast %scan3A_35 : i32 to vector<256x32xi32>
      %eq3A_50 = arith.cmpi eq, %iota3A_23, %eq3A_49 : vector<256x32xi32>
      %add3A_51 = vector.broadcast %mul3A_25 : i32 to vector<256x1xi32>
      %add3A_52 = arith.addi %broadcast_in_dim3A_43, %add3A_51 : vector<256x1xi32>
      %broadcast_in_dim3A_53 = vector.shape_cast %add3A_52 : vector<256x1xi32> to vector<256x1xi32>
      %broadcast_in_dim3A_54 = vector.broadcast %broadcast_in_dim3A_53 : vector<256x1xi32> to vector<256x32xi32>
      %select_n3A_55 = arith.select %eq3A_50, %broadcast_in_dim3A_54, %scan3A_37 : vector<256x32xi1>, vector<256x32xi32>
      scf.yield %select_n3A_48, %select_n3A_55 : vector<256x2048xf32>, vector<256x32xi32>
    }
    %scan3A_32 = arith.constant 20 : i32
    %swap3A = arith.constant 0 : index
    %swap3A_33 = arith.constant 0 : index
    %swap3A_34 = vector.load %arg4[%swap3A, %swap3A_33] : memref<256x32xi32, #tpu.memory_space<vmem>>, vector<256x32xi32>
    tpu.vector_store %arg4[%swap3A, %swap3A_33], %scan3A_31#1 {strides = array<i32>} : memref<256x32xi32, #tpu.memory_space<vmem>>, vector<256x32xi32>,
    return
  }
  func.func @transform_0(%arg0: i32, %arg1: i32) -> (i32, i32) {
    %mul3A = arith.constant 8 : i32
    %mul3A_0 = arith.muli %arg0, %mul3A : i32
    %add3A = arith.addi %mul3A_0, %arg1 : i32
    %c0_i32 = arith.constant 0 : i32
    %c0_i32_1 = arith.constant 0 : i32
    return %add3A, %c0_i32 : i32, i32
  }
  func.func @transform_1(%arg0: i32, %arg1: i32) -> (i32, i32, i32) {
    %c0_i32 = arith.constant 0 : i32
    %c0_i32_0 = arith.constant 0 : i32
    %c0_i32_1 = arith.constant 0 : i32
    return %arg0, %c0_i32, %c0_i32_0 : i32, i32, i32
  }
  func.func @transform_2(%arg0: i32, %arg1: i32) -> (i32, i32) {
    %mul3A = arith.constant 8 : i32
    %mul3A_0 = arith.muli %arg0, %mul3A : i32
    %add3A = arith.addi %mul3A_0, %arg1 : i32
    %c0_i32 = arith.constant 0 : i32
    %c0_i32_1 = arith.constant 0 : i32
    return %add3A, %c0_i32 : i32, i32
  }
}

module attributes {stable_mosaic.version = 14 : i64} {
  func.func @_topk_body(%arg0: i32, %arg1: i32, %arg2: memref<256x128xf32, #tpu.memory_space<vmem>>, %arg3: memref<1x128x2048xf32, #tpu.memory_space<vmem>>, %arg4: memref<256x32xi32, #tpu.memory_space<vmem>>) attributes {dimension_semantics = [#tpu.dimension_semantics<arbitrary>, #tpu.dimension_semantics<arbitrary>], iteration_bounds = array<i64: 2, 8>, scalar_prefetch = 0 : i64, scratch_operands = 0 : i64, tpu.core_type = #tpu.core_type<tc>, window_params = [{transform_indices = @transform_0, window_bounds = array<i64: 256, 128>}, {transform_indices = @transform_1, window_bounds = array<i64: 1, 128, 2048>}, {transform_indices = @transform_2, window_bounds = array<i64: 256, 32>}]} {
    %add3A = arith.constant 2 : i32
    %add3A_0 = arith.addi %arg0, %add3A : i32
    %get3A = arith.constant 0 : index
    %get3A_1 = arith.constant 0 : index
    %get3A_2 = vector.load %arg2[%get3A, %get3A_1] : memref<256x128xf32, #tpu.memory_space<vmem>>, vector<256x128xf32>
    %get3A_3 = arith.constant 0 : index
    %get3A_4 = arith.constant 0 : index
    %get3A_5 = arith.constant 0 : index
    %get3A_6 = vector.load %arg3[%get3A_3, %get3A_4, %get3A_5] : memref<1x128x2048xf32, #tpu.memory_space<vmem>>, vector<1x128x2048xf32>
    %get3A_7 = vector.shape_cast %get3A_6 : vector<1x128x2048xf32> to vector<128x2048xf32>
    %convert_element_type3A = arith.truncf %get3A_2 : vector<256x128xf32> to vector<256x128xbf16>
    %convert_element_type3A_8 = arith.truncf %get3A_7 : vector<128x2048xf32> to vector<128x2048xbf16>
    %dot_general3A = arith.constant dense<0.000000e+00> : vector<256x2048xf32>
    %dot_general3A_9 = tpu.matmul %convert_element_type3A, %convert_element_type3A_8, %dot_general3A {dimension_numbers = #tpu.dot_dimension_numbers<[1], [0], [0], [1], [0, 0, 1, 1], [], []>, transpose_lhs_hint = false} : vector<256x128xbf16>, vector<128x2048xbf16>, vector<256x2048xf32> -> vector<256x2048xf32>
    %mul3A = arith.constant -2.000000e+00 : f32
    %mul3A_10 = vector.broadcast %mul3A : f32 to vector<256x2048xf32>
    %mul3A_11 = arith.mulf %mul3A_10, %dot_general3A_9 : vector<256x2048xf32>
    %mul3A_12 = arith.mulf %get3A_2, %get3A_2 : vector<256x128xf32>
    %reduce_sum3A = arith.constant dense<0.000000e+00> : vector<256xf32>
    %reduce_sum3A_13 = vector.multi_reduction <add>, %mul3A_12, %reduce_sum3A [1] : vector<256x128xf32> to vector<256xf32>
    %broadcast_in_dim3A = vector.shape_cast %reduce_sum3A_13 : vector<256xf32> to vector<256x1xf32>
    %mul3A_14 = arith.mulf %get3A_7, %get3A_7 : vector<128x2048xf32>
    %reduce_sum3A_15 = arith.constant dense<0.000000e+00> : vector<2048xf32>
    %reduce_sum3A_16 = vector.multi_reduction <add>, %mul3A_14, %reduce_sum3A_15 [0] : vector<128x2048xf32> to vector<2048xf32>
    %broadcast_in_dim3A_17 = vector.shape_cast %reduce_sum3A_16 : vector<2048xf32> to vector<1x2048xf32>
    %neg3A = arith.constant 0.000000e+00 : f32
    %neg3A_18 = vector.broadcast %neg3A : f32 to vector<256x1xf32>
    %neg3A_19 = arith.subf %neg3A_18, %broadcast_in_dim3A : vector<256x1xf32>
    %sub3A = vector.broadcast %neg3A_19 : vector<256x1xf32> to vector<256x2048xf32>
    %sub3A_20 = arith.subf %sub3A, %mul3A_11 : vector<256x2048xf32>
    %sub3A_21 = vector.broadcast %broadcast_in_dim3A_17 : vector<1x2048xf32> to vector<256x2048xf32>
    %sub3A_22 = arith.subf %sub3A_20, %sub3A_21 : vector<256x2048xf32>
    %iota3A = tpu.iota {dimensions = array<i32: 1>} : vector<256x2048xi32>
    %iota3A_23 = tpu.iota {dimensions = array<i32: 1>} : vector<256x32xi32>
    %mul3A_24 = arith.constant 2048 : i32
    %mul3A_25 = arith.muli %add3A_0, %mul3A_24 : i32
    %broadcast_in_dim3A_26 = arith.constant 0 : i32
    %broadcast_in_dim3A_27 = vector.broadcast %broadcast_in_dim3A_26 : i32 to vector<256x32xi32>
    %scan3A = arith.constant 0 : i32
    %scan3A_28 = arith.constant 20 : i32
    %scan3A_29 = arith.addi %scan3A, %scan3A_28 : i32
    %scan3A_30 = arith.constant 1 : i32
    %scan3A_31:2 = scf.for %scan3A_35 = %scan3A to %scan3A_29 step %scan3A_30 iter_args(%scan3A_36 = %sub3A_22, %scan3A_37 = %broadcast_in_dim3A_27) -> (vector<256x2048xf32>, vector<256x32xi32>)  : i32 {
      %reduce_max3A = arith.constant dense<0xFF800000> : vector<256xf32>
      %reduce_max3A_38 = vector.multi_reduction <maximumf>, %scan3A_36, %reduce_max3A [1] : vector<256x2048xf32> to vector<256xf32>
      %broadcast_in_dim3A_39 = vector.shape_cast %reduce_max3A_38 : vector<256xf32> to vector<256x1xf32>
      %eq3A = vector.broadcast %broadcast_in_dim3A_39 : vector<256x1xf32> to vector<256x2048xf32>
      %eq3A_40 = arith.cmpf oeq, %scan3A_36, %eq3A : vector<256x2048xf32>
      %jit3A = arith.constant 2048 : i32
      %broadcast_in_dim3A_41 = vector.broadcast %jit3A : i32 to vector<256x2048xi32>
      %select_n3A = arith.select %eq3A_40, %iota3A, %broadcast_in_dim3A_41 : vector<256x2048xi1>, vector<256x2048xi32>
      %reduce_min3A = arith.constant dense<2147483647> : vector<256xi32>
      %reduce_min3A_42 = vector.multi_reduction <minsi>, %select_n3A, %reduce_min3A [1] : vector<256x2048xi32> to vector<256xi32>
      %broadcast_in_dim3A_43 = vector.shape_cast %reduce_min3A_42 : vector<256xi32> to vector<256x1xi32>
      %eq3A_44 = vector.broadcast %broadcast_in_dim3A_43 : vector<256x1xi32> to vector<256x2048xi32>
      %eq3A_45 = arith.cmpi eq, %iota3A, %eq3A_44 : vector<256x2048xi32>
      %jit3A_46 = arith.constant 0xFF800000 : f32
      %broadcast_in_dim3A_47 = vector.broadcast %jit3A_46 : f32 to vector<256x2048xf32>
      %select_n3A_48 = arith.select %eq3A_45, %broadcast_in_dim3A_47, %scan3A_36 : vector<256x2048xi1>, vector<256x2048xf32>
      %eq3A_49 = vector.broadcast %scan3A_35 : i32 to vector<256x32xi32>
      %eq3A_50 = arith.cmpi eq, %iota3A_23, %eq3A_49 : vector<256x32xi32>
      %add3A_51 = vector.broadcast %mul3A_25 : i32 to vector<256x1xi32>
      %add3A_52 = arith.addi %broadcast_in_dim3A_43, %add3A_51 : vector<256x1xi32>
      %broadcast_in_dim3A_53 = vector.shape_cast %add3A_52 : vector<256x1xi32> to vector<256x1xi32>
      %broadcast_in_dim3A_54 = vector.broadcast %broadcast_in_dim3A_53 : vector<256x1xi32> to vector<256x32xi32>
      %select_n3A_55 = arith.select %eq3A_50, %broadcast_in_dim3A_54, %scan3A_37 : vector<256x32xi1>, vector<256x32xi32>
      scf.yield %select_n3A_48, %select_n3A_55 : vector<256x2048xf32>, vector<256x32xi32>
    }
    %scan3A_32 = arith.constant 20 : i32
    %swap3A = arith.constant 0 : index
    %swap3A_33 = arith.constant 0 : index
    %swap3A_34 = vector.load %arg4[%swap3A, %swap3A_33] : memref<256x32xi32, #tpu.memory_space<vmem>>, vector<256x32xi32>
    tpu.vector_store %arg4[%swap3A, %swap3A_33], %scan3A_31#1 {strides = array<i32>} : memref<256x32xi32, #tpu.memory_space<vmem>>, vector<256x32xi32>,
    return
  }
  func.func @transform_0(%arg0: i32, %arg1: i32) -> (i32, i32) {
    %mul3A = arith.constant 8 : i32
    %mul3A_0 = arith.muli %arg0, %mul3A : i32
    %add3A = arith.addi %mul3A_0, %arg1 : i32
    %c0_i32 = arith.constant 0 : i32
    %c0_i32_1 = arith.constant 0 : i32
    return %add3A, %c0_i32 : i32, i32
  }
  func.func @transform_1(%arg0: i32, %arg1: i32) -> (i32, i32, i32) {
    %c0_i32 = arith.constant 0 : i32
    %c0_i32_0 = arith.constant 0 : i32
    %c0_i32_1 = arith.constant 0 : i32
    return %arg0, %c0_i32, %c0_i32_0 : i32, i32, i32
  }
  func.func @transform_2(%arg0: i32, %arg1: i32) -> (i32, i32) {
    %mul3A = arith.constant 8 : i32
    %mul3A_0 = arith.muli %arg0, %mul3A : i32
    %add3A = arith.addi %mul3A_0, %arg1 : i32
    %c0_i32 = arith.constant 0 : i32
    %c0_i32_1 = arith.constant 0 : i32
    return %add3A, %c0_i32 : i32, i32
  }
}

module attributes {stable_mosaic.version = 14 : i64} {
  func.func @_conv_body(%arg0: i32, %arg1: memref<2560x128xf32, #tpu.memory_space<vmem>>, %arg2: memref<128x128xf32, #tpu.memory_space<vmem>>, %arg3: memref<128x256xbf16, #tpu.memory_space<vmem>>, %arg4: memref<128x256xbf16, #tpu.memory_space<vmem>>, %arg5: memref<1x256xf32, #tpu.memory_space<vmem>>, %arg6: memref<1x256xf32, #tpu.memory_space<vmem>>, %arg7: memref<1x256xf32, #tpu.memory_space<vmem>>, %arg8: memref<128x256xf32, #tpu.memory_space<vmem>>) attributes {dimension_semantics = [#tpu.dimension_semantics<arbitrary>], iteration_bounds = array<i64: 32>, scalar_prefetch = 0 : i64, scratch_operands = 0 : i64, tpu.core_type = #tpu.core_type<tc>, window_params = [{transform_indices = @transform_0, window_bounds = array<i64: 2560, 128>}, {transform_indices = @transform_1, window_bounds = array<i64: 128, 128>}, {pipeline_mode = #tpu.pipeline_mode<synchronous>, transform_indices = @transform_2, window_bounds = array<i64: 128, 256>}, {pipeline_mode = #tpu.pipeline_mode<synchronous>, transform_indices = @transform_3, window_bounds = array<i64: 128, 256>}, {pipeline_mode = #tpu.pipeline_mode<synchronous>, transform_indices = @transform_4, window_bounds = array<i64: 1, 256>}, {pipeline_mode = #tpu.pipeline_mode<synchronous>, transform_indices = @transform_5, window_bounds = array<i64: 1, 256>}, {pipeline_mode = #tpu.pipeline_mode<synchronous>, transform_indices = @transform_6, window_bounds = array<i64: 1, 256>}, {transform_indices = @transform_7, window_bounds = array<i64: 128, 256>}]} {
    %get3A = arith.constant 0 : index
    %get3A_0 = arith.constant 0 : index
    %get3A_1 = vector.load %arg2[%get3A, %get3A_0] : memref<128x128xf32, #tpu.memory_space<vmem>>, vector<128x128xf32>
    %get3A_2 = arith.constant 0 : index
    %get3A_3 = arith.constant 0 : index
    %get3A_4 = vector.load %arg1[%get3A_2, %get3A_3] : memref<2560x128xf32, #tpu.memory_space<vmem>>, vector<2560x128xf32>
    %broadcast_in_dim3A = vector.shape_cast %get3A_1 : vector<128x128xf32> to vector<128x1x128xf32>
    %broadcast_in_dim3A_5 = vector.shape_cast %broadcast_in_dim3A : vector<128x1x128xf32> to vector<128x1x128xf32>
    %broadcast_in_dim3A_6 = vector.broadcast %broadcast_in_dim3A_5 : vector<128x1x128xf32> to vector<128x20x128xf32>
    %reshape3A = vector.shape_cast %broadcast_in_dim3A_6 : vector<128x20x128xf32> to vector<2560x128xf32>
    %sub3A = arith.subf %get3A_4, %reshape3A : vector<2560x128xf32>
    %convert_element_type3A = arith.truncf %sub3A : vector<2560x128xf32> to vector<2560x128xbf16>
    %get3A_7 = arith.constant 0 : index
    %get3A_8 = arith.constant 0 : index
    %get3A_9 = vector.load %arg3[%get3A_7, %get3A_8] : memref<128x256xbf16, #tpu.memory_space<vmem>>, vector<128x256xbf16>
    %dot_general3A = arith.constant dense<0.000000e+00> : vector<2560x256xf32>
    %dot_general3A_10 = tpu.matmul %convert_element_type3A, %get3A_9, %dot_general3A {dimension_numbers = #tpu.dot_dimension_numbers<[1], [0], [0], [1], [0, 0, 1, 1], [], []>, transpose_lhs_hint = false} : vector<2560x128xbf16>, vector<128x256xbf16>, vector<2560x256xf32> -> vector<2560x256xf32>
    %reshape3A_11 = vector.shape_cast %dot_general3A_10 : vector<2560x256xf32> to vector<128x20x256xf32>
    %reduce_max3A = arith.constant dense<0xFF800000> : vector<128x256xf32>
    %reduce_max3A_12 = vector.multi_reduction <maximumf>, %reshape3A_11, %reduce_max3A [1] : vector<128x20x256xf32> to vector<128x256xf32>
    %convert_element_type3A_13 = arith.truncf %get3A_1 : vector<128x128xf32> to vector<128x128xbf16>
    %get3A_14 = arith.constant 0 : index
    %get3A_15 = arith.constant 0 : index
    %get3A_16 = vector.load %arg4[%get3A_14, %get3A_15] : memref<128x256xbf16, #tpu.memory_space<vmem>>, vector<128x256xbf16>
    %dot_general3A_17 = arith.constant dense<0.000000e+00> : vector<128x256xf32>
    %dot_general3A_18 = tpu.matmul %convert_element_type3A_13, %get3A_16, %dot_general3A_17 {dimension_numbers = #tpu.dot_dimension_numbers<[1], [0], [0], [1], [0, 0, 1, 1], [], []>, transpose_lhs_hint = false} : vector<128x128xbf16>, vector<128x256xbf16>, vector<128x256xf32> -> vector<128x256xf32>
    %add3A = arith.addf %reduce_max3A_12, %dot_general3A_18 : vector<128x256xf32>
    %get3A_19 = arith.constant 0 : index
    %get3A_20 = arith.constant 0 : index
    %get3A_21 = vector.load %arg5[%get3A_19, %get3A_20] : memref<1x256xf32, #tpu.memory_space<vmem>>, vector<1x256xf32>
    %add3A_22 = vector.broadcast %get3A_21 : vector<1x256xf32> to vector<128x256xf32>
    %add3A_23 = arith.addf %add3A, %add3A_22 : vector<128x256xf32>
    %div3A = arith.constant 1.00000501 : f32
    %div3A_24 = vector.broadcast %div3A : f32 to vector<128x256xf32>
    %div3A_25 = arith.divf %add3A_23, %div3A_24 : vector<128x256xf32>
    %get3A_26 = arith.constant 0 : index
    %get3A_27 = arith.constant 0 : index
    %get3A_28 = vector.load %arg6[%get3A_26, %get3A_27] : memref<1x256xf32, #tpu.memory_space<vmem>>, vector<1x256xf32>
    %mul3A = vector.broadcast %get3A_28 : vector<1x256xf32> to vector<128x256xf32>
    %mul3A_29 = arith.mulf %div3A_25, %mul3A : vector<128x256xf32>
    %get3A_30 = arith.constant 0 : index
    %get3A_31 = arith.constant 0 : index
    %get3A_32 = vector.load %arg7[%get3A_30, %get3A_31] : memref<1x256xf32, #tpu.memory_space<vmem>>, vector<1x256xf32>
    %add3A_33 = vector.broadcast %get3A_32 : vector<1x256xf32> to vector<128x256xf32>
    %add3A_34 = arith.addf %mul3A_29, %add3A_33 : vector<128x256xf32>
    %gt3A = arith.constant 0.000000e+00 : f32
    %gt3A_35 = vector.broadcast %gt3A : f32 to vector<128x256xf32>
    %gt3A_36 = arith.cmpf ogt, %add3A_34, %gt3A_35 : vector<128x256xf32>
    %mul3A_37 = arith.constant 2.000000e-01 : f32
    %mul3A_38 = vector.broadcast %mul3A_37 : f32 to vector<128x256xf32>
    %mul3A_39 = arith.mulf %mul3A_38, %add3A_34 : vector<128x256xf32>
    %select_n3A = arith.select %gt3A_36, %add3A_34, %mul3A_39 : vector<128x256xi1>, vector<128x256xf32>
    %swap3A = arith.constant 0 : index
    %swap3A_40 = arith.constant 0 : index
    %swap3A_41 = vector.load %arg8[%swap3A, %swap3A_40] : memref<128x256xf32, #tpu.memory_space<vmem>>, vector<128x256xf32>
    tpu.vector_store %arg8[%swap3A, %swap3A_40], %select_n3A {strides = array<i32>} : memref<128x256xf32, #tpu.memory_space<vmem>>, vector<128x256xf32>,
    return
  }
  func.func @transform_0(%arg0: i32) -> (i32, i32) {
    %c0_i32 = arith.constant 0 : i32
    %c0_i32_0 = arith.constant 0 : i32
    return %arg0, %c0_i32 : i32, i32
  }
  func.func @transform_1(%arg0: i32) -> (i32, i32) {
    %c0_i32 = arith.constant 0 : i32
    %c0_i32_0 = arith.constant 0 : i32
    return %arg0, %c0_i32 : i32, i32
  }
  func.func @transform_2(%arg0: i32) -> (i32, i32) {
    %c0_i32 = arith.constant 0 : i32
    %c0_i32_0 = arith.constant 0 : i32
    %c0_i32_1 = arith.constant 0 : i32
    return %c0_i32, %c0_i32_0 : i32, i32
  }
  func.func @transform_3(%arg0: i32) -> (i32, i32) {
    %c0_i32 = arith.constant 0 : i32
    %c0_i32_0 = arith.constant 0 : i32
    %c0_i32_1 = arith.constant 0 : i32
    return %c0_i32, %c0_i32_0 : i32, i32
  }
  func.func @transform_4(%arg0: i32) -> (i32, i32) {
    %c0_i32 = arith.constant 0 : i32
    %c0_i32_0 = arith.constant 0 : i32
    %c0_i32_1 = arith.constant 0 : i32
    return %c0_i32, %c0_i32_0 : i32, i32
  }
  func.func @transform_5(%arg0: i32) -> (i32, i32) {
    %c0_i32 = arith.constant 0 : i32
    %c0_i32_0 = arith.constant 0 : i32
    %c0_i32_1 = arith.constant 0 : i32
    return %c0_i32, %c0_i32_0 : i32, i32
  }
  func.func @transform_6(%arg0: i32) -> (i32, i32) {
    %c0_i32 = arith.constant 0 : i32
    %c0_i32_0 = arith.constant 0 : i32
    %c0_i32_1 = arith.constant 0 : i32
    return %c0_i32, %c0_i32_0 : i32, i32
  }
  func.func @transform_7(%arg0: i32) -> (i32, i32) {
    %c0_i32 = arith.constant 0 : i32
    %c0_i32_0 = arith.constant 0 : i32
    return %arg0, %c0_i32 : i32, i32
  }
}

module attributes {stable_mosaic.version = 14 : i64} {
  func.func @body(%arg0: i32, %arg1: memref<512x64xf32, #tpu.memory_space<vmem>>, %arg2: memref<512x64xf32, #tpu.memory_space<vmem>>, %arg3: memref<512x128xf32, #tpu.memory_space<vmem>>, %arg4: memref<512x256xf32, #tpu.memory_space<vmem>>, %arg5: memref<64x1024xbf16, #tpu.memory_space<vmem>>, %arg6: memref<64x1024xbf16, #tpu.memory_space<vmem>>, %arg7: memref<128x1024xbf16, #tpu.memory_space<vmem>>, %arg8: memref<256x1024xbf16, #tpu.memory_space<vmem>>, %arg9: memref<1x1024xf32, #tpu.memory_space<vmem>>, %arg10: memref<1x1024xf32, #tpu.memory_space<vmem>>, %arg11: memref<1x1024xf32, #tpu.memory_space<vmem>>, %arg12: memref<1024x256xbf16, #tpu.memory_space<vmem>>, %arg13: memref<1x256xf32, #tpu.memory_space<vmem>>, %arg14: memref<256x16xbf16, #tpu.memory_space<vmem>>, %arg15: memref<1x16xf32, #tpu.memory_space<vmem>>, %arg16: memref<512x16xf32, #tpu.memory_space<vmem>>) attributes {dimension_semantics = [#tpu.dimension_semantics<arbitrary>], iteration_bounds = array<i64: 16>, scalar_prefetch = 0 : i64, scratch_operands = 0 : i64, tpu.core_type = #tpu.core_type<tc>, window_params = [{transform_indices = @transform_0, window_bounds = array<i64: 512, 64>}, {transform_indices = @transform_1, window_bounds = array<i64: 512, 64>}, {transform_indices = @transform_2, window_bounds = array<i64: 512, 128>}, {transform_indices = @transform_3, window_bounds = array<i64: 512, 256>}, {pipeline_mode = #tpu.pipeline_mode<synchronous>, transform_indices = @transform_4, window_bounds = array<i64: 64, 1024>}, {pipeline_mode = #tpu.pipeline_mode<synchronous>, transform_indices = @transform_5, window_bounds = array<i64: 64, 1024>}, {pipeline_mode = #tpu.pipeline_mode<synchronous>, transform_indices = @transform_6, window_bounds = array<i64: 128, 1024>}, {pipeline_mode = #tpu.pipeline_mode<synchronous>, transform_indices = @transform_7, window_bounds = array<i64: 256, 1024>}, {pipeline_mode = #tpu.pipeline_mode<synchronous>, transform_indices = @transform_8, window_bounds = array<i64: 1, 1024>}, {pipeline_mode = #tpu.pipeline_mode<synchronous>, transform_indices = @transform_9, window_bounds = array<i64: 1, 1024>}, {pipeline_mode = #tpu.pipeline_mode<synchronous>, transform_indices = @transform_10, window_bounds = array<i64: 1, 1024>}, {pipeline_mode = #tpu.pipeline_mode<synchronous>, transform_indices = @transform_11, window_bounds = array<i64: 1024, 256>}, {pipeline_mode = #tpu.pipeline_mode<synchronous>, transform_indices = @transform_12, window_bounds = array<i64: 1, 256>}, {pipeline_mode = #tpu.pipeline_mode<synchronous>, transform_indices = @transform_13, window_bounds = array<i64: 256, 16>}, {pipeline_mode = #tpu.pipeline_mode<synchronous>, transform_indices = @transform_14, window_bounds = array<i64: 1, 16>}, {transform_indices = @transform_15, window_bounds = array<i64: 512, 16>}]} {
    %get3A = arith.constant 0 : index
    %get3A_0 = arith.constant 0 : index
    %get3A_1 = vector.load %arg1[%get3A, %get3A_0] : memref<512x64xf32, #tpu.memory_space<vmem>>, vector<512x64xf32>
    %convert_element_type3A = arith.truncf %get3A_1 : vector<512x64xf32> to vector<512x64xbf16>
    %get3A_2 = arith.constant 0 : index
    %get3A_3 = arith.constant 0 : index
    %get3A_4 = vector.load %arg5[%get3A_2, %get3A_3] : memref<64x1024xbf16, #tpu.memory_space<vmem>>, vector<64x1024xbf16>
    %dot_general3A = arith.constant dense<0.000000e+00> : vector<512x1024xf32>
    %dot_general3A_5 = tpu.matmul %convert_element_type3A, %get3A_4, %dot_general3A {dimension_numbers = #tpu.dot_dimension_numbers<[1], [0], [0], [1], [0, 0, 1, 1], [], []>, transpose_lhs_hint = false} : vector<512x64xbf16>, vector<64x1024xbf16>, vector<512x1024xf32> -> vector<512x1024xf32>
    %get3A_6 = arith.constant 0 : index
    %get3A_7 = arith.constant 0 : index
    %get3A_8 = vector.load %arg2[%get3A_6, %get3A_7] : memref<512x64xf32, #tpu.memory_space<vmem>>, vector<512x64xf32>
    %convert_element_type3A_9 = arith.truncf %get3A_8 : vector<512x64xf32> to vector<512x64xbf16>
    %get3A_10 = arith.constant 0 : index
    %get3A_11 = arith.constant 0 : index
    %get3A_12 = vector.load %arg6[%get3A_10, %get3A_11] : memref<64x1024xbf16, #tpu.memory_space<vmem>>, vector<64x1024xbf16>
    %dot_general3A_13 = arith.constant dense<0.000000e+00> : vector<512x1024xf32>
    %dot_general3A_14 = tpu.matmul %convert_element_type3A_9, %get3A_12, %dot_general3A_13 {dimension_numbers = #tpu.dot_dimension_numbers<[1], [0], [0], [1], [0, 0, 1, 1], [], []>, transpose_lhs_hint = false} : vector<512x64xbf16>, vector<64x1024xbf16>, vector<512x1024xf32> -> vector<512x1024xf32>
    %add3A = arith.addf %dot_general3A_5, %dot_general3A_14 : vector<512x1024xf32>
    %get3A_15 = arith.constant 0 : index
    %get3A_16 = arith.constant 0 : index
    %get3A_17 = vector.load %arg3[%get3A_15, %get3A_16] : memref<512x128xf32, #tpu.memory_space<vmem>>, vector<512x128xf32>
    %convert_element_type3A_18 = arith.truncf %get3A_17 : vector<512x128xf32> to vector<512x128xbf16>
    %get3A_19 = arith.constant 0 : index
    %get3A_20 = arith.constant 0 : index
    %get3A_21 = vector.load %arg7[%get3A_19, %get3A_20] : memref<128x1024xbf16, #tpu.memory_space<vmem>>, vector<128x1024xbf16>
    %dot_general3A_22 = arith.constant dense<0.000000e+00> : vector<512x1024xf32>
    %dot_general3A_23 = tpu.matmul %convert_element_type3A_18, %get3A_21, %dot_general3A_22 {dimension_numbers = #tpu.dot_dimension_numbers<[1], [0], [0], [1], [0, 0, 1, 1], [], []>, transpose_lhs_hint = false} : vector<512x128xbf16>, vector<128x1024xbf16>, vector<512x1024xf32> -> vector<512x1024xf32>
    %add3A_24 = arith.addf %add3A, %dot_general3A_23 : vector<512x1024xf32>
    %get3A_25 = arith.constant 0 : index
    %get3A_26 = arith.constant 0 : index
    %get3A_27 = vector.load %arg4[%get3A_25, %get3A_26] : memref<512x256xf32, #tpu.memory_space<vmem>>, vector<512x256xf32>
    %convert_element_type3A_28 = arith.truncf %get3A_27 : vector<512x256xf32> to vector<512x256xbf16>
    %get3A_29 = arith.constant 0 : index
    %get3A_30 = arith.constant 0 : index
    %get3A_31 = vector.load %arg8[%get3A_29, %get3A_30] : memref<256x1024xbf16, #tpu.memory_space<vmem>>, vector<256x1024xbf16>
    %dot_general3A_32 = arith.constant dense<0.000000e+00> : vector<512x1024xf32>
    %dot_general3A_33 = tpu.matmul %convert_element_type3A_28, %get3A_31, %dot_general3A_32 {dimension_numbers = #tpu.dot_dimension_numbers<[1], [0], [0], [1], [0, 0, 1, 1], [], []>, transpose_lhs_hint = false} : vector<512x256xbf16>, vector<256x1024xbf16>, vector<512x1024xf32> -> vector<512x1024xf32>
    %add3A_34 = arith.addf %add3A_24, %dot_general3A_33 : vector<512x1024xf32>
    %get3A_35 = arith.constant 0 : index
    %get3A_36 = arith.constant 0 : index
    %get3A_37 = vector.load %arg9[%get3A_35, %get3A_36] : memref<1x1024xf32, #tpu.memory_space<vmem>>, vector<1x1024xf32>
    %add3A_38 = vector.broadcast %get3A_37 : vector<1x1024xf32> to vector<512x1024xf32>
    %add3A_39 = arith.addf %add3A_34, %add3A_38 : vector<512x1024xf32>
    %div3A = arith.constant 1.00000501 : f32
    %div3A_40 = vector.broadcast %div3A : f32 to vector<512x1024xf32>
    %div3A_41 = arith.divf %add3A_39, %div3A_40 : vector<512x1024xf32>
    %get3A_42 = arith.constant 0 : index
    %get3A_43 = arith.constant 0 : index
    %get3A_44 = vector.load %arg10[%get3A_42, %get3A_43] : memref<1x1024xf32, #tpu.memory_space<vmem>>, vector<1x1024xf32>
    %mul3A = vector.broadcast %get3A_44 : vector<1x1024xf32> to vector<512x1024xf32>
    %mul3A_45 = arith.mulf %div3A_41, %mul3A : vector<512x1024xf32>
    %get3A_46 = arith.constant 0 : index
    %get3A_47 = arith.constant 0 : index
    %get3A_48 = vector.load %arg11[%get3A_46, %get3A_47] : memref<1x1024xf32, #tpu.memory_space<vmem>>, vector<1x1024xf32>
    %add3A_49 = vector.broadcast %get3A_48 : vector<1x1024xf32> to vector<512x1024xf32>
    %add3A_50 = arith.addf %mul3A_45, %add3A_49 : vector<512x1024xf32>
    %gt3A = arith.constant 0.000000e+00 : f32
    %gt3A_51 = vector.broadcast %gt3A : f32 to vector<512x1024xf32>
    %gt3A_52 = arith.cmpf ogt, %add3A_50, %gt3A_51 : vector<512x1024xf32>
    %mul3A_53 = arith.constant 2.000000e-01 : f32
    %mul3A_54 = vector.broadcast %mul3A_53 : f32 to vector<512x1024xf32>
    %mul3A_55 = arith.mulf %mul3A_54, %add3A_50 : vector<512x1024xf32>
    %select_n3A = arith.select %gt3A_52, %add3A_50, %mul3A_55 : vector<512x1024xi1>, vector<512x1024xf32>
    %convert_element_type3A_56 = arith.truncf %select_n3A : vector<512x1024xf32> to vector<512x1024xbf16>
    %get3A_57 = arith.constant 0 : index
    %get3A_58 = arith.constant 0 : index
    %get3A_59 = vector.load %arg12[%get3A_57, %get3A_58] : memref<1024x256xbf16, #tpu.memory_space<vmem>>, vector<1024x256xbf16>
    %dot_general3A_60 = arith.constant dense<0.000000e+00> : vector<512x256xf32>
    %dot_general3A_61 = tpu.matmul %convert_element_type3A_56, %get3A_59, %dot_general3A_60 {dimension_numbers = #tpu.dot_dimension_numbers<[1], [0], [0], [1], [0, 0, 1, 1], [], []>, transpose_lhs_hint = false} : vector<512x1024xbf16>, vector<1024x256xbf16>, vector<512x256xf32> -> vector<512x256xf32>
    %get3A_62 = arith.constant 0 : index
    %get3A_63 = arith.constant 0 : index
    %get3A_64 = vector.load %arg13[%get3A_62, %get3A_63] : memref<1x256xf32, #tpu.memory_space<vmem>>, vector<1x256xf32>
    %add3A_65 = vector.broadcast %get3A_64 : vector<1x256xf32> to vector<512x256xf32>
    %add3A_66 = arith.addf %dot_general3A_61, %add3A_65 : vector<512x256xf32>
    %convert_element_type3A_67 = arith.truncf %add3A_66 : vector<512x256xf32> to vector<512x256xbf16>
    %get3A_68 = arith.constant 0 : index
    %get3A_69 = arith.constant 0 : index
    %get3A_70 = vector.load %arg14[%get3A_68, %get3A_69] : memref<256x16xbf16, #tpu.memory_space<vmem>>, vector<256x16xbf16>
    %dot_general3A_71 = arith.constant dense<0.000000e+00> : vector<512x16xf32>
    %dot_general3A_72 = tpu.matmul %convert_element_type3A_67, %get3A_70, %dot_general3A_71 {dimension_numbers = #tpu.dot_dimension_numbers<[1], [0], [0], [1], [0, 0, 1, 1], [], []>, transpose_lhs_hint = false} : vector<512x256xbf16>, vector<256x16xbf16>, vector<512x16xf32> -> vector<512x16xf32>
    %get3A_73 = arith.constant 0 : index
    %get3A_74 = arith.constant 0 : index
    %get3A_75 = vector.load %arg15[%get3A_73, %get3A_74] : memref<1x16xf32, #tpu.memory_space<vmem>>, vector<1x16xf32>
    %add3A_76 = vector.broadcast %get3A_75 : vector<1x16xf32> to vector<512x16xf32>
    %add3A_77 = arith.addf %dot_general3A_72, %add3A_76 : vector<512x16xf32>
    %swap3A = arith.constant 0 : index
    %swap3A_78 = arith.constant 0 : index
    %swap3A_79 = vector.load %arg16[%swap3A, %swap3A_78] : memref<512x16xf32, #tpu.memory_space<vmem>>, vector<512x16xf32>
    tpu.vector_store %arg16[%swap3A, %swap3A_78], %add3A_77 {strides = array<i32>} : memref<512x16xf32, #tpu.memory_space<vmem>>, vector<512x16xf32>,
    return
  }
  func.func @transform_0(%arg0: i32) -> (i32, i32) {
    %c0_i32 = arith.constant 0 : i32
    %c0_i32_0 = arith.constant 0 : i32
    return %arg0, %c0_i32 : i32, i32
  }
  func.func @transform_1(%arg0: i32) -> (i32, i32) {
    %c0_i32 = arith.constant 0 : i32
    %c0_i32_0 = arith.constant 0 : i32
    return %arg0, %c0_i32 : i32, i32
  }
  func.func @transform_2(%arg0: i32) -> (i32, i32) {
    %c0_i32 = arith.constant 0 : i32
    %c0_i32_0 = arith.constant 0 : i32
    return %arg0, %c0_i32 : i32, i32
  }
  func.func @transform_3(%arg0: i32) -> (i32, i32) {
    %c0_i32 = arith.constant 0 : i32
    %c0_i32_0 = arith.constant 0 : i32
    return %arg0, %c0_i32 : i32, i32
  }
  func.func @transform_4(%arg0: i32) -> (i32, i32) {
    %c0_i32 = arith.constant 0 : i32
    %c0_i32_0 = arith.constant 0 : i32
    %c0_i32_1 = arith.constant 0 : i32
    return %c0_i32, %c0_i32_0 : i32, i32
  }
  func.func @transform_5(%arg0: i32) -> (i32, i32) {
    %c0_i32 = arith.constant 0 : i32
    %c0_i32_0 = arith.constant 0 : i32
    %c0_i32_1 = arith.constant 0 : i32
    return %c0_i32, %c0_i32_0 : i32, i32
  }
  func.func @transform_6(%arg0: i32) -> (i32, i32) {
    %c0_i32 = arith.constant 0 : i32
    %c0_i32_0 = arith.constant 0 : i32
    %c0_i32_1 = arith.constant 0 : i32
    return %c0_i32, %c0_i32_0 : i32, i32
  }
  func.func @transform_7(%arg0: i32) -> (i32, i32) {
    %c0_i32 = arith.constant 0 : i32
    %c0_i32_0 = arith.constant 0 : i32
    %c0_i32_1 = arith.constant 0 : i32
    return %c0_i32, %c0_i32_0 : i32, i32
  }
  func.func @transform_8(%arg0: i32) -> (i32, i32) {
    %c0_i32 = arith.constant 0 : i32
    %c0_i32_0 = arith.constant 0 : i32
    %c0_i32_1 = arith.constant 0 : i32
    return %c0_i32, %c0_i32_0 : i32, i32
  }
  func.func @transform_9(%arg0: i32) -> (i32, i32) {
    %c0_i32 = arith.constant 0 : i32
    %c0_i32_0 = arith.constant 0 : i32
    %c0_i32_1 = arith.constant 0 : i32
    return %c0_i32, %c0_i32_0 : i32, i32
  }
  func.func @transform_10(%arg0: i32) -> (i32, i32) {
    %c0_i32 = arith.constant 0 : i32
    %c0_i32_0 = arith.constant 0 : i32
    %c0_i32_1 = arith.constant 0 : i32
    return %c0_i32, %c0_i32_0 : i32, i32
  }
  func.func @transform_11(%arg0: i32) -> (i32, i32) {
    %c0_i32 = arith.constant 0 : i32
    %c0_i32_0 = arith.constant 0 : i32
    %c0_i32_1 = arith.constant 0 : i32
    return %c0_i32, %c0_i32_0 : i32, i32
  }
  func.func @transform_12(%arg0: i32) -> (i32, i32) {
    %c0_i32 = arith.constant 0 : i32
    %c0_i32_0 = arith.constant 0 : i32
    %c0_i32_1 = arith.constant 0 : i32
    return %c0_i32, %c0_i32_0 : i32, i32
  }
  func.func @transform_13(%arg0: i32) -> (i32, i32) {
    %c0_i32 = arith.constant 0 : i32
    %c0_i32_0 = arith.constant 0 : i32
    %c0_i32_1 = arith.constant 0 : i32
    return %c0_i32, %c0_i32_0 : i32, i32
  }
  func.func @transform_14(%arg0: i32) -> (i32, i32) {
    %c0_i32 = arith.constant 0 : i32
    %c0_i32_0 = arith.constant 0 : i32
    %c0_i32_1 = arith.constant 0 : i32
    return %c0_i32, %c0_i32_0 : i32, i32
  }
  func.func @transform_15(%arg0: i32) -> (i32, i32) {
    %c0_i32 = arith.constant 0 : i32
    %c0_i32_0 = arith.constant 0 : i32
    return %arg0, %c0_i32 : i32, i32
  }
}

</mosaic_0001>

<sc_bundles>
// kernel: kernel.27.cloned.1.call-start
scs
__scs_entry_jumppad:
0x0: {  	(pc) =	sbr.rel $0x88, $3  }
0x1: {  	(tag) =	ssettag $0x0;
	lr =	simm.s32 $0x1  }
0x2: {  	[smem:$0x3F88] =	sst lr;
	_ =	strace $0xD0000000  }
0x3: {  	_ = 	snop  }
0x4: {  	_ = 	snop  }
0x5: {  	_ = 	snop  }
0x6: {  	_ = 	snop  }
0x7: {  	_ = 	snop  }
__scs_overlays_trampoline_lowered:
0x8: {  	[smem:$0x3F97] =	sst s0  }
0x9: {  	[smem:$0x3F98] =	sst s1  }
0xa: {  	[smem:$0x3F99] =	sst s2  }
0xb: {  	[smem:$0x3F9A] =	sst s3  }
0xc: {  	[smem:$0x3F9B] =	sst s4  }
0xd: {  	[smem:$0x3F9C] =	sst s5  }
0xe: {  	[smem:$0x3F9D] =	sst s6  }
0xf: {  	[smem:$0x3F9E] =	sst s7  }
0x10: {  	[smem:$0x3F9F] =	sst s8  }
0x11: {  	[smem:$0x3FA0] =	sst s9;
	s0 =	simm.s32 @!p0 $0x0  }
0x12: {  	s1 =	sld [smem:$0x3F86];
	s0 =	simm.s32 @p0 $0x1  }
0x13: {  	[smem:$0x3FA1] =	sst s0;
	s0 =	simm.s32 @!p1 $0x0  }
0x14: {  	s2 =	sld [smem:$0x3F85];
	s0 =	simm.s32 @p1 $0x1  }
0x15: {  	[smem:$0x3FA2] =	sst s0;
	s0 =	simm.s32 @!p2 $0x0  }
0x16: {  	s3 =	sld [smem:$0x3FDB];
	s0 =	simm.s32 @p2 $0x1  }
0x17: {  	s4 =	simm.s32 $0x1BF5;
	[smem:$0x3FA4] =	sst s0  }
0x18: {  	s0 =	sld [smem:$0x3F87];
	_ =	swait.ge [sflag:s4], $0x0  }
0x19: {  	s7 =	sld [smem:$0x3F88]  }
0x1a: {  	s8 =	sadd.s32 $0xFFFFE003, lr  }
0x1b: {  	s9 =	sadd.s32 $0xFFFFFEF7, lr;
	s5 =	simm.s32 $0xFFFFFFFF;
	p2 =	slt.u32 s8, $0xFFFFF086  }
0x1c: {  	p1 =	slt.u32 s9, $0xF7A;
	s5 =	simm.s32 @!p2 $0x0  }
0x1d: {  	s5 =	simm.s32 @p1 $0x1;
	p0 =	seq.s32 s7, s2  }
0x1e: {  	s7 =	smul.u32 @!p0 $0xF7A, s2;
	p2 =	seq.s32 @!p0 s5, $0x0  }
0x1f: {  	s9 =	smul.u32 $0xF7A, s1;
	s8 =	simm.s32 @!p0 $0x1BF5;
	p2 =	por !p2, p0  }
0x20: {  	[sflag:s8] =	ssyncset.s32 @!p0 $0xFFFFF086;
	s6 =	sadd.s32 @!p0 s3, s7;
	s7 =	simm.s32 @!p0 $0x108  }
0x21: {  	s3 =	sadd.s32 s3, s9;
	s6 =	sadd.s32 @!p0 $0x88, s6;
	s7 =	simm.s32 @p2 $0x1082  }
0x22: {  	[simem:s7], [sflag:s8] =	dma.local @!p0 [hbm:s6], $0xF7A  }
0x23: {  	s9 =	sor.u32 $0xD0000000, s2;
	s6 =	simm.s32 $0x108;
	_ =	swait.ge @!p0 [sflag:s8], $0x0  }
0x24: {  	s3 =	sadd.s32 $0x88, s3;
	s6 =	simm.s32 @!p1 $0x1082;
	[sflag:s4] =	ssyncset.s32 $0xFFFFF086  }
0x25: {  	[simem:s6], [sflag:s4] =	dma.local [hbm:s3], $0xF7A  }
0x26: {  	[smem:$0x3F88] =	sst s1;
	(tag) =	ssettag s2;
	_ =	strace s9  }
0x27: {  	s1 =	sld [smem:$0x3F98]  }
0x28: {  	s2 =	sld [smem:$0x3F99]  }
0x29: {  	s4 =	sld [smem:$0x3F9B]  }
0x2a: {  	p0 =	seq.s32 s5, $0x0;
	s5 =	sld [smem:$0x3F9C]  }
0x2b: {  	s6 =	sld [smem:$0x3F9D]  }
0x2c: {  	s7 =	sld [smem:$0x3F9E]  }
0x2d: {  	s3 =	simm.s32 $0x108;
	s8 =	sld [smem:$0x3F9F]  }
0x2e: {  	s3 =	simm.s32 @!p0 $0x1082;
	s9 =	sld [smem:$0x3FA0]  }
0x2f: {  	lr =	sadd.s32 s0, s3;
	s0 =	sld [smem:$0x3F97]  }
0x30: {  	s3 =	sld [smem:$0x3F9A]  }
0x31: {  	[smem:$0x3FA3] =	sst s10  }
0x32: {  	s10 =	sld [smem:$0x3FA1];
	_ =	sdelay $0x3  }
0x33: {  	p0 =	seq.s32 s10, $0x1;
	s10 =	sld [smem:$0x3FA3];
	_ =	sdelay $0x3  }
0x34: {  	[smem:$0x3FA3] =	sst s10  }
0x35: {  	s10 =	sld [smem:$0x3FA2];
	_ =	sdelay $0x3  }
0x36: {  	p1 =	seq.s32 s10, $0x1;
	s10 =	sld [smem:$0x3FA3];
	_ =	sdelay $0x3  }
0x37: {  	[smem:$0x3FA3] =	sst s10  }
0x38: {  	s10 =	sld [smem:$0x3FA4]  }
0x39: {  	_ = 	snop;
	(pc) =	sbr.ind lr, $3  }
0x3a: {  	_ = 	snop  }
0x3b: {  	_ = 	snop  }
0x3c: {  	p2 =	seq.s32 s10, $0x1;
	s10 =	sld [smem:$0x3FA3]  }
0x3d: {  	_ =	shalt  }
0x3e: {  	_ =	shalt  }
0x3f: {  	_ =	shalt  }
0x40: {  	_ =	shalt  }
0x41: {  	_ =	shalt  }
0x42: {  	_ =	shalt  }
0x43: {  	_ =	shalt  }
0x44: {  	_ =	shalt  }
0x45: {  	_ =	shalt  }
0x46: {  	_ =	shalt  }
0x47: {  	_ =	shalt  }
0x48: {  	_ =	shalt  }
0x49: {  	_ =	shalt  }
0x4a: {  	_ =	shalt  }
0x4b: {  	_ =	shalt  }
0x4c: {  	_ =	shalt  }
0x4d: {  	_ =	shalt  }
0x4e: {  	_ =	shalt  }
0x4f: {  	_ =	shalt  }
0x50: {  	_ =	shalt  }
0x51: {  	_ =	shalt  }
0x52: {  	_ =	shalt  }
0x53: {  	_ =	shalt  }
0x54: {  	_ =	shalt  }
0x55: {  	_ =	shalt  }
0x56: {  	_ =	shalt  }
0x57: {  	_ =	shalt  }
0x58: {  	_ =	shalt  }
0x59: {  	_ =	shalt  }
0x5a: {  	_ =	shalt  }
0x5b: {  	_ =	shalt  }
0x5c: {  	_ =	shalt  }
0x5d: {  	_ =	shalt  }
0x5e: {  	_ =	shalt  }
0x5f: {  	_ =	shalt  }
0x60: {  	_ =	shalt  }
0x61: {  	_ =	shalt  }
0x62: {  	_ =	shalt  }
0x63: {  	_ =	shalt  }
0x64: {  	_ =	shalt  }
0x65: {  	_ =	shalt  }
0x66: {  	_ =	shalt  }
0x67: {  	_ =	shalt  }
0x68: {  	_ =	shalt  }
0x69: {  	_ =	shalt  }
0x6a: {  	_ =	shalt  }
0x6b: {  	_ =	shalt  }
0x6c: {  	_ =	shalt  }
0x6d: {  	_ =	shalt  }
0x6e: {  	_ =	shalt  }
0x6f: {  	_ =	shalt  }
0x70: {  	_ =	shalt  }
0x71: {  	_ =	shalt  }
0x72: {  	_ =	shalt  }
0x73: {  	_ =	shalt  }
0x74: {  	_ =	shalt  }
0x75: {  	_ =	shalt  }
0x76: {  	_ =	shalt  }
0x77: {  	_ =	shalt  }
0x78: {  	_ =	shalt  }
0x79: {  	_ =	shalt  }
0x7a: {  	_ =	shalt  }
0x7b: {  	_ =	shalt  }
0x7c: {  	_ =	shalt  }
0x7d: {  	_ =	shalt  }
0x7e: {  	_ =	shalt  }
0x7f: {  	_ =	shalt  }
0x80: {  	_ =	shalt  }
0x81: {  	_ =	shalt  }
0x82: {  	_ =	shalt  }
0x83: {  	_ =	shalt  }
0x84: {  	_ =	shalt  }
0x85: {  	_ =	shalt  }
0x86: {  	_ =	shalt  }
0x87: {  	_ =	shalt  }
.Lfunc_end0:
.L_simem_size_0:
called_computation_lowered:
.L_overlay_start_0:
0x88: {  	s2 =	sld [smem:$0x3FD9]  }
0x89: {  	s3 =	sld [smem:$0x3FFE];
	_ =	sdelay $0x1  }
0x8a: {  	s1 =	srdreg.scid  }
0x8b: {  	s0 =	sand.u32 $0x1, s1  }
0x8c: {  	s17 =	sshll.u32 s0, $0xA;
	s2 =	sadd.s32 s3, s2  }
0x8d: {  	s2 =	sadd.s32 s2, s17  }
0x8e: {  	[smem:$0x3FAF] =	sst s2  }
0x8f: {  	_ = 	snop  }
0x90: {  	s18 =	sld [smem:$0x3FD0];
	(tm) =	ssettm $0x1  }
0x91: {  	s19 =	sld [smem:$0x3FFB];
	_ =	sdelay $0x3  }
0x92: {  	_ =	strace s19  }
0x93: {  	s2 =	sld [smem:$0x3FFC];
	_ =	sdelay $0x3  }
0x94: {  	_ =	strace s2  }
0x95: {  	s2 =	sld [smem:$0x3FFD];
	_ =	sdelay $0x3  }
0x96: {  	_ =	strace s2  }
0x97: {  	_ =	strace $0x8FFFFFFF  }
0x98: {  	s20 =	sld [smem:$0x3FDB];
	_ =	sdelay $0x1  }
0x99: {  	s4 =	simm.s32 $_scs_section_size  }
0x9a: {  	s5 =	simm.s32 $_size__tile_overlayer_lowered;
	s6 =	simm.s32 $_tile_overlayer_lowered  }
0x9b: {  	s7 =	simm.s32 $0x1BFF;
	s21 =	sshll.u32 s6, $0x1;
	s4 =	sadd.s32 s4, s20  }
0x9c: {  	s22 =	simm.s32 $0x0;
	s5 =	sshll.u32 s5, $0x1;
	s6 =	sadd.s32 s21, s4  }
0x9d: {  	[timem:s22], [sflag:s7] =	dma.local [hbm:s6], s5  }
0x9e: {  	_ =	swait.ge [sflag:s7], s5  }
0x9f: {  	s5 =	ssub.s32 $0x0, s5;
	[sflag:s7] =	ssyncset.done $0x0  }
0xa0: {  	[sflag:s7] =	ssyncadd.s32 s5;
	_ =	sdelay $0x1  }
0xa1: {  	s23 =	simm.s32 $0x1B8B  }
0xa2: {  	_ =	swait.ge [sflag:s23], $0x1  }
0xa3: {  	[sflag:s23] =	ssyncset.done $0x0  }
0xa4: {  	[sflag:s23] =	ssyncadd.s32 $0xFFFFFFFF  }
0xa5: {  	s5 =	sld [smem:$0x0]  }
0xa6: {  	s6 =	sand.u32 $0xFFFFFFFE, s1  }
0xa7: {  	p0 =	sne.s32 s1, s6  }
0xa8: {  	s6 =	sshll.u32 @p0 s6, $0xE  }
0xa9: {  	s6 =	sadd.s32 @p0 $0x11B8D, s6;
	s7 =	sshll.u32 @p0 s5, $0x11  }
0xaa: {  	s6 =	sor.u32 @p0 s7, s6  }
0xab: {  	[sflag:s6] =	ssyncadd.remote.s32 @p0 $0x1;
	_ =	sdelay $0x1  }
0xac: {  	s6 =	simm.s32 @p0 $0x1B8D  }
0xad: {  	_ =	swait.eq @p0 [sflag:s6], $0x1  }
0xae: {  	[sflag:s6] =	ssyncadd.s32 @p0 $0xFFFFFFFF  }
0xaf: {  	s7 =	sshll.u32 @!p0 s1, $0xE  }
0xb0: {  	s7 =	sor.u32 @!p0 $0x4000, s7;
	s6 =	simm.s32 @!p0 $0x1B8D  }
0xb1: {  	s5 =	sshll.u32 @!p0 s5, $0x11;
	s7 =	sadd.s32 @!p0 $0x11B8D, s7;
	_ =	swait.eq @!p0 [sflag:s6], $0x1  }
0xb2: {  	s5 =	sor.u32 @!p0 s5, s7;
	[sflag:s6] =	ssyncadd.s32 @!p0 $0xFFFFFFFF  }
0xb3: {  	s25 =	simm.s32 $0x1B8E;
	s24 =	sld [smem:$0x3FFE];
	[sflag:s5] =	ssyncadd.remote.s32 @!p0 $0x1  }
0xb4: {  	s26 =	simm.s32 $execute0_lowered;
	[smem:$0x3FD2] =	sst s25  }
0xb5: {  	s6 =	sshll.u32 s26, $0x1;
	_ =	strace $0x80000049;
	[dreg:$0x1] =	wrdreg $0xFFFFFFFF  }
0xb6: {  	s28 =	simm.s32 $_size_execute0_lowered;
	s4 =	sadd.s32 s4, s6;
	[dreg:$0x0] =	wrdreg $0x0  }
0xb7: {  	s6 =	sshll.u32 s28, $0x1;
	[dreg:$0x2] =	wrdreg s4  }
0xb8: {  	[dreg:$0x3] =	wrdreg s6  }
0xb9: {  	[dreg:$0x4] =	wrdreg $0xC0  }
0xba: {  	_ =	task [dreg:s22], $0x5FFFF  }
0xbb: {  	[dreg:$0x1] =	wrdreg $0xFFFFFFFF  }
0xbc: {  	[dreg:$0x0] =	wrdreg $0x60  }
0xbd: {  	[dreg:$0x2] =	wrdreg s24  }
0xbe: {  	[dreg:$0x3] =	wrdreg s18  }
0xbf: {  	[dreg:$0x4] =	wrdreg $0x9  }
0xc0: {  	_ =	task.clear_ibuf [dreg:s22], $0x5FFFF;
	_ =	strace $0x90000049  }
0xc1: {  	s29 =	simm.s32 $0x9;
	_ =	strace $0x8000004B  }
0xc2: {  	_ =	swait.ge [sflag:s29], $0x1  }
0xc3: {  	[sflag:s29] =	ssyncadd.s32 $0xFFFFFFFF  }
0xc4: {  	_ =	strace $0x9000004B  }
0xc5: {  	_ =	sfence  }
0xc6: {  	s30 =	sld [smem:$0x0];
	_ =	sdelay $0x2  }
0xc7: {  	s31 =	sshll.u32 s1, $0xD;
	s1 =	sshrl.u32 s1, $0x2  }
0xc8: {  	s4 =	sand.u32 $0x4000, s31;
	s1 =	sadd.s32 s1, s30  }
0xc9: {  	s0 =	sor.u32 s4, s0;
	s1 =	sshll.u32 s1, $0x11  }
0xca: {  	s0 =	sor.u32 s1, s0  }
0xcb: {  	s0 =	sadd.s32 $0x8F2B, s0  }
0xcc: {  	[sflag:s0] =	ssyncadd.remote.s32 $0x1  }
0xcd: {  	_ =	sfence.sel $0xFFFF  }
0xce: {  	[dreg:$0x0] =	wrdreg $0xFFFFFFFF;
	(pc) =	sbr.abs _section_cstart, $3  }
0xcf: {  	[dreg:$0x1] =	wrdreg $0xFFFFFFFF  }
0xd0: {  	_ =	task.clear_ibuf [dreg:s22], $0x2FFFF;
	_ =	strace $0x9FFFFFFF  }
0xd1: {  	(tm) =	ssettm $0x7FFFFFFF  }
tec
execute0_lowered:
.L_overlay_start_1:
0x0: {  	(tag) =	ssettag $0x1  }
0x1: {  	s4 =	rddreg [dreg:$0x0]  }
0x2: {  	s11 =	rddreg [dreg:$0x1]  }
0x3: {  	s0 =	rddreg [dreg:$0x2]  }
0x4: {  	s3 =	srdreg.scid;
	s1 =	stileid.u32  }
0x5: {  	s2 =	simm.s32 $0x0;
	s15 =	simm.s32 $0x4100;
	s16 =	simm.s32 $0x1  }
0x6: {  	s17 =	simm.s32 $0x2;
	s18 =	simm.s32 $0x3;
	s19 =	simm.s32 $0x4  }
0x7: {  	s20 =	simm.s32 $0x0;
	s9 =	sand.u32 $0x1, s3;
	s13 =	smul.u32 $0x1400, s1  }
0x8: {  	s21 =	sshll.u32 s1, $0x1;
	[smem:$0x7FF] =	sst s2;
	s28 =	smul.u32 $0x14000, s1  }
0x9: {  	s3 =	sadd.s32 $0x6E00, s4;
	s10 =	sadd.s32 $0x169600, s4;
	s14 =	smul.u32 $0xA00, s9  }
0xa: {  	s5 =	ssub.s32 $0x2, s9;
	s6 =	sor.u32 s9, s21;
	s9 =	smul.u32 $0xA000, s9  }
0xb: {  	_ =	strace $0x8000004A;
	s7 =	sshrl.u32 s5, $0x1;
	s8 =	smul.u32 $0xA00, s6  }
0xc: {  	s23 =	smul.u32 $0xA000, s6;
	s22 =	ssub.s32 s5, s7;
	s13 =	sadd.s32 s14, s13  }
0xd: {  	s14 =	simm.s32 $0x100;
	s4 =	smax.u32 s22, $0x1;
	s12 =	sor.u32 $0x80, s8  }
0xe: {  	s24 =	sshrl.u32 s8, $0x3;
	s7 =	sadd.s32 s10, s23;
	s29 =	sor.u32 $0x180, s13  }
0xf: {  	s13 =	sor.u32 $0x100, s13;
	s25 =	sshrl.u32 s12, $0x3;
	s5 =	sadd.s32 s11, s24  }
0x10: {  	s26 =	sshll.u32 s12, $0x4;
	s30 =	sshrl.u32 s29, $0x3;
	s31 =	sshrl.u32 s13, $0x3  }
0x11: {  	s12 =	simm.s32 $0x5;
	s8 =	sadd.s32 s10, s26;
	s10 =	sadd.s32 s28, s10  }
0x12: {  	s13 =	simm.s32 $0x80;
	s6 =	sadd.s32 s11, s25;
	s9 =	sadd.s32 s9, s10  }
0x13: {  	s10 =	sadd.s32 s30, s11;
	s11 =	sadd.s32 s31, s11;
	s9 =	sadd.s32 $0x1800, s9  }
.LBB2_1:
0x14: {  	[tilespmem:s2], [sflag:$0x5] =	stream.linear.gather [hbm4b:s5+s2], $0x80, $0x38;
	[tilespmem:$0x8100] =	vst v63  }
0x15: {  	_ =	swait.ge [sflag:s12], $0x80  }
0x16: {  	[sflag:s12] =	ssyncset.done $0x0  }
0x17: {  	[sflag:s12] =	ssyncadd.s32 $0xFFFFFF80  }
0x18: {  	[tilespmem:s14], [sflag:$0x1] =	stream.indirect.gather [hbm4b:s3+s13], $0x80, s2, s13, $0xb8;
	[tilespmem:$0x8100] =	vst v63  }
0x19: {  	_ = 	snop  }
0x1a: {  	[tilespmem:s13], [sflag:$0x5] =	stream.linear.gather [hbm4b:s6+s2], $0x80, $0x38;
	[tilespmem:$0x8100] =	vst v63  }
0x1b: {  	_ =	swait.ge [sflag:s12], $0x80  }
0x1c: {  	[sflag:s12] =	ssyncset.done $0x0  }
0x1d: {  	[sflag:s12] =	ssyncadd.s32 $0xFFFFFF80  }
0x1e: {  	[tilespmem:s15], [sflag:$0x2] =	stream.indirect.gather [hbm4b:s3+s13], $0x80, s13, s13, $0xb8;
	[tilespmem:$0x8100] =	vst v63  }
0x1f: {  	_ =	swait.ge [sflag:s16], $0x4000  }
0x20: {  	[sflag:s16] =	ssyncset.done $0x0  }
0x21: {  	[sflag:s16] =	ssyncadd.s32 $0xFFFFC000  }
0x22: {  	[hbm4b:s7+s2] =	stream.linear.scatter [tilespmem:s14], [sflag:$0x3], $0x4000, $0x38;
	[tilespmem:$0x8100] =	vst v63  }
0x23: {  	_ =	swait.ge [sflag:s17], $0x4000  }
0x24: {  	[sflag:s17] =	ssyncset.done $0x0  }
0x25: {  	[sflag:s17] =	ssyncadd.s32 $0xFFFFC000  }
0x26: {  	[hbm4b:s8+s2] =	stream.linear.scatter [tilespmem:s15], [sflag:$0x4], $0x4000, $0x38;
	[tilespmem:$0x8100] =	vst v63  }
0x27: {  	_ =	swait.ge [sflag:s18], $0x4000  }
0x28: {  	[sflag:s18] =	ssyncset.done $0x0  }
0x29: {  	s21 =	sadd.s32 $0x0, s11;
	[sflag:s18] =	ssyncadd.s32 $0xFFFFC000  }
0x2a: {  	[tilespmem:s2], [sflag:$0x5] =	stream.linear.gather [hbm4b:s21+s2], $0x80, $0x38;
	[tilespmem:$0x8100] =	vst v63  }
0x2b: {  	_ =	swait.ge [sflag:s12], $0x80  }
0x2c: {  	[sflag:s12] =	ssyncset.done $0x0  }
0x2d: {  	[sflag:s12] =	ssyncadd.s32 $0xFFFFFF80  }
0x2e: {  	[tilespmem:s14], [sflag:$0x1] =	stream.indirect.gather [hbm4b:s3+s13], $0x80, s2, s13, $0xb8;
	[tilespmem:$0x8100] =	vst v63  }
0x2f: {  	_ =	swait.ge [sflag:s19], $0x4000  }
0x30: {  	[sflag:s19] =	ssyncset.done $0x0  }
0x31: {  	s30 =	sadd.s32 $0x0, s10;
	[sflag:s19] =	ssyncadd.s32 $0xFFFFC000  }
0x32: {  	[tilespmem:s13], [sflag:$0x5] =	stream.linear.gather [hbm4b:s30+s2], $0x80, $0x38;
	[tilespmem:$0x8100] =	vst v63  }
0x33: {  	_ =	swait.ge [sflag:s12], $0x80  }
0x34: {  	[sflag:s12] =	ssyncset.done $0x0  }
0x35: {  	[sflag:s12] =	ssyncadd.s32 $0xFFFFFF80  }
0x36: {  	[tilespmem:s15], [sflag:$0x2] =	stream.indirect.gather [hbm4b:s3+s13], $0x80, s13, s13, $0xb8;
	[tilespmem:$0x8100] =	vst v63  }
0x37: {  	_ =	swait.ge [sflag:s16], $0x4000  }
0x38: {  	[sflag:s16] =	ssyncset.done $0x0  }
0x39: {  	s31 =	sadd.s32 $0xFFFFF800, s9;
	[sflag:s16] =	ssyncadd.s32 $0xFFFFC000  }
0x3a: {  	[hbm4b:s31+s2] =	stream.linear.scatter [tilespmem:s14], [sflag:$0x3], $0x4000, $0x38;
	[tilespmem:$0x8100] =	vst v63  }
0x3b: {  	_ =	swait.ge [sflag:s17], $0x4000  }
0x3c: {  	s22 =	sadd.s32 $0x1000, s9;
	[sflag:s17] =	ssyncset.done $0x0  }
0x3d: {  	s23 =	smov.u32 s9;
	s21 =	simm.s32 $0x20;
	[sflag:s17] =	ssyncadd.s32 $0xFFFFC000  }
.LBB2_2:
0x3e: {  	[hbm4b:s23+s2] =	stream.linear.scatter [tilespmem:s15], [sflag:$0x4], $0x4000, $0x38;
	[tilespmem:$0x8100] =	vst v63  }
0x3f: {  	s24 =	smov.u32 s21;
	s23 =	smov.u32 s22  }
0x40: {  	p0 =	sne.s32 s21, $0x100;
	s21 =	sadd.s32 $0x20, s21;
	_ =	swait.ge [sflag:s18], $0x4000  }
0x41: {  	[sflag:s18] =	ssyncset.done $0x0  }
0x42: {  	s25 =	sadd.s32 s24, s11;
	[sflag:s18] =	ssyncadd.s32 $0xFFFFC000  }
0x43: {  	[tilespmem:s2], [sflag:$0x5] =	stream.linear.gather [hbm4b:s25+s2], $0x80, $0x38;
	[tilespmem:$0x8100] =	vst v63  }
0x44: {  	_ =	swait.ge [sflag:s12], $0x80  }
0x45: {  	[sflag:s12] =	ssyncset.done $0x0  }
0x46: {  	[sflag:s12] =	ssyncadd.s32 $0xFFFFFF80  }
0x47: {  	[tilespmem:s14], [sflag:$0x1] =	stream.indirect.gather [hbm4b:s3+s13], $0x80, s2, s13, $0xb8;
	[tilespmem:$0x8100] =	vst v63  }
0x48: {  	_ =	swait.ge [sflag:s19], $0x4000  }
0x49: {  	[sflag:s19] =	ssyncset.done $0x0  }
0x4a: {  	s24 =	sadd.s32 s24, s10;
	[sflag:s19] =	ssyncadd.s32 $0xFFFFC000  }
0x4b: {  	[tilespmem:s13], [sflag:$0x5] =	stream.linear.gather [hbm4b:s24+s2], $0x80, $0x38;
	[tilespmem:$0x8100] =	vst v63  }
0x4c: {  	_ =	swait.ge [sflag:s12], $0x80  }
0x4d: {  	[sflag:s12] =	ssyncset.done $0x0  }
0x4e: {  	[sflag:s12] =	ssyncadd.s32 $0xFFFFFF80  }
0x4f: {  	[tilespmem:s15], [sflag:$0x2] =	stream.indirect.gather [hbm4b:s3+s13], $0x80, s13, s13, $0xb8;
	[tilespmem:$0x8100] =	vst v63  }
0x50: {  	_ =	swait.ge [sflag:s16], $0x4000  }
0x51: {  	[sflag:s16] =	ssyncset.done $0x0  }
.Ltmp0:
0x52: {  	s24 =	sadd.s32 $0xFFFFF800, s22;
	[sflag:s16] =	ssyncadd.s32 $0xFFFFC000;
	(pc) =	sbr.rel @p0 .LBB2_2-.Ltmp0, $4  }
0x53: {  	[hbm4b:s24+s2] =	stream.linear.scatter [tilespmem:s14], [sflag:$0x3], $0x4000, $0x38;
	[tilespmem:$0x8100] =	vst v63  }
0x54: {  	_ =	swait.ge [sflag:s17], $0x4000  }
0x55: {  	[sflag:s17] =	ssyncset.done $0x0  }
0x56: {  	s22 =	sadd.s32 $0x1000, s22;
	[sflag:s17] =	ssyncadd.s32 $0xFFFFC000  }
0x57: {  	[hbm4b:s23+s2] =	stream.linear.scatter [tilespmem:s15], [sflag:$0x4], $0x4000, $0x38;
	[tilespmem:$0x8100] =	vst v63  }
0x58: {  	s20 =	sadd.s32 $0x1, s20  }
0x59: {  	_ =	swait.ge [sflag:s18], $0x4000;
	p0 =	sne.s32 s20, s4  }
.Ltmp1:
0x5a: {  	[sflag:s18] =	ssyncset.done $0x0;
	(pc) =	sbr.rel @p0 .LBB2_1-.Ltmp1, $4  }
0x5b: {  	[sflag:s18] =	ssyncadd.s32 $0xFFFFC000  }
0x5c: {  	_ =	swait.ge [sflag:s19], $0x4000  }
0x5d: {  	[sflag:s19] =	ssyncset.done $0x0  }
0x5e: {  	[sflag:s19] =	ssyncadd.s32 $0xFFFFC000  }
0x5f: {  	_ =	sfence.sel $0x180000  }
0x60: {  	[bflag:$0x0] =	sbarrier.arrive $0xFFFF  }
0x61: {  	p0 =	sne.s32 s1, $0x0;
	_ =	strace $0x9000004A  }
0x62: {  	s0 =	sadd.s32 @!p0 $0x100000, s0;
	[bflag:$0x2] =	sbarrier.arrive $0xFFFF  }
0x63: {  	[sflag:s0] =	ssyncadd.tile.s32 @!p0 $0x1;
	_ =	shalt  }
.Lfunc_end2:
_tile_overlayer_lowered:
.L_overlay_start_2:
0x64: {  	(tag) =	ssettag $0x2  }
0x65: {  	s0 =	rddreg [dreg:$0x0];
	s2 =	stileid.u32  }
0x66: {  	s1 =	rddreg [dreg:$0x1];
	p0 =	sne.s32 s2, $0x0  }
0x67: {  	s3 =	rddreg [dreg:$0x2];
	[bflag:$0x3] =	sbarrier.arrive $0xFFFF;
	s2 =	simm.s32 @!p0 $0x1C05  }
0x68: {  	[timem:s3], [sflag:s2] =	dma.local @!p0 [hbm:s0], s1  }
0x69: {  	s0 =	simm.s32 @!p0 $0x5  }
0x6a: {  	_ =	swait.ge @!p0 [sflag:s0], s1  }
0x6b: {  	s1 =	ssub.s32 @!p0 $0x0, s1;
	[sflag:s0] =	ssyncset.done @!p0 $0x0  }
0x6c: {  	[sflag:s0] =	ssyncadd.s32 @!p0 s1  }
0x6d: {  	[bflag:$0x3] =	sbarrier.arrive $0xFFFF  }
0x6e: {  	_ =	shalt  }

// kernel: kernel.30.cloned.1.call-start
scs
__scs_entry_jumppad:
0x0: {  	(pc) =	sbr.rel $0x88, $3  }
0x1: {  	(tag) =	ssettag $0x0;
	lr =	simm.s32 $0x1  }
0x2: {  	[smem:$0x3F88] =	sst lr;
	_ =	strace $0xD0000000  }
0x3: {  	_ = 	snop  }
0x4: {  	_ = 	snop  }
0x5: {  	_ = 	snop  }
0x6: {  	_ = 	snop  }
0x7: {  	_ = 	snop  }
__scs_overlays_trampoline_lowered:
0x8: {  	[smem:$0x3F97] =	sst s0  }
0x9: {  	[smem:$0x3F98] =	sst s1  }
0xa: {  	[smem:$0x3F99] =	sst s2  }
0xb: {  	[smem:$0x3F9A] =	sst s3  }
0xc: {  	[smem:$0x3F9B] =	sst s4  }
0xd: {  	[smem:$0x3F9C] =	sst s5  }
0xe: {  	[smem:$0x3F9D] =	sst s6  }
0xf: {  	[smem:$0x3F9E] =	sst s7  }
0x10: {  	[smem:$0x3F9F] =	sst s8  }
0x11: {  	[smem:$0x3FA0] =	sst s9;
	s0 =	simm.s32 @!p0 $0x0  }
0x12: {  	s1 =	sld [smem:$0x3F86];
	s0 =	simm.s32 @p0 $0x1  }
0x13: {  	[smem:$0x3FA1] =	sst s0;
	s0 =	simm.s32 @!p1 $0x0  }
0x14: {  	s2 =	sld [smem:$0x3F85];
	s0 =	simm.s32 @p1 $0x1  }
0x15: {  	[smem:$0x3FA2] =	sst s0;
	s0 =	simm.s32 @!p2 $0x0  }
0x16: {  	s3 =	sld [smem:$0x3FDB];
	s0 =	simm.s32 @p2 $0x1  }
0x17: {  	s4 =	simm.s32 $0x1BF5;
	[smem:$0x3FA4] =	sst s0  }
0x18: {  	s0 =	sld [smem:$0x3F87];
	_ =	swait.ge [sflag:s4], $0x0  }
0x19: {  	s7 =	sld [smem:$0x3F88]  }
0x1a: {  	s8 =	sadd.s32 $0xFFFFE003, lr  }
0x1b: {  	s9 =	sadd.s32 $0xFFFFFEF7, lr;
	s5 =	simm.s32 $0xFFFFFFFF;
	p2 =	slt.u32 s8, $0xFFFFF086  }
0x1c: {  	p1 =	slt.u32 s9, $0xF7A;
	s5 =	simm.s32 @!p2 $0x0  }
0x1d: {  	s5 =	simm.s32 @p1 $0x1;
	p0 =	seq.s32 s7, s2  }
0x1e: {  	s7 =	smul.u32 @!p0 $0xF7A, s2;
	p2 =	seq.s32 @!p0 s5, $0x0  }
0x1f: {  	s9 =	smul.u32 $0xF7A, s1;
	s8 =	simm.s32 @!p0 $0x1BF5;
	p2 =	por !p2, p0  }
0x20: {  	[sflag:s8] =	ssyncset.s32 @!p0 $0xFFFFF086;
	s6 =	sadd.s32 @!p0 s3, s7;
	s7 =	simm.s32 @!p0 $0x108  }
0x21: {  	s3 =	sadd.s32 s3, s9;
	s6 =	sadd.s32 @!p0 $0x88, s6;
	s7 =	simm.s32 @p2 $0x1082  }
0x22: {  	[simem:s7], [sflag:s8] =	dma.local @!p0 [hbm:s6], $0xF7A  }
0x23: {  	s9 =	sor.u32 $0xD0000000, s2;
	s6 =	simm.s32 $0x108;
	_ =	swait.ge @!p0 [sflag:s8], $0x0  }
0x24: {  	s3 =	sadd.s32 $0x88, s3;
	s6 =	simm.s32 @!p1 $0x1082;
	[sflag:s4] =	ssyncset.s32 $0xFFFFF086  }
0x25: {  	[simem:s6], [sflag:s4] =	dma.local [hbm:s3], $0xF7A  }
0x26: {  	[smem:$0x3F88] =	sst s1;
	(tag) =	ssettag s2;
	_ =	strace s9  }
0x27: {  	s1 =	sld [smem:$0x3F98]  }
0x28: {  	s2 =	sld [smem:$0x3F99]  }
0x29: {  	s4 =	sld [smem:$0x3F9B]  }
0x2a: {  	p0 =	seq.s32 s5, $0x0;
	s5 =	sld [smem:$0x3F9C]  }
0x2b: {  	s6 =	sld [smem:$0x3F9D]  }
0x2c: {  	s7 =	sld [smem:$0x3F9E]  }
0x2d: {  	s3 =	simm.s32 $0x108;
	s8 =	sld [smem:$0x3F9F]  }
0x2e: {  	s3 =	simm.s32 @!p0 $0x1082;
	s9 =	sld [smem:$0x3FA0]  }
0x2f: {  	lr =	sadd.s32 s0, s3;
	s0 =	sld [smem:$0x3F97]  }
0x30: {  	s3 =	sld [smem:$0x3F9A]  }
0x31: {  	[smem:$0x3FA3] =	sst s10  }
0x32: {  	s10 =	sld [smem:$0x3FA1];
	_ =	sdelay $0x3  }
0x33: {  	p0 =	seq.s32 s10, $0x1;
	s10 =	sld [smem:$0x3FA3];
	_ =	sdelay $0x3  }
0x34: {  	[smem:$0x3FA3] =	sst s10  }
0x35: {  	s10 =	sld [smem:$0x3FA2];
	_ =	sdelay $0x3  }
0x36: {  	p1 =	seq.s32 s10, $0x1;
	s10 =	sld [smem:$0x3FA3];
	_ =	sdelay $0x3  }
0x37: {  	[smem:$0x3FA3] =	sst s10  }
0x38: {  	s10 =	sld [smem:$0x3FA4]  }
0x39: {  	_ = 	snop;
	(pc) =	sbr.ind lr, $3  }
0x3a: {  	_ = 	snop  }
0x3b: {  	_ = 	snop  }
0x3c: {  	p2 =	seq.s32 s10, $0x1;
	s10 =	sld [smem:$0x3FA3]  }
0x3d: {  	_ =	shalt  }
0x3e: {  	_ =	shalt  }
0x3f: {  	_ =	shalt  }
0x40: {  	_ =	shalt  }
0x41: {  	_ =	shalt  }
0x42: {  	_ =	shalt  }
0x43: {  	_ =	shalt  }
0x44: {  	_ =	shalt  }
0x45: {  	_ =	shalt  }
0x46: {  	_ =	shalt  }
0x47: {  	_ =	shalt  }
0x48: {  	_ =	shalt  }
0x49: {  	_ =	shalt  }
0x4a: {  	_ =	shalt  }
0x4b: {  	_ =	shalt  }
0x4c: {  	_ =	shalt  }
0x4d: {  	_ =	shalt  }
0x4e: {  	_ =	shalt  }
0x4f: {  	_ =	shalt  }
0x50: {  	_ =	shalt  }
0x51: {  	_ =	shalt  }
0x52: {  	_ =	shalt  }
0x53: {  	_ =	shalt  }
0x54: {  	_ =	shalt  }
0x55: {  	_ =	shalt  }
0x56: {  	_ =	shalt  }
0x57: {  	_ =	shalt  }
0x58: {  	_ =	shalt  }
0x59: {  	_ =	shalt  }
0x5a: {  	_ =	shalt  }
0x5b: {  	_ =	shalt  }
0x5c: {  	_ =	shalt  }
0x5d: {  	_ =	shalt  }
0x5e: {  	_ =	shalt  }
0x5f: {  	_ =	shalt  }
0x60: {  	_ =	shalt  }
0x61: {  	_ =	shalt  }
0x62: {  	_ =	shalt  }
0x63: {  	_ =	shalt  }
0x64: {  	_ =	shalt  }
0x65: {  	_ =	shalt  }
0x66: {  	_ =	shalt  }
0x67: {  	_ =	shalt  }
0x68: {  	_ =	shalt  }
0x69: {  	_ =	shalt  }
0x6a: {  	_ =	shalt  }
0x6b: {  	_ =	shalt  }
0x6c: {  	_ =	shalt  }
0x6d: {  	_ =	shalt  }
0x6e: {  	_ =	shalt  }
0x6f: {  	_ =	shalt  }
0x70: {  	_ =	shalt  }
0x71: {  	_ =	shalt  }
0x72: {  	_ =	shalt  }
0x73: {  	_ =	shalt  }
0x74: {  	_ =	shalt  }
0x75: {  	_ =	shalt  }
0x76: {  	_ =	shalt  }
0x77: {  	_ =	shalt  }
0x78: {  	_ =	shalt  }
0x79: {  	_ =	shalt  }
0x7a: {  	_ =	shalt  }
0x7b: {  	_ =	shalt  }
0x7c: {  	_ =	shalt  }
0x7d: {  	_ =	shalt  }
0x7e: {  	_ =	shalt  }
0x7f: {  	_ =	shalt  }
0x80: {  	_ =	shalt  }
0x81: {  	_ =	shalt  }
0x82: {  	_ =	shalt  }
0x83: {  	_ =	shalt  }
0x84: {  	_ =	shalt  }
0x85: {  	_ =	shalt  }
0x86: {  	_ =	shalt  }
0x87: {  	_ =	shalt  }
.Lfunc_end0:
.L_simem_size_0:
called_computation.1_lowered:
.L_overlay_start_0:
0x88: {  	s2 =	sld [smem:$0x3FD9]  }
0x89: {  	s3 =	sld [smem:$0x3FFE];
	_ =	sdelay $0x1  }
0x8a: {  	s1 =	srdreg.scid  }
0x8b: {  	s0 =	sand.u32 $0x1, s1  }
0x8c: {  	s16 =	sshll.u32 s0, $0xA;
	s2 =	sadd.s32 s3, s2  }
0x8d: {  	s2 =	sadd.s32 s2, s16  }
0x8e: {  	[smem:$0x3FAF] =	sst s2  }
0x8f: {  	_ = 	snop  }
0x90: {  	(tm) =	ssettm $0x1  }
0x91: {  	s17 =	sld [smem:$0x3FFB];
	_ =	sdelay $0x3  }
0x92: {  	_ =	strace s17  }
0x93: {  	s2 =	sld [smem:$0x3FFC];
	_ =	sdelay $0x3  }
0x94: {  	_ =	strace s2  }
0x95: {  	s2 =	sld [smem:$0x3FFD];
	_ =	sdelay $0x3  }
0x96: {  	_ =	strace s2  }
0x97: {  	_ =	strace $0x8FFFFFFF  }
0x98: {  	s18 =	sld [smem:$0x3FDB];
	_ =	sdelay $0x1  }
0x99: {  	s19 =	simm.s32 $_scs_section_size  }
0x9a: {  	s4 =	simm.s32 $_size__tile_overlayer_lowered;
	s5 =	simm.s32 $_tile_overlayer_lowered  }
0x9b: {  	s22 =	simm.s32 $0x1BFF;
	s21 =	sshll.u32 s5, $0x1;
	s2 =	sadd.s32 s19, s18  }
0x9c: {  	s6 =	simm.s32 $0x0;
	s20 =	sshll.u32 s4, $0x1;
	s4 =	sadd.s32 s21, s2  }
0x9d: {  	[timem:s6], [sflag:s22] =	dma.local [hbm:s4], s20  }
0x9e: {  	_ =	swait.ge [sflag:s22], s20  }
0x9f: {  	s3 =	ssub.s32 $0x0, s20;
	[sflag:s22] =	ssyncset.done $0x0  }
0xa0: {  	[sflag:s22] =	ssyncadd.s32 s3;
	_ =	sdelay $0x1  }
0xa1: {  	s23 =	simm.s32 $0x1B8B  }
0xa2: {  	_ =	swait.ge [sflag:s23], $0x1  }
0xa3: {  	[sflag:s23] =	ssyncset.done $0x0  }
0xa4: {  	s25 =	simm.s32 $0x1B8E;
	s24 =	sld [smem:$0x3FFE];
	[sflag:s23] =	ssyncadd.s32 $0xFFFFFFFF  }
0xa5: {  	s26 =	simm.s32 $execute0_lowered;
	[smem:$0x3FD2] =	sst s25  }
0xa6: {  	s4 =	sshll.u32 s26, $0x1;
	_ =	strace $0x80000046;
	[dreg:$0x1] =	wrdreg $0xFFFFFFFF  }
0xa7: {  	s28 =	simm.s32 $_size_execute0_lowered;
	s2 =	sadd.s32 s2, s4;
	[dreg:$0x0] =	wrdreg $0x0  }
0xa8: {  	s4 =	sshll.u32 s28, $0x1;
	[dreg:$0x2] =	wrdreg s2  }
0xa9: {  	[dreg:$0x3] =	wrdreg s4  }
0xaa: {  	[dreg:$0x4] =	wrdreg $0xC0  }
0xab: {  	_ =	task [dreg:s6], $0x5FFFF  }
0xac: {  	[dreg:$0x1] =	wrdreg $0xFFFFFFFF  }
0xad: {  	[dreg:$0x0] =	wrdreg $0x60  }
0xae: {  	[dreg:$0x2] =	wrdreg s24  }
0xaf: {  	[dreg:$0x3] =	wrdreg $0xA  }
0xb0: {  	_ =	task.clear_ibuf [dreg:s6], $0x4FFFF;
	_ =	strace $0x90000046  }
0xb1: {  	s29 =	simm.s32 $0xA;
	_ =	strace $0x80000048  }
0xb2: {  	_ =	swait.ge [sflag:s29], $0x1  }
0xb3: {  	[sflag:s29] =	ssyncadd.s32 $0xFFFFFFFF  }
0xb4: {  	_ =	strace $0x90000048  }
0xb5: {  	_ =	sfence  }
0xb6: {  	s30 =	sld [smem:$0x0];
	_ =	sdelay $0x2  }
0xb7: {  	s31 =	sshll.u32 s1, $0xD;
	s1 =	sshrl.u32 s1, $0x2  }
0xb8: {  	s3 =	sand.u32 $0x4000, s31;
	s1 =	sadd.s32 s1, s30  }
0xb9: {  	s0 =	sor.u32 s3, s0;
	s1 =	sshll.u32 s1, $0x11  }
0xba: {  	s0 =	sor.u32 s1, s0  }
0xbb: {  	s0 =	sadd.s32 $0x8F2B, s0  }
0xbc: {  	[sflag:s0] =	ssyncadd.remote.s32 $0x1  }
0xbd: {  	_ =	sfence.sel $0xFFFF  }
0xbe: {  	[dreg:$0x0] =	wrdreg $0xFFFFFFFF;
	(pc) =	sbr.abs _section_cstart, $3  }
0xbf: {  	[dreg:$0x1] =	wrdreg $0xFFFFFFFF  }
0xc0: {  	_ =	task.clear_ibuf [dreg:s6], $0x2FFFF;
	_ =	strace $0x9FFFFFFF  }
0xc1: {  	(tm) =	ssettm $0x7FFFFFFF  }
tec
execute0_lowered:
.L_overlay_start_1:
0x0: {  	(tag) =	ssettag $0x1  }
0x1: {  	s4 =	rddreg [dreg:$0x0]  }
0x2: {  	s0 =	rddreg [dreg:$0x1]  }
0x3: {  	s2 =	simm.s32 $0x0;
	s3 =	srdreg.scid;
	s1 =	stileid.u32  }
0x4: {  	s15 =	simm.s32 $0x4100;
	s16 =	simm.s32 $0x1;
	s17 =	simm.s32 $0x2  }
0x5: {  	s18 =	simm.s32 $0x3;
	s19 =	simm.s32 $0x4;
	s20 =	simm.s32 $0x0  }
0x6: {  	[smem:$0x7FF] =	sst s2;
	s9 =	sand.u32 $0x1, s3;
	s13 =	smul.u32 $0x1400, s1  }
0x7: {  	s21 =	sshll.u32 s1, $0x1;
	s3 =	sadd.s32 $0x6E00, s4;
	s28 =	smul.u32 $0x14000, s1  }
0x8: {  	s11 =	sadd.s32 $0x26E00, s4;
	s10 =	sadd.s32 $0x29600, s4;
	s14 =	smul.u32 $0xA00, s9  }
0x9: {  	s5 =	ssub.s32 $0x2, s9;
	s6 =	sor.u32 s9, s21;
	s9 =	smul.u32 $0xA000, s9  }
0xa: {  	_ =	strace $0x80000047;
	s7 =	sshrl.u32 s5, $0x1;
	s8 =	smul.u32 $0xA00, s6  }
0xb: {  	s23 =	smul.u32 $0xA000, s6;
	s22 =	ssub.s32 s5, s7;
	s13 =	sadd.s32 s14, s13  }
0xc: {  	s14 =	simm.s32 $0x100;
	s4 =	smax.u32 s22, $0x1;
	s12 =	sor.u32 $0x80, s8  }
0xd: {  	s24 =	sshrl.u32 s8, $0x3;
	s7 =	sadd.s32 s10, s23;
	s29 =	sor.u32 $0x180, s13  }
0xe: {  	s13 =	sor.u32 $0x100, s13;
	s25 =	sshrl.u32 s12, $0x3;
	s5 =	sadd.s32 s11, s24  }
0xf: {  	s26 =	sshll.u32 s12, $0x4;
	s30 =	sshrl.u32 s29, $0x3;
	s31 =	sshrl.u32 s13, $0x3  }
0x10: {  	s12 =	simm.s32 $0x5;
	s8 =	sadd.s32 s10, s26;
	s10 =	sadd.s32 s28, s10  }
0x11: {  	s13 =	simm.s32 $0x80;
	s6 =	sadd.s32 s11, s25;
	s9 =	sadd.s32 s9, s10  }
0x12: {  	s10 =	sadd.s32 s30, s11;
	s11 =	sadd.s32 s31, s11;
	s9 =	sadd.s32 $0x1800, s9  }
.LBB2_1:
0x13: {  	[tilespmem:s2], [sflag:$0x5] =	stream.linear.gather [hbm4b:s5+s2], $0x80, $0x38;
	[tilespmem:$0x8100] =	vst v63  }
0x14: {  	_ =	swait.ge [sflag:s12], $0x80  }
0x15: {  	[sflag:s12] =	ssyncset.done $0x0  }
0x16: {  	[sflag:s12] =	ssyncadd.s32 $0xFFFFFF80  }
0x17: {  	[tilespmem:s14], [sflag:$0x1] =	stream.indirect.gather [hbm4b:s3+s13], $0x80, s2, s13, $0xb8;
	[tilespmem:$0x8100] =	vst v63  }
0x18: {  	_ = 	snop  }
0x19: {  	[tilespmem:s13], [sflag:$0x5] =	stream.linear.gather [hbm4b:s6+s2], $0x80, $0x38;
	[tilespmem:$0x8100] =	vst v63  }
0x1a: {  	_ =	swait.ge [sflag:s12], $0x80  }
0x1b: {  	[sflag:s12] =	ssyncset.done $0x0  }
0x1c: {  	[sflag:s12] =	ssyncadd.s32 $0xFFFFFF80  }
0x1d: {  	[tilespmem:s15], [sflag:$0x2] =	stream.indirect.gather [hbm4b:s3+s13], $0x80, s13, s13, $0xb8;
	[tilespmem:$0x8100] =	vst v63  }
0x1e: {  	_ =	swait.ge [sflag:s16], $0x4000  }
0x1f: {  	[sflag:s16] =	ssyncset.done $0x0  }
0x20: {  	[sflag:s16] =	ssyncadd.s32 $0xFFFFC000  }
0x21: {  	[hbm4b:s7+s2] =	stream.linear.scatter [tilespmem:s14], [sflag:$0x3], $0x4000, $0x38;
	[tilespmem:$0x8100] =	vst v63  }
0x22: {  	_ =	swait.ge [sflag:s17], $0x4000  }
0x23: {  	[sflag:s17] =	ssyncset.done $0x0  }
0x24: {  	[sflag:s17] =	ssyncadd.s32 $0xFFFFC000  }
0x25: {  	[hbm4b:s8+s2] =	stream.linear.scatter [tilespmem:s15], [sflag:$0x4], $0x4000, $0x38;
	[tilespmem:$0x8100] =	vst v63  }
0x26: {  	_ =	swait.ge [sflag:s18], $0x4000  }
0x27: {  	[sflag:s18] =	ssyncset.done $0x0  }
0x28: {  	s21 =	sadd.s32 $0x0, s11;
	[sflag:s18] =	ssyncadd.s32 $0xFFFFC000  }
0x29: {  	[tilespmem:s2], [sflag:$0x5] =	stream.linear.gather [hbm4b:s21+s2], $0x80, $0x38;
	[tilespmem:$0x8100] =	vst v63  }
0x2a: {  	_ =	swait.ge [sflag:s12], $0x80  }
0x2b: {  	[sflag:s12] =	ssyncset.done $0x0  }
0x2c: {  	[sflag:s12] =	ssyncadd.s32 $0xFFFFFF80  }
0x2d: {  	[tilespmem:s14], [sflag:$0x1] =	stream.indirect.gather [hbm4b:s3+s13], $0x80, s2, s13, $0xb8;
	[tilespmem:$0x8100] =	vst v63  }
0x2e: {  	_ =	swait.ge [sflag:s19], $0x4000  }
0x2f: {  	[sflag:s19] =	ssyncset.done $0x0  }
0x30: {  	s30 =	sadd.s32 $0x0, s10;
	[sflag:s19] =	ssyncadd.s32 $0xFFFFC000  }
0x31: {  	[tilespmem:s13], [sflag:$0x5] =	stream.linear.gather [hbm4b:s30+s2], $0x80, $0x38;
	[tilespmem:$0x8100] =	vst v63  }
0x32: {  	_ =	swait.ge [sflag:s12], $0x80  }
0x33: {  	[sflag:s12] =	ssyncset.done $0x0  }
0x34: {  	[sflag:s12] =	ssyncadd.s32 $0xFFFFFF80  }
0x35: {  	[tilespmem:s15], [sflag:$0x2] =	stream.indirect.gather [hbm4b:s3+s13], $0x80, s13, s13, $0xb8;
	[tilespmem:$0x8100] =	vst v63  }
0x36: {  	_ =	swait.ge [sflag:s16], $0x4000  }
0x37: {  	[sflag:s16] =	ssyncset.done $0x0  }
0x38: {  	s31 =	sadd.s32 $0xFFFFF800, s9;
	[sflag:s16] =	ssyncadd.s32 $0xFFFFC000  }
0x39: {  	[hbm4b:s31+s2] =	stream.linear.scatter [tilespmem:s14], [sflag:$0x3], $0x4000, $0x38;
	[tilespmem:$0x8100] =	vst v63  }
0x3a: {  	_ =	swait.ge [sflag:s17], $0x4000  }
0x3b: {  	s22 =	sadd.s32 $0x1000, s9;
	[sflag:s17] =	ssyncset.done $0x0  }
0x3c: {  	s23 =	smov.u32 s9;
	s21 =	simm.s32 $0x20;
	[sflag:s17] =	ssyncadd.s32 $0xFFFFC000  }
.LBB2_2:
0x3d: {  	[hbm4b:s23+s2] =	stream.linear.scatter [tilespmem:s15], [sflag:$0x4], $0x4000, $0x38;
	[tilespmem:$0x8100] =	vst v63  }
0x3e: {  	s24 =	smov.u32 s21;
	s23 =	smov.u32 s22  }
0x3f: {  	p0 =	sne.s32 s21, $0x100;
	s21 =	sadd.s32 $0x20, s21;
	_ =	swait.ge [sflag:s18], $0x4000  }
0x40: {  	[sflag:s18] =	ssyncset.done $0x0  }
0x41: {  	s25 =	sadd.s32 s24, s11;
	[sflag:s18] =	ssyncadd.s32 $0xFFFFC000  }
0x42: {  	[tilespmem:s2], [sflag:$0x5] =	stream.linear.gather [hbm4b:s25+s2], $0x80, $0x38;
	[tilespmem:$0x8100] =	vst v63  }
0x43: {  	_ =	swait.ge [sflag:s12], $0x80  }
0x44: {  	[sflag:s12] =	ssyncset.done $0x0  }
0x45: {  	[sflag:s12] =	ssyncadd.s32 $0xFFFFFF80  }
0x46: {  	[tilespmem:s14], [sflag:$0x1] =	stream.indirect.gather [hbm4b:s3+s13], $0x80, s2, s13, $0xb8;
	[tilespmem:$0x8100] =	vst v63  }
0x47: {  	_ =	swait.ge [sflag:s19], $0x4000  }
0x48: {  	[sflag:s19] =	ssyncset.done $0x0  }
0x49: {  	s24 =	sadd.s32 s24, s10;
	[sflag:s19] =	ssyncadd.s32 $0xFFFFC000  }
0x4a: {  	[tilespmem:s13], [sflag:$0x5] =	stream.linear.gather [hbm4b:s24+s2], $0x80, $0x38;
	[tilespmem:$0x8100] =	vst v63  }
0x4b: {  	_ =	swait.ge [sflag:s12], $0x80  }
0x4c: {  	[sflag:s12] =	ssyncset.done $0x0  }
0x4d: {  	[sflag:s12] =	ssyncadd.s32 $0xFFFFFF80  }
0x4e: {  	[tilespmem:s15], [sflag:$0x2] =	stream.indirect.gather [hbm4b:s3+s13], $0x80, s13, s13, $0xb8;
	[tilespmem:$0x8100] =	vst v63  }
0x4f: {  	_ =	swait.ge [sflag:s16], $0x4000  }
0x50: {  	[sflag:s16] =	ssyncset.done $0x0  }
.Ltmp0:
0x51: {  	s24 =	sadd.s32 $0xFFFFF800, s22;
	[sflag:s16] =	ssyncadd.s32 $0xFFFFC000;
	(pc) =	sbr.rel @p0 .LBB2_2-.Ltmp0, $4  }
0x52: {  	[hbm4b:s24+s2] =	stream.linear.scatter [tilespmem:s14], [sflag:$0x3], $0x4000, $0x38;
	[tilespmem:$0x8100] =	vst v63  }
0x53: {  	_ =	swait.ge [sflag:s17], $0x4000  }
0x54: {  	[sflag:s17] =	ssyncset.done $0x0  }
0x55: {  	s22 =	sadd.s32 $0x1000, s22;
	[sflag:s17] =	ssyncadd.s32 $0xFFFFC000  }
0x56: {  	[hbm4b:s23+s2] =	stream.linear.scatter [tilespmem:s15], [sflag:$0x4], $0x4000, $0x38;
	[tilespmem:$0x8100] =	vst v63  }
0x57: {  	s20 =	sadd.s32 $0x1, s20  }
0x58: {  	_ =	swait.ge [sflag:s18], $0x4000;
	p0 =	sne.s32 s20, s4  }
.Ltmp1:
0x59: {  	[sflag:s18] =	ssyncset.done $0x0;
	(pc) =	sbr.rel @p0 .LBB2_1-.Ltmp1, $4  }
0x5a: {  	[sflag:s18] =	ssyncadd.s32 $0xFFFFC000  }
0x5b: {  	_ =	swait.ge [sflag:s19], $0x4000  }
0x5c: {  	[sflag:s19] =	ssyncset.done $0x0  }
0x5d: {  	[sflag:s19] =	ssyncadd.s32 $0xFFFFC000  }
0x5e: {  	_ =	sfence.sel $0x180000  }
0x5f: {  	[bflag:$0x0] =	sbarrier.arrive $0xFFFF  }
0x60: {  	p0 =	sne.s32 s1, $0x0;
	_ =	strace $0x90000047  }
0x61: {  	s0 =	sadd.s32 @!p0 $0x100000, s0;
	[bflag:$0x2] =	sbarrier.arrive $0xFFFF  }
0x62: {  	[sflag:s0] =	ssyncadd.tile.s32 @!p0 $0x1;
	_ =	shalt  }
.Lfunc_end2:
_tile_overlayer_lowered:
.L_overlay_start_2:
0x63: {  	(tag) =	ssettag $0x2  }
0x64: {  	s0 =	rddreg [dreg:$0x0];
	s2 =	stileid.u32  }
0x65: {  	s1 =	rddreg [dreg:$0x1];
	p0 =	sne.s32 s2, $0x0  }
0x66: {  	s3 =	rddreg [dreg:$0x2];
	[bflag:$0x3] =	sbarrier.arrive $0xFFFF;
	s2 =	simm.s32 @!p0 $0x1C05  }
0x67: {  	[timem:s3], [sflag:s2] =	dma.local @!p0 [hbm:s0], s1  }
0x68: {  	s0 =	simm.s32 @!p0 $0x5  }
0x69: {  	_ =	swait.ge @!p0 [sflag:s0], s1  }
0x6a: {  	s1 =	ssub.s32 @!p0 $0x0, s1;
	[sflag:s0] =	ssyncset.done @!p0 $0x0  }
0x6b: {  	[sflag:s0] =	ssyncadd.s32 @!p0 s1  }
0x6c: {  	[bflag:$0x3] =	sbarrier.arrive $0xFFFF  }
0x6d: {  	_ =	shalt  }

// kernel: kernel.33.cloned.1.call-start
scs
__scs_entry_jumppad:
0x0: {  	(pc) =	sbr.rel $0x88, $3  }
0x1: {  	(tag) =	ssettag $0x0;
	lr =	simm.s32 $0x1  }
0x2: {  	[smem:$0x3F88] =	sst lr;
	_ =	strace $0xD0000000  }
0x3: {  	_ = 	snop  }
0x4: {  	_ = 	snop  }
0x5: {  	_ = 	snop  }
0x6: {  	_ = 	snop  }
0x7: {  	_ = 	snop  }
__scs_overlays_trampoline_lowered:
0x8: {  	[smem:$0x3F97] =	sst s0  }
0x9: {  	[smem:$0x3F98] =	sst s1  }
0xa: {  	[smem:$0x3F99] =	sst s2  }
0xb: {  	[smem:$0x3F9A] =	sst s3  }
0xc: {  	[smem:$0x3F9B] =	sst s4  }
0xd: {  	[smem:$0x3F9C] =	sst s5  }
0xe: {  	[smem:$0x3F9D] =	sst s6  }
0xf: {  	[smem:$0x3F9E] =	sst s7  }
0x10: {  	[smem:$0x3F9F] =	sst s8  }
0x11: {  	[smem:$0x3FA0] =	sst s9;
	s0 =	simm.s32 @!p0 $0x0  }
0x12: {  	s1 =	sld [smem:$0x3F86];
	s0 =	simm.s32 @p0 $0x1  }
0x13: {  	[smem:$0x3FA1] =	sst s0;
	s0 =	simm.s32 @!p1 $0x0  }
0x14: {  	s2 =	sld [smem:$0x3F85];
	s0 =	simm.s32 @p1 $0x1  }
0x15: {  	[smem:$0x3FA2] =	sst s0;
	s0 =	simm.s32 @!p2 $0x0  }
0x16: {  	s3 =	sld [smem:$0x3FDB];
	s0 =	simm.s32 @p2 $0x1  }
0x17: {  	s4 =	simm.s32 $0x1BF5;
	[smem:$0x3FA4] =	sst s0  }
0x18: {  	s0 =	sld [smem:$0x3F87];
	_ =	swait.ge [sflag:s4], $0x0  }
0x19: {  	s7 =	sld [smem:$0x3F88]  }
0x1a: {  	s8 =	sadd.s32 $0xFFFFE003, lr  }
0x1b: {  	s9 =	sadd.s32 $0xFFFFFEF7, lr;
	s5 =	simm.s32 $0xFFFFFFFF;
	p2 =	slt.u32 s8, $0xFFFFF086  }
0x1c: {  	p1 =	slt.u32 s9, $0xF7A;
	s5 =	simm.s32 @!p2 $0x0  }
0x1d: {  	s5 =	simm.s32 @p1 $0x1;
	p0 =	seq.s32 s7, s2  }
0x1e: {  	s7 =	smul.u32 @!p0 $0xF7A, s2;
	p2 =	seq.s32 @!p0 s5, $0x0  }
0x1f: {  	s9 =	smul.u32 $0xF7A, s1;
	s8 =	simm.s32 @!p0 $0x1BF5;
	p2 =	por !p2, p0  }
0x20: {  	[sflag:s8] =	ssyncset.s32 @!p0 $0xFFFFF086;
	s6 =	sadd.s32 @!p0 s3, s7;
	s7 =	simm.s32 @!p0 $0x108  }
0x21: {  	s3 =	sadd.s32 s3, s9;
	s6 =	sadd.s32 @!p0 $0x88, s6;
	s7 =	simm.s32 @p2 $0x1082  }
0x22: {  	[simem:s7], [sflag:s8] =	dma.local @!p0 [hbm:s6], $0xF7A  }
0x23: {  	s9 =	sor.u32 $0xD0000000, s2;
	s6 =	simm.s32 $0x108;
	_ =	swait.ge @!p0 [sflag:s8], $0x0  }
0x24: {  	s3 =	sadd.s32 $0x88, s3;
	s6 =	simm.s32 @!p1 $0x1082;
	[sflag:s4] =	ssyncset.s32 $0xFFFFF086  }
0x25: {  	[simem:s6], [sflag:s4] =	dma.local [hbm:s3], $0xF7A  }
0x26: {  	[smem:$0x3F88] =	sst s1;
	(tag) =	ssettag s2;
	_ =	strace s9  }
0x27: {  	s1 =	sld [smem:$0x3F98]  }
0x28: {  	s2 =	sld [smem:$0x3F99]  }
0x29: {  	s4 =	sld [smem:$0x3F9B]  }
0x2a: {  	p0 =	seq.s32 s5, $0x0;
	s5 =	sld [smem:$0x3F9C]  }
0x2b: {  	s6 =	sld [smem:$0x3F9D]  }
0x2c: {  	s7 =	sld [smem:$0x3F9E]  }
0x2d: {  	s3 =	simm.s32 $0x108;
	s8 =	sld [smem:$0x3F9F]  }
0x2e: {  	s3 =	simm.s32 @!p0 $0x1082;
	s9 =	sld [smem:$0x3FA0]  }
0x2f: {  	lr =	sadd.s32 s0, s3;
	s0 =	sld [smem:$0x3F97]  }
0x30: {  	s3 =	sld [smem:$0x3F9A]  }
0x31: {  	[smem:$0x3FA3] =	sst s10  }
0x32: {  	s10 =	sld [smem:$0x3FA1];
	_ =	sdelay $0x3  }
0x33: {  	p0 =	seq.s32 s10, $0x1;
	s10 =	sld [smem:$0x3FA3];
	_ =	sdelay $0x3  }
0x34: {  	[smem:$0x3FA3] =	sst s10  }
0x35: {  	s10 =	sld [smem:$0x3FA2];
	_ =	sdelay $0x3  }
0x36: {  	p1 =	seq.s32 s10, $0x1;
	s10 =	sld [smem:$0x3FA3];
	_ =	sdelay $0x3  }
0x37: {  	[smem:$0x3FA3] =	sst s10  }
0x38: {  	s10 =	sld [smem:$0x3FA4]  }
0x39: {  	_ = 	snop;
	(pc) =	sbr.ind lr, $3  }
0x3a: {  	_ = 	snop  }
0x3b: {  	_ = 	snop  }
0x3c: {  	p2 =	seq.s32 s10, $0x1;
	s10 =	sld [smem:$0x3FA3]  }
0x3d: {  	_ =	shalt  }
0x3e: {  	_ =	shalt  }
0x3f: {  	_ =	shalt  }
0x40: {  	_ =	shalt  }
0x41: {  	_ =	shalt  }
0x42: {  	_ =	shalt  }
0x43: {  	_ =	shalt  }
0x44: {  	_ =	shalt  }
0x45: {  	_ =	shalt  }
0x46: {  	_ =	shalt  }
0x47: {  	_ =	shalt  }
0x48: {  	_ =	shalt  }
0x49: {  	_ =	shalt  }
0x4a: {  	_ =	shalt  }
0x4b: {  	_ =	shalt  }
0x4c: {  	_ =	shalt  }
0x4d: {  	_ =	shalt  }
0x4e: {  	_ =	shalt  }
0x4f: {  	_ =	shalt  }
0x50: {  	_ =	shalt  }
0x51: {  	_ =	shalt  }
0x52: {  	_ =	shalt  }
0x53: {  	_ =	shalt  }
0x54: {  	_ =	shalt  }
0x55: {  	_ =	shalt  }
0x56: {  	_ =	shalt  }
0x57: {  	_ =	shalt  }
0x58: {  	_ =	shalt  }
0x59: {  	_ =	shalt  }
0x5a: {  	_ =	shalt  }
0x5b: {  	_ =	shalt  }
0x5c: {  	_ =	shalt  }
0x5d: {  	_ =	shalt  }
0x5e: {  	_ =	shalt  }
0x5f: {  	_ =	shalt  }
0x60: {  	_ =	shalt  }
0x61: {  	_ =	shalt  }
0x62: {  	_ =	shalt  }
0x63: {  	_ =	shalt  }
0x64: {  	_ =	shalt  }
0x65: {  	_ =	shalt  }
0x66: {  	_ =	shalt  }
0x67: {  	_ =	shalt  }
0x68: {  	_ =	shalt  }
0x69: {  	_ =	shalt  }
0x6a: {  	_ =	shalt  }
0x6b: {  	_ =	shalt  }
0x6c: {  	_ =	shalt  }
0x6d: {  	_ =	shalt  }
0x6e: {  	_ =	shalt  }
0x6f: {  	_ =	shalt  }
0x70: {  	_ =	shalt  }
0x71: {  	_ =	shalt  }
0x72: {  	_ =	shalt  }
0x73: {  	_ =	shalt  }
0x74: {  	_ =	shalt  }
0x75: {  	_ =	shalt  }
0x76: {  	_ =	shalt  }
0x77: {  	_ =	shalt  }
0x78: {  	_ =	shalt  }
0x79: {  	_ =	shalt  }
0x7a: {  	_ =	shalt  }
0x7b: {  	_ =	shalt  }
0x7c: {  	_ =	shalt  }
0x7d: {  	_ =	shalt  }
0x7e: {  	_ =	shalt  }
0x7f: {  	_ =	shalt  }
0x80: {  	_ =	shalt  }
0x81: {  	_ =	shalt  }
0x82: {  	_ =	shalt  }
0x83: {  	_ =	shalt  }
0x84: {  	_ =	shalt  }
0x85: {  	_ =	shalt  }
0x86: {  	_ =	shalt  }
0x87: {  	_ =	shalt  }
.Lfunc_end0:
.L_simem_size_0:
called_computation.2_lowered:
.L_overlay_start_0:
0x88: {  	s2 =	sld [smem:$0x3FD9]  }
0x89: {  	s3 =	sld [smem:$0x3FFE];
	_ =	sdelay $0x1  }
0x8a: {  	s1 =	srdreg.scid  }
0x8b: {  	s0 =	sand.u32 $0x1, s1  }
0x8c: {  	s17 =	sshll.u32 s0, $0xA;
	s2 =	sadd.s32 s3, s2  }
0x8d: {  	s2 =	sadd.s32 s2, s17  }
0x8e: {  	[smem:$0x3FAF] =	sst s2  }
0x8f: {  	_ = 	snop  }
0x90: {  	s18 =	sld [smem:$0x3FD0];
	(tm) =	ssettm $0x1  }
0x91: {  	s19 =	sld [smem:$0x3FFB];
	_ =	sdelay $0x3  }
0x92: {  	_ =	strace s19  }
0x93: {  	s2 =	sld [smem:$0x3FFC];
	_ =	sdelay $0x3  }
0x94: {  	_ =	strace s2  }
0x95: {  	s2 =	sld [smem:$0x3FFD];
	_ =	sdelay $0x3  }
0x96: {  	_ =	strace s2  }
0x97: {  	_ =	strace $0x8FFFFFFF  }
0x98: {  	s20 =	sld [smem:$0x3FDB];
	_ =	sdelay $0x1  }
0x99: {  	s4 =	simm.s32 $_scs_section_size  }
0x9a: {  	s5 =	simm.s32 $_size__tile_overlayer_lowered;
	s6 =	simm.s32 $_tile_overlayer_lowered  }
0x9b: {  	s7 =	simm.s32 $0x1BFF;
	s21 =	sshll.u32 s6, $0x1;
	s4 =	sadd.s32 s4, s20  }
0x9c: {  	s22 =	simm.s32 $0x0;
	s5 =	sshll.u32 s5, $0x1;
	s6 =	sadd.s32 s21, s4  }
0x9d: {  	[timem:s22], [sflag:s7] =	dma.local [hbm:s6], s5  }
0x9e: {  	_ =	swait.ge [sflag:s7], s5  }
0x9f: {  	s5 =	ssub.s32 $0x0, s5;
	[sflag:s7] =	ssyncset.done $0x0  }
0xa0: {  	[sflag:s7] =	ssyncadd.s32 s5;
	_ =	sdelay $0x1  }
0xa1: {  	s23 =	simm.s32 $0x1B8B  }
0xa2: {  	_ =	swait.ge [sflag:s23], $0x1  }
0xa3: {  	[sflag:s23] =	ssyncset.done $0x0  }
0xa4: {  	[sflag:s23] =	ssyncadd.s32 $0xFFFFFFFF  }
0xa5: {  	s5 =	sld [smem:$0x0]  }
0xa6: {  	s6 =	sand.u32 $0xFFFFFFFE, s1  }
0xa7: {  	p0 =	sne.s32 s1, s6  }
0xa8: {  	s6 =	sshll.u32 @p0 s6, $0xE  }
0xa9: {  	s6 =	sadd.s32 @p0 $0x11B8D, s6;
	s7 =	sshll.u32 @p0 s5, $0x11  }
0xaa: {  	s6 =	sor.u32 @p0 s7, s6  }
0xab: {  	[sflag:s6] =	ssyncadd.remote.s32 @p0 $0x1;
	_ =	sdelay $0x1  }
0xac: {  	s6 =	simm.s32 @p0 $0x1B8D  }
0xad: {  	_ =	swait.eq @p0 [sflag:s6], $0x1  }
0xae: {  	[sflag:s6] =	ssyncadd.s32 @p0 $0xFFFFFFFF  }
0xaf: {  	s7 =	sshll.u32 @!p0 s1, $0xE  }
0xb0: {  	s7 =	sor.u32 @!p0 $0x4000, s7;
	s6 =	simm.s32 @!p0 $0x1B8D  }
0xb1: {  	s5 =	sshll.u32 @!p0 s5, $0x11;
	s7 =	sadd.s32 @!p0 $0x11B8D, s7;
	_ =	swait.eq @!p0 [sflag:s6], $0x1  }
0xb2: {  	s5 =	sor.u32 @!p0 s5, s7;
	[sflag:s6] =	ssyncadd.s32 @!p0 $0xFFFFFFFF  }
0xb3: {  	s25 =	simm.s32 $0x1B8E;
	s24 =	sld [smem:$0x3FFE];
	[sflag:s5] =	ssyncadd.remote.s32 @!p0 $0x1  }
0xb4: {  	s26 =	simm.s32 $execute0_lowered;
	[smem:$0x3FD2] =	sst s25  }
0xb5: {  	s6 =	sshll.u32 s26, $0x1;
	_ =	strace $0x8000004F;
	[dreg:$0x1] =	wrdreg $0xFFFFFFFF  }
0xb6: {  	s28 =	simm.s32 $_size_execute0_lowered;
	s4 =	sadd.s32 s4, s6;
	[dreg:$0x0] =	wrdreg $0x0  }
0xb7: {  	s6 =	sshll.u32 s28, $0x1;
	[dreg:$0x2] =	wrdreg s4  }
0xb8: {  	[dreg:$0x3] =	wrdreg s6  }
0xb9: {  	[dreg:$0x4] =	wrdreg $0xC0  }
0xba: {  	_ =	task [dreg:s22], $0x5FFFF  }
0xbb: {  	[dreg:$0x1] =	wrdreg $0xFFFFFFFF  }
0xbc: {  	[dreg:$0x0] =	wrdreg $0x60  }
0xbd: {  	[dreg:$0x2] =	wrdreg s24  }
0xbe: {  	[dreg:$0x3] =	wrdreg s18  }
0xbf: {  	[dreg:$0x4] =	wrdreg $0x9  }
0xc0: {  	_ =	task.clear_ibuf [dreg:s22], $0x5FFFF;
	_ =	strace $0x9000004F  }
0xc1: {  	s29 =	simm.s32 $0x9;
	_ =	strace $0x80000051  }
0xc2: {  	_ =	swait.ge [sflag:s29], $0x1  }
0xc3: {  	[sflag:s29] =	ssyncadd.s32 $0xFFFFFFFF  }
0xc4: {  	_ =	strace $0x90000051  }
0xc5: {  	_ =	sfence  }
0xc6: {  	s30 =	sld [smem:$0x0];
	_ =	sdelay $0x2  }
0xc7: {  	s31 =	sshll.u32 s1, $0xD;
	s1 =	sshrl.u32 s1, $0x2  }
0xc8: {  	s4 =	sand.u32 $0x4000, s31;
	s1 =	sadd.s32 s1, s30  }
0xc9: {  	s0 =	sor.u32 s4, s0;
	s1 =	sshll.u32 s1, $0x11  }
0xca: {  	s0 =	sor.u32 s1, s0  }
0xcb: {  	s0 =	sadd.s32 $0x8F2B, s0  }
0xcc: {  	[sflag:s0] =	ssyncadd.remote.s32 $0x1  }
0xcd: {  	_ =	sfence.sel $0xFFFF  }
0xce: {  	[dreg:$0x0] =	wrdreg $0xFFFFFFFF;
	(pc) =	sbr.abs _section_cstart, $3  }
0xcf: {  	[dreg:$0x1] =	wrdreg $0xFFFFFFFF  }
0xd0: {  	_ =	task.clear_ibuf [dreg:s22], $0x2FFFF;
	_ =	strace $0x9FFFFFFF  }
0xd1: {  	(tm) =	ssettm $0x7FFFFFFF  }
tec
execute0_lowered:
.L_overlay_start_1:
0x0: {  	(tag) =	ssettag $0x1  }
0x1: {  	s4 =	rddreg [dreg:$0x0]  }
0x2: {  	s11 =	rddreg [dreg:$0x1]  }
0x3: {  	s0 =	rddreg [dreg:$0x2]  }
0x4: {  	s3 =	srdreg.scid;
	s1 =	stileid.u32  }
0x5: {  	s2 =	simm.s32 $0x0;
	s15 =	simm.s32 $0x4100;
	s16 =	simm.s32 $0x1  }
0x6: {  	s17 =	simm.s32 $0x2;
	s18 =	simm.s32 $0x3;
	s19 =	simm.s32 $0x4  }
0x7: {  	s20 =	simm.s32 $0x0;
	s9 =	sand.u32 $0x1, s3;
	s13 =	smul.u32 $0x1400, s1  }
0x8: {  	s21 =	sshll.u32 s1, $0x1;
	[smem:$0x7FF] =	sst s2;
	s28 =	smul.u32 $0x14000, s1  }
0x9: {  	s3 =	sadd.s32 $0x36E00, s4;
	s10 =	sadd.s32 $0x196E00, s4;
	s14 =	smul.u32 $0xA00, s9  }
0xa: {  	s5 =	ssub.s32 $0x2, s9;
	s6 =	sor.u32 s9, s21;
	s9 =	smul.u32 $0xA000, s9  }
0xb: {  	_ =	strace $0x80000050;
	s7 =	sshrl.u32 s5, $0x1;
	s8 =	smul.u32 $0xA00, s6  }
0xc: {  	s23 =	smul.u32 $0xA000, s6;
	s22 =	ssub.s32 s5, s7;
	s13 =	sadd.s32 s14, s13  }
0xd: {  	s14 =	simm.s32 $0x100;
	s4 =	smax.u32 s22, $0x1;
	s12 =	sor.u32 $0x80, s8  }
0xe: {  	s24 =	sshrl.u32 s8, $0x3;
	s7 =	sadd.s32 s10, s23;
	s29 =	sor.u32 $0x180, s13  }
0xf: {  	s13 =	sor.u32 $0x100, s13;
	s25 =	sshrl.u32 s12, $0x3;
	s5 =	sadd.s32 s11, s24  }
0x10: {  	s26 =	sshll.u32 s12, $0x4;
	s30 =	sshrl.u32 s29, $0x3;
	s31 =	sshrl.u32 s13, $0x3  }
0x11: {  	s12 =	simm.s32 $0x5;
	s8 =	sadd.s32 s10, s26;
	s10 =	sadd.s32 s28, s10  }
0x12: {  	s13 =	simm.s32 $0x80;
	s6 =	sadd.s32 s11, s25;
	s9 =	sadd.s32 s9, s10  }
0x13: {  	s10 =	sadd.s32 s30, s11;
	s11 =	sadd.s32 s31, s11;
	s9 =	sadd.s32 $0x1800, s9  }
.LBB2_1:
0x14: {  	[tilespmem:s2], [sflag:$0x5] =	stream.linear.gather [hbm4b:s5+s2], $0x80, $0x38;
	[tilespmem:$0x8100] =	vst v63  }
0x15: {  	_ =	swait.ge [sflag:s12], $0x80  }
0x16: {  	[sflag:s12] =	ssyncset.done $0x0  }
0x17: {  	[sflag:s12] =	ssyncadd.s32 $0xFFFFFF80  }
0x18: {  	[tilespmem:s14], [sflag:$0x1] =	stream.indirect.gather [hbm4b:s3+s13], $0x80, s2, s13, $0xb8;
	[tilespmem:$0x8100] =	vst v63  }
0x19: {  	_ = 	snop  }
0x1a: {  	[tilespmem:s13], [sflag:$0x5] =	stream.linear.gather [hbm4b:s6+s2], $0x80, $0x38;
	[tilespmem:$0x8100] =	vst v63  }
0x1b: {  	_ =	swait.ge [sflag:s12], $0x80  }
0x1c: {  	[sflag:s12] =	ssyncset.done $0x0  }
0x1d: {  	[sflag:s12] =	ssyncadd.s32 $0xFFFFFF80  }
0x1e: {  	[tilespmem:s15], [sflag:$0x2] =	stream.indirect.gather [hbm4b:s3+s13], $0x80, s13, s13, $0xb8;
	[tilespmem:$0x8100] =	vst v63  }
0x1f: {  	_ =	swait.ge [sflag:s16], $0x4000  }
0x20: {  	[sflag:s16] =	ssyncset.done $0x0  }
0x21: {  	[sflag:s16] =	ssyncadd.s32 $0xFFFFC000  }
0x22: {  	[hbm4b:s7+s2] =	stream.linear.scatter [tilespmem:s14], [sflag:$0x3], $0x4000, $0x38;
	[tilespmem:$0x8100] =	vst v63  }
0x23: {  	_ =	swait.ge [sflag:s17], $0x4000  }
0x24: {  	[sflag:s17] =	ssyncset.done $0x0  }
0x25: {  	[sflag:s17] =	ssyncadd.s32 $0xFFFFC000  }
0x26: {  	[hbm4b:s8+s2] =	stream.linear.scatter [tilespmem:s15], [sflag:$0x4], $0x4000, $0x38;
	[tilespmem:$0x8100] =	vst v63  }
0x27: {  	_ =	swait.ge [sflag:s18], $0x4000  }
0x28: {  	[sflag:s18] =	ssyncset.done $0x0  }
0x29: {  	s21 =	sadd.s32 $0x0, s11;
	[sflag:s18] =	ssyncadd.s32 $0xFFFFC000  }
0x2a: {  	[tilespmem:s2], [sflag:$0x5] =	stream.linear.gather [hbm4b:s21+s2], $0x80, $0x38;
	[tilespmem:$0x8100] =	vst v63  }
0x2b: {  	_ =	swait.ge [sflag:s12], $0x80  }
0x2c: {  	[sflag:s12] =	ssyncset.done $0x0  }
0x2d: {  	[sflag:s12] =	ssyncadd.s32 $0xFFFFFF80  }
0x2e: {  	[tilespmem:s14], [sflag:$0x1] =	stream.indirect.gather [hbm4b:s3+s13], $0x80, s2, s13, $0xb8;
	[tilespmem:$0x8100] =	vst v63  }
0x2f: {  	_ =	swait.ge [sflag:s19], $0x4000  }
0x30: {  	[sflag:s19] =	ssyncset.done $0x0  }
0x31: {  	s30 =	sadd.s32 $0x0, s10;
	[sflag:s19] =	ssyncadd.s32 $0xFFFFC000  }
0x32: {  	[tilespmem:s13], [sflag:$0x5] =	stream.linear.gather [hbm4b:s30+s2], $0x80, $0x38;
	[tilespmem:$0x8100] =	vst v63  }
0x33: {  	_ =	swait.ge [sflag:s12], $0x80  }
0x34: {  	[sflag:s12] =	ssyncset.done $0x0  }
0x35: {  	[sflag:s12] =	ssyncadd.s32 $0xFFFFFF80  }
0x36: {  	[tilespmem:s15], [sflag:$0x2] =	stream.indirect.gather [hbm4b:s3+s13], $0x80, s13, s13, $0xb8;
	[tilespmem:$0x8100] =	vst v63  }
0x37: {  	_ =	swait.ge [sflag:s16], $0x4000  }
0x38: {  	[sflag:s16] =	ssyncset.done $0x0  }
0x39: {  	s31 =	sadd.s32 $0xFFFFF800, s9;
	[sflag:s16] =	ssyncadd.s32 $0xFFFFC000  }
0x3a: {  	[hbm4b:s31+s2] =	stream.linear.scatter [tilespmem:s14], [sflag:$0x3], $0x4000, $0x38;
	[tilespmem:$0x8100] =	vst v63  }
0x3b: {  	_ =	swait.ge [sflag:s17], $0x4000  }
0x3c: {  	s22 =	sadd.s32 $0x1000, s9;
	[sflag:s17] =	ssyncset.done $0x0  }
0x3d: {  	s23 =	smov.u32 s9;
	s21 =	simm.s32 $0x20;
	[sflag:s17] =	ssyncadd.s32 $0xFFFFC000  }
.LBB2_2:
0x3e: {  	[hbm4b:s23+s2] =	stream.linear.scatter [tilespmem:s15], [sflag:$0x4], $0x4000, $0x38;
	[tilespmem:$0x8100] =	vst v63  }
0x3f: {  	s24 =	smov.u32 s21;
	s23 =	smov.u32 s22  }
0x40: {  	p0 =	sne.s32 s21, $0x100;
	s21 =	sadd.s32 $0x20, s21;
	_ =	swait.ge [sflag:s18], $0x4000  }
0x41: {  	[sflag:s18] =	ssyncset.done $0x0  }
0x42: {  	s25 =	sadd.s32 s24, s11;
	[sflag:s18] =	ssyncadd.s32 $0xFFFFC000  }
0x43: {  	[tilespmem:s2], [sflag:$0x5] =	stream.linear.gather [hbm4b:s25+s2], $0x80, $0x38;
	[tilespmem:$0x8100] =	vst v63  }
0x44: {  	_ =	swait.ge [sflag:s12], $0x80  }
0x45: {  	[sflag:s12] =	ssyncset.done $0x0  }
0x46: {  	[sflag:s12] =	ssyncadd.s32 $0xFFFFFF80  }
0x47: {  	[tilespmem:s14], [sflag:$0x1] =	stream.indirect.gather [hbm4b:s3+s13], $0x80, s2, s13, $0xb8;
	[tilespmem:$0x8100] =	vst v63  }
0x48: {  	_ =	swait.ge [sflag:s19], $0x4000  }
0x49: {  	[sflag:s19] =	ssyncset.done $0x0  }
0x4a: {  	s24 =	sadd.s32 s24, s10;
	[sflag:s19] =	ssyncadd.s32 $0xFFFFC000  }
0x4b: {  	[tilespmem:s13], [sflag:$0x5] =	stream.linear.gather [hbm4b:s24+s2], $0x80, $0x38;
	[tilespmem:$0x8100] =	vst v63  }
0x4c: {  	_ =	swait.ge [sflag:s12], $0x80  }
0x4d: {  	[sflag:s12] =	ssyncset.done $0x0  }
0x4e: {  	[sflag:s12] =	ssyncadd.s32 $0xFFFFFF80  }
0x4f: {  	[tilespmem:s15], [sflag:$0x2] =	stream.indirect.gather [hbm4b:s3+s13], $0x80, s13, s13, $0xb8;
	[tilespmem:$0x8100] =	vst v63  }
0x50: {  	_ =	swait.ge [sflag:s16], $0x4000  }
0x51: {  	[sflag:s16] =	ssyncset.done $0x0  }
.Ltmp0:
0x52: {  	s24 =	sadd.s32 $0xFFFFF800, s22;
	[sflag:s16] =	ssyncadd.s32 $0xFFFFC000;
	(pc) =	sbr.rel @p0 .LBB2_2-.Ltmp0, $4  }
0x53: {  	[hbm4b:s24+s2] =	stream.linear.scatter [tilespmem:s14], [sflag:$0x3], $0x4000, $0x38;
	[tilespmem:$0x8100] =	vst v63  }
0x54: {  	_ =	swait.ge [sflag:s17], $0x4000  }
0x55: {  	[sflag:s17] =	ssyncset.done $0x0  }
0x56: {  	s22 =	sadd.s32 $0x1000, s22;
	[sflag:s17] =	ssyncadd.s32 $0xFFFFC000  }
0x57: {  	[hbm4b:s23+s2] =	stream.linear.scatter [tilespmem:s15], [sflag:$0x4], $0x4000, $0x38;
	[tilespmem:$0x8100] =	vst v63  }
0x58: {  	s20 =	sadd.s32 $0x1, s20  }
0x59: {  	_ =	swait.ge [sflag:s18], $0x4000;
	p0 =	sne.s32 s20, s4  }
.Ltmp1:
0x5a: {  	[sflag:s18] =	ssyncset.done $0x0;
	(pc) =	sbr.rel @p0 .LBB2_1-.Ltmp1, $4  }
0x5b: {  	[sflag:s18] =	ssyncadd.s32 $0xFFFFC000  }
0x5c: {  	_ =	swait.ge [sflag:s19], $0x4000  }
0x5d: {  	[sflag:s19] =	ssyncset.done $0x0  }
0x5e: {  	[sflag:s19] =	ssyncadd.s32 $0xFFFFC000  }
0x5f: {  	_ =	sfence.sel $0x180000  }
0x60: {  	[bflag:$0x0] =	sbarrier.arrive $0xFFFF  }
0x61: {  	p0 =	sne.s32 s1, $0x0;
	_ =	strace $0x90000050  }
0x62: {  	s0 =	sadd.s32 @!p0 $0x100000, s0;
	[bflag:$0x2] =	sbarrier.arrive $0xFFFF  }
0x63: {  	[sflag:s0] =	ssyncadd.tile.s32 @!p0 $0x1;
	_ =	shalt  }
.Lfunc_end2:
_tile_overlayer_lowered:
.L_overlay_start_2:
0x64: {  	(tag) =	ssettag $0x2  }
0x65: {  	s0 =	rddreg [dreg:$0x0];
	s2 =	stileid.u32  }
0x66: {  	s1 =	rddreg [dreg:$0x1];
	p0 =	sne.s32 s2, $0x0  }
0x67: {  	s3 =	rddreg [dreg:$0x2];
	[bflag:$0x3] =	sbarrier.arrive $0xFFFF;
	s2 =	simm.s32 @!p0 $0x1C05  }
0x68: {  	[timem:s3], [sflag:s2] =	dma.local @!p0 [hbm:s0], s1  }
0x69: {  	s0 =	simm.s32 @!p0 $0x5  }
0x6a: {  	_ =	swait.ge @!p0 [sflag:s0], s1  }
0x6b: {  	s1 =	ssub.s32 @!p0 $0x0, s1;
	[sflag:s0] =	ssyncset.done @!p0 $0x0  }
0x6c: {  	[sflag:s0] =	ssyncadd.s32 @!p0 s1  }
0x6d: {  	[bflag:$0x3] =	sbarrier.arrive $0xFFFF  }
0x6e: {  	_ =	shalt  }

// kernel: kernel.36.cloned.1.call-start
scs
__scs_entry_jumppad:
0x0: {  	(pc) =	sbr.rel $0x88, $3  }
0x1: {  	(tag) =	ssettag $0x0;
	lr =	simm.s32 $0x1  }
0x2: {  	[smem:$0x3F88] =	sst lr;
	_ =	strace $0xD0000000  }
0x3: {  	_ = 	snop  }
0x4: {  	_ = 	snop  }
0x5: {  	_ = 	snop  }
0x6: {  	_ = 	snop  }
0x7: {  	_ = 	snop  }
__scs_overlays_trampoline_lowered:
0x8: {  	[smem:$0x3F97] =	sst s0  }
0x9: {  	[smem:$0x3F98] =	sst s1  }
0xa: {  	[smem:$0x3F99] =	sst s2  }
0xb: {  	[smem:$0x3F9A] =	sst s3  }
0xc: {  	[smem:$0x3F9B] =	sst s4  }
0xd: {  	[smem:$0x3F9C] =	sst s5  }
0xe: {  	[smem:$0x3F9D] =	sst s6  }
0xf: {  	[smem:$0x3F9E] =	sst s7  }
0x10: {  	[smem:$0x3F9F] =	sst s8  }
0x11: {  	[smem:$0x3FA0] =	sst s9;
	s0 =	simm.s32 @!p0 $0x0  }
0x12: {  	s1 =	sld [smem:$0x3F86];
	s0 =	simm.s32 @p0 $0x1  }
0x13: {  	[smem:$0x3FA1] =	sst s0;
	s0 =	simm.s32 @!p1 $0x0  }
0x14: {  	s2 =	sld [smem:$0x3F85];
	s0 =	simm.s32 @p1 $0x1  }
0x15: {  	[smem:$0x3FA2] =	sst s0;
	s0 =	simm.s32 @!p2 $0x0  }
0x16: {  	s3 =	sld [smem:$0x3FDB];
	s0 =	simm.s32 @p2 $0x1  }
0x17: {  	s4 =	simm.s32 $0x1BF5;
	[smem:$0x3FA4] =	sst s0  }
0x18: {  	s0 =	sld [smem:$0x3F87];
	_ =	swait.ge [sflag:s4], $0x0  }
0x19: {  	s7 =	sld [smem:$0x3F88]  }
0x1a: {  	s8 =	sadd.s32 $0xFFFFE003, lr  }
0x1b: {  	s9 =	sadd.s32 $0xFFFFFEF7, lr;
	s5 =	simm.s32 $0xFFFFFFFF;
	p2 =	slt.u32 s8, $0xFFFFF086  }
0x1c: {  	p1 =	slt.u32 s9, $0xF7A;
	s5 =	simm.s32 @!p2 $0x0  }
0x1d: {  	s5 =	simm.s32 @p1 $0x1;
	p0 =	seq.s32 s7, s2  }
0x1e: {  	s7 =	smul.u32 @!p0 $0xF7A, s2;
	p2 =	seq.s32 @!p0 s5, $0x0  }
0x1f: {  	s9 =	smul.u32 $0xF7A, s1;
	s8 =	simm.s32 @!p0 $0x1BF5;
	p2 =	por !p2, p0  }
0x20: {  	[sflag:s8] =	ssyncset.s32 @!p0 $0xFFFFF086;
	s6 =	sadd.s32 @!p0 s3, s7;
	s7 =	simm.s32 @!p0 $0x108  }
0x21: {  	s3 =	sadd.s32 s3, s9;
	s6 =	sadd.s32 @!p0 $0x88, s6;
	s7 =	simm.s32 @p2 $0x1082  }
0x22: {  	[simem:s7], [sflag:s8] =	dma.local @!p0 [hbm:s6], $0xF7A  }
0x23: {  	s9 =	sor.u32 $0xD0000000, s2;
	s6 =	simm.s32 $0x108;
	_ =	swait.ge @!p0 [sflag:s8], $0x0  }
0x24: {  	s3 =	sadd.s32 $0x88, s3;
	s6 =	simm.s32 @!p1 $0x1082;
	[sflag:s4] =	ssyncset.s32 $0xFFFFF086  }
0x25: {  	[simem:s6], [sflag:s4] =	dma.local [hbm:s3], $0xF7A  }
0x26: {  	[smem:$0x3F88] =	sst s1;
	(tag) =	ssettag s2;
	_ =	strace s9  }
0x27: {  	s1 =	sld [smem:$0x3F98]  }
0x28: {  	s2 =	sld [smem:$0x3F99]  }
0x29: {  	s4 =	sld [smem:$0x3F9B]  }
0x2a: {  	p0 =	seq.s32 s5, $0x0;
	s5 =	sld [smem:$0x3F9C]  }
0x2b: {  	s6 =	sld [smem:$0x3F9D]  }
0x2c: {  	s7 =	sld [smem:$0x3F9E]  }
0x2d: {  	s3 =	simm.s32 $0x108;
	s8 =	sld [smem:$0x3F9F]  }
0x2e: {  	s3 =	simm.s32 @!p0 $0x1082;
	s9 =	sld [smem:$0x3FA0]  }
0x2f: {  	lr =	sadd.s32 s0, s3;
	s0 =	sld [smem:$0x3F97]  }
0x30: {  	s3 =	sld [smem:$0x3F9A]  }
0x31: {  	[smem:$0x3FA3] =	sst s10  }
0x32: {  	s10 =	sld [smem:$0x3FA1];
	_ =	sdelay $0x3  }
0x33: {  	p0 =	seq.s32 s10, $0x1;
	s10 =	sld [smem:$0x3FA3];
	_ =	sdelay $0x3  }
0x34: {  	[smem:$0x3FA3] =	sst s10  }
0x35: {  	s10 =	sld [smem:$0x3FA2];
	_ =	sdelay $0x3  }
0x36: {  	p1 =	seq.s32 s10, $0x1;
	s10 =	sld [smem:$0x3FA3];
	_ =	sdelay $0x3  }
0x37: {  	[smem:$0x3FA3] =	sst s10  }
0x38: {  	s10 =	sld [smem:$0x3FA4]  }
0x39: {  	_ = 	snop;
	(pc) =	sbr.ind lr, $3  }
0x3a: {  	_ = 	snop  }
0x3b: {  	_ = 	snop  }
0x3c: {  	p2 =	seq.s32 s10, $0x1;
	s10 =	sld [smem:$0x3FA3]  }
0x3d: {  	_ =	shalt  }
0x3e: {  	_ =	shalt  }
0x3f: {  	_ =	shalt  }
0x40: {  	_ =	shalt  }
0x41: {  	_ =	shalt  }
0x42: {  	_ =	shalt  }
0x43: {  	_ =	shalt  }
0x44: {  	_ =	shalt  }
0x45: {  	_ =	shalt  }
0x46: {  	_ =	shalt  }
0x47: {  	_ =	shalt  }
0x48: {  	_ =	shalt  }
0x49: {  	_ =	shalt  }
0x4a: {  	_ =	shalt  }
0x4b: {  	_ =	shalt  }
0x4c: {  	_ =	shalt  }
0x4d: {  	_ =	shalt  }
0x4e: {  	_ =	shalt  }
0x4f: {  	_ =	shalt  }
0x50: {  	_ =	shalt  }
0x51: {  	_ =	shalt  }
0x52: {  	_ =	shalt  }
0x53: {  	_ =	shalt  }
0x54: {  	_ =	shalt  }
0x55: {  	_ =	shalt  }
0x56: {  	_ =	shalt  }
0x57: {  	_ =	shalt  }
0x58: {  	_ =	shalt  }
0x59: {  	_ =	shalt  }
0x5a: {  	_ =	shalt  }
0x5b: {  	_ =	shalt  }
0x5c: {  	_ =	shalt  }
0x5d: {  	_ =	shalt  }
0x5e: {  	_ =	shalt  }
0x5f: {  	_ =	shalt  }
0x60: {  	_ =	shalt  }
0x61: {  	_ =	shalt  }
0x62: {  	_ =	shalt  }
0x63: {  	_ =	shalt  }
0x64: {  	_ =	shalt  }
0x65: {  	_ =	shalt  }
0x66: {  	_ =	shalt  }
0x67: {  	_ =	shalt  }
0x68: {  	_ =	shalt  }
0x69: {  	_ =	shalt  }
0x6a: {  	_ =	shalt  }
0x6b: {  	_ =	shalt  }
0x6c: {  	_ =	shalt  }
0x6d: {  	_ =	shalt  }
0x6e: {  	_ =	shalt  }
0x6f: {  	_ =	shalt  }
0x70: {  	_ =	shalt  }
0x71: {  	_ =	shalt  }
0x72: {  	_ =	shalt  }
0x73: {  	_ =	shalt  }
0x74: {  	_ =	shalt  }
0x75: {  	_ =	shalt  }
0x76: {  	_ =	shalt  }
0x77: {  	_ =	shalt  }
0x78: {  	_ =	shalt  }
0x79: {  	_ =	shalt  }
0x7a: {  	_ =	shalt  }
0x7b: {  	_ =	shalt  }
0x7c: {  	_ =	shalt  }
0x7d: {  	_ =	shalt  }
0x7e: {  	_ =	shalt  }
0x7f: {  	_ =	shalt  }
0x80: {  	_ =	shalt  }
0x81: {  	_ =	shalt  }
0x82: {  	_ =	shalt  }
0x83: {  	_ =	shalt  }
0x84: {  	_ =	shalt  }
0x85: {  	_ =	shalt  }
0x86: {  	_ =	shalt  }
0x87: {  	_ =	shalt  }
.Lfunc_end0:
.L_simem_size_0:
called_computation.3_lowered:
.L_overlay_start_0:
0x88: {  	s2 =	sld [smem:$0x3FD9]  }
0x89: {  	s3 =	sld [smem:$0x3FFE];
	_ =	sdelay $0x1  }
0x8a: {  	s1 =	srdreg.scid  }
0x8b: {  	s0 =	sand.u32 $0x1, s1  }
0x8c: {  	s16 =	sshll.u32 s0, $0xA;
	s2 =	sadd.s32 s3, s2  }
0x8d: {  	s2 =	sadd.s32 s2, s16  }
0x8e: {  	[smem:$0x3FAF] =	sst s2  }
0x8f: {  	_ = 	snop  }
0x90: {  	(tm) =	ssettm $0x1  }
0x91: {  	s17 =	sld [smem:$0x3FFB];
	_ =	sdelay $0x3  }
0x92: {  	_ =	strace s17  }
0x93: {  	s2 =	sld [smem:$0x3FFC];
	_ =	sdelay $0x3  }
0x94: {  	_ =	strace s2  }
0x95: {  	s2 =	sld [smem:$0x3FFD];
	_ =	sdelay $0x3  }
0x96: {  	_ =	strace s2  }
0x97: {  	_ =	strace $0x8FFFFFFF  }
0x98: {  	s18 =	sld [smem:$0x3FDB];
	_ =	sdelay $0x1  }
0x99: {  	s19 =	simm.s32 $_scs_section_size  }
0x9a: {  	s4 =	simm.s32 $_size__tile_overlayer_lowered;
	s5 =	simm.s32 $_tile_overlayer_lowered  }
0x9b: {  	s22 =	simm.s32 $0x1BFF;
	s21 =	sshll.u32 s5, $0x1;
	s2 =	sadd.s32 s19, s18  }
0x9c: {  	s6 =	simm.s32 $0x0;
	s20 =	sshll.u32 s4, $0x1;
	s4 =	sadd.s32 s21, s2  }
0x9d: {  	[timem:s6], [sflag:s22] =	dma.local [hbm:s4], s20  }
0x9e: {  	_ =	swait.ge [sflag:s22], s20  }
0x9f: {  	s3 =	ssub.s32 $0x0, s20;
	[sflag:s22] =	ssyncset.done $0x0  }
0xa0: {  	[sflag:s22] =	ssyncadd.s32 s3;
	_ =	sdelay $0x1  }
0xa1: {  	s23 =	simm.s32 $0x1B8B  }
0xa2: {  	_ =	swait.ge [sflag:s23], $0x1  }
0xa3: {  	[sflag:s23] =	ssyncset.done $0x0  }
0xa4: {  	s25 =	simm.s32 $0x1B8E;
	s24 =	sld [smem:$0x3FFE];
	[sflag:s23] =	ssyncadd.s32 $0xFFFFFFFF  }
0xa5: {  	s26 =	simm.s32 $execute0_lowered;
	[smem:$0x3FD2] =	sst s25  }
0xa6: {  	s4 =	sshll.u32 s26, $0x1;
	_ =	strace $0x8000004C;
	[dreg:$0x1] =	wrdreg $0xFFFFFFFF  }
0xa7: {  	s28 =	simm.s32 $_size_execute0_lowered;
	s2 =	sadd.s32 s2, s4;
	[dreg:$0x0] =	wrdreg $0x0  }
0xa8: {  	s4 =	sshll.u32 s28, $0x1;
	[dreg:$0x2] =	wrdreg s2  }
0xa9: {  	[dreg:$0x3] =	wrdreg s4  }
0xaa: {  	[dreg:$0x4] =	wrdreg $0xC0  }
0xab: {  	_ =	task [dreg:s6], $0x5FFFF  }
0xac: {  	[dreg:$0x1] =	wrdreg $0xFFFFFFFF  }
0xad: {  	[dreg:$0x0] =	wrdreg $0x60  }
0xae: {  	[dreg:$0x2] =	wrdreg s24  }
0xaf: {  	[dreg:$0x3] =	wrdreg $0xA  }
0xb0: {  	_ =	task.clear_ibuf [dreg:s6], $0x4FFFF;
	_ =	strace $0x9000004C  }
0xb1: {  	s29 =	simm.s32 $0xA;
	_ =	strace $0x8000004E  }
0xb2: {  	_ =	swait.ge [sflag:s29], $0x1  }
0xb3: {  	[sflag:s29] =	ssyncadd.s32 $0xFFFFFFFF  }
0xb4: {  	_ =	strace $0x9000004E  }
0xb5: {  	_ =	sfence  }
0xb6: {  	s30 =	sld [smem:$0x0];
	_ =	sdelay $0x2  }
0xb7: {  	s31 =	sshll.u32 s1, $0xD;
	s1 =	sshrl.u32 s1, $0x2  }
0xb8: {  	s3 =	sand.u32 $0x4000, s31;
	s1 =	sadd.s32 s1, s30  }
0xb9: {  	s0 =	sor.u32 s3, s0;
	s1 =	sshll.u32 s1, $0x11  }
0xba: {  	s0 =	sor.u32 s1, s0  }
0xbb: {  	s0 =	sadd.s32 $0x8F2B, s0  }
0xbc: {  	[sflag:s0] =	ssyncadd.remote.s32 $0x1  }
0xbd: {  	_ =	sfence.sel $0xFFFF  }
0xbe: {  	[dreg:$0x0] =	wrdreg $0xFFFFFFFF;
	(pc) =	sbr.abs _section_cstart, $3  }
0xbf: {  	[dreg:$0x1] =	wrdreg $0xFFFFFFFF  }
0xc0: {  	_ =	task.clear_ibuf [dreg:s6], $0x2FFFF;
	_ =	strace $0x9FFFFFFF  }
0xc1: {  	(tm) =	ssettm $0x7FFFFFFF  }
tec
execute0_lowered:
.L_overlay_start_1:
0x0: {  	(tag) =	ssettag $0x1  }
0x1: {  	s4 =	rddreg [dreg:$0x0]  }
0x2: {  	s0 =	rddreg [dreg:$0x1]  }
0x3: {  	s2 =	simm.s32 $0x0;
	s3 =	srdreg.scid;
	s1 =	stileid.u32  }
0x4: {  	s15 =	simm.s32 $0x4100;
	s16 =	simm.s32 $0x1;
	s17 =	simm.s32 $0x2  }
0x5: {  	s18 =	simm.s32 $0x3;
	s19 =	simm.s32 $0x4;
	s20 =	simm.s32 $0x0  }
0x6: {  	[smem:$0x7FF] =	sst s2;
	s9 =	sand.u32 $0x1, s3;
	s13 =	smul.u32 $0x1400, s1  }
0x7: {  	s21 =	sshll.u32 s1, $0x1;
	s3 =	sadd.s32 $0x36E00, s4;
	s28 =	smul.u32 $0x14000, s1  }
0x8: {  	s11 =	sadd.s32 $0x16E00, s4;
	s10 =	sadd.s32 $0x56E00, s4;
	s14 =	smul.u32 $0xA00, s9  }
0x9: {  	s5 =	ssub.s32 $0x2, s9;
	s6 =	sor.u32 s9, s21;
	s9 =	smul.u32 $0xA000, s9  }
0xa: {  	_ =	strace $0x8000004D;
	s7 =	sshrl.u32 s5, $0x1;
	s8 =	smul.u32 $0xA00, s6  }
0xb: {  	s23 =	smul.u32 $0xA000, s6;
	s22 =	ssub.s32 s5, s7;
	s13 =	sadd.s32 s14, s13  }
0xc: {  	s14 =	simm.s32 $0x100;
	s4 =	smax.u32 s22, $0x1;
	s12 =	sor.u32 $0x80, s8  }
0xd: {  	s24 =	sshrl.u32 s8, $0x3;
	s7 =	sadd.s32 s10, s23;
	s29 =	sor.u32 $0x180, s13  }
0xe: {  	s13 =	sor.u32 $0x100, s13;
	s25 =	sshrl.u32 s12, $0x3;
	s5 =	sadd.s32 s11, s24  }
0xf: {  	s26 =	sshll.u32 s12, $0x4;
	s30 =	sshrl.u32 s29, $0x3;
	s31 =	sshrl.u32 s13, $0x3  }
0x10: {  	s12 =	simm.s32 $0x5;
	s8 =	sadd.s32 s10, s26;
	s10 =	sadd.s32 s28, s10  }
0x11: {  	s13 =	simm.s32 $0x80;
	s6 =	sadd.s32 s11, s25;
	s9 =	sadd.s32 s9, s10  }
0x12: {  	s10 =	sadd.s32 s30, s11;
	s11 =	sadd.s32 s31, s11;
	s9 =	sadd.s32 $0x1800, s9  }
.LBB2_1:
0x13: {  	[tilespmem:s2], [sflag:$0x5] =	stream.linear.gather [hbm4b:s5+s2], $0x80, $0x38;
	[tilespmem:$0x8100] =	vst v63  }
0x14: {  	_ =	swait.ge [sflag:s12], $0x80  }
0x15: {  	[sflag:s12] =	ssyncset.done $0x0  }
0x16: {  	[sflag:s12] =	ssyncadd.s32 $0xFFFFFF80  }
0x17: {  	[tilespmem:s14], [sflag:$0x1] =	stream.indirect.gather [hbm4b:s3+s13], $0x80, s2, s13, $0xb8;
	[tilespmem:$0x8100] =	vst v63  }
0x18: {  	_ = 	snop  }
0x19: {  	[tilespmem:s13], [sflag:$0x5] =	stream.linear.gather [hbm4b:s6+s2], $0x80, $0x38;
	[tilespmem:$0x8100] =	vst v63  }
0x1a: {  	_ =	swait.ge [sflag:s12], $0x80  }
0x1b: {  	[sflag:s12] =	ssyncset.done $0x0  }
0x1c: {  	[sflag:s12] =	ssyncadd.s32 $0xFFFFFF80  }
0x1d: {  	[tilespmem:s15], [sflag:$0x2] =	stream.indirect.gather [hbm4b:s3+s13], $0x80, s13, s13, $0xb8;
	[tilespmem:$0x8100] =	vst v63  }
0x1e: {  	_ =	swait.ge [sflag:s16], $0x4000  }
0x1f: {  	[sflag:s16] =	ssyncset.done $0x0  }
0x20: {  	[sflag:s16] =	ssyncadd.s32 $0xFFFFC000  }
0x21: {  	[hbm4b:s7+s2] =	stream.linear.scatter [tilespmem:s14], [sflag:$0x3], $0x4000, $0x38;
	[tilespmem:$0x8100] =	vst v63  }
0x22: {  	_ =	swait.ge [sflag:s17], $0x4000  }
0x23: {  	[sflag:s17] =	ssyncset.done $0x0  }
0x24: {  	[sflag:s17] =	ssyncadd.s32 $0xFFFFC000  }
0x25: {  	[hbm4b:s8+s2] =	stream.linear.scatter [tilespmem:s15], [sflag:$0x4], $0x4000, $0x38;
	[tilespmem:$0x8100] =	vst v63  }
0x26: {  	_ =	swait.ge [sflag:s18], $0x4000  }
0x27: {  	[sflag:s18] =	ssyncset.done $0x0  }
0x28: {  	s21 =	sadd.s32 $0x0, s11;
	[sflag:s18] =	ssyncadd.s32 $0xFFFFC000  }
0x29: {  	[tilespmem:s2], [sflag:$0x5] =	stream.linear.gather [hbm4b:s21+s2], $0x80, $0x38;
	[tilespmem:$0x8100] =	vst v63  }
0x2a: {  	_ =	swait.ge [sflag:s12], $0x80  }
0x2b: {  	[sflag:s12] =	ssyncset.done $0x0  }
0x2c: {  	[sflag:s12] =	ssyncadd.s32 $0xFFFFFF80  }
0x2d: {  	[tilespmem:s14], [sflag:$0x1] =	stream.indirect.gather [hbm4b:s3+s13], $0x80, s2, s13, $0xb8;
	[tilespmem:$0x8100] =	vst v63  }
0x2e: {  	_ =	swait.ge [sflag:s19], $0x4000  }
0x2f: {  	[sflag:s19] =	ssyncset.done $0x0  }
0x30: {  	s30 =	sadd.s32 $0x0, s10;
	[sflag:s19] =	ssyncadd.s32 $0xFFFFC000  }
0x31: {  	[tilespmem:s13], [sflag:$0x5] =	stream.linear.gather [hbm4b:s30+s2], $0x80, $0x38;
	[tilespmem:$0x8100] =	vst v63  }
0x32: {  	_ =	swait.ge [sflag:s12], $0x80  }
0x33: {  	[sflag:s12] =	ssyncset.done $0x0  }
0x34: {  	[sflag:s12] =	ssyncadd.s32 $0xFFFFFF80  }
0x35: {  	[tilespmem:s15], [sflag:$0x2] =	stream.indirect.gather [hbm4b:s3+s13], $0x80, s13, s13, $0xb8;
	[tilespmem:$0x8100] =	vst v63  }
0x36: {  	_ =	swait.ge [sflag:s16], $0x4000  }
0x37: {  	[sflag:s16] =	ssyncset.done $0x0  }
0x38: {  	s31 =	sadd.s32 $0xFFFFF800, s9;
	[sflag:s16] =	ssyncadd.s32 $0xFFFFC000  }
0x39: {  	[hbm4b:s31+s2] =	stream.linear.scatter [tilespmem:s14], [sflag:$0x3], $0x4000, $0x38;
	[tilespmem:$0x8100] =	vst v63  }
0x3a: {  	_ =	swait.ge [sflag:s17], $0x4000  }
0x3b: {  	s22 =	sadd.s32 $0x1000, s9;
	[sflag:s17] =	ssyncset.done $0x0  }
0x3c: {  	s23 =	smov.u32 s9;
	s21 =	simm.s32 $0x20;
	[sflag:s17] =	ssyncadd.s32 $0xFFFFC000  }
.LBB2_2:
0x3d: {  	[hbm4b:s23+s2] =	stream.linear.scatter [tilespmem:s15], [sflag:$0x4], $0x4000, $0x38;
	[tilespmem:$0x8100] =	vst v63  }
0x3e: {  	s24 =	smov.u32 s21;
	s23 =	smov.u32 s22  }
0x3f: {  	p0 =	sne.s32 s21, $0x100;
	s21 =	sadd.s32 $0x20, s21;
	_ =	swait.ge [sflag:s18], $0x4000  }
0x40: {  	[sflag:s18] =	ssyncset.done $0x0  }
0x41: {  	s25 =	sadd.s32 s24, s11;
	[sflag:s18] =	ssyncadd.s32 $0xFFFFC000  }
0x42: {  	[tilespmem:s2], [sflag:$0x5] =	stream.linear.gather [hbm4b:s25+s2], $0x80, $0x38;
	[tilespmem:$0x8100] =	vst v63  }
0x43: {  	_ =	swait.ge [sflag:s12], $0x80  }
0x44: {  	[sflag:s12] =	ssyncset.done $0x0  }
0x45: {  	[sflag:s12] =	ssyncadd.s32 $0xFFFFFF80  }
0x46: {  	[tilespmem:s14], [sflag:$0x1] =	stream.indirect.gather [hbm4b:s3+s13], $0x80, s2, s13, $0xb8;
	[tilespmem:$0x8100] =	vst v63  }
0x47: {  	_ =	swait.ge [sflag:s19], $0x4000  }
0x48: {  	[sflag:s19] =	ssyncset.done $0x0  }
0x49: {  	s24 =	sadd.s32 s24, s10;
	[sflag:s19] =	ssyncadd.s32 $0xFFFFC000  }
0x4a: {  	[tilespmem:s13], [sflag:$0x5] =	stream.linear.gather [hbm4b:s24+s2], $0x80, $0x38;
	[tilespmem:$0x8100] =	vst v63  }
0x4b: {  	_ =	swait.ge [sflag:s12], $0x80  }
0x4c: {  	[sflag:s12] =	ssyncset.done $0x0  }
0x4d: {  	[sflag:s12] =	ssyncadd.s32 $0xFFFFFF80  }
0x4e: {  	[tilespmem:s15], [sflag:$0x2] =	stream.indirect.gather [hbm4b:s3+s13], $0x80, s13, s13, $0xb8;
	[tilespmem:$0x8100] =	vst v63  }
0x4f: {  	_ =	swait.ge [sflag:s16], $0x4000  }
0x50: {  	[sflag:s16] =	ssyncset.done $0x0  }
.Ltmp0:
0x51: {  	s24 =	sadd.s32 $0xFFFFF800, s22;
	[sflag:s16] =	ssyncadd.s32 $0xFFFFC000;
	(pc) =	sbr.rel @p0 .LBB2_2-.Ltmp0, $4  }
0x52: {  	[hbm4b:s24+s2] =	stream.linear.scatter [tilespmem:s14], [sflag:$0x3], $0x4000, $0x38;
	[tilespmem:$0x8100] =	vst v63  }
0x53: {  	_ =	swait.ge [sflag:s17], $0x4000  }
0x54: {  	[sflag:s17] =	ssyncset.done $0x0  }
0x55: {  	s22 =	sadd.s32 $0x1000, s22;
	[sflag:s17] =	ssyncadd.s32 $0xFFFFC000  }
0x56: {  	[hbm4b:s23+s2] =	stream.linear.scatter [tilespmem:s15], [sflag:$0x4], $0x4000, $0x38;
	[tilespmem:$0x8100] =	vst v63  }
0x57: {  	s20 =	sadd.s32 $0x1, s20  }
0x58: {  	_ =	swait.ge [sflag:s18], $0x4000;
	p0 =	sne.s32 s20, s4  }
.Ltmp1:
0x59: {  	[sflag:s18] =	ssyncset.done $0x0;
	(pc) =	sbr.rel @p0 .LBB2_1-.Ltmp1, $4  }
0x5a: {  	[sflag:s18] =	ssyncadd.s32 $0xFFFFC000  }
0x5b: {  	_ =	swait.ge [sflag:s19], $0x4000  }
0x5c: {  	[sflag:s19] =	ssyncset.done $0x0  }
0x5d: {  	[sflag:s19] =	ssyncadd.s32 $0xFFFFC000  }
0x5e: {  	_ =	sfence.sel $0x180000  }
0x5f: {  	[bflag:$0x0] =	sbarrier.arrive $0xFFFF  }
0x60: {  	p0 =	sne.s32 s1, $0x0;
	_ =	strace $0x9000004D  }
0x61: {  	s0 =	sadd.s32 @!p0 $0x100000, s0;
	[bflag:$0x2] =	sbarrier.arrive $0xFFFF  }
0x62: {  	[sflag:s0] =	ssyncadd.tile.s32 @!p0 $0x1;
	_ =	shalt  }
.Lfunc_end2:
_tile_overlayer_lowered:
.L_overlay_start_2:
0x63: {  	(tag) =	ssettag $0x2  }
0x64: {  	s0 =	rddreg [dreg:$0x0];
	s2 =	stileid.u32  }
0x65: {  	s1 =	rddreg [dreg:$0x1];
	p0 =	sne.s32 s2, $0x0  }
0x66: {  	s3 =	rddreg [dreg:$0x2];
	[bflag:$0x3] =	sbarrier.arrive $0xFFFF;
	s2 =	simm.s32 @!p0 $0x1C05  }
0x67: {  	[timem:s3], [sflag:s2] =	dma.local @!p0 [hbm:s0], s1  }
0x68: {  	s0 =	simm.s32 @!p0 $0x5  }
0x69: {  	_ =	swait.ge @!p0 [sflag:s0], s1  }
0x6a: {  	s1 =	ssub.s32 @!p0 $0x0, s1;
	[sflag:s0] =	ssyncset.done @!p0 $0x0  }
0x6b: {  	[sflag:s0] =	ssyncadd.s32 @!p0 s1  }
0x6c: {  	[bflag:$0x3] =	sbarrier.arrive $0xFFFF  }
0x6d: {  	_ =	shalt  }

// kernel: kernel.39.cloned.1.call-start
scs
__scs_entry_jumppad:
0x0: {  	(pc) =	sbr.rel $0x88, $3  }
0x1: {  	(tag) =	ssettag $0x0;
	lr =	simm.s32 $0x1  }
0x2: {  	[smem:$0x3F88] =	sst lr;
	_ =	strace $0xD0000000  }
0x3: {  	_ = 	snop  }
0x4: {  	_ = 	snop  }
0x5: {  	_ = 	snop  }
0x6: {  	_ = 	snop  }
0x7: {  	_ = 	snop  }
__scs_overlays_trampoline_lowered:
0x8: {  	[smem:$0x3F97] =	sst s0  }
0x9: {  	[smem:$0x3F98] =	sst s1  }
0xa: {  	[smem:$0x3F99] =	sst s2  }
0xb: {  	[smem:$0x3F9A] =	sst s3  }
0xc: {  	[smem:$0x3F9B] =	sst s4  }
0xd: {  	[smem:$0x3F9C] =	sst s5  }
0xe: {  	[smem:$0x3F9D] =	sst s6  }
0xf: {  	[smem:$0x3F9E] =	sst s7  }
0x10: {  	[smem:$0x3F9F] =	sst s8  }
0x11: {  	[smem:$0x3FA0] =	sst s9;
	s0 =	simm.s32 @!p0 $0x0  }
0x12: {  	s1 =	sld [smem:$0x3F86];
	s0 =	simm.s32 @p0 $0x1  }
0x13: {  	[smem:$0x3FA1] =	sst s0;
	s0 =	simm.s32 @!p1 $0x0  }
0x14: {  	s2 =	sld [smem:$0x3F85];
	s0 =	simm.s32 @p1 $0x1  }
0x15: {  	[smem:$0x3FA2] =	sst s0;
	s0 =	simm.s32 @!p2 $0x0  }
0x16: {  	s3 =	sld [smem:$0x3FDB];
	s0 =	simm.s32 @p2 $0x1  }
0x17: {  	s4 =	simm.s32 $0x1BF5;
	[smem:$0x3FA4] =	sst s0  }
0x18: {  	s0 =	sld [smem:$0x3F87];
	_ =	swait.ge [sflag:s4], $0x0  }
0x19: {  	s7 =	sld [smem:$0x3F88]  }
0x1a: {  	s8 =	sadd.s32 $0xFFFFE003, lr  }
0x1b: {  	s9 =	sadd.s32 $0xFFFFFEF7, lr;
	s5 =	simm.s32 $0xFFFFFFFF;
	p2 =	slt.u32 s8, $0xFFFFF086  }
0x1c: {  	p1 =	slt.u32 s9, $0xF7A;
	s5 =	simm.s32 @!p2 $0x0  }
0x1d: {  	s5 =	simm.s32 @p1 $0x1;
	p0 =	seq.s32 s7, s2  }
0x1e: {  	s7 =	smul.u32 @!p0 $0xF7A, s2;
	p2 =	seq.s32 @!p0 s5, $0x0  }
0x1f: {  	s9 =	smul.u32 $0xF7A, s1;
	s8 =	simm.s32 @!p0 $0x1BF5;
	p2 =	por !p2, p0  }
0x20: {  	[sflag:s8] =	ssyncset.s32 @!p0 $0xFFFFF086;
	s6 =	sadd.s32 @!p0 s3, s7;
	s7 =	simm.s32 @!p0 $0x108  }
0x21: {  	s3 =	sadd.s32 s3, s9;
	s6 =	sadd.s32 @!p0 $0x88, s6;
	s7 =	simm.s32 @p2 $0x1082  }
0x22: {  	[simem:s7], [sflag:s8] =	dma.local @!p0 [hbm:s6], $0xF7A  }
0x23: {  	s9 =	sor.u32 $0xD0000000, s2;
	s6 =	simm.s32 $0x108;
	_ =	swait.ge @!p0 [sflag:s8], $0x0  }
0x24: {  	s3 =	sadd.s32 $0x88, s3;
	s6 =	simm.s32 @!p1 $0x1082;
	[sflag:s4] =	ssyncset.s32 $0xFFFFF086  }
0x25: {  	[simem:s6], [sflag:s4] =	dma.local [hbm:s3], $0xF7A  }
0x26: {  	[smem:$0x3F88] =	sst s1;
	(tag) =	ssettag s2;
	_ =	strace s9  }
0x27: {  	s1 =	sld [smem:$0x3F98]  }
0x28: {  	s2 =	sld [smem:$0x3F99]  }
0x29: {  	s4 =	sld [smem:$0x3F9B]  }
0x2a: {  	p0 =	seq.s32 s5, $0x0;
	s5 =	sld [smem:$0x3F9C]  }
0x2b: {  	s6 =	sld [smem:$0x3F9D]  }
0x2c: {  	s7 =	sld [smem:$0x3F9E]  }
0x2d: {  	s3 =	simm.s32 $0x108;
	s8 =	sld [smem:$0x3F9F]  }
0x2e: {  	s3 =	simm.s32 @!p0 $0x1082;
	s9 =	sld [smem:$0x3FA0]  }
0x2f: {  	lr =	sadd.s32 s0, s3;
	s0 =	sld [smem:$0x3F97]  }
0x30: {  	s3 =	sld [smem:$0x3F9A]  }
0x31: {  	[smem:$0x3FA3] =	sst s10  }
0x32: {  	s10 =	sld [smem:$0x3FA1];
	_ =	sdelay $0x3  }
0x33: {  	p0 =	seq.s32 s10, $0x1;
	s10 =	sld [smem:$0x3FA3];
	_ =	sdelay $0x3  }
0x34: {  	[smem:$0x3FA3] =	sst s10  }
0x35: {  	s10 =	sld [smem:$0x3FA2];
	_ =	sdelay $0x3  }
0x36: {  	p1 =	seq.s32 s10, $0x1;
	s10 =	sld [smem:$0x3FA3];
	_ =	sdelay $0x3  }
0x37: {  	[smem:$0x3FA3] =	sst s10  }
0x38: {  	s10 =	sld [smem:$0x3FA4]  }
0x39: {  	_ = 	snop;
	(pc) =	sbr.ind lr, $3  }
0x3a: {  	_ = 	snop  }
0x3b: {  	_ = 	snop  }
0x3c: {  	p2 =	seq.s32 s10, $0x1;
	s10 =	sld [smem:$0x3FA3]  }
0x3d: {  	_ =	shalt  }
0x3e: {  	_ =	shalt  }
0x3f: {  	_ =	shalt  }
0x40: {  	_ =	shalt  }
0x41: {  	_ =	shalt  }
0x42: {  	_ =	shalt  }
0x43: {  	_ =	shalt  }
0x44: {  	_ =	shalt  }
0x45: {  	_ =	shalt  }
0x46: {  	_ =	shalt  }
0x47: {  	_ =	shalt  }
0x48: {  	_ =	shalt  }
0x49: {  	_ =	shalt  }
0x4a: {  	_ =	shalt  }
0x4b: {  	_ =	shalt  }
0x4c: {  	_ =	shalt  }
0x4d: {  	_ =	shalt  }
0x4e: {  	_ =	shalt  }
0x4f: {  	_ =	shalt  }
0x50: {  	_ =	shalt  }
0x51: {  	_ =	shalt  }
0x52: {  	_ =	shalt  }
0x53: {  	_ =	shalt  }
0x54: {  	_ =	shalt  }
0x55: {  	_ =	shalt  }
0x56: {  	_ =	shalt  }
0x57: {  	_ =	shalt  }
0x58: {  	_ =	shalt  }
0x59: {  	_ =	shalt  }
0x5a: {  	_ =	shalt  }
0x5b: {  	_ =	shalt  }
0x5c: {  	_ =	shalt  }
0x5d: {  	_ =	shalt  }
0x5e: {  	_ =	shalt  }
0x5f: {  	_ =	shalt  }
0x60: {  	_ =	shalt  }
0x61: {  	_ =	shalt  }
0x62: {  	_ =	shalt  }
0x63: {  	_ =	shalt  }
0x64: {  	_ =	shalt  }
0x65: {  	_ =	shalt  }
0x66: {  	_ =	shalt  }
0x67: {  	_ =	shalt  }
0x68: {  	_ =	shalt  }
0x69: {  	_ =	shalt  }
0x6a: {  	_ =	shalt  }
0x6b: {  	_ =	shalt  }
0x6c: {  	_ =	shalt  }
0x6d: {  	_ =	shalt  }
0x6e: {  	_ =	shalt  }
0x6f: {  	_ =	shalt  }
0x70: {  	_ =	shalt  }
0x71: {  	_ =	shalt  }
0x72: {  	_ =	shalt  }
0x73: {  	_ =	shalt  }
0x74: {  	_ =	shalt  }
0x75: {  	_ =	shalt  }
0x76: {  	_ =	shalt  }
0x77: {  	_ =	shalt  }
0x78: {  	_ =	shalt  }
0x79: {  	_ =	shalt  }
0x7a: {  	_ =	shalt  }
0x7b: {  	_ =	shalt  }
0x7c: {  	_ =	shalt  }
0x7d: {  	_ =	shalt  }
0x7e: {  	_ =	shalt  }
0x7f: {  	_ =	shalt  }
0x80: {  	_ =	shalt  }
0x81: {  	_ =	shalt  }
0x82: {  	_ =	shalt  }
0x83: {  	_ =	shalt  }
0x84: {  	_ =	shalt  }
0x85: {  	_ =	shalt  }
0x86: {  	_ =	shalt  }
0x87: {  	_ =	shalt  }
.Lfunc_end0:
.L_simem_size_0:
called_computation.4_lowered:
.L_overlay_start_0:
0x88: {  	s2 =	sld [smem:$0x3FD9]  }
0x89: {  	s3 =	sld [smem:$0x3FFE];
	_ =	sdelay $0x1  }
0x8a: {  	s1 =	srdreg.scid  }
0x8b: {  	s0 =	sand.u32 $0x1, s1  }
0x8c: {  	s16 =	sshll.u32 s0, $0xA;
	s2 =	sadd.s32 s3, s2  }
0x8d: {  	s2 =	sadd.s32 s2, s16  }
0x8e: {  	[smem:$0x3FAF] =	sst s2  }
0x8f: {  	_ = 	snop  }
0x90: {  	(tm) =	ssettm $0x1  }
0x91: {  	s17 =	sld [smem:$0x3FFB];
	_ =	sdelay $0x3  }
0x92: {  	_ =	strace s17  }
0x93: {  	s2 =	sld [smem:$0x3FFC];
	_ =	sdelay $0x3  }
0x94: {  	_ =	strace s2  }
0x95: {  	s2 =	sld [smem:$0x3FFD];
	_ =	sdelay $0x3  }
0x96: {  	_ =	strace s2  }
0x97: {  	_ =	strace $0x8FFFFFFF  }
0x98: {  	s18 =	sld [smem:$0x3FDB];
	_ =	sdelay $0x1  }
0x99: {  	s19 =	simm.s32 $_scs_section_size  }
0x9a: {  	s4 =	simm.s32 $_size__tile_overlayer_lowered;
	s5 =	simm.s32 $_tile_overlayer_lowered  }
0x9b: {  	s22 =	simm.s32 $0x1BFF;
	s21 =	sshll.u32 s5, $0x1;
	s2 =	sadd.s32 s19, s18  }
0x9c: {  	s6 =	simm.s32 $0x0;
	s20 =	sshll.u32 s4, $0x1;
	s4 =	sadd.s32 s21, s2  }
0x9d: {  	[timem:s6], [sflag:s22] =	dma.local [hbm:s4], s20  }
0x9e: {  	_ =	swait.ge [sflag:s22], s20  }
0x9f: {  	s3 =	ssub.s32 $0x0, s20;
	[sflag:s22] =	ssyncset.done $0x0  }
0xa0: {  	[sflag:s22] =	ssyncadd.s32 s3;
	_ =	sdelay $0x1  }
0xa1: {  	s23 =	simm.s32 $0x1B8B  }
0xa2: {  	_ =	swait.ge [sflag:s23], $0x1  }
0xa3: {  	[sflag:s23] =	ssyncset.done $0x0  }
0xa4: {  	s25 =	simm.s32 $0x1B8E;
	s24 =	sld [smem:$0x3FFE];
	[sflag:s23] =	ssyncadd.s32 $0xFFFFFFFF  }
0xa5: {  	s26 =	simm.s32 $execute0_lowered;
	[smem:$0x3FD2] =	sst s25  }
0xa6: {  	s4 =	sshll.u32 s26, $0x1;
	_ =	strace $0x80000052;
	[dreg:$0x1] =	wrdreg $0xFFFFFFFF  }
0xa7: {  	s28 =	simm.s32 $_size_execute0_lowered;
	s2 =	sadd.s32 s2, s4;
	[dreg:$0x0] =	wrdreg $0x0  }
0xa8: {  	s4 =	sshll.u32 s28, $0x1;
	[dreg:$0x2] =	wrdreg s2  }
0xa9: {  	[dreg:$0x3] =	wrdreg s4  }
0xaa: {  	[dreg:$0x4] =	wrdreg $0xC0  }
0xab: {  	_ =	task [dreg:s6], $0x5FFFF  }
0xac: {  	[dreg:$0x1] =	wrdreg $0xFFFFFFFF  }
0xad: {  	[dreg:$0x0] =	wrdreg $0x60  }
0xae: {  	[dreg:$0x2] =	wrdreg s24  }
0xaf: {  	[dreg:$0x3] =	wrdreg $0x9  }
0xb0: {  	_ =	task.clear_ibuf [dreg:s6], $0x4FFFF;
	_ =	strace $0x90000052  }
0xb1: {  	s29 =	simm.s32 $0x9;
	_ =	strace $0x80000054  }
0xb2: {  	_ =	swait.ge [sflag:s29], $0x1  }
0xb3: {  	[sflag:s29] =	ssyncadd.s32 $0xFFFFFFFF  }
0xb4: {  	_ =	strace $0x90000054  }
0xb5: {  	_ =	sfence  }
0xb6: {  	s30 =	sld [smem:$0x0];
	_ =	sdelay $0x2  }
0xb7: {  	s31 =	sshll.u32 s1, $0xD;
	s1 =	sshrl.u32 s1, $0x2  }
0xb8: {  	s3 =	sand.u32 $0x4000, s31;
	s1 =	sadd.s32 s1, s30  }
0xb9: {  	s0 =	sor.u32 s3, s0;
	s1 =	sshll.u32 s1, $0x11  }
0xba: {  	s0 =	sor.u32 s1, s0  }
0xbb: {  	s0 =	sadd.s32 $0x8F2B, s0  }
0xbc: {  	[sflag:s0] =	ssyncadd.remote.s32 $0x1  }
0xbd: {  	_ =	sfence.sel $0xFFFF  }
0xbe: {  	[dreg:$0x0] =	wrdreg $0xFFFFFFFF;
	(pc) =	sbr.abs _section_cstart, $3  }
0xbf: {  	[dreg:$0x1] =	wrdreg $0xFFFFFFFF  }
0xc0: {  	_ =	task.clear_ibuf [dreg:s6], $0x2FFFF;
	_ =	strace $0x9FFFFFFF  }
0xc1: {  	(tm) =	ssettm $0x7FFFFFFF  }
tec
execute0_lowered:
.L_overlay_start_1:
0x0: {  	(tag) =	ssettag $0x1  }
0x1: {  	s4 =	rddreg [dreg:$0x0]  }
0x2: {  	s0 =	rddreg [dreg:$0x1]  }
0x3: {  	s2 =	simm.s32 $0x0;
	s3 =	srdreg.scid;
	s1 =	stileid.u32  }
0x4: {  	s15 =	simm.s32 $0x4100;
	s16 =	simm.s32 $0x1;
	s17 =	simm.s32 $0x2  }
0x5: {  	s18 =	simm.s32 $0x3;
	s19 =	simm.s32 $0x4;
	s20 =	simm.s32 $0x0  }
0x6: {  	[smem:$0x7FF] =	sst s2;
	s9 =	sand.u32 $0x1, s3;
	s13 =	smul.u32 $0x1400, s1  }
0x7: {  	s21 =	sshll.u32 s1, $0x1;
	s3 =	sadd.s32 $0x36E00, s4;
	s28 =	smul.u32 $0x14000, s1  }
0x8: {  	s11 =	sadd.s32 $0x16E00, s4;
	s10 =	sadd.s32 $0x56E00, s4;
	s14 =	smul.u32 $0xA00, s9  }
0x9: {  	s5 =	ssub.s32 $0x2, s9;
	s6 =	sor.u32 s9, s21;
	s9 =	smul.u32 $0xA000, s9  }
0xa: {  	_ =	strace $0x80000053;
	s7 =	sshrl.u32 s5, $0x1;
	s8 =	smul.u32 $0xA00, s6  }
0xb: {  	s23 =	smul.u32 $0xA000, s6;
	s22 =	ssub.s32 s5, s7;
	s13 =	sadd.s32 s14, s13  }
0xc: {  	s14 =	simm.s32 $0x100;
	s4 =	smax.u32 s22, $0x1;
	s12 =	sor.u32 $0x80, s8  }
0xd: {  	s24 =	sshrl.u32 s8, $0x3;
	s7 =	sadd.s32 s10, s23;
	s29 =	sor.u32 $0x180, s13  }
0xe: {  	s13 =	sor.u32 $0x100, s13;
	s25 =	sshrl.u32 s12, $0x3;
	s5 =	sadd.s32 s11, s24  }
0xf: {  	s26 =	sshll.u32 s12, $0x4;
	s30 =	sshrl.u32 s29, $0x3;
	s31 =	sshrl.u32 s13, $0x3  }
0x10: {  	s12 =	simm.s32 $0x5;
	s8 =	sadd.s32 s10, s26;
	s10 =	sadd.s32 s28, s10  }
0x11: {  	s13 =	simm.s32 $0x80;
	s6 =	sadd.s32 s11, s25;
	s9 =	sadd.s32 s9, s10  }
0x12: {  	s10 =	sadd.s32 s30, s11;
	s11 =	sadd.s32 s31, s11;
	s9 =	sadd.s32 $0x1800, s9  }
.LBB2_1:
0x13: {  	[tilespmem:s2], [sflag:$0x5] =	stream.linear.gather [hbm4b:s5+s2], $0x80, $0x38;
	[tilespmem:$0x8100] =	vst v63  }
0x14: {  	_ =	swait.ge [sflag:s12], $0x80  }
0x15: {  	[sflag:s12] =	ssyncset.done $0x0  }
0x16: {  	[sflag:s12] =	ssyncadd.s32 $0xFFFFFF80  }
0x17: {  	[tilespmem:s14], [sflag:$0x1] =	stream.indirect.gather [hbm4b:s3+s13], $0x80, s2, s13, $0xb8;
	[tilespmem:$0x8100] =	vst v63  }
0x18: {  	_ = 	snop  }
0x19: {  	[tilespmem:s13], [sflag:$0x5] =	stream.linear.gather [hbm4b:s6+s2], $0x80, $0x38;
	[tilespmem:$0x8100] =	vst v63  }
0x1a: {  	_ =	swait.ge [sflag:s12], $0x80  }
0x1b: {  	[sflag:s12] =	ssyncset.done $0x0  }
0x1c: {  	[sflag:s12] =	ssyncadd.s32 $0xFFFFFF80  }
0x1d: {  	[tilespmem:s15], [sflag:$0x2] =	stream.indirect.gather [hbm4b:s3+s13], $0x80, s13, s13, $0xb8;
	[tilespmem:$0x8100] =	vst v63  }
0x1e: {  	_ =	swait.ge [sflag:s16], $0x4000  }
0x1f: {  	[sflag:s16] =	ssyncset.done $0x0  }
0x20: {  	[sflag:s16] =	ssyncadd.s32 $0xFFFFC000  }
0x21: {  	[hbm4b:s7+s2] =	stream.linear.scatter [tilespmem:s14], [sflag:$0x3], $0x4000, $0x38;
	[tilespmem:$0x8100] =	vst v63  }
0x22: {  	_ =	swait.ge [sflag:s17], $0x4000  }
0x23: {  	[sflag:s17] =	ssyncset.done $0x0  }
0x24: {  	[sflag:s17] =	ssyncadd.s32 $0xFFFFC000  }
0x25: {  	[hbm4b:s8+s2] =	stream.linear.scatter [tilespmem:s15], [sflag:$0x4], $0x4000, $0x38;
	[tilespmem:$0x8100] =	vst v63  }
0x26: {  	_ =	swait.ge [sflag:s18], $0x4000  }
0x27: {  	[sflag:s18] =	ssyncset.done $0x0  }
0x28: {  	s21 =	sadd.s32 $0x0, s11;
	[sflag:s18] =	ssyncadd.s32 $0xFFFFC000  }
0x29: {  	[tilespmem:s2], [sflag:$0x5] =	stream.linear.gather [hbm4b:s21+s2], $0x80, $0x38;
	[tilespmem:$0x8100] =	vst v63  }
0x2a: {  	_ =	swait.ge [sflag:s12], $0x80  }
0x2b: {  	[sflag:s12] =	ssyncset.done $0x0  }
0x2c: {  	[sflag:s12] =	ssyncadd.s32 $0xFFFFFF80  }
0x2d: {  	[tilespmem:s14], [sflag:$0x1] =	stream.indirect.gather [hbm4b:s3+s13], $0x80, s2, s13, $0xb8;
	[tilespmem:$0x8100] =	vst v63  }
0x2e: {  	_ =	swait.ge [sflag:s19], $0x4000  }
0x2f: {  	[sflag:s19] =	ssyncset.done $0x0  }
0x30: {  	s30 =	sadd.s32 $0x0, s10;
	[sflag:s19] =	ssyncadd.s32 $0xFFFFC000  }
0x31: {  	[tilespmem:s13], [sflag:$0x5] =	stream.linear.gather [hbm4b:s30+s2], $0x80, $0x38;
	[tilespmem:$0x8100] =	vst v63  }
0x32: {  	_ =	swait.ge [sflag:s12], $0x80  }
0x33: {  	[sflag:s12] =	ssyncset.done $0x0  }
0x34: {  	[sflag:s12] =	ssyncadd.s32 $0xFFFFFF80  }
0x35: {  	[tilespmem:s15], [sflag:$0x2] =	stream.indirect.gather [hbm4b:s3+s13], $0x80, s13, s13, $0xb8;
	[tilespmem:$0x8100] =	vst v63  }
0x36: {  	_ =	swait.ge [sflag:s16], $0x4000  }
0x37: {  	[sflag:s16] =	ssyncset.done $0x0  }
0x38: {  	s31 =	sadd.s32 $0xFFFFF800, s9;
	[sflag:s16] =	ssyncadd.s32 $0xFFFFC000  }
0x39: {  	[hbm4b:s31+s2] =	stream.linear.scatter [tilespmem:s14], [sflag:$0x3], $0x4000, $0x38;
	[tilespmem:$0x8100] =	vst v63  }
0x3a: {  	_ =	swait.ge [sflag:s17], $0x4000  }
0x3b: {  	s22 =	sadd.s32 $0x1000, s9;
	[sflag:s17] =	ssyncset.done $0x0  }
0x3c: {  	s23 =	smov.u32 s9;
	s21 =	simm.s32 $0x20;
	[sflag:s17] =	ssyncadd.s32 $0xFFFFC000  }
.LBB2_2:
0x3d: {  	[hbm4b:s23+s2] =	stream.linear.scatter [tilespmem:s15], [sflag:$0x4], $0x4000, $0x38;
	[tilespmem:$0x8100] =	vst v63  }
0x3e: {  	s24 =	smov.u32 s21;
	s23 =	smov.u32 s22  }
0x3f: {  	p0 =	sne.s32 s21, $0x100;
	s21 =	sadd.s32 $0x20, s21;
	_ =	swait.ge [sflag:s18], $0x4000  }
0x40: {  	[sflag:s18] =	ssyncset.done $0x0  }
0x41: {  	s25 =	sadd.s32 s24, s11;
	[sflag:s18] =	ssyncadd.s32 $0xFFFFC000  }
0x42: {  	[tilespmem:s2], [sflag:$0x5] =	stream.linear.gather [hbm4b:s25+s2], $0x80, $0x38;
	[tilespmem:$0x8100] =	vst v63  }
0x43: {  	_ =	swait.ge [sflag:s12], $0x80  }
0x44: {  	[sflag:s12] =	ssyncset.done $0x0  }
0x45: {  	[sflag:s12] =	ssyncadd.s32 $0xFFFFFF80  }
0x46: {  	[tilespmem:s14], [sflag:$0x1] =	stream.indirect.gather [hbm4b:s3+s13], $0x80, s2, s13, $0xb8;
	[tilespmem:$0x8100] =	vst v63  }
0x47: {  	_ =	swait.ge [sflag:s19], $0x4000  }
0x48: {  	[sflag:s19] =	ssyncset.done $0x0  }
0x49: {  	s24 =	sadd.s32 s24, s10;
	[sflag:s19] =	ssyncadd.s32 $0xFFFFC000  }
0x4a: {  	[tilespmem:s13], [sflag:$0x5] =	stream.linear.gather [hbm4b:s24+s2], $0x80, $0x38;
	[tilespmem:$0x8100] =	vst v63  }
0x4b: {  	_ =	swait.ge [sflag:s12], $0x80  }
0x4c: {  	[sflag:s12] =	ssyncset.done $0x0  }
0x4d: {  	[sflag:s12] =	ssyncadd.s32 $0xFFFFFF80  }
0x4e: {  	[tilespmem:s15], [sflag:$0x2] =	stream.indirect.gather [hbm4b:s3+s13], $0x80, s13, s13, $0xb8;
	[tilespmem:$0x8100] =	vst v63  }
0x4f: {  	_ =	swait.ge [sflag:s16], $0x4000  }
0x50: {  	[sflag:s16] =	ssyncset.done $0x0  }
.Ltmp0:
0x51: {  	s24 =	sadd.s32 $0xFFFFF800, s22;
	[sflag:s16] =	ssyncadd.s32 $0xFFFFC000;
	(pc) =	sbr.rel @p0 .LBB2_2-.Ltmp0, $4  }
0x52: {  	[hbm4b:s24+s2] =	stream.linear.scatter [tilespmem:s14], [sflag:$0x3], $0x4000, $0x38;
	[tilespmem:$0x8100] =	vst v63  }
0x53: {  	_ =	swait.ge [sflag:s17], $0x4000  }
0x54: {  	[sflag:s17] =	ssyncset.done $0x0  }
0x55: {  	s22 =	sadd.s32 $0x1000, s22;
	[sflag:s17] =	ssyncadd.s32 $0xFFFFC000  }
0x56: {  	[hbm4b:s23+s2] =	stream.linear.scatter [tilespmem:s15], [sflag:$0x4], $0x4000, $0x38;
	[tilespmem:$0x8100] =	vst v63  }
0x57: {  	s20 =	sadd.s32 $0x1, s20  }
0x58: {  	_ =	swait.ge [sflag:s18], $0x4000;
	p0 =	sne.s32 s20, s4  }
.Ltmp1:
0x59: {  	[sflag:s18] =	ssyncset.done $0x0;
	(pc) =	sbr.rel @p0 .LBB2_1-.Ltmp1, $4  }
0x5a: {  	[sflag:s18] =	ssyncadd.s32 $0xFFFFC000  }
0x5b: {  	_ =	swait.ge [sflag:s19], $0x4000  }
0x5c: {  	[sflag:s19] =	ssyncset.done $0x0  }
0x5d: {  	[sflag:s19] =	ssyncadd.s32 $0xFFFFC000  }
0x5e: {  	_ =	sfence.sel $0x180000  }
0x5f: {  	[bflag:$0x0] =	sbarrier.arrive $0xFFFF  }
0x60: {  	p0 =	sne.s32 s1, $0x0;
	_ =	strace $0x90000053  }
0x61: {  	s0 =	sadd.s32 @!p0 $0x100000, s0;
	[bflag:$0x2] =	sbarrier.arrive $0xFFFF  }
0x62: {  	[sflag:s0] =	ssyncadd.tile.s32 @!p0 $0x1;
	_ =	shalt  }
.Lfunc_end2:
_tile_overlayer_lowered:
.L_overlay_start_2:
0x63: {  	(tag) =	ssettag $0x2  }
0x64: {  	s0 =	rddreg [dreg:$0x0];
	s2 =	stileid.u32  }
0x65: {  	s1 =	rddreg [dreg:$0x1];
	p0 =	sne.s32 s2, $0x0  }
0x66: {  	s3 =	rddreg [dreg:$0x2];
	[bflag:$0x3] =	sbarrier.arrive $0xFFFF;
	s2 =	simm.s32 @!p0 $0x1C05  }
0x67: {  	[timem:s3], [sflag:s2] =	dma.local @!p0 [hbm:s0], s1  }
0x68: {  	s0 =	simm.s32 @!p0 $0x5  }
0x69: {  	_ =	swait.ge @!p0 [sflag:s0], s1  }
0x6a: {  	s1 =	ssub.s32 @!p0 $0x0, s1;
	[sflag:s0] =	ssyncset.done @!p0 $0x0  }
0x6b: {  	[sflag:s0] =	ssyncadd.s32 @!p0 s1  }
0x6c: {  	[bflag:$0x3] =	sbarrier.arrive $0xFFFF  }
0x6d: {  	_ =	shalt  }

// kernel: kernel.42.cloned.1.call-start
scs
__scs_entry_jumppad:
0x0: {  	(pc) =	sbr.rel $0x88, $3  }
0x1: {  	(tag) =	ssettag $0x0;
	lr =	simm.s32 $0x1  }
0x2: {  	[smem:$0x3F88] =	sst lr;
	_ =	strace $0xD0000000  }
0x3: {  	_ = 	snop  }
0x4: {  	_ = 	snop  }
0x5: {  	_ = 	snop  }
0x6: {  	_ = 	snop  }
0x7: {  	_ = 	snop  }
__scs_overlays_trampoline_lowered:
0x8: {  	[smem:$0x3F97] =	sst s0  }
0x9: {  	[smem:$0x3F98] =	sst s1  }
0xa: {  	[smem:$0x3F99] =	sst s2  }
0xb: {  	[smem:$0x3F9A] =	sst s3  }
0xc: {  	[smem:$0x3F9B] =	sst s4  }
0xd: {  	[smem:$0x3F9C] =	sst s5  }
0xe: {  	[smem:$0x3F9D] =	sst s6  }
0xf: {  	[smem:$0x3F9E] =	sst s7  }
0x10: {  	[smem:$0x3F9F] =	sst s8  }
0x11: {  	[smem:$0x3FA0] =	sst s9;
	s0 =	simm.s32 @!p0 $0x0  }
0x12: {  	s1 =	sld [smem:$0x3F86];
	s0 =	simm.s32 @p0 $0x1  }
0x13: {  	[smem:$0x3FA1] =	sst s0;
	s0 =	simm.s32 @!p1 $0x0  }
0x14: {  	s2 =	sld [smem:$0x3F85];
	s0 =	simm.s32 @p1 $0x1  }
0x15: {  	[smem:$0x3FA2] =	sst s0;
	s0 =	simm.s32 @!p2 $0x0  }
0x16: {  	s3 =	sld [smem:$0x3FDB];
	s0 =	simm.s32 @p2 $0x1  }
0x17: {  	s4 =	simm.s32 $0x1BF5;
	[smem:$0x3FA4] =	sst s0  }
0x18: {  	s0 =	sld [smem:$0x3F87];
	_ =	swait.ge [sflag:s4], $0x0  }
0x19: {  	s7 =	sld [smem:$0x3F88]  }
0x1a: {  	s8 =	sadd.s32 $0xFFFFE003, lr  }
0x1b: {  	s9 =	sadd.s32 $0xFFFFFEF7, lr;
	s5 =	simm.s32 $0xFFFFFFFF;
	p2 =	slt.u32 s8, $0xFFFFF086  }
0x1c: {  	p1 =	slt.u32 s9, $0xF7A;
	s5 =	simm.s32 @!p2 $0x0  }
0x1d: {  	s5 =	simm.s32 @p1 $0x1;
	p0 =	seq.s32 s7, s2  }
0x1e: {  	s7 =	smul.u32 @!p0 $0xF7A, s2;
	p2 =	seq.s32 @!p0 s5, $0x0  }
0x1f: {  	s9 =	smul.u32 $0xF7A, s1;
	s8 =	simm.s32 @!p0 $0x1BF5;
	p2 =	por !p2, p0  }
0x20: {  	[sflag:s8] =	ssyncset.s32 @!p0 $0xFFFFF086;
	s6 =	sadd.s32 @!p0 s3, s7;
	s7 =	simm.s32 @!p0 $0x108  }
0x21: {  	s3 =	sadd.s32 s3, s9;
	s6 =	sadd.s32 @!p0 $0x88, s6;
	s7 =	simm.s32 @p2 $0x1082  }
0x22: {  	[simem:s7], [sflag:s8] =	dma.local @!p0 [hbm:s6], $0xF7A  }
0x23: {  	s9 =	sor.u32 $0xD0000000, s2;
	s6 =	simm.s32 $0x108;
	_ =	swait.ge @!p0 [sflag:s8], $0x0  }
0x24: {  	s3 =	sadd.s32 $0x88, s3;
	s6 =	simm.s32 @!p1 $0x1082;
	[sflag:s4] =	ssyncset.s32 $0xFFFFF086  }
0x25: {  	[simem:s6], [sflag:s4] =	dma.local [hbm:s3], $0xF7A  }
0x26: {  	[smem:$0x3F88] =	sst s1;
	(tag) =	ssettag s2;
	_ =	strace s9  }
0x27: {  	s1 =	sld [smem:$0x3F98]  }
0x28: {  	s2 =	sld [smem:$0x3F99]  }
0x29: {  	s4 =	sld [smem:$0x3F9B]  }
0x2a: {  	p0 =	seq.s32 s5, $0x0;
	s5 =	sld [smem:$0x3F9C]  }
0x2b: {  	s6 =	sld [smem:$0x3F9D]  }
0x2c: {  	s7 =	sld [smem:$0x3F9E]  }
0x2d: {  	s3 =	simm.s32 $0x108;
	s8 =	sld [smem:$0x3F9F]  }
0x2e: {  	s3 =	simm.s32 @!p0 $0x1082;
	s9 =	sld [smem:$0x3FA0]  }
0x2f: {  	lr =	sadd.s32 s0, s3;
	s0 =	sld [smem:$0x3F97]  }
0x30: {  	s3 =	sld [smem:$0x3F9A]  }
0x31: {  	[smem:$0x3FA3] =	sst s10  }
0x32: {  	s10 =	sld [smem:$0x3FA1];
	_ =	sdelay $0x3  }
0x33: {  	p0 =	seq.s32 s10, $0x1;
	s10 =	sld [smem:$0x3FA3];
	_ =	sdelay $0x3  }
0x34: {  	[smem:$0x3FA3] =	sst s10  }
0x35: {  	s10 =	sld [smem:$0x3FA2];
	_ =	sdelay $0x3  }
0x36: {  	p1 =	seq.s32 s10, $0x1;
	s10 =	sld [smem:$0x3FA3];
	_ =	sdelay $0x3  }
0x37: {  	[smem:$0x3FA3] =	sst s10  }
0x38: {  	s10 =	sld [smem:$0x3FA4]  }
0x39: {  	_ = 	snop;
	(pc) =	sbr.ind lr, $3  }
0x3a: {  	_ = 	snop  }
0x3b: {  	_ = 	snop  }
0x3c: {  	p2 =	seq.s32 s10, $0x1;
	s10 =	sld [smem:$0x3FA3]  }
0x3d: {  	_ =	shalt  }
0x3e: {  	_ =	shalt  }
0x3f: {  	_ =	shalt  }
0x40: {  	_ =	shalt  }
0x41: {  	_ =	shalt  }
0x42: {  	_ =	shalt  }
0x43: {  	_ =	shalt  }
0x44: {  	_ =	shalt  }
0x45: {  	_ =	shalt  }
0x46: {  	_ =	shalt  }
0x47: {  	_ =	shalt  }
0x48: {  	_ =	shalt  }
0x49: {  	_ =	shalt  }
0x4a: {  	_ =	shalt  }
0x4b: {  	_ =	shalt  }
0x4c: {  	_ =	shalt  }
0x4d: {  	_ =	shalt  }
0x4e: {  	_ =	shalt  }
0x4f: {  	_ =	shalt  }
0x50: {  	_ =	shalt  }
0x51: {  	_ =	shalt  }
0x52: {  	_ =	shalt  }
0x53: {  	_ =	shalt  }
0x54: {  	_ =	shalt  }
0x55: {  	_ =	shalt  }
0x56: {  	_ =	shalt  }
0x57: {  	_ =	shalt  }
0x58: {  	_ =	shalt  }
0x59: {  	_ =	shalt  }
0x5a: {  	_ =	shalt  }
0x5b: {  	_ =	shalt  }
0x5c: {  	_ =	shalt  }
0x5d: {  	_ =	shalt  }
0x5e: {  	_ =	shalt  }
0x5f: {  	_ =	shalt  }
0x60: {  	_ =	shalt  }
0x61: {  	_ =	shalt  }
0x62: {  	_ =	shalt  }
0x63: {  	_ =	shalt  }
0x64: {  	_ =	shalt  }
0x65: {  	_ =	shalt  }
0x66: {  	_ =	shalt  }
0x67: {  	_ =	shalt  }
0x68: {  	_ =	shalt  }
0x69: {  	_ =	shalt  }
0x6a: {  	_ =	shalt  }
0x6b: {  	_ =	shalt  }
0x6c: {  	_ =	shalt  }
0x6d: {  	_ =	shalt  }
0x6e: {  	_ =	shalt  }
0x6f: {  	_ =	shalt  }
0x70: {  	_ =	shalt  }
0x71: {  	_ =	shalt  }
0x72: {  	_ =	shalt  }
0x73: {  	_ =	shalt  }
0x74: {  	_ =	shalt  }
0x75: {  	_ =	shalt  }
0x76: {  	_ =	shalt  }
0x77: {  	_ =	shalt  }
0x78: {  	_ =	shalt  }
0x79: {  	_ =	shalt  }
0x7a: {  	_ =	shalt  }
0x7b: {  	_ =	shalt  }
0x7c: {  	_ =	shalt  }
0x7d: {  	_ =	shalt  }
0x7e: {  	_ =	shalt  }
0x7f: {  	_ =	shalt  }
0x80: {  	_ =	shalt  }
0x81: {  	_ =	shalt  }
0x82: {  	_ =	shalt  }
0x83: {  	_ =	shalt  }
0x84: {  	_ =	shalt  }
0x85: {  	_ =	shalt  }
0x86: {  	_ =	shalt  }
0x87: {  	_ =	shalt  }
.Lfunc_end0:
.L_simem_size_0:
called_computation.5_lowered:
.L_overlay_start_0:
0x88: {  	s2 =	sld [smem:$0x3FD9]  }
0x89: {  	s3 =	sld [smem:$0x3FFE];
	_ =	sdelay $0x1  }
0x8a: {  	s1 =	srdreg.scid  }
0x8b: {  	s0 =	sand.u32 $0x1, s1  }
0x8c: {  	s17 =	sshll.u32 s0, $0xA;
	s2 =	sadd.s32 s3, s2  }
0x8d: {  	s2 =	sadd.s32 s2, s17  }
0x8e: {  	[smem:$0x3FAF] =	sst s2  }
0x8f: {  	_ = 	snop  }
0x90: {  	s18 =	sld [smem:$0x3FD0];
	(tm) =	ssettm $0x1  }
0x91: {  	s19 =	sld [smem:$0x3FFB];
	_ =	sdelay $0x3  }
0x92: {  	_ =	strace s19  }
0x93: {  	s2 =	sld [smem:$0x3FFC];
	_ =	sdelay $0x3  }
0x94: {  	_ =	strace s2  }
0x95: {  	s2 =	sld [smem:$0x3FFD];
	_ =	sdelay $0x3  }
0x96: {  	_ =	strace s2  }
0x97: {  	_ =	strace $0x8FFFFFFF  }
0x98: {  	s20 =	sld [smem:$0x3FDB];
	_ =	sdelay $0x1  }
0x99: {  	s4 =	simm.s32 $_scs_section_size  }
0x9a: {  	s5 =	simm.s32 $_size__tile_overlayer_lowered;
	s6 =	simm.s32 $_tile_overlayer_lowered  }
0x9b: {  	s7 =	simm.s32 $0x1BFF;
	s21 =	sshll.u32 s6, $0x1;
	s4 =	sadd.s32 s4, s20  }
0x9c: {  	s22 =	simm.s32 $0x0;
	s5 =	sshll.u32 s5, $0x1;
	s6 =	sadd.s32 s21, s4  }
0x9d: {  	[timem:s22], [sflag:s7] =	dma.local [hbm:s6], s5  }
0x9e: {  	_ =	swait.ge [sflag:s7], s5  }
0x9f: {  	s5 =	ssub.s32 $0x0, s5;
	[sflag:s7] =	ssyncset.done $0x0  }
0xa0: {  	[sflag:s7] =	ssyncadd.s32 s5;
	_ =	sdelay $0x1  }
0xa1: {  	s23 =	simm.s32 $0x1B8B  }
0xa2: {  	_ =	swait.ge [sflag:s23], $0x1  }
0xa3: {  	[sflag:s23] =	ssyncset.done $0x0  }
0xa4: {  	[sflag:s23] =	ssyncadd.s32 $0xFFFFFFFF  }
0xa5: {  	s5 =	sld [smem:$0x0]  }
0xa6: {  	s6 =	sand.u32 $0xFFFFFFFE, s1  }
0xa7: {  	p0 =	sne.s32 s1, s6  }
0xa8: {  	s6 =	sshll.u32 @p0 s6, $0xE  }
0xa9: {  	s6 =	sadd.s32 @p0 $0x11B8D, s6;
	s7 =	sshll.u32 @p0 s5, $0x11  }
0xaa: {  	s6 =	sor.u32 @p0 s7, s6  }
0xab: {  	[sflag:s6] =	ssyncadd.remote.s32 @p0 $0x1;
	_ =	sdelay $0x1  }
0xac: {  	s6 =	simm.s32 @p0 $0x1B8D  }
0xad: {  	_ =	swait.eq @p0 [sflag:s6], $0x1  }
0xae: {  	[sflag:s6] =	ssyncadd.s32 @p0 $0xFFFFFFFF  }
0xaf: {  	s7 =	sshll.u32 @!p0 s1, $0xE  }
0xb0: {  	s7 =	sor.u32 @!p0 $0x4000, s7;
	s6 =	simm.s32 @!p0 $0x1B8D  }
0xb1: {  	s5 =	sshll.u32 @!p0 s5, $0x11;
	s7 =	sadd.s32 @!p0 $0x11B8D, s7;
	_ =	swait.eq @!p0 [sflag:s6], $0x1  }
0xb2: {  	s5 =	sor.u32 @!p0 s5, s7;
	[sflag:s6] =	ssyncadd.s32 @!p0 $0xFFFFFFFF  }
0xb3: {  	s25 =	simm.s32 $0x1B8E;
	s24 =	sld [smem:$0x3FFE];
	[sflag:s5] =	ssyncadd.remote.s32 @!p0 $0x1  }
0xb4: {  	s26 =	simm.s32 $execute0_lowered;
	[smem:$0x3FD2] =	sst s25  }
0xb5: {  	s6 =	sshll.u32 s26, $0x1;
	_ =	strace $0x80000055;
	[dreg:$0x1] =	wrdreg $0xFFFFFFFF  }
0xb6: {  	s28 =	simm.s32 $_size_execute0_lowered;
	s4 =	sadd.s32 s4, s6;
	[dreg:$0x0] =	wrdreg $0x0  }
0xb7: {  	s6 =	sshll.u32 s28, $0x1;
	[dreg:$0x2] =	wrdreg s4  }
0xb8: {  	[dreg:$0x3] =	wrdreg s6  }
0xb9: {  	[dreg:$0x4] =	wrdreg $0xC0  }
0xba: {  	_ =	task [dreg:s22], $0x5FFFF  }
0xbb: {  	[dreg:$0x1] =	wrdreg $0xFFFFFFFF  }
0xbc: {  	[dreg:$0x0] =	wrdreg $0x60  }
0xbd: {  	[dreg:$0x2] =	wrdreg s24  }
0xbe: {  	[dreg:$0x3] =	wrdreg s18  }
0xbf: {  	[dreg:$0x4] =	wrdreg $0xA  }
0xc0: {  	_ =	task.clear_ibuf [dreg:s22], $0x5FFFF;
	_ =	strace $0x90000055  }
0xc1: {  	s29 =	simm.s32 $0xA;
	_ =	strace $0x80000057  }
0xc2: {  	_ =	swait.ge [sflag:s29], $0x1  }
0xc3: {  	[sflag:s29] =	ssyncadd.s32 $0xFFFFFFFF  }
0xc4: {  	_ =	strace $0x90000057  }
0xc5: {  	_ =	sfence  }
0xc6: {  	s30 =	sld [smem:$0x0];
	_ =	sdelay $0x2  }
0xc7: {  	s31 =	sshll.u32 s1, $0xD;
	s1 =	sshrl.u32 s1, $0x2  }
0xc8: {  	s4 =	sand.u32 $0x4000, s31;
	s1 =	sadd.s32 s1, s30  }
0xc9: {  	s0 =	sor.u32 s4, s0;
	s1 =	sshll.u32 s1, $0x11  }
0xca: {  	s0 =	sor.u32 s1, s0  }
0xcb: {  	s0 =	sadd.s32 $0x8F2B, s0  }
0xcc: {  	[sflag:s0] =	ssyncadd.remote.s32 $0x1  }
0xcd: {  	_ =	sfence.sel $0xFFFF  }
0xce: {  	[dreg:$0x0] =	wrdreg $0xFFFFFFFF;
	(pc) =	sbr.abs _section_cstart, $3  }
0xcf: {  	[dreg:$0x1] =	wrdreg $0xFFFFFFFF  }
0xd0: {  	_ =	task.clear_ibuf [dreg:s22], $0x2FFFF;
	_ =	strace $0x9FFFFFFF  }
0xd1: {  	(tm) =	ssettm $0x7FFFFFFF  }
tec
execute0_lowered:
.L_overlay_start_1:
0x0: {  	(tag) =	ssettag $0x1  }
0x1: {  	s4 =	rddreg [dreg:$0x0]  }
0x2: {  	s11 =	rddreg [dreg:$0x1]  }
0x3: {  	s0 =	rddreg [dreg:$0x2]  }
0x4: {  	s3 =	srdreg.scid;
	s1 =	stileid.u32  }
0x5: {  	s2 =	simm.s32 $0x0;
	s15 =	simm.s32 $0x4100;
	s16 =	simm.s32 $0x1  }
0x6: {  	s17 =	simm.s32 $0x2;
	s18 =	simm.s32 $0x3;
	s19 =	simm.s32 $0x4  }
0x7: {  	s20 =	simm.s32 $0x0;
	s9 =	sand.u32 $0x1, s3;
	s13 =	smul.u32 $0x1400, s1  }
0x8: {  	s21 =	sshll.u32 s1, $0x1;
	[smem:$0x7FF] =	sst s2;
	s28 =	smul.u32 $0x14000, s1  }
0x9: {  	s3 =	sadd.s32 $0x36E00, s4;
	s10 =	sadd.s32 $0x196E00, s4;
	s14 =	smul.u32 $0xA00, s9  }
0xa: {  	s5 =	ssub.s32 $0x2, s9;
	s6 =	sor.u32 s9, s21;
	s9 =	smul.u32 $0xA000, s9  }
0xb: {  	_ =	strace $0x80000056;
	s7 =	sshrl.u32 s5, $0x1;
	s8 =	smul.u32 $0xA00, s6  }
0xc: {  	s23 =	smul.u32 $0xA000, s6;
	s22 =	ssub.s32 s5, s7;
	s13 =	sadd.s32 s14, s13  }
0xd: {  	s14 =	simm.s32 $0x100;
	s4 =	smax.u32 s22, $0x1;
	s12 =	sor.u32 $0x80, s8  }
0xe: {  	s24 =	sshrl.u32 s8, $0x3;
	s7 =	sadd.s32 s10, s23;
	s29 =	sor.u32 $0x180, s13  }
0xf: {  	s13 =	sor.u32 $0x100, s13;
	s25 =	sshrl.u32 s12, $0x3;
	s5 =	sadd.s32 s11, s24  }
0x10: {  	s26 =	sshll.u32 s12, $0x4;
	s30 =	sshrl.u32 s29, $0x3;
	s31 =	sshrl.u32 s13, $0x3  }
0x11: {  	s12 =	simm.s32 $0x5;
	s8 =	sadd.s32 s10, s26;
	s10 =	sadd.s32 s28, s10  }
0x12: {  	s13 =	simm.s32 $0x80;
	s6 =	sadd.s32 s11, s25;
	s9 =	sadd.s32 s9, s10  }
0x13: {  	s10 =	sadd.s32 s30, s11;
	s11 =	sadd.s32 s31, s11;
	s9 =	sadd.s32 $0x1800, s9  }
.LBB2_1:
0x14: {  	[tilespmem:s2], [sflag:$0x5] =	stream.linear.gather [hbm4b:s5+s2], $0x80, $0x38;
	[tilespmem:$0x8100] =	vst v63  }
0x15: {  	_ =	swait.ge [sflag:s12], $0x80  }
0x16: {  	[sflag:s12] =	ssyncset.done $0x0  }
0x17: {  	[sflag:s12] =	ssyncadd.s32 $0xFFFFFF80  }
0x18: {  	[tilespmem:s14], [sflag:$0x1] =	stream.indirect.gather [hbm4b:s3+s13], $0x80, s2, s13, $0xb8;
	[tilespmem:$0x8100] =	vst v63  }
0x19: {  	_ = 	snop  }
0x1a: {  	[tilespmem:s13], [sflag:$0x5] =	stream.linear.gather [hbm4b:s6+s2], $0x80, $0x38;
	[tilespmem:$0x8100] =	vst v63  }
0x1b: {  	_ =	swait.ge [sflag:s12], $0x80  }
0x1c: {  	[sflag:s12] =	ssyncset.done $0x0  }
0x1d: {  	[sflag:s12] =	ssyncadd.s32 $0xFFFFFF80  }
0x1e: {  	[tilespmem:s15], [sflag:$0x2] =	stream.indirect.gather [hbm4b:s3+s13], $0x80, s13, s13, $0xb8;
	[tilespmem:$0x8100] =	vst v63  }
0x1f: {  	_ =	swait.ge [sflag:s16], $0x4000  }
0x20: {  	[sflag:s16] =	ssyncset.done $0x0  }
0x21: {  	[sflag:s16] =	ssyncadd.s32 $0xFFFFC000  }
0x22: {  	[hbm4b:s7+s2] =	stream.linear.scatter [tilespmem:s14], [sflag:$0x3], $0x4000, $0x38;
	[tilespmem:$0x8100] =	vst v63  }
0x23: {  	_ =	swait.ge [sflag:s17], $0x4000  }
0x24: {  	[sflag:s17] =	ssyncset.done $0x0  }
0x25: {  	[sflag:s17] =	ssyncadd.s32 $0xFFFFC000  }
0x26: {  	[hbm4b:s8+s2] =	stream.linear.scatter [tilespmem:s15], [sflag:$0x4], $0x4000, $0x38;
	[tilespmem:$0x8100] =	vst v63  }
0x27: {  	_ =	swait.ge [sflag:s18], $0x4000  }
0x28: {  	[sflag:s18] =	ssyncset.done $0x0  }
0x29: {  	s21 =	sadd.s32 $0x0, s11;
	[sflag:s18] =	ssyncadd.s32 $0xFFFFC000  }
0x2a: {  	[tilespmem:s2], [sflag:$0x5] =	stream.linear.gather [hbm4b:s21+s2], $0x80, $0x38;
	[tilespmem:$0x8100] =	vst v63  }
0x2b: {  	_ =	swait.ge [sflag:s12], $0x80  }
0x2c: {  	[sflag:s12] =	ssyncset.done $0x0  }
0x2d: {  	[sflag:s12] =	ssyncadd.s32 $0xFFFFFF80  }
0x2e: {  	[tilespmem:s14], [sflag:$0x1] =	stream.indirect.gather [hbm4b:s3+s13], $0x80, s2, s13, $0xb8;
	[tilespmem:$0x8100] =	vst v63  }
0x2f: {  	_ =	swait.ge [sflag:s19], $0x4000  }
0x30: {  	[sflag:s19] =	ssyncset.done $0x0  }
0x31: {  	s30 =	sadd.s32 $0x0, s10;
	[sflag:s19] =	ssyncadd.s32 $0xFFFFC000  }
0x32: {  	[tilespmem:s13], [sflag:$0x5] =	stream.linear.gather [hbm4b:s30+s2], $0x80, $0x38;
	[tilespmem:$0x8100] =	vst v63  }
0x33: {  	_ =	swait.ge [sflag:s12], $0x80  }
0x34: {  	[sflag:s12] =	ssyncset.done $0x0  }
0x35: {  	[sflag:s12] =	ssyncadd.s32 $0xFFFFFF80  }
0x36: {  	[tilespmem:s15], [sflag:$0x2] =	stream.indirect.gather [hbm4b:s3+s13], $0x80, s13, s13, $0xb8;
	[tilespmem:$0x8100] =	vst v63  }
0x37: {  	_ =	swait.ge [sflag:s16], $0x4000  }
0x38: {  	[sflag:s16] =	ssyncset.done $0x0  }
0x39: {  	s31 =	sadd.s32 $0xFFFFF800, s9;
	[sflag:s16] =	ssyncadd.s32 $0xFFFFC000  }
0x3a: {  	[hbm4b:s31+s2] =	stream.linear.scatter [tilespmem:s14], [sflag:$0x3], $0x4000, $0x38;
	[tilespmem:$0x8100] =	vst v63  }
0x3b: {  	_ =	swait.ge [sflag:s17], $0x4000  }
0x3c: {  	s22 =	sadd.s32 $0x1000, s9;
	[sflag:s17] =	ssyncset.done $0x0  }
0x3d: {  	s23 =	smov.u32 s9;
	s21 =	simm.s32 $0x20;
	[sflag:s17] =	ssyncadd.s32 $0xFFFFC000  }
.LBB2_2:
0x3e: {  	[hbm4b:s23+s2] =	stream.linear.scatter [tilespmem:s15], [sflag:$0x4], $0x4000, $0x38;
	[tilespmem:$0x8100] =	vst v63  }
0x3f: {  	s24 =	smov.u32 s21;
	s23 =	smov.u32 s22  }
0x40: {  	p0 =	sne.s32 s21, $0x100;
	s21 =	sadd.s32 $0x20, s21;
	_ =	swait.ge [sflag:s18], $0x4000  }
0x41: {  	[sflag:s18] =	ssyncset.done $0x0  }
0x42: {  	s25 =	sadd.s32 s24, s11;
	[sflag:s18] =	ssyncadd.s32 $0xFFFFC000  }
0x43: {  	[tilespmem:s2], [sflag:$0x5] =	stream.linear.gather [hbm4b:s25+s2], $0x80, $0x38;
	[tilespmem:$0x8100] =	vst v63  }
0x44: {  	_ =	swait.ge [sflag:s12], $0x80  }
0x45: {  	[sflag:s12] =	ssyncset.done $0x0  }
0x46: {  	[sflag:s12] =	ssyncadd.s32 $0xFFFFFF80  }
0x47: {  	[tilespmem:s14], [sflag:$0x1] =	stream.indirect.gather [hbm4b:s3+s13], $0x80, s2, s13, $0xb8;
	[tilespmem:$0x8100] =	vst v63  }
0x48: {  	_ =	swait.ge [sflag:s19], $0x4000  }
0x49: {  	[sflag:s19] =	ssyncset.done $0x0  }
0x4a: {  	s24 =	sadd.s32 s24, s10;
	[sflag:s19] =	ssyncadd.s32 $0xFFFFC000  }
0x4b: {  	[tilespmem:s13], [sflag:$0x5] =	stream.linear.gather [hbm4b:s24+s2], $0x80, $0x38;
	[tilespmem:$0x8100] =	vst v63  }
0x4c: {  	_ =	swait.ge [sflag:s12], $0x80  }
0x4d: {  	[sflag:s12] =	ssyncset.done $0x0  }
0x4e: {  	[sflag:s12] =	ssyncadd.s32 $0xFFFFFF80  }
0x4f: {  	[tilespmem:s15], [sflag:$0x2] =	stream.indirect.gather [hbm4b:s3+s13], $0x80, s13, s13, $0xb8;
	[tilespmem:$0x8100] =	vst v63  }
0x50: {  	_ =	swait.ge [sflag:s16], $0x4000  }
0x51: {  	[sflag:s16] =	ssyncset.done $0x0  }
.Ltmp0:
0x52: {  	s24 =	sadd.s32 $0xFFFFF800, s22;
	[sflag:s16] =	ssyncadd.s32 $0xFFFFC000;
	(pc) =	sbr.rel @p0 .LBB2_2-.Ltmp0, $4  }
0x53: {  	[hbm4b:s24+s2] =	stream.linear.scatter [tilespmem:s14], [sflag:$0x3], $0x4000, $0x38;
	[tilespmem:$0x8100] =	vst v63  }
0x54: {  	_ =	swait.ge [sflag:s17], $0x4000  }
0x55: {  	[sflag:s17] =	ssyncset.done $0x0  }
0x56: {  	s22 =	sadd.s32 $0x1000, s22;
	[sflag:s17] =	ssyncadd.s32 $0xFFFFC000  }
0x57: {  	[hbm4b:s23+s2] =	stream.linear.scatter [tilespmem:s15], [sflag:$0x4], $0x4000, $0x38;
	[tilespmem:$0x8100] =	vst v63  }
0x58: {  	s20 =	sadd.s32 $0x1, s20  }
0x59: {  	_ =	swait.ge [sflag:s18], $0x4000;
	p0 =	sne.s32 s20, s4  }
.Ltmp1:
0x5a: {  	[sflag:s18] =	ssyncset.done $0x0;
	(pc) =	sbr.rel @p0 .LBB2_1-.Ltmp1, $4  }
0x5b: {  	[sflag:s18] =	ssyncadd.s32 $0xFFFFC000  }
0x5c: {  	_ =	swait.ge [sflag:s19], $0x4000  }
0x5d: {  	[sflag:s19] =	ssyncset.done $0x0  }
0x5e: {  	[sflag:s19] =	ssyncadd.s32 $0xFFFFC000  }
0x5f: {  	_ =	sfence.sel $0x180000  }
0x60: {  	[bflag:$0x0] =	sbarrier.arrive $0xFFFF  }
0x61: {  	p0 =	sne.s32 s1, $0x0;
	_ =	strace $0x90000056  }
0x62: {  	s0 =	sadd.s32 @!p0 $0x100000, s0;
	[bflag:$0x2] =	sbarrier.arrive $0xFFFF  }
0x63: {  	[sflag:s0] =	ssyncadd.tile.s32 @!p0 $0x1;
	_ =	shalt  }
.Lfunc_end2:
_tile_overlayer_lowered:
.L_overlay_start_2:
0x64: {  	(tag) =	ssettag $0x2  }
0x65: {  	s0 =	rddreg [dreg:$0x0];
	s2 =	stileid.u32  }
0x66: {  	s1 =	rddreg [dreg:$0x1];
	p0 =	sne.s32 s2, $0x0  }
0x67: {  	s3 =	rddreg [dreg:$0x2];
	[bflag:$0x3] =	sbarrier.arrive $0xFFFF;
	s2 =	simm.s32 @!p0 $0x1C05  }
0x68: {  	[timem:s3], [sflag:s2] =	dma.local @!p0 [hbm:s0], s1  }
0x69: {  	s0 =	simm.s32 @!p0 $0x5  }
0x6a: {  	_ =	swait.ge @!p0 [sflag:s0], s1  }
0x6b: {  	s1 =	ssub.s32 @!p0 $0x0, s1;
	[sflag:s0] =	ssyncset.done @!p0 $0x0  }
0x6c: {  	[sflag:s0] =	ssyncadd.s32 @!p0 s1  }
0x6d: {  	[bflag:$0x3] =	sbarrier.arrive $0xFFFF  }
0x6e: {  	_ =	shalt  }

// kernel: kernel.45.cloned.1.call-start
scs
__scs_entry_jumppad:
0x0: {  	(pc) =	sbr.rel $0x88, $3  }
0x1: {  	(tag) =	ssettag $0x0;
	lr =	simm.s32 $0x1  }
0x2: {  	[smem:$0x3F88] =	sst lr;
	_ =	strace $0xD0000000  }
0x3: {  	_ = 	snop  }
0x4: {  	_ = 	snop  }
0x5: {  	_ = 	snop  }
0x6: {  	_ = 	snop  }
0x7: {  	_ = 	snop  }
__scs_overlays_trampoline_lowered:
0x8: {  	[smem:$0x3F97] =	sst s0  }
0x9: {  	[smem:$0x3F98] =	sst s1  }
0xa: {  	[smem:$0x3F99] =	sst s2  }
0xb: {  	[smem:$0x3F9A] =	sst s3  }
0xc: {  	[smem:$0x3F9B] =	sst s4  }
0xd: {  	[smem:$0x3F9C] =	sst s5  }
0xe: {  	[smem:$0x3F9D] =	sst s6  }
0xf: {  	[smem:$0x3F9E] =	sst s7  }
0x10: {  	[smem:$0x3F9F] =	sst s8  }
0x11: {  	[smem:$0x3FA0] =	sst s9;
	s0 =	simm.s32 @!p0 $0x0  }
0x12: {  	s1 =	sld [smem:$0x3F86];
	s0 =	simm.s32 @p0 $0x1  }
0x13: {  	[smem:$0x3FA1] =	sst s0;
	s0 =	simm.s32 @!p1 $0x0  }
0x14: {  	s2 =	sld [smem:$0x3F85];
	s0 =	simm.s32 @p1 $0x1  }
0x15: {  	[smem:$0x3FA2] =	sst s0;
	s0 =	simm.s32 @!p2 $0x0  }
0x16: {  	s3 =	sld [smem:$0x3FDB];
	s0 =	simm.s32 @p2 $0x1  }
0x17: {  	s4 =	simm.s32 $0x1BF5;
	[smem:$0x3FA4] =	sst s0  }
0x18: {  	s0 =	sld [smem:$0x3F87];
	_ =	swait.ge [sflag:s4], $0x0  }
0x19: {  	s7 =	sld [smem:$0x3F88]  }
0x1a: {  	s8 =	sadd.s32 $0xFFFFE003, lr  }
0x1b: {  	s9 =	sadd.s32 $0xFFFFFEF7, lr;
	s5 =	simm.s32 $0xFFFFFFFF;
	p2 =	slt.u32 s8, $0xFFFFF086  }
0x1c: {  	p1 =	slt.u32 s9, $0xF7A;
	s5 =	simm.s32 @!p2 $0x0  }
0x1d: {  	s5 =	simm.s32 @p1 $0x1;
	p0 =	seq.s32 s7, s2  }
0x1e: {  	s7 =	smul.u32 @!p0 $0xF7A, s2;
	p2 =	seq.s32 @!p0 s5, $0x0  }
0x1f: {  	s9 =	smul.u32 $0xF7A, s1;
	s8 =	simm.s32 @!p0 $0x1BF5;
	p2 =	por !p2, p0  }
0x20: {  	[sflag:s8] =	ssyncset.s32 @!p0 $0xFFFFF086;
	s6 =	sadd.s32 @!p0 s3, s7;
	s7 =	simm.s32 @!p0 $0x108  }
0x21: {  	s3 =	sadd.s32 s3, s9;
	s6 =	sadd.s32 @!p0 $0x88, s6;
	s7 =	simm.s32 @p2 $0x1082  }
0x22: {  	[simem:s7], [sflag:s8] =	dma.local @!p0 [hbm:s6], $0xF7A  }
0x23: {  	s9 =	sor.u32 $0xD0000000, s2;
	s6 =	simm.s32 $0x108;
	_ =	swait.ge @!p0 [sflag:s8], $0x0  }
0x24: {  	s3 =	sadd.s32 $0x88, s3;
	s6 =	simm.s32 @!p1 $0x1082;
	[sflag:s4] =	ssyncset.s32 $0xFFFFF086  }
0x25: {  	[simem:s6], [sflag:s4] =	dma.local [hbm:s3], $0xF7A  }
0x26: {  	[smem:$0x3F88] =	sst s1;
	(tag) =	ssettag s2;
	_ =	strace s9  }
0x27: {  	s1 =	sld [smem:$0x3F98]  }
0x28: {  	s2 =	sld [smem:$0x3F99]  }
0x29: {  	s4 =	sld [smem:$0x3F9B]  }
0x2a: {  	p0 =	seq.s32 s5, $0x0;
	s5 =	sld [smem:$0x3F9C]  }
0x2b: {  	s6 =	sld [smem:$0x3F9D]  }
0x2c: {  	s7 =	sld [smem:$0x3F9E]  }
0x2d: {  	s3 =	simm.s32 $0x108;
	s8 =	sld [smem:$0x3F9F]  }
0x2e: {  	s3 =	simm.s32 @!p0 $0x1082;
	s9 =	sld [smem:$0x3FA0]  }
0x2f: {  	lr =	sadd.s32 s0, s3;
	s0 =	sld [smem:$0x3F97]  }
0x30: {  	s3 =	sld [smem:$0x3F9A]  }
0x31: {  	[smem:$0x3FA3] =	sst s10  }
0x32: {  	s10 =	sld [smem:$0x3FA1];
	_ =	sdelay $0x3  }
0x33: {  	p0 =	seq.s32 s10, $0x1;
	s10 =	sld [smem:$0x3FA3];
	_ =	sdelay $0x3  }
0x34: {  	[smem:$0x3FA3] =	sst s10  }
0x35: {  	s10 =	sld [smem:$0x3FA2];
	_ =	sdelay $0x3  }
0x36: {  	p1 =	seq.s32 s10, $0x1;
	s10 =	sld [smem:$0x3FA3];
	_ =	sdelay $0x3  }
0x37: {  	[smem:$0x3FA3] =	sst s10  }
0x38: {  	s10 =	sld [smem:$0x3FA4]  }
0x39: {  	_ = 	snop;
	(pc) =	sbr.ind lr, $3  }
0x3a: {  	_ = 	snop  }
0x3b: {  	_ = 	snop  }
0x3c: {  	p2 =	seq.s32 s10, $0x1;
	s10 =	sld [smem:$0x3FA3]  }
0x3d: {  	_ =	shalt  }
0x3e: {  	_ =	shalt  }
0x3f: {  	_ =	shalt  }
0x40: {  	_ =	shalt  }
0x41: {  	_ =	shalt  }
0x42: {  	_ =	shalt  }
0x43: {  	_ =	shalt  }
0x44: {  	_ =	shalt  }
0x45: {  	_ =	shalt  }
0x46: {  	_ =	shalt  }
0x47: {  	_ =	shalt  }
0x48: {  	_ =	shalt  }
0x49: {  	_ =	shalt  }
0x4a: {  	_ =	shalt  }
0x4b: {  	_ =	shalt  }
0x4c: {  	_ =	shalt  }
0x4d: {  	_ =	shalt  }
0x4e: {  	_ =	shalt  }
0x4f: {  	_ =	shalt  }
0x50: {  	_ =	shalt  }
0x51: {  	_ =	shalt  }
0x52: {  	_ =	shalt  }
0x53: {  	_ =	shalt  }
0x54: {  	_ =	shalt  }
0x55: {  	_ =	shalt  }
0x56: {  	_ =	shalt  }
0x57: {  	_ =	shalt  }
0x58: {  	_ =	shalt  }
0x59: {  	_ =	shalt  }
0x5a: {  	_ =	shalt  }
0x5b: {  	_ =	shalt  }
0x5c: {  	_ =	shalt  }
0x5d: {  	_ =	shalt  }
0x5e: {  	_ =	shalt  }
0x5f: {  	_ =	shalt  }
0x60: {  	_ =	shalt  }
0x61: {  	_ =	shalt  }
0x62: {  	_ =	shalt  }
0x63: {  	_ =	shalt  }
0x64: {  	_ =	shalt  }
0x65: {  	_ =	shalt  }
0x66: {  	_ =	shalt  }
0x67: {  	_ =	shalt  }
0x68: {  	_ =	shalt  }
0x69: {  	_ =	shalt  }
0x6a: {  	_ =	shalt  }
0x6b: {  	_ =	shalt  }
0x6c: {  	_ =	shalt  }
0x6d: {  	_ =	shalt  }
0x6e: {  	_ =	shalt  }
0x6f: {  	_ =	shalt  }
0x70: {  	_ =	shalt  }
0x71: {  	_ =	shalt  }
0x72: {  	_ =	shalt  }
0x73: {  	_ =	shalt  }
0x74: {  	_ =	shalt  }
0x75: {  	_ =	shalt  }
0x76: {  	_ =	shalt  }
0x77: {  	_ =	shalt  }
0x78: {  	_ =	shalt  }
0x79: {  	_ =	shalt  }
0x7a: {  	_ =	shalt  }
0x7b: {  	_ =	shalt  }
0x7c: {  	_ =	shalt  }
0x7d: {  	_ =	shalt  }
0x7e: {  	_ =	shalt  }
0x7f: {  	_ =	shalt  }
0x80: {  	_ =	shalt  }
0x81: {  	_ =	shalt  }
0x82: {  	_ =	shalt  }
0x83: {  	_ =	shalt  }
0x84: {  	_ =	shalt  }
0x85: {  	_ =	shalt  }
0x86: {  	_ =	shalt  }
0x87: {  	_ =	shalt  }
.Lfunc_end0:
.L_simem_size_0:
called_computation.6_lowered:
.L_overlay_start_0:
0x88: {  	s2 =	sld [smem:$0x3FD9]  }
0x89: {  	s3 =	sld [smem:$0x3FFE];
	_ =	sdelay $0x1  }
0x8a: {  	s1 =	srdreg.scid  }
0x8b: {  	s0 =	sand.u32 $0x1, s1  }
0x8c: {  	s16 =	sshll.u32 s0, $0xA;
	s2 =	sadd.s32 s3, s2  }
0x8d: {  	s2 =	sadd.s32 s2, s16  }
0x8e: {  	[smem:$0x3FAF] =	sst s2  }
0x8f: {  	_ = 	snop  }
0x90: {  	(tm) =	ssettm $0x1  }
0x91: {  	s17 =	sld [smem:$0x3FFB];
	_ =	sdelay $0x3  }
0x92: {  	_ =	strace s17  }
0x93: {  	s2 =	sld [smem:$0x3FFC];
	_ =	sdelay $0x3  }
0x94: {  	_ =	strace s2  }
0x95: {  	s2 =	sld [smem:$0x3FFD];
	_ =	sdelay $0x3  }
0x96: {  	_ =	strace s2  }
0x97: {  	_ =	strace $0x8FFFFFFF  }
0x98: {  	s18 =	sld [smem:$0x3FDB];
	_ =	sdelay $0x1  }
0x99: {  	s19 =	simm.s32 $_scs_section_size  }
0x9a: {  	s4 =	simm.s32 $_size__tile_overlayer_lowered;
	s5 =	simm.s32 $_tile_overlayer_lowered  }
0x9b: {  	s22 =	simm.s32 $0x1BFF;
	s21 =	sshll.u32 s5, $0x1;
	s2 =	sadd.s32 s19, s18  }
0x9c: {  	s6 =	simm.s32 $0x0;
	s20 =	sshll.u32 s4, $0x1;
	s4 =	sadd.s32 s21, s2  }
0x9d: {  	[timem:s6], [sflag:s22] =	dma.local [hbm:s4], s20  }
0x9e: {  	_ =	swait.ge [sflag:s22], s20  }
0x9f: {  	s3 =	ssub.s32 $0x0, s20;
	[sflag:s22] =	ssyncset.done $0x0  }
0xa0: {  	[sflag:s22] =	ssyncadd.s32 s3;
	_ =	sdelay $0x1  }
0xa1: {  	s23 =	simm.s32 $0x1B8B  }
0xa2: {  	_ =	swait.ge [sflag:s23], $0x1  }
0xa3: {  	[sflag:s23] =	ssyncset.done $0x0  }
0xa4: {  	s25 =	simm.s32 $0x1B8E;
	s24 =	sld [smem:$0x3FFE];
	[sflag:s23] =	ssyncadd.s32 $0xFFFFFFFF  }
0xa5: {  	s26 =	simm.s32 $execute0_lowered;
	[smem:$0x3FD2] =	sst s25  }
0xa6: {  	s4 =	sshll.u32 s26, $0x1;
	_ =	strace $0x80000058;
	[dreg:$0x1] =	wrdreg $0xFFFFFFFF  }
0xa7: {  	s28 =	simm.s32 $_size_execute0_lowered;
	s2 =	sadd.s32 s2, s4;
	[dreg:$0x0] =	wrdreg $0x0  }
0xa8: {  	s4 =	sshll.u32 s28, $0x1;
	[dreg:$0x2] =	wrdreg s2  }
0xa9: {  	[dreg:$0x3] =	wrdreg s4  }
0xaa: {  	[dreg:$0x4] =	wrdreg $0xC0  }
0xab: {  	_ =	task [dreg:s6], $0x5FFFF  }
0xac: {  	[dreg:$0x1] =	wrdreg $0xFFFFFFFF  }
0xad: {  	[dreg:$0x0] =	wrdreg $0x60  }
0xae: {  	[dreg:$0x2] =	wrdreg s24  }
0xaf: {  	[dreg:$0x3] =	wrdreg $0x9  }
0xb0: {  	_ =	task.clear_ibuf [dreg:s6], $0x4FFFF;
	_ =	strace $0x90000058  }
0xb1: {  	s29 =	simm.s32 $0x9;
	_ =	strace $0x8000005A  }
0xb2: {  	_ =	swait.ge [sflag:s29], $0x1  }
0xb3: {  	[sflag:s29] =	ssyncadd.s32 $0xFFFFFFFF  }
0xb4: {  	_ =	strace $0x9000005A  }
0xb5: {  	_ =	sfence  }
0xb6: {  	s30 =	sld [smem:$0x0];
	_ =	sdelay $0x2  }
0xb7: {  	s31 =	sshll.u32 s1, $0xD;
	s1 =	sshrl.u32 s1, $0x2  }
0xb8: {  	s3 =	sand.u32 $0x4000, s31;
	s1 =	sadd.s32 s1, s30  }
0xb9: {  	s0 =	sor.u32 s3, s0;
	s1 =	sshll.u32 s1, $0x11  }
0xba: {  	s0 =	sor.u32 s1, s0  }
0xbb: {  	s0 =	sadd.s32 $0x8F2B, s0  }
0xbc: {  	[sflag:s0] =	ssyncadd.remote.s32 $0x1  }
0xbd: {  	_ =	sfence.sel $0xFFFF  }
0xbe: {  	[dreg:$0x0] =	wrdreg $0xFFFFFFFF;
	(pc) =	sbr.abs _section_cstart, $3  }
0xbf: {  	[dreg:$0x1] =	wrdreg $0xFFFFFFFF  }
0xc0: {  	_ =	task.clear_ibuf [dreg:s6], $0x2FFFF;
	_ =	strace $0x9FFFFFFF  }
0xc1: {  	(tm) =	ssettm $0x7FFFFFFF  }
tec
execute0_lowered:
.L_overlay_start_1:
0x0: {  	(tag) =	ssettag $0x1  }
0x1: {  	s4 =	rddreg [dreg:$0x0]  }
0x2: {  	s0 =	rddreg [dreg:$0x1]  }
0x3: {  	s2 =	simm.s32 $0x0;
	s3 =	srdreg.scid;
	s1 =	stileid.u32  }
0x4: {  	s15 =	simm.s32 $0x4100;
	s16 =	simm.s32 $0x1;
	s17 =	simm.s32 $0x2  }
0x5: {  	s18 =	simm.s32 $0x3;
	s19 =	simm.s32 $0x4;
	s20 =	simm.s32 $0x0  }
0x6: {  	[smem:$0x7FF] =	sst s2;
	s9 =	sand.u32 $0x1, s3;
	s13 =	smul.u32 $0x1400, s1  }
0x7: {  	s21 =	sshll.u32 s1, $0x1;
	s3 =	sadd.s32 $0x36E00, s4;
	s28 =	smul.u32 $0x14000, s1  }
0x8: {  	s11 =	sadd.s32 $0x16E00, s4;
	s10 =	sadd.s32 $0x56E00, s4;
	s14 =	smul.u32 $0xA00, s9  }
0x9: {  	s5 =	ssub.s32 $0x2, s9;
	s6 =	sor.u32 s9, s21;
	s9 =	smul.u32 $0xA000, s9  }
0xa: {  	_ =	strace $0x80000059;
	s7 =	sshrl.u32 s5, $0x1;
	s8 =	smul.u32 $0xA00, s6  }
0xb: {  	s23 =	smul.u32 $0xA000, s6;
	s22 =	ssub.s32 s5, s7;
	s13 =	sadd.s32 s14, s13  }
0xc: {  	s14 =	simm.s32 $0x100;
	s4 =	smax.u32 s22, $0x1;
	s12 =	sor.u32 $0x80, s8  }
0xd: {  	s24 =	sshrl.u32 s8, $0x3;
	s7 =	sadd.s32 s10, s23;
	s29 =	sor.u32 $0x180, s13  }
0xe: {  	s13 =	sor.u32 $0x100, s13;
	s25 =	sshrl.u32 s12, $0x3;
	s5 =	sadd.s32 s11, s24  }
0xf: {  	s26 =	sshll.u32 s12, $0x4;
	s30 =	sshrl.u32 s29, $0x3;
	s31 =	sshrl.u32 s13, $0x3  }
0x10: {  	s12 =	simm.s32 $0x5;
	s8 =	sadd.s32 s10, s26;
	s10 =	sadd.s32 s28, s10  }
0x11: {  	s13 =	simm.s32 $0x80;
	s6 =	sadd.s32 s11, s25;
	s9 =	sadd.s32 s9, s10  }
0x12: {  	s10 =	sadd.s32 s30, s11;
	s11 =	sadd.s32 s31, s11;
	s9 =	sadd.s32 $0x1800, s9  }
.LBB2_1:
0x13: {  	[tilespmem:s2], [sflag:$0x5] =	stream.linear.gather [hbm4b:s5+s2], $0x80, $0x38;
	[tilespmem:$0x8100] =	vst v63  }
0x14: {  	_ =	swait.ge [sflag:s12], $0x80  }
0x15: {  	[sflag:s12] =	ssyncset.done $0x0  }
0x16: {  	[sflag:s12] =	ssyncadd.s32 $0xFFFFFF80  }
0x17: {  	[tilespmem:s14], [sflag:$0x1] =	stream.indirect.gather [hbm4b:s3+s13], $0x80, s2, s13, $0xb8;
	[tilespmem:$0x8100] =	vst v63  }
0x18: {  	_ = 	snop  }
0x19: {  	[tilespmem:s13], [sflag:$0x5] =	stream.linear.gather [hbm4b:s6+s2], $0x80, $0x38;
	[tilespmem:$0x8100] =	vst v63  }
0x1a: {  	_ =	swait.ge [sflag:s12], $0x80  }
0x1b: {  	[sflag:s12] =	ssyncset.done $0x0  }
0x1c: {  	[sflag:s12] =	ssyncadd.s32 $0xFFFFFF80  }
0x1d: {  	[tilespmem:s15], [sflag:$0x2] =	stream.indirect.gather [hbm4b:s3+s13], $0x80, s13, s13, $0xb8;
	[tilespmem:$0x8100] =	vst v63  }
0x1e: {  	_ =	swait.ge [sflag:s16], $0x4000  }
0x1f: {  	[sflag:s16] =	ssyncset.done $0x0  }
0x20: {  	[sflag:s16] =	ssyncadd.s32 $0xFFFFC000  }
0x21: {  	[hbm4b:s7+s2] =	stream.linear.scatter [tilespmem:s14], [sflag:$0x3], $0x4000, $0x38;
	[tilespmem:$0x8100] =	vst v63  }
0x22: {  	_ =	swait.ge [sflag:s17], $0x4000  }
0x23: {  	[sflag:s17] =	ssyncset.done $0x0  }
0x24: {  	[sflag:s17] =	ssyncadd.s32 $0xFFFFC000  }
0x25: {  	[hbm4b:s8+s2] =	stream.linear.scatter [tilespmem:s15], [sflag:$0x4], $0x4000, $0x38;
	[tilespmem:$0x8100] =	vst v63  }
0x26: {  	_ =	swait.ge [sflag:s18], $0x4000  }
0x27: {  	[sflag:s18] =	ssyncset.done $0x0  }
0x28: {  	s21 =	sadd.s32 $0x0, s11;
	[sflag:s18] =	ssyncadd.s32 $0xFFFFC000  }
0x29: {  	[tilespmem:s2], [sflag:$0x5] =	stream.linear.gather [hbm4b:s21+s2], $0x80, $0x38;
	[tilespmem:$0x8100] =	vst v63  }
0x2a: {  	_ =	swait.ge [sflag:s12], $0x80  }
0x2b: {  	[sflag:s12] =	ssyncset.done $0x0  }
0x2c: {  	[sflag:s12] =	ssyncadd.s32 $0xFFFFFF80  }
0x2d: {  	[tilespmem:s14], [sflag:$0x1] =	stream.indirect.gather [hbm4b:s3+s13], $0x80, s2, s13, $0xb8;
	[tilespmem:$0x8100] =	vst v63  }
0x2e: {  	_ =	swait.ge [sflag:s19], $0x4000  }
0x2f: {  	[sflag:s19] =	ssyncset.done $0x0  }
0x30: {  	s30 =	sadd.s32 $0x0, s10;
	[sflag:s19] =	ssyncadd.s32 $0xFFFFC000  }
0x31: {  	[tilespmem:s13], [sflag:$0x5] =	stream.linear.gather [hbm4b:s30+s2], $0x80, $0x38;
	[tilespmem:$0x8100] =	vst v63  }
0x32: {  	_ =	swait.ge [sflag:s12], $0x80  }
0x33: {  	[sflag:s12] =	ssyncset.done $0x0  }
0x34: {  	[sflag:s12] =	ssyncadd.s32 $0xFFFFFF80  }
0x35: {  	[tilespmem:s15], [sflag:$0x2] =	stream.indirect.gather [hbm4b:s3+s13], $0x80, s13, s13, $0xb8;
	[tilespmem:$0x8100] =	vst v63  }
0x36: {  	_ =	swait.ge [sflag:s16], $0x4000  }
0x37: {  	[sflag:s16] =	ssyncset.done $0x0  }
0x38: {  	s31 =	sadd.s32 $0xFFFFF800, s9;
	[sflag:s16] =	ssyncadd.s32 $0xFFFFC000  }
0x39: {  	[hbm4b:s31+s2] =	stream.linear.scatter [tilespmem:s14], [sflag:$0x3], $0x4000, $0x38;
	[tilespmem:$0x8100] =	vst v63  }
0x3a: {  	_ =	swait.ge [sflag:s17], $0x4000  }
0x3b: {  	s22 =	sadd.s32 $0x1000, s9;
	[sflag:s17] =	ssyncset.done $0x0  }
0x3c: {  	s23 =	smov.u32 s9;
	s21 =	simm.s32 $0x20;
	[sflag:s17] =	ssyncadd.s32 $0xFFFFC000  }
.LBB2_2:
0x3d: {  	[hbm4b:s23+s2] =	stream.linear.scatter [tilespmem:s15], [sflag:$0x4], $0x4000, $0x38;
	[tilespmem:$0x8100] =	vst v63  }
0x3e: {  	s24 =	smov.u32 s21;
	s23 =	smov.u32 s22  }
0x3f: {  	p0 =	sne.s32 s21, $0x100;
	s21 =	sadd.s32 $0x20, s21;
	_ =	swait.ge [sflag:s18], $0x4000  }
0x40: {  	[sflag:s18] =	ssyncset.done $0x0  }
0x41: {  	s25 =	sadd.s32 s24, s11;
	[sflag:s18] =	ssyncadd.s32 $0xFFFFC000  }
0x42: {  	[tilespmem:s2], [sflag:$0x5] =	stream.linear.gather [hbm4b:s25+s2], $0x80, $0x38;
	[tilespmem:$0x8100] =	vst v63  }
0x43: {  	_ =	swait.ge [sflag:s12], $0x80  }
0x44: {  	[sflag:s12] =	ssyncset.done $0x0  }
0x45: {  	[sflag:s12] =	ssyncadd.s32 $0xFFFFFF80  }
0x46: {  	[tilespmem:s14], [sflag:$0x1] =	stream.indirect.gather [hbm4b:s3+s13], $0x80, s2, s13, $0xb8;
	[tilespmem:$0x8100] =	vst v63  }
0x47: {  	_ =	swait.ge [sflag:s19], $0x4000  }
0x48: {  	[sflag:s19] =	ssyncset.done $0x0  }
0x49: {  	s24 =	sadd.s32 s24, s10;
	[sflag:s19] =	ssyncadd.s32 $0xFFFFC000  }
0x4a: {  	[tilespmem:s13], [sflag:$0x5] =	stream.linear.gather [hbm4b:s24+s2], $0x80, $0x38;
	[tilespmem:$0x8100] =	vst v63  }
0x4b: {  	_ =	swait.ge [sflag:s12], $0x80  }
0x4c: {  	[sflag:s12] =	ssyncset.done $0x0  }
0x4d: {  	[sflag:s12] =	ssyncadd.s32 $0xFFFFFF80  }
0x4e: {  	[tilespmem:s15], [sflag:$0x2] =	stream.indirect.gather [hbm4b:s3+s13], $0x80, s13, s13, $0xb8;
	[tilespmem:$0x8100] =	vst v63  }
0x4f: {  	_ =	swait.ge [sflag:s16], $0x4000  }
0x50: {  	[sflag:s16] =	ssyncset.done $0x0  }
.Ltmp0:
0x51: {  	s24 =	sadd.s32 $0xFFFFF800, s22;
	[sflag:s16] =	ssyncadd.s32 $0xFFFFC000;
	(pc) =	sbr.rel @p0 .LBB2_2-.Ltmp0, $4  }
0x52: {  	[hbm4b:s24+s2] =	stream.linear.scatter [tilespmem:s14], [sflag:$0x3], $0x4000, $0x38;
	[tilespmem:$0x8100] =	vst v63  }
0x53: {  	_ =	swait.ge [sflag:s17], $0x4000  }
0x54: {  	[sflag:s17] =	ssyncset.done $0x0  }
0x55: {  	s22 =	sadd.s32 $0x1000, s22;
	[sflag:s17] =	ssyncadd.s32 $0xFFFFC000  }
0x56: {  	[hbm4b:s23+s2] =	stream.linear.scatter [tilespmem:s15], [sflag:$0x4], $0x4000, $0x38;
	[tilespmem:$0x8100] =	vst v63  }
0x57: {  	s20 =	sadd.s32 $0x1, s20  }
0x58: {  	_ =	swait.ge [sflag:s18], $0x4000;
	p0 =	sne.s32 s20, s4  }
.Ltmp1:
0x59: {  	[sflag:s18] =	ssyncset.done $0x0;
	(pc) =	sbr.rel @p0 .LBB2_1-.Ltmp1, $4  }
0x5a: {  	[sflag:s18] =	ssyncadd.s32 $0xFFFFC000  }
0x5b: {  	_ =	swait.ge [sflag:s19], $0x4000  }
0x5c: {  	[sflag:s19] =	ssyncset.done $0x0  }
0x5d: {  	[sflag:s19] =	ssyncadd.s32 $0xFFFFC000  }
0x5e: {  	_ =	sfence.sel $0x180000  }
0x5f: {  	[bflag:$0x0] =	sbarrier.arrive $0xFFFF  }
0x60: {  	p0 =	sne.s32 s1, $0x0;
	_ =	strace $0x90000059  }
0x61: {  	s0 =	sadd.s32 @!p0 $0x100000, s0;
	[bflag:$0x2] =	sbarrier.arrive $0xFFFF  }
0x62: {  	[sflag:s0] =	ssyncadd.tile.s32 @!p0 $0x1;
	_ =	shalt  }
.Lfunc_end2:
_tile_overlayer_lowered:
.L_overlay_start_2:
0x63: {  	(tag) =	ssettag $0x2  }
0x64: {  	s0 =	rddreg [dreg:$0x0];
	s2 =	stileid.u32  }
0x65: {  	s1 =	rddreg [dreg:$0x1];
	p0 =	sne.s32 s2, $0x0  }
0x66: {  	s3 =	rddreg [dreg:$0x2];
	[bflag:$0x3] =	sbarrier.arrive $0xFFFF;
	s2 =	simm.s32 @!p0 $0x1C05  }
0x67: {  	[timem:s3], [sflag:s2] =	dma.local @!p0 [hbm:s0], s1  }
0x68: {  	s0 =	simm.s32 @!p0 $0x5  }
0x69: {  	_ =	swait.ge @!p0 [sflag:s0], s1  }
0x6a: {  	s1 =	ssub.s32 @!p0 $0x0, s1;
	[sflag:s0] =	ssyncset.done @!p0 $0x0  }
0x6b: {  	[sflag:s0] =	ssyncadd.s32 @!p0 s1  }
0x6c: {  	[bflag:$0x3] =	sbarrier.arrive $0xFFFF  }
0x6d: {  	_ =	shalt  }

// kernel: kernel.48.cloned.1.call-start
scs
__scs_entry_jumppad:
0x0: {  	(pc) =	sbr.rel $0x88, $3  }
0x1: {  	(tag) =	ssettag $0x0;
	lr =	simm.s32 $0x1  }
0x2: {  	[smem:$0x3F88] =	sst lr;
	_ =	strace $0xD0000000  }
0x3: {  	_ = 	snop  }
0x4: {  	_ = 	snop  }
0x5: {  	_ = 	snop  }
0x6: {  	_ = 	snop  }
0x7: {  	_ = 	snop  }
__scs_overlays_trampoline_lowered:
0x8: {  	[smem:$0x3F97] =	sst s0  }
0x9: {  	[smem:$0x3F98] =	sst s1  }
0xa: {  	[smem:$0x3F99] =	sst s2  }
0xb: {  	[smem:$0x3F9A] =	sst s3  }
0xc: {  	[smem:$0x3F9B] =	sst s4  }
0xd: {  	[smem:$0x3F9C] =	sst s5  }
0xe: {  	[smem:$0x3F9D] =	sst s6  }
0xf: {  	[smem:$0x3F9E] =	sst s7  }
0x10: {  	[smem:$0x3F9F] =	sst s8  }
0x11: {  	[smem:$0x3FA0] =	sst s9;
	s0 =	simm.s32 @!p0 $0x0  }
0x12: {  	s1 =	sld [smem:$0x3F86];
	s0 =	simm.s32 @p0 $0x1  }
0x13: {  	[smem:$0x3FA1] =	sst s0;
	s0 =	simm.s32 @!p1 $0x0  }
0x14: {  	s2 =	sld [smem:$0x3F85];
	s0 =	simm.s32 @p1 $0x1  }
0x15: {  	[smem:$0x3FA2] =	sst s0;
	s0 =	simm.s32 @!p2 $0x0  }
0x16: {  	s3 =	sld [smem:$0x3FDB];
	s0 =	simm.s32 @p2 $0x1  }
0x17: {  	s4 =	simm.s32 $0x1BF5;
	[smem:$0x3FA4] =	sst s0  }
0x18: {  	s0 =	sld [smem:$0x3F87];
	_ =	swait.ge [sflag:s4], $0x0  }
0x19: {  	s7 =	sld [smem:$0x3F88]  }
0x1a: {  	s8 =	sadd.s32 $0xFFFFE003, lr  }
0x1b: {  	s9 =	sadd.s32 $0xFFFFFEF7, lr;
	s5 =	simm.s32 $0xFFFFFFFF;
	p2 =	slt.u32 s8, $0xFFFFF086  }
0x1c: {  	p1 =	slt.u32 s9, $0xF7A;
	s5 =	simm.s32 @!p2 $0x0  }
0x1d: {  	s5 =	simm.s32 @p1 $0x1;
	p0 =	seq.s32 s7, s2  }
0x1e: {  	s7 =	smul.u32 @!p0 $0xF7A, s2;
	p2 =	seq.s32 @!p0 s5, $0x0  }
0x1f: {  	s9 =	smul.u32 $0xF7A, s1;
	s8 =	simm.s32 @!p0 $0x1BF5;
	p2 =	por !p2, p0  }
0x20: {  	[sflag:s8] =	ssyncset.s32 @!p0 $0xFFFFF086;
	s6 =	sadd.s32 @!p0 s3, s7;
	s7 =	simm.s32 @!p0 $0x108  }
0x21: {  	s3 =	sadd.s32 s3, s9;
	s6 =	sadd.s32 @!p0 $0x88, s6;
	s7 =	simm.s32 @p2 $0x1082  }
0x22: {  	[simem:s7], [sflag:s8] =	dma.local @!p0 [hbm:s6], $0xF7A  }
0x23: {  	s9 =	sor.u32 $0xD0000000, s2;
	s6 =	simm.s32 $0x108;
	_ =	swait.ge @!p0 [sflag:s8], $0x0  }
0x24: {  	s3 =	sadd.s32 $0x88, s3;
	s6 =	simm.s32 @!p1 $0x1082;
	[sflag:s4] =	ssyncset.s32 $0xFFFFF086  }
0x25: {  	[simem:s6], [sflag:s4] =	dma.local [hbm:s3], $0xF7A  }
0x26: {  	[smem:$0x3F88] =	sst s1;
	(tag) =	ssettag s2;
	_ =	strace s9  }
0x27: {  	s1 =	sld [smem:$0x3F98]  }
0x28: {  	s2 =	sld [smem:$0x3F99]  }
0x29: {  	s4 =	sld [smem:$0x3F9B]  }
0x2a: {  	p0 =	seq.s32 s5, $0x0;
	s5 =	sld [smem:$0x3F9C]  }
0x2b: {  	s6 =	sld [smem:$0x3F9D]  }
0x2c: {  	s7 =	sld [smem:$0x3F9E]  }
0x2d: {  	s3 =	simm.s32 $0x108;
	s8 =	sld [smem:$0x3F9F]  }
0x2e: {  	s3 =	simm.s32 @!p0 $0x1082;
	s9 =	sld [smem:$0x3FA0]  }
0x2f: {  	lr =	sadd.s32 s0, s3;
	s0 =	sld [smem:$0x3F97]  }
0x30: {  	s3 =	sld [smem:$0x3F9A]  }
0x31: {  	[smem:$0x3FA3] =	sst s10  }
0x32: {  	s10 =	sld [smem:$0x3FA1];
	_ =	sdelay $0x3  }
0x33: {  	p0 =	seq.s32 s10, $0x1;
	s10 =	sld [smem:$0x3FA3];
	_ =	sdelay $0x3  }
0x34: {  	[smem:$0x3FA3] =	sst s10  }
0x35: {  	s10 =	sld [smem:$0x3FA2];
	_ =	sdelay $0x3  }
0x36: {  	p1 =	seq.s32 s10, $0x1;
	s10 =	sld [smem:$0x3FA3];
	_ =	sdelay $0x3  }
0x37: {  	[smem:$0x3FA3] =	sst s10  }
0x38: {  	s10 =	sld [smem:$0x3FA4]  }
0x39: {  	_ = 	snop;
	(pc) =	sbr.ind lr, $3  }
0x3a: {  	_ = 	snop  }
0x3b: {  	_ = 	snop  }
0x3c: {  	p2 =	seq.s32 s10, $0x1;
	s10 =	sld [smem:$0x3FA3]  }
0x3d: {  	_ =	shalt  }
0x3e: {  	_ =	shalt  }
0x3f: {  	_ =	shalt  }
0x40: {  	_ =	shalt  }
0x41: {  	_ =	shalt  }
0x42: {  	_ =	shalt  }
0x43: {  	_ =	shalt  }
0x44: {  	_ =	shalt  }
0x45: {  	_ =	shalt  }
0x46: {  	_ =	shalt  }
0x47: {  	_ =	shalt  }
0x48: {  	_ =	shalt  }
0x49: {  	_ =	shalt  }
0x4a: {  	_ =	shalt  }
0x4b: {  	_ =	shalt  }
0x4c: {  	_ =	shalt  }
0x4d: {  	_ =	shalt  }
0x4e: {  	_ =	shalt  }
0x4f: {  	_ =	shalt  }
0x50: {  	_ =	shalt  }
0x51: {  	_ =	shalt  }
0x52: {  	_ =	shalt  }
0x53: {  	_ =	shalt  }
0x54: {  	_ =	shalt  }
0x55: {  	_ =	shalt  }
0x56: {  	_ =	shalt  }
0x57: {  	_ =	shalt  }
0x58: {  	_ =	shalt  }
0x59: {  	_ =	shalt  }
0x5a: {  	_ =	shalt  }
0x5b: {  	_ =	shalt  }
0x5c: {  	_ =	shalt  }
0x5d: {  	_ =	shalt  }
0x5e: {  	_ =	shalt  }
0x5f: {  	_ =	shalt  }
0x60: {  	_ =	shalt  }
0x61: {  	_ =	shalt  }
0x62: {  	_ =	shalt  }
0x63: {  	_ =	shalt  }
0x64: {  	_ =	shalt  }
0x65: {  	_ =	shalt  }
0x66: {  	_ =	shalt  }
0x67: {  	_ =	shalt  }
0x68: {  	_ =	shalt  }
0x69: {  	_ =	shalt  }
0x6a: {  	_ =	shalt  }
0x6b: {  	_ =	shalt  }
0x6c: {  	_ =	shalt  }
0x6d: {  	_ =	shalt  }
0x6e: {  	_ =	shalt  }
0x6f: {  	_ =	shalt  }
0x70: {  	_ =	shalt  }
0x71: {  	_ =	shalt  }
0x72: {  	_ =	shalt  }
0x73: {  	_ =	shalt  }
0x74: {  	_ =	shalt  }
0x75: {  	_ =	shalt  }
0x76: {  	_ =	shalt  }
0x77: {  	_ =	shalt  }
0x78: {  	_ =	shalt  }
0x79: {  	_ =	shalt  }
0x7a: {  	_ =	shalt  }
0x7b: {  	_ =	shalt  }
0x7c: {  	_ =	shalt  }
0x7d: {  	_ =	shalt  }
0x7e: {  	_ =	shalt  }
0x7f: {  	_ =	shalt  }
0x80: {  	_ =	shalt  }
0x81: {  	_ =	shalt  }
0x82: {  	_ =	shalt  }
0x83: {  	_ =	shalt  }
0x84: {  	_ =	shalt  }
0x85: {  	_ =	shalt  }
0x86: {  	_ =	shalt  }
0x87: {  	_ =	shalt  }
.Lfunc_end0:
.L_simem_size_0:
called_computation.7_lowered:
.L_overlay_start_0:
0x88: {  	s2 =	sld [smem:$0x3FD9]  }
0x89: {  	s3 =	sld [smem:$0x3FFE];
	_ =	sdelay $0x1  }
0x8a: {  	s1 =	srdreg.scid  }
0x8b: {  	s0 =	sand.u32 $0x1, s1  }
0x8c: {  	s17 =	sshll.u32 s0, $0xA;
	s2 =	sadd.s32 s3, s2  }
0x8d: {  	s2 =	sadd.s32 s2, s17  }
0x8e: {  	[smem:$0x3FAF] =	sst s2  }
0x8f: {  	_ = 	snop  }
0x90: {  	s18 =	sld [smem:$0x3FD0];
	(tm) =	ssettm $0x1  }
0x91: {  	s19 =	sld [smem:$0x3FFB];
	_ =	sdelay $0x3  }
0x92: {  	_ =	strace s19  }
0x93: {  	s2 =	sld [smem:$0x3FFC];
	_ =	sdelay $0x3  }
0x94: {  	_ =	strace s2  }
0x95: {  	s2 =	sld [smem:$0x3FFD];
	_ =	sdelay $0x3  }
0x96: {  	_ =	strace s2  }
0x97: {  	_ =	strace $0x8FFFFFFF  }
0x98: {  	s20 =	sld [smem:$0x3FDB];
	_ =	sdelay $0x1  }
0x99: {  	s4 =	simm.s32 $_scs_section_size  }
0x9a: {  	s5 =	simm.s32 $_size__tile_overlayer_lowered;
	s6 =	simm.s32 $_tile_overlayer_lowered  }
0x9b: {  	s7 =	simm.s32 $0x1BFF;
	s21 =	sshll.u32 s6, $0x1;
	s4 =	sadd.s32 s4, s20  }
0x9c: {  	s22 =	simm.s32 $0x0;
	s5 =	sshll.u32 s5, $0x1;
	s6 =	sadd.s32 s21, s4  }
0x9d: {  	[timem:s22], [sflag:s7] =	dma.local [hbm:s6], s5  }
0x9e: {  	_ =	swait.ge [sflag:s7], s5  }
0x9f: {  	s5 =	ssub.s32 $0x0, s5;
	[sflag:s7] =	ssyncset.done $0x0  }
0xa0: {  	[sflag:s7] =	ssyncadd.s32 s5;
	_ =	sdelay $0x1  }
0xa1: {  	s23 =	simm.s32 $0x1B8B  }
0xa2: {  	_ =	swait.ge [sflag:s23], $0x1  }
0xa3: {  	[sflag:s23] =	ssyncset.done $0x0  }
0xa4: {  	[sflag:s23] =	ssyncadd.s32 $0xFFFFFFFF  }
0xa5: {  	s5 =	sld [smem:$0x0]  }
0xa6: {  	s6 =	sand.u32 $0xFFFFFFFE, s1  }
0xa7: {  	p0 =	sne.s32 s1, s6  }
0xa8: {  	s6 =	sshll.u32 @p0 s6, $0xE  }
0xa9: {  	s6 =	sadd.s32 @p0 $0x11B8D, s6;
	s7 =	sshll.u32 @p0 s5, $0x11  }
0xaa: {  	s6 =	sor.u32 @p0 s7, s6  }
0xab: {  	[sflag:s6] =	ssyncadd.remote.s32 @p0 $0x1;
	_ =	sdelay $0x1  }
0xac: {  	s6 =	simm.s32 @p0 $0x1B8D  }
0xad: {  	_ =	swait.eq @p0 [sflag:s6], $0x1  }
0xae: {  	[sflag:s6] =	ssyncadd.s32 @p0 $0xFFFFFFFF  }
0xaf: {  	s7 =	sshll.u32 @!p0 s1, $0xE  }
0xb0: {  	s7 =	sor.u32 @!p0 $0x4000, s7;
	s6 =	simm.s32 @!p0 $0x1B8D  }
0xb1: {  	s5 =	sshll.u32 @!p0 s5, $0x11;
	s7 =	sadd.s32 @!p0 $0x11B8D, s7;
	_ =	swait.eq @!p0 [sflag:s6], $0x1  }
0xb2: {  	s5 =	sor.u32 @!p0 s5, s7;
	[sflag:s6] =	ssyncadd.s32 @!p0 $0xFFFFFFFF  }
0xb3: {  	s25 =	simm.s32 $0x1B8E;
	s24 =	sld [smem:$0x3FFE];
	[sflag:s5] =	ssyncadd.remote.s32 @!p0 $0x1  }
0xb4: {  	s26 =	simm.s32 $execute0_lowered;
	[smem:$0x3FD2] =	sst s25  }
0xb5: {  	s6 =	sshll.u32 s26, $0x1;
	_ =	strace $0x8000005B;
	[dreg:$0x1] =	wrdreg $0xFFFFFFFF  }
0xb6: {  	s28 =	simm.s32 $_size_execute0_lowered;
	s4 =	sadd.s32 s4, s6;
	[dreg:$0x0] =	wrdreg $0x0  }
0xb7: {  	s6 =	sshll.u32 s28, $0x1;
	[dreg:$0x2] =	wrdreg s4  }
0xb8: {  	[dreg:$0x3] =	wrdreg s6  }
0xb9: {  	[dreg:$0x4] =	wrdreg $0xC0  }
0xba: {  	_ =	task [dreg:s22], $0x5FFFF  }
0xbb: {  	[dreg:$0x1] =	wrdreg $0xFFFFFFFF  }
0xbc: {  	[dreg:$0x0] =	wrdreg $0x60  }
0xbd: {  	[dreg:$0x2] =	wrdreg s24  }
0xbe: {  	[dreg:$0x3] =	wrdreg s18  }
0xbf: {  	[dreg:$0x4] =	wrdreg $0xA  }
0xc0: {  	_ =	task.clear_ibuf [dreg:s22], $0x5FFFF;
	_ =	strace $0x9000005B  }
0xc1: {  	s29 =	simm.s32 $0xA;
	_ =	strace $0x8000005D  }
0xc2: {  	_ =	swait.ge [sflag:s29], $0x1  }
0xc3: {  	[sflag:s29] =	ssyncadd.s32 $0xFFFFFFFF  }
0xc4: {  	_ =	strace $0x9000005D  }
0xc5: {  	_ =	sfence  }
0xc6: {  	s30 =	sld [smem:$0x0];
	_ =	sdelay $0x2  }
0xc7: {  	s31 =	sshll.u32 s1, $0xD;
	s1 =	sshrl.u32 s1, $0x2  }
0xc8: {  	s4 =	sand.u32 $0x4000, s31;
	s1 =	sadd.s32 s1, s30  }
0xc9: {  	s0 =	sor.u32 s4, s0;
	s1 =	sshll.u32 s1, $0x11  }
0xca: {  	s0 =	sor.u32 s1, s0  }
0xcb: {  	s0 =	sadd.s32 $0x8F2B, s0  }
0xcc: {  	[sflag:s0] =	ssyncadd.remote.s32 $0x1  }
0xcd: {  	_ =	sfence.sel $0xFFFF  }
0xce: {  	[dreg:$0x0] =	wrdreg $0xFFFFFFFF;
	(pc) =	sbr.abs _section_cstart, $3  }
0xcf: {  	[dreg:$0x1] =	wrdreg $0xFFFFFFFF  }
0xd0: {  	_ =	task.clear_ibuf [dreg:s22], $0x2FFFF;
	_ =	strace $0x9FFFFFFF  }
0xd1: {  	(tm) =	ssettm $0x7FFFFFFF  }
tec
execute0_lowered:
.L_overlay_start_1:
0x0: {  	(tag) =	ssettag $0x1  }
0x1: {  	s4 =	rddreg [dreg:$0x0]  }
0x2: {  	s11 =	rddreg [dreg:$0x1]  }
0x3: {  	s0 =	rddreg [dreg:$0x2]  }
0x4: {  	s3 =	srdreg.scid;
	s1 =	stileid.u32  }
0x5: {  	s2 =	simm.s32 $0x0;
	s15 =	simm.s32 $0x4100;
	s16 =	simm.s32 $0x1  }
0x6: {  	s17 =	simm.s32 $0x2;
	s18 =	simm.s32 $0x3;
	s19 =	simm.s32 $0x4  }
0x7: {  	s20 =	simm.s32 $0x0;
	s9 =	sand.u32 $0x1, s3;
	s13 =	smul.u32 $0x1400, s1  }
0x8: {  	s21 =	sshll.u32 s1, $0x1;
	[smem:$0x7FF] =	sst s2;
	s28 =	smul.u32 $0x14000, s1  }
0x9: {  	s3 =	sadd.s32 $0x36E00, s4;
	s10 =	sadd.s32 $0x196E00, s4;
	s14 =	smul.u32 $0xA00, s9  }
0xa: {  	s5 =	ssub.s32 $0x2, s9;
	s6 =	sor.u32 s9, s21;
	s9 =	smul.u32 $0xA000, s9  }
0xb: {  	_ =	strace $0x8000005C;
	s7 =	sshrl.u32 s5, $0x1;
	s8 =	smul.u32 $0xA00, s6  }
0xc: {  	s23 =	smul.u32 $0xA000, s6;
	s22 =	ssub.s32 s5, s7;
	s13 =	sadd.s32 s14, s13  }
0xd: {  	s14 =	simm.s32 $0x100;
	s4 =	smax.u32 s22, $0x1;
	s12 =	sor.u32 $0x80, s8  }
0xe: {  	s24 =	sshrl.u32 s8, $0x3;
	s7 =	sadd.s32 s10, s23;
	s29 =	sor.u32 $0x180, s13  }
0xf: {  	s13 =	sor.u32 $0x100, s13;
	s25 =	sshrl.u32 s12, $0x3;
	s5 =	sadd.s32 s11, s24  }
0x10: {  	s26 =	sshll.u32 s12, $0x4;
	s30 =	sshrl.u32 s29, $0x3;
	s31 =	sshrl.u32 s13, $0x3  }
0x11: {  	s12 =	simm.s32 $0x5;
	s8 =	sadd.s32 s10, s26;
	s10 =	sadd.s32 s28, s10  }
0x12: {  	s13 =	simm.s32 $0x80;
	s6 =	sadd.s32 s11, s25;
	s9 =	sadd.s32 s9, s10  }
0x13: {  	s10 =	sadd.s32 s30, s11;
	s11 =	sadd.s32 s31, s11;
	s9 =	sadd.s32 $0x1800, s9  }
.LBB2_1:
0x14: {  	[tilespmem:s2], [sflag:$0x5] =	stream.linear.gather [hbm4b:s5+s2], $0x80, $0x38;
	[tilespmem:$0x8100] =	vst v63  }
0x15: {  	_ =	swait.ge [sflag:s12], $0x80  }
0x16: {  	[sflag:s12] =	ssyncset.done $0x0  }
0x17: {  	[sflag:s12] =	ssyncadd.s32 $0xFFFFFF80  }
0x18: {  	[tilespmem:s14], [sflag:$0x1] =	stream.indirect.gather [hbm4b:s3+s13], $0x80, s2, s13, $0xb8;
	[tilespmem:$0x8100] =	vst v63  }
0x19: {  	_ = 	snop  }
0x1a: {  	[tilespmem:s13], [sflag:$0x5] =	stream.linear.gather [hbm4b:s6+s2], $0x80, $0x38;
	[tilespmem:$0x8100] =	vst v63  }
0x1b: {  	_ =	swait.ge [sflag:s12], $0x80  }
0x1c: {  	[sflag:s12] =	ssyncset.done $0x0  }
0x1d: {  	[sflag:s12] =	ssyncadd.s32 $0xFFFFFF80  }
0x1e: {  	[tilespmem:s15], [sflag:$0x2] =	stream.indirect.gather [hbm4b:s3+s13], $0x80, s13, s13, $0xb8;
	[tilespmem:$0x8100] =	vst v63  }
0x1f: {  	_ =	swait.ge [sflag:s16], $0x4000  }
0x20: {  	[sflag:s16] =	ssyncset.done $0x0  }
0x21: {  	[sflag:s16] =	ssyncadd.s32 $0xFFFFC000  }
0x22: {  	[hbm4b:s7+s2] =	stream.linear.scatter [tilespmem:s14], [sflag:$0x3], $0x4000, $0x38;
	[tilespmem:$0x8100] =	vst v63  }
0x23: {  	_ =	swait.ge [sflag:s17], $0x4000  }
0x24: {  	[sflag:s17] =	ssyncset.done $0x0  }
0x25: {  	[sflag:s17] =	ssyncadd.s32 $0xFFFFC000  }
0x26: {  	[hbm4b:s8+s2] =	stream.linear.scatter [tilespmem:s15], [sflag:$0x4], $0x4000, $0x38;
	[tilespmem:$0x8100] =	vst v63  }
0x27: {  	_ =	swait.ge [sflag:s18], $0x4000  }
0x28: {  	[sflag:s18] =	ssyncset.done $0x0  }
0x29: {  	s21 =	sadd.s32 $0x0, s11;
	[sflag:s18] =	ssyncadd.s32 $0xFFFFC000  }
0x2a: {  	[tilespmem:s2], [sflag:$0x5] =	stream.linear.gather [hbm4b:s21+s2], $0x80, $0x38;
	[tilespmem:$0x8100] =	vst v63  }
0x2b: {  	_ =	swait.ge [sflag:s12], $0x80  }
0x2c: {  	[sflag:s12] =	ssyncset.done $0x0  }
0x2d: {  	[sflag:s12] =	ssyncadd.s32 $0xFFFFFF80  }
0x2e: {  	[tilespmem:s14], [sflag:$0x1] =	stream.indirect.gather [hbm4b:s3+s13], $0x80, s2, s13, $0xb8;
	[tilespmem:$0x8100] =	vst v63  }
0x2f: {  	_ =	swait.ge [sflag:s19], $0x4000  }
0x30: {  	[sflag:s19] =	ssyncset.done $0x0  }
0x31: {  	s30 =	sadd.s32 $0x0, s10;
	[sflag:s19] =	ssyncadd.s32 $0xFFFFC000  }
0x32: {  	[tilespmem:s13], [sflag:$0x5] =	stream.linear.gather [hbm4b:s30+s2], $0x80, $0x38;
	[tilespmem:$0x8100] =	vst v63  }
0x33: {  	_ =	swait.ge [sflag:s12], $0x80  }
0x34: {  	[sflag:s12] =	ssyncset.done $0x0  }
0x35: {  	[sflag:s12] =	ssyncadd.s32 $0xFFFFFF80  }
0x36: {  	[tilespmem:s15], [sflag:$0x2] =	stream.indirect.gather [hbm4b:s3+s13], $0x80, s13, s13, $0xb8;
	[tilespmem:$0x8100] =	vst v63  }
0x37: {  	_ =	swait.ge [sflag:s16], $0x4000  }
0x38: {  	[sflag:s16] =	ssyncset.done $0x0  }
0x39: {  	s31 =	sadd.s32 $0xFFFFF800, s9;
	[sflag:s16] =	ssyncadd.s32 $0xFFFFC000  }
0x3a: {  	[hbm4b:s31+s2] =	stream.linear.scatter [tilespmem:s14], [sflag:$0x3], $0x4000, $0x38;
	[tilespmem:$0x8100] =	vst v63  }
0x3b: {  	_ =	swait.ge [sflag:s17], $0x4000  }
0x3c: {  	s22 =	sadd.s32 $0x1000, s9;
	[sflag:s17] =	ssyncset.done $0x0  }
0x3d: {  	s23 =	smov.u32 s9;
	s21 =	simm.s32 $0x20;
	[sflag:s17] =	ssyncadd.s32 $0xFFFFC000  }
.LBB2_2:
0x3e: {  	[hbm4b:s23+s2] =	stream.linear.scatter [tilespmem:s15], [sflag:$0x4], $0x4000, $0x38;
	[tilespmem:$0x8100] =	vst v63  }
0x3f: {  	s24 =	smov.u32 s21;
	s23 =	smov.u32 s22  }
0x40: {  	p0 =	sne.s32 s21, $0x100;
	s21 =	sadd.s32 $0x20, s21;
	_ =	swait.ge [sflag:s18], $0x4000  }
0x41: {  	[sflag:s18] =	ssyncset.done $0x0  }
0x42: {  	s25 =	sadd.s32 s24, s11;
	[sflag:s18] =	ssyncadd.s32 $0xFFFFC000  }
0x43: {  	[tilespmem:s2], [sflag:$0x5] =	stream.linear.gather [hbm4b:s25+s2], $0x80, $0x38;
	[tilespmem:$0x8100] =	vst v63  }
0x44: {  	_ =	swait.ge [sflag:s12], $0x80  }
0x45: {  	[sflag:s12] =	ssyncset.done $0x0  }
0x46: {  	[sflag:s12] =	ssyncadd.s32 $0xFFFFFF80  }
0x47: {  	[tilespmem:s14], [sflag:$0x1] =	stream.indirect.gather [hbm4b:s3+s13], $0x80, s2, s13, $0xb8;
	[tilespmem:$0x8100] =	vst v63  }
0x48: {  	_ =	swait.ge [sflag:s19], $0x4000  }
0x49: {  	[sflag:s19] =	ssyncset.done $0x0  }
0x4a: {  	s24 =	sadd.s32 s24, s10;
	[sflag:s19] =	ssyncadd.s32 $0xFFFFC000  }
0x4b: {  	[tilespmem:s13], [sflag:$0x5] =	stream.linear.gather [hbm4b:s24+s2], $0x80, $0x38;
	[tilespmem:$0x8100] =	vst v63  }
0x4c: {  	_ =	swait.ge [sflag:s12], $0x80  }
0x4d: {  	[sflag:s12] =	ssyncset.done $0x0  }
0x4e: {  	[sflag:s12] =	ssyncadd.s32 $0xFFFFFF80  }
0x4f: {  	[tilespmem:s15], [sflag:$0x2] =	stream.indirect.gather [hbm4b:s3+s13], $0x80, s13, s13, $0xb8;
	[tilespmem:$0x8100] =	vst v63  }
0x50: {  	_ =	swait.ge [sflag:s16], $0x4000  }
0x51: {  	[sflag:s16] =	ssyncset.done $0x0  }
.Ltmp0:
0x52: {  	s24 =	sadd.s32 $0xFFFFF800, s22;
	[sflag:s16] =	ssyncadd.s32 $0xFFFFC000;
	(pc) =	sbr.rel @p0 .LBB2_2-.Ltmp0, $4  }
0x53: {  	[hbm4b:s24+s2] =	stream.linear.scatter [tilespmem:s14], [sflag:$0x3], $0x4000, $0x38;
	[tilespmem:$0x8100] =	vst v63  }
0x54: {  	_ =	swait.ge [sflag:s17], $0x4000  }
0x55: {  	[sflag:s17] =	ssyncset.done $0x0  }
0x56: {  	s22 =	sadd.s32 $0x1000, s22;
	[sflag:s17] =	ssyncadd.s32 $0xFFFFC000  }
0x57: {  	[hbm4b:s23+s2] =	stream.linear.scatter [tilespmem:s15], [sflag:$0x4], $0x4000, $0x38;
	[tilespmem:$0x8100] =	vst v63  }
0x58: {  	s20 =	sadd.s32 $0x1, s20  }
0x59: {  	_ =	swait.ge [sflag:s18], $0x4000;
	p0 =	sne.s32 s20, s4  }
.Ltmp1:
0x5a: {  	[sflag:s18] =	ssyncset.done $0x0;
	(pc) =	sbr.rel @p0 .LBB2_1-.Ltmp1, $4  }
0x5b: {  	[sflag:s18] =	ssyncadd.s32 $0xFFFFC000  }
0x5c: {  	_ =	swait.ge [sflag:s19], $0x4000  }
0x5d: {  	[sflag:s19] =	ssyncset.done $0x0  }
0x5e: {  	[sflag:s19] =	ssyncadd.s32 $0xFFFFC000  }
0x5f: {  	_ =	sfence.sel $0x180000  }
0x60: {  	[bflag:$0x0] =	sbarrier.arrive $0xFFFF  }
0x61: {  	p0 =	sne.s32 s1, $0x0;
	_ =	strace $0x9000005C  }
0x62: {  	s0 =	sadd.s32 @!p0 $0x100000, s0;
	[bflag:$0x2] =	sbarrier.arrive $0xFFFF  }
0x63: {  	[sflag:s0] =	ssyncadd.tile.s32 @!p0 $0x1;
	_ =	shalt  }
.Lfunc_end2:
_tile_overlayer_lowered:
.L_overlay_start_2:
0x64: {  	(tag) =	ssettag $0x2  }
0x65: {  	s0 =	rddreg [dreg:$0x0];
	s2 =	stileid.u32  }
0x66: {  	s1 =	rddreg [dreg:$0x1];
	p0 =	sne.s32 s2, $0x0  }
0x67: {  	s3 =	rddreg [dreg:$0x2];
	[bflag:$0x3] =	sbarrier.arrive $0xFFFF;
	s2 =	simm.s32 @!p0 $0x1C05  }
0x68: {  	[timem:s3], [sflag:s2] =	dma.local @!p0 [hbm:s0], s1  }
0x69: {  	s0 =	simm.s32 @!p0 $0x5  }
0x6a: {  	_ =	swait.ge @!p0 [sflag:s0], s1  }
0x6b: {  	s1 =	ssub.s32 @!p0 $0x0, s1;
	[sflag:s0] =	ssyncset.done @!p0 $0x0  }
0x6c: {  	[sflag:s0] =	ssyncadd.s32 @!p0 s1  }
0x6d: {  	[bflag:$0x3] =	sbarrier.arrive $0xFFFF  }
0x6e: {  	_ =	shalt  }

</sc_bundles>
